<compile_context>
chip_gen: v7x
topology: tpu7x:2x2x1
jax: 0.10.2.dev20260603
libtpu: 0.0.44.dev20260713+nightly
codegen_flags: <defaults>
</compile_context>

<pallas_src>
import functools

import jax
import jax.numpy as jnp
from jax import lax
from jax.experimental import pallas as pl
from jax.experimental.pallas import tpu as pltpu
from jax.experimental.pallas import tpu_sc as plsc

MASK = -1000000000.0
TAU = 0.5
N = 10000
NE = 320000
D = 128
NPAD = 10240
NT = 32
EPT = NE // NT
K = 125
NCHUNK = EPT // K
RB = 1280
GB = NPAD // RB
SLAB = NPAD // 16

CH = D // 2
KK = 128
NBUF = 4
ECHUNKS = 160
NEP = 16 * ECHUNKS * KK
TR = 128
ACCR = NPAD + TR
ZSLAB = ACCR // 16
OSLAB = NPAD // 16

_mesh = plsc.VectorSubcoreMesh(core_axis_name="c", subcore_axis_name="s")
_sc_params = pltpu.CompilerParams(use_tc_tiling_on_sc=False,
                                  needs_layout_passes=False)



@functools.partial(
    pl.kernel,
    out_type=jax.ShapeDtypeStruct((2, NPAD), jnp.float32),
    mesh=_mesh,
    scratch_types=[
        pltpu.VMEM((NCHUNK, K), jnp.int32),
        pltpu.VMEM((SLAB,), jnp.float32),
        pltpu.VMEM((128,), jnp.float32),
        pltpu.VMEM_SHARED((NPAD,), jnp.float32),
    ],
    compiler_params=_sc_params,
)
def _sc_degree(dst_hbm, out_hbm, dst_v, stage, ones_v, acc):
    cid = lax.axis_index("c")
    sid = lax.axis_index("s")
    tid = sid * 2 + cid
    z16 = jnp.zeros((16,), jnp.float32)
    o16 = jnp.full((16,), 1.0, jnp.float32)
    for i in range(SLAB // 16):
        stage[pl.ds(i * 16, 16)] = z16
    for i in range(8):
        ones_v[pl.ds(i * 16, 16)] = o16
    pltpu.sync_copy(stage, acc.at[pl.ds(sid * SLAB, SLAB)])
    pltpu.sync_copy(dst_hbm.at[tid], dst_v)
    plsc.subcore_barrier()

    def body(j, c):
        pltpu.sync_copy(ones_v.at[pl.ds(0, K)], acc.at[dst_v.at[j]], add=True)
        return c

    lax.fori_loop(0, NCHUNK, body, 0)
    plsc.subcore_barrier()
    pltpu.sync_copy(acc.at[pl.ds(sid * SLAB, SLAB)], stage)
    pltpu.sync_copy(stage, out_hbm.at[cid].at[pl.ds(sid * SLAB, SLAB)])


@functools.partial(
    pl.kernel,
    out_type=jax.ShapeDtypeStruct((2 * NPAD, CH), jnp.float32),
    mesh=_mesh,
    scratch_types=[
        pltpu.VMEM((ECHUNKS, KK), jnp.int32),
        pltpu.VMEM((ECHUNKS, KK), jnp.int32),
        pltpu.VMEM((OSLAB // 128, 128), jnp.int32),
        pltpu.VMEM((NBUF, KK, CH), jnp.float32),
        pltpu.VMEM((128, CH), jnp.float32),
        pltpu.VMEM_SHARED((ACCR, CH), jnp.float32),
        [pltpu.SemaphoreType.DMA] * NBUF,
        [pltpu.SemaphoreType.DMA] * NBUF,
    ],
    compiler_params=_sc_params,
)
def _sc_edge_acc(g2_hbm, src_hbm, dst_hbm, oidx_hbm, out_hbm,
                 src_v, dst_v, oidx_v, rows, zb, acc, gsem, ssem):
    cid = lax.axis_index("c")
    sid = lax.axis_index("s")
    z16 = jnp.zeros((16,), jnp.float32)

    pltpu.sync_copy(src_hbm.at[cid].at[sid], src_v)
    pltpu.sync_copy(dst_hbm.at[sid], dst_v)
    pltpu.sync_copy(oidx_hbm.at[cid].at[sid], oidx_v)
    gh = g2_hbm
    pltpu.async_copy(gh.at[src_v.at[0]], rows.at[0], gsem[0])
    pltpu.async_copy(gh.at[src_v.at[1]], rows.at[1], gsem[1])

    def zbody(r, c):
        for jj in range(CH // 16):
            zb[r, pl.ds(jj * 16, 16)] = z16
        return c

    lax.fori_loop(0, 128, zbody, 0)
    for kk in range(ZSLAB // 128):
        pltpu.sync_copy(zb, acc.at[pl.ds(sid * ZSLAB + kk * 128, 128)])
    pltpu.sync_copy(zb.at[pl.ds(0, ZSLAB % 128)],
                    acc.at[pl.ds(sid * ZSLAB + (ZSLAB // 128) * 128,
                                 ZSLAB % 128)])
    plsc.subcore_barrier()


    def body(r, c):
        for k in range(NBUF):
            j = r * NBUF + k
            b = k
            bn = (k + 2) % NBUF
            pltpu.make_async_copy(gh.at[src_v.at[j]], rows.at[b],
                                  gsem[b]).wait()
            pltpu.async_copy(rows.at[b], acc.at[dst_v.at[j]], ssem[b],
                             add=True)

            @pl.when(j >= 2)
            def _():
                pltpu.make_async_copy(rows.at[bn], acc.at[dst_v.at[j - 2]],
                                      ssem[bn]).wait()

            @pl.when(j + 2 < ECHUNKS)
            def _():
                pltpu.async_copy(gh.at[src_v.at[j + 2]], rows.at[bn],
                                 gsem[bn])
        return c

    lax.fori_loop(0, ECHUNKS // NBUF, body, 0)
    pltpu.make_async_copy(rows.at[2], acc.at[dst_v.at[ECHUNKS - 2]],
                          ssem[2]).wait()
    pltpu.make_async_copy(rows.at[3], acc.at[dst_v.at[ECHUNKS - 1]],
                          ssem[3]).wait()
    plsc.subcore_barrier()
    for kk in range(OSLAB // 128):
        pltpu.sync_copy(acc.at[pl.ds(sid * OSLAB + kk * 128, 128)], zb)
        pltpu.sync_copy(zb, out_hbm.at[oidx_v.at[kk]])


@functools.partial(
    pl.kernel,
    out_type=jax.ShapeDtypeStruct((NT, N), jnp.float32),
    mesh=_mesh,
    scratch_types=[
        pltpu.VMEM((EPT,), jnp.int32),
        pltpu.VMEM((EPT,), jnp.int32),
        pltpu.VMEM((16,), jnp.int32),
        pltpu.VMEM((NPAD,), jnp.float32),
    ],
    compiler_params=_sc_params,
)
def _sc_conn(srcf_hbm, dstf_hbm, pi_hbm, out_hbm, src_v, dst_v, pi_v, hist):
    cid = lax.axis_index("c")
    sid = lax.axis_index("s")
    tid = sid * 2 + cid
    z16 = jnp.zeros((16,), jnp.float32)
    o16 = jnp.full((16,), 1.0, jnp.float32)

    def zb(i, c):
        hist[pl.ds(i * 16, 16)] = z16
        return c

    lax.fori_loop(0, NPAD // 16, zb, 0)
    pltpu.sync_copy(srcf_hbm.at[tid], src_v)
    pltpu.sync_copy(dstf_hbm.at[tid], dst_v)
    pltpu.sync_copy(pi_hbm, pi_v)
    pi16 = pi_v[...]

    def body(i, c):
        s16 = src_v[pl.ds(i * 16, 16)]
        d16 = dst_v[pl.ds(i * 16, 16)]
        m = (s16 == pi16) | (d16 == pi16)
        plsc.store_scatter(hist, [s16], o16, mask=m)
        plsc.store_scatter(hist, [d16], o16, mask=m)
        return c

    lax.fori_loop(0, EPT // 16, body, 0)
    pltpu.sync_copy(hist.at[pl.ds(0, N)], out_hbm.at[tid])



def _tca_body(x_ref, w_ref, degb_ref, u_ref, dis_ref):
    dis = lax.rsqrt(degb_ref[...])
    dis_ref[...] = dis
    u_ref[...] = dis * jnp.dot(x_ref[...], w_ref[...],
                               preferred_element_type=jnp.float32)


def _comb_body(p_ref, u_ref, dis_ref, b_ref, w_ref, uo_ref):
    t = jnp.maximum(
        dis_ref[...] * (p_ref[...] + u_ref[...]) + b_ref[...], 0.0)
    uo_ref[...] = dis_ref[...] * jnp.dot(t, w_ref[...],
                                         preferred_element_type=jnp.float32)


def _d1_body(p_ref, u_ref, dis_ref, b_ref, gcn_ref, pooled_ref):
    i = pl.program_id(0)
    g = jnp.maximum(
        dis_ref[...] * (p_ref[...] + u_ref[...]) + b_ref[...], 0.0)
    rid = lax.broadcasted_iota(jnp.int32, (RB, D), 0) + i * RB
    valid = rid < N
    g = jnp.where(valid, g, 0.0)
    gcn_ref[...] = g
    s = jnp.sum(g.reshape(RB // 8, 8, D), axis=0)
    mx = jnp.max(jnp.where(valid, g, -3.4e38).reshape(RB // 8, 8, D), axis=0)

    @pl.when(i == 0)
    def _():
        pooled_ref[0] = s
        pooled_ref[1] = mx

    @pl.when(i > 0)
    def _():
        pooled_ref[0] = pooled_ref[0] + s
        pooled_ref[1] = jnp.maximum(pooled_ref[1], mx)


def _d2_body(pooled_ref, wn1_ref, wn2_ref, n1_ref, n2_ref):
    mean = jnp.sum(pooled_ref[0], axis=0, keepdims=True) * (1.0 / N)
    mx = jnp.max(pooled_ref[1], axis=0, keepdims=True)
    gp = jnp.concatenate([mean, mx], axis=1)
    n1_ref[...] = jnp.dot(gp, wn1_ref[...],
                          preferred_element_type=jnp.float32)
    n2_ref[...] = jnp.dot(gp, wn2_ref[...],
                          preferred_element_type=jnp.float32)


def _d3_body(n1_ref, bn1_ref, g1_ref, s1_ref, pi_ref):
    col = lax.broadcasted_iota(jnp.int32, (1, N), 1)
    z = (n1_ref[...] + bn1_ref[...] + g1_ref[...]) * (1.0 / TAU)
    m = jnp.max(z, axis=1, keepdims=True)
    e = jnp.exp(z - m)
    s1_ref[...] = e / jnp.sum(e, axis=1, keepdims=True)
    idx = jnp.min(jnp.where(z >= m, col, jnp.int32(2 ** 30)))
    pi_ref[...] = jnp.zeros((8, 128), jnp.int32) + idx


def _e_body(connp_ref, n2_ref, bn2_ref, g2_ref, pi_ref, gcn_ref, wep_ref,
            bep_ref, g3_ref, s2_ref, et_ref, stop_ref):
    pi = pi_ref[0, 0]
    col = lax.broadcasted_iota(jnp.int32, (1, N), 1)
    csum = jnp.sum(connp_ref[...], axis=0, keepdims=True)
    conn = (csum > 0.0) | (col == pi)
    logit = jnp.where(conn, MASK, n2_ref[...] + bn2_ref[...])
    z = (logit + g2_ref[...]) * (1.0 / TAU)
    m = jnp.max(z, axis=1, keepdims=True)
    e = jnp.exp(z - m)
    s2_ref[...] = e / jnp.sum(e, axis=1, keepdims=True)
    i2 = jnp.min(jnp.where(z >= m, col, jnp.int32(2 ** 30)))
    r1 = gcn_ref[pl.ds(pi, 1), :]
    r2 = gcn_ref[pl.ds(i2, 1), :]
    emb = jnp.concatenate([r1, r2], axis=1)
    etl = jnp.dot(emb, wep_ref[...],
                  preferred_element_type=jnp.float32) + bep_ref[...] + g3_ref[...]
    c3 = lax.broadcasted_iota(jnp.int32, (1, 128), 1)
    z3 = jnp.where(c3 < 3, etl * (1.0 / TAU), -3.4e38)
    m3 = jnp.max(z3, axis=1, keepdims=True)
    e3 = jnp.exp(z3 - m3)
    et_ref[...] = e3 / jnp.sum(e3, axis=1, keepdims=True)
    stop_ref[...] = jnp.zeros((8, 128), jnp.float32) + 1.0


def _rowspec(i_map=lambda i: (i, 0)):
    return pl.BlockSpec((RB, D), i_map)


def kernel(x, edge_index, W1, b1, W2, b2, W3, b3,
           Wn1, bn1, Wn2, bn2, We, be, Ws, bs):
    del Ws, bs
    f32 = jnp.float32
    src = edge_index[0]
    dst = edge_index[1]
    dst3 = dst.reshape(NT, NCHUNK, K)
    srcf = src.reshape(NT, EPT)
    dstf = dst.reshape(NT, EPT)
    pe = NEP - NE
    spread = jnp.arange(pe, dtype=jnp.int32)
    s2 = 2 * jnp.concatenate([src, spread]).reshape(16, ECHUNKS, KK)
    srcp2 = jnp.stack([s2, s2 + 1])
    trash = NPAD + (jnp.arange(pe, dtype=jnp.int32) & (TR - 1))
    dstp = jnp.concatenate([dst, trash]).reshape(16, ECHUNKS, KK)
    rb = (jnp.arange(16, dtype=jnp.int32)[:, None, None] * OSLAB
          + jnp.arange(OSLAB // 128, dtype=jnp.int32)[None, :, None] * 128
          + jnp.arange(128, dtype=jnp.int32)[None, None, :])
    oidx = jnp.stack([2 * rb, 2 * rb + 1])
    xp = jnp.pad(x, ((0, NPAD - N), (0, 0)))

    def edge_acc(u):
        out = _sc_edge_acc(u.reshape(2 * NPAD, CH), srcp2, dstp, oidx)
        return out.reshape(NPAD, D)

    k1, k2, k3, _ = jax.random.split(jax.random.key(42), 4)

    def gum(k, shape):
        u = jax.random.uniform(k, shape, minval=1e-10, maxval=1.0)
        return -jnp.log(-jnp.log(u))

    g1p = gum(k1, (1, N))
    g2p = gum(k2, (1, N))
    g3p = jnp.pad(gum(k3, (1, 3)), ((0, 0), (0, 125)))

    b1r = b1.reshape(1, D)
    b2r = b2.reshape(1, D)
    b3r = b3.reshape(1, D)
    bn1p = bn1.reshape(1, N)
    bn2p = bn2.reshape(1, N)
    wep = jnp.pad(We, ((0, 0), (0, 125)))
    ber = jnp.pad(be, (0, 125)).reshape(1, 128)

    degp = _sc_degree(dst3)
    degb = jnp.broadcast_to((degp[0] + degp[1] + 1.0)[:, None], (NPAD, D))

    u1, disf = pl.pallas_call(
        _tca_body,
        grid=(GB,),
        in_specs=[_rowspec(), pl.BlockSpec((D, D), lambda i: (0, 0)),
                  _rowspec()],
        out_specs=[_rowspec(), _rowspec()],
        out_shape=[jax.ShapeDtypeStruct((NPAD, D), f32)] * 2,
    )(xp, W1, degb)

    def comb(p, u, bias, w):
        return pl.pallas_call(
            _comb_body,
            grid=(GB,),
            in_specs=[_rowspec(), _rowspec(), _rowspec(),
                      pl.BlockSpec((1, D), lambda i: (0, 0)),
                      pl.BlockSpec((D, D), lambda i: (0, 0))],
            out_specs=_rowspec(),
            out_shape=jax.ShapeDtypeStruct((NPAD, D), f32),
        )(p, u, disf, bias, w)

    p1 = edge_acc(u1)
    u2 = comb(p1, u1, b1r, W2)
    p2 = edge_acc(u2)
    u3 = comb(p2, u2, b2r, W3)
    p3 = edge_acc(u3)

    gcn, pooled = pl.pallas_call(
        _d1_body,
        grid=(GB,),
        in_specs=[_rowspec(), _rowspec(), _rowspec(),
                  pl.BlockSpec((1, D), lambda i: (0, 0))],
        out_specs=[_rowspec(), pl.BlockSpec((2, 8, D), lambda i: (0, 0, 0))],
        out_shape=[jax.ShapeDtypeStruct((NPAD, D), f32),
                   jax.ShapeDtypeStruct((2, 8, D), f32)],
    )(p3, u3, disf, b3r)

    n1, n2 = pl.pallas_call(
        _d2_body,
        out_shape=[jax.ShapeDtypeStruct((1, N), f32)] * 2,
    )(pooled, Wn1, Wn2)

    s1, piarr = pl.pallas_call(
        _d3_body,
        out_shape=[jax.ShapeDtypeStruct((1, N), f32),
                   jax.ShapeDtypeStruct((8, 128), jnp.int32)],
    )(n1, bn1p, g1p)

    pi16 = piarr[0, :16]
    connp = _sc_conn(srcf, dstf, pi16)

    s2, et, stop = pl.pallas_call(
        _e_body,
        out_shape=[jax.ShapeDtypeStruct((1, N), f32),
                   jax.ShapeDtypeStruct((1, 128), f32),
                   jax.ShapeDtypeStruct((8, 128), f32)],
    )(connp, n2, bn2p, g2p, piarr, gcn, wep, ber, g3p)

    return (s1, s2, et[:, :3], stop[:1, :1])

# --- scband reference (transcript-rebuilt; emitter-appended) ---
"""Pipeline reference for scband-policy-network-47012712022391 (READ-ONLY COPY).

The authoritative reference and input builder live on the scoring server;
editing this copy changes nothing except your own understanding.
"""

import jax, jax.numpy as jnp
import numpy as np

MASK_VALUE = -1000000000.0
TAU = 0.5
N_NODES = 10000
N_EDGES = 320000
D_IN = 128
D_H = 128
MAX_NODES = 10000


def gcn_conv(x, src, dst, W, b):
    N = x.shape[0]
    h = x @ W
    loops = jnp.arange(N, dtype=src.dtype)
    s = jnp.concatenate([src, loops])
    d = jnp.concatenate([dst, loops])
    deg = jnp.zeros((N,), h.dtype).at[d].add(1.0)
    dis = jnp.where(deg > 0, 1.0 / jnp.sqrt(deg), 0.0)
    norm = dis[s] * dis[d]
    out = jnp.zeros_like(h).at[d].add(norm[:, None] * h[s])
    return out + b


def gumbel_softmax(key, logits, tau):
    u = jax.random.uniform(key, logits.shape, minval=1e-10, maxval=1.0)
    g = -jnp.log(-jnp.log(u))
    return jax.nn.softmax((logits + g) / tau, axis=-1)


def mask_logits(gcn_x, src, dst, prev_idx, logits):
    N = gcn_x.shape[0]
    M = logits.shape[1]
    logits = jnp.where(jnp.arange(M)[None, :] >= N, MASK_VALUE, logits)
    if prev_idx is not None:
        pi = prev_idx[0]
        emask = ((src == pi) | (dst == pi)).astype(jnp.int32)
        conn = jnp.zeros((M,), jnp.int32)
        conn = conn.at[src].max(emask)
        conn = conn.at[dst].max(emask)
        conn = conn.at[pi].set(1)
        logits = jnp.where(conn[None, :] > 0, MASK_VALUE, logits)
    return logits


def setup_inputs(seed: int = 0) -> dict:
    key = jax.random.key(seed)
    ks = jax.random.split(key, 20)
    x = jax.random.normal(ks[0], (N_NODES, D_IN), dtype=jnp.float32)
    edge_index = jax.random.randint(ks[1], (2, N_EDGES), 0, N_NODES, dtype=jnp.int32)
    def lin(k, fi, fo):
        return jax.random.normal(k, (fi, fo), dtype=jnp.float32) * (1.0 / np.sqrt(fi))
    return {
        "x": x,
        "edge_index": edge_index,
        "W1": lin(ks[2], D_IN, D_H), "b1": jnp.zeros((D_H,), jnp.float32),
        "W2": lin(ks[3], D_H, D_H), "b2": jnp.zeros((D_H,), jnp.float32),
        "W3": lin(ks[4], D_H, D_H), "b3": jnp.zeros((D_H,), jnp.float32),
        "Wn1": lin(ks[5], 2 * D_H, MAX_NODES), "bn1": jnp.zeros((MAX_NODES,), jnp.float32),
        "Wn2": lin(ks[6], 2 * D_H, MAX_NODES), "bn2": jnp.zeros((MAX_NODES,), jnp.float32),
        "We": lin(ks[7], 2 * D_H, 3), "be": jnp.zeros((3,), jnp.float32),
        "Ws": lin(ks[8], 2 * D_H, 1), "bs": jnp.zeros((1,), jnp.float32),
    }


def reference(x, edge_index, W1, b1, W2, b2, W3, b3, Wn1, bn1, Wn2, bn2, We, be, Ws, bs):
    src = edge_index[0]
    dst = edge_index[1]
    h = jax.nn.relu(gcn_conv(x, src, dst, W1, b1))
    h = jax.nn.relu(gcn_conv(h, src, dst, W2, b2))
    gcn = jax.nn.relu(gcn_conv(h, src, dst, W3, b3))
    x1 = jnp.mean(gcn, axis=0, keepdims=True)
    x2 = jnp.max(gcn, axis=0, keepdims=True)
    gp = jnp.concatenate([x1, x2], axis=1)
    gk = jax.random.key(42)
    k1, k2, k3, k4 = jax.random.split(gk, 4)
    node1_logits = mask_logits(gcn, src, dst, None, gp @ Wn1 + bn1)
    node1_soft = gumbel_softmax(k1, node1_logits, TAU)
    node1_idx = jnp.argmax(node1_soft, axis=-1)
    node2_logits = mask_logits(gcn, src, dst, node1_idx, gp @ Wn2 + bn2)
    node2_soft = gumbel_softmax(k2, node2_logits, TAU)
    node2_idx = jnp.argmax(node2_soft, axis=-1)
    node_embeddings = jnp.concatenate([gcn[node1_idx], gcn[node2_idx]], axis=1)
    edge_type_soft = gumbel_softmax(k3, node_embeddings @ We + be, TAU)
    stop_soft = gumbel_softmax(k4, gp @ Ws + bs, TAU)
    return (node1_soft, node2_soft, edge_type_soft, stop_soft)

if __name__ == "__main__":
    import jax
    _d = setup_inputs()
    print(jax.jit(kernel)(*tuple(_d.values())))

</pallas_src>

<mosaic_0001>
#map = affine_map<(d0, d1) -> (0, 0)>
#map1 = affine_map<(d0, d1) -> (0, 0, 0, 0)>
#map2 = affine_map<(d0, d1) -> (0, 0, 0)>
module attributes {stable_mosaic.version = 14 : i64} {
  func.func @_sc_edge_acc(%arg0: i32, %arg1: i32, %arg2: memref<20480x64xf32, #tpu.memory_space<hbm>>, %arg3: memref<2x16x160x128xi32, #tpu.memory_space<hbm>>, %arg4: memref<16x160x128xi32, #tpu.memory_space<hbm>>, %arg5: memref<2x16x5x128xi32, #tpu.memory_space<hbm>>, %arg6: memref<20480x64xf32, #tpu.memory_space<hbm>>, %arg7: memref<160x128xi32, #tpu.memory_space<vmem>>, %arg8: memref<160x128xi32, #tpu.memory_space<vmem>>, %arg9: memref<5x128xi32, #tpu.memory_space<vmem>>, %arg10: memref<4x128x64xf32, #tpu.memory_space<vmem>>, %arg11: memref<128x64xf32, #tpu.memory_space<vmem>>, %arg12: memref<10368x64xf32, #tpu.memory_space<vmem_shared>>, %arg13: memref<!tpu.dma_semaphore, #tpu.memory_space<semaphore_mem>>, %arg14: memref<!tpu.dma_semaphore, #tpu.memory_space<semaphore_mem>>, %arg15: memref<!tpu.dma_semaphore, #tpu.memory_space<semaphore_mem>>, %arg16: memref<!tpu.dma_semaphore, #tpu.memory_space<semaphore_mem>>, %arg17: memref<!tpu.dma_semaphore, #tpu.memory_space<semaphore_mem>>, %arg18: memref<!tpu.dma_semaphore, #tpu.memory_space<semaphore_mem>>, %arg19: memref<!tpu.dma_semaphore, #tpu.memory_space<semaphore_mem>>, %arg20: memref<!tpu.dma_semaphore, #tpu.memory_space<semaphore_mem>>) attributes {dimension_semantics = [#tpu.dimension_semantics<core_parallel>, #tpu.dimension_semantics<subcore_parallel>], iteration_bounds = array<i64: 2, 16>, scalar_prefetch = 0 : i64, scratch_operands = 14 : i64, tpu.core_type = #tpu.core_type<sc_vector_subcore>, window_params = [{transform_indices = #map}, {transform_indices = #map1}, {transform_indices = #map2}, {transform_indices = #map1}, {transform_indices = #map}]} {
    %broadcast_in_dim3A = arith.constant 0.000000e+00 : f32
    %broadcast_in_dim3A_0 = vector.broadcast %broadcast_in_dim3A : f32 to vector<16xf32>
    "tpu.region"() ({
      %run_scoped3A_105 = tpu.sem_alloc : memref<!tpu.dma_semaphore, #tpu.memory_space<semaphore_mem>>
      %dma_start3A_106 = arith.constant 0 : i32
      %dma_start3A_107 = arith.constant 0 : i32
      %dma_start3A_108 = arith.constant 0 : i32
      %dma_start3A_109 = tpu.memref_slice %arg3[%arg0, %dma_start3A_106, %dma_start3A_107, %dma_start3A_108] : memref<2x16x160x128xi32, #tpu.memory_space<hbm>> -> memref<1x16x160x128xi32, #tpu.memory_space<hbm>>
      %dma_start3A_110 = tpu.memref_squeeze %dma_start3A_109 : memref<1x16x160x128xi32, #tpu.memory_space<hbm>> -> memref<16x160x128xi32, #tpu.memory_space<hbm>>
      %dma_start3A_111 = arith.constant 0 : i32
      %dma_start3A_112 = arith.constant 0 : i32
      %dma_start3A_113 = tpu.memref_slice %dma_start3A_110[%arg1, %dma_start3A_111, %dma_start3A_112] : memref<16x160x128xi32, #tpu.memory_space<hbm>> -> memref<1x160x128xi32, #tpu.memory_space<hbm>>
      %dma_start3A_114 = tpu.memref_squeeze %dma_start3A_113 : memref<1x160x128xi32, #tpu.memory_space<hbm>> -> memref<160x128xi32, #tpu.memory_space<hbm>>
      %dma_start3A_115 = arith.constant 0 : i32
      %dma_start3A_116 = arith.constant 0 : i32
      %dma_start3A_117 = arith.constant 0 : i32
      %dma_start3A_118 = tpu.memref_slice %arg3[%arg0, %dma_start3A_115, %dma_start3A_116, %dma_start3A_117] : memref<2x16x160x128xi32, #tpu.memory_space<hbm>> -> memref<1x16x160x128xi32, #tpu.memory_space<hbm>>
      %dma_start3A_119 = tpu.memref_squeeze %dma_start3A_118 : memref<1x16x160x128xi32, #tpu.memory_space<hbm>> -> memref<16x160x128xi32, #tpu.memory_space<hbm>>
      %dma_start3A_120 = arith.constant 0 : i32
      %dma_start3A_121 = arith.constant 0 : i32
      %dma_start3A_122 = tpu.memref_slice %dma_start3A_119[%arg1, %dma_start3A_120, %dma_start3A_121] : memref<16x160x128xi32, #tpu.memory_space<hbm>> -> memref<1x160x128xi32, #tpu.memory_space<hbm>>
      %dma_start3A_123 = tpu.memref_squeeze %dma_start3A_122 : memref<1x160x128xi32, #tpu.memory_space<hbm>> -> memref<160x128xi32, #tpu.memory_space<hbm>>
      tpu.enqueue_dma source(%dma_start3A_123 : memref<160x128xi32, #tpu.memory_space<hbm>>) target(%arg7 : memref<160x128xi32, #tpu.memory_space<vmem>>) target_semaphore(%run_scoped3A_105 : memref<!tpu.dma_semaphore, #tpu.memory_space<semaphore_mem>>)
      %dma_wait3A_124 = arith.constant 0 : i32
      %dma_wait3A_125 = arith.constant 0 : i32
      %dma_wait3A_126 = arith.constant 0 : i32
      %dma_wait3A_127 = tpu.memref_slice %arg3[%arg0, %dma_wait3A_124, %dma_wait3A_125, %dma_wait3A_126] : memref<2x16x160x128xi32, #tpu.memory_space<hbm>> -> memref<1x16x160x128xi32, #tpu.memory_space<hbm>>
      %dma_wait3A_128 = tpu.memref_squeeze %dma_wait3A_127 : memref<1x16x160x128xi32, #tpu.memory_space<hbm>> -> memref<16x160x128xi32, #tpu.memory_space<hbm>>
      %dma_wait3A_129 = arith.constant 0 : i32
      %dma_wait3A_130 = arith.constant 0 : i32
      %dma_wait3A_131 = tpu.memref_slice %dma_wait3A_128[%arg1, %dma_wait3A_129, %dma_wait3A_130] : memref<16x160x128xi32, #tpu.memory_space<hbm>> -> memref<1x160x128xi32, #tpu.memory_space<hbm>>
      %dma_wait3A_132 = tpu.memref_squeeze %dma_wait3A_131 : memref<1x160x128xi32, #tpu.memory_space<hbm>> -> memref<160x128xi32, #tpu.memory_space<hbm>>
      %dma_wait3A_133 = arith.constant 0 : i32
      %dma_wait3A_134 = arith.constant 0 : i32
      %dma_wait3A_135 = arith.constant 0 : i32
      %dma_wait3A_136 = tpu.memref_slice %arg3[%arg0, %dma_wait3A_133, %dma_wait3A_134, %dma_wait3A_135] : memref<2x16x160x128xi32, #tpu.memory_space<hbm>> -> memref<1x16x160x128xi32, #tpu.memory_space<hbm>>
      %dma_wait3A_137 = tpu.memref_squeeze %dma_wait3A_136 : memref<1x16x160x128xi32, #tpu.memory_space<hbm>> -> memref<16x160x128xi32, #tpu.memory_space<hbm>>
      %dma_wait3A_138 = arith.constant 0 : i32
      %dma_wait3A_139 = arith.constant 0 : i32
      %dma_wait3A_140 = tpu.memref_slice %dma_wait3A_137[%arg1, %dma_wait3A_138, %dma_wait3A_139] : memref<16x160x128xi32, #tpu.memory_space<hbm>> -> memref<1x160x128xi32, #tpu.memory_space<hbm>>
      %dma_wait3A_141 = tpu.memref_squeeze %dma_wait3A_140 : memref<1x160x128xi32, #tpu.memory_space<hbm>> -> memref<160x128xi32, #tpu.memory_space<hbm>>
      tpu.wait_dma2 semaphore(%run_scoped3A_105 : memref<!tpu.dma_semaphore, #tpu.memory_space<semaphore_mem>>) src(%dma_wait3A_141 : memref<160x128xi32, #tpu.memory_space<hbm>>) dst(%arg7 : memref<160x128xi32, #tpu.memory_space<vmem>>)
      tpu.yield
    }) : () -> ()
    "tpu.region"() ({
      %run_scoped3A_105 = tpu.sem_alloc : memref<!tpu.dma_semaphore, #tpu.memory_space<semaphore_mem>>
      %dma_start3A_106 = arith.constant 0 : i32
      %dma_start3A_107 = arith.constant 0 : i32
      %dma_start3A_108 = tpu.memref_slice %arg4[%arg1, %dma_start3A_106, %dma_start3A_107] : memref<16x160x128xi32, #tpu.memory_space<hbm>> -> memref<1x160x128xi32, #tpu.memory_space<hbm>>
      %dma_start3A_109 = tpu.memref_squeeze %dma_start3A_108 : memref<1x160x128xi32, #tpu.memory_space<hbm>> -> memref<160x128xi32, #tpu.memory_space<hbm>>
      %dma_start3A_110 = arith.constant 0 : i32
      %dma_start3A_111 = arith.constant 0 : i32
      %dma_start3A_112 = tpu.memref_slice %arg4[%arg1, %dma_start3A_110, %dma_start3A_111] : memref<16x160x128xi32, #tpu.memory_space<hbm>> -> memref<1x160x128xi32, #tpu.memory_space<hbm>>
      %dma_start3A_113 = tpu.memref_squeeze %dma_start3A_112 : memref<1x160x128xi32, #tpu.memory_space<hbm>> -> memref<160x128xi32, #tpu.memory_space<hbm>>
      tpu.enqueue_dma source(%dma_start3A_113 : memref<160x128xi32, #tpu.memory_space<hbm>>) target(%arg8 : memref<160x128xi32, #tpu.memory_space<vmem>>) target_semaphore(%run_scoped3A_105 : memref<!tpu.dma_semaphore, #tpu.memory_space<semaphore_mem>>)
      %dma_wait3A_114 = arith.constant 0 : i32
      %dma_wait3A_115 = arith.constant 0 : i32
      %dma_wait3A_116 = tpu.memref_slice %arg4[%arg1, %dma_wait3A_114, %dma_wait3A_115] : memref<16x160x128xi32, #tpu.memory_space<hbm>> -> memref<1x160x128xi32, #tpu.memory_space<hbm>>
      %dma_wait3A_117 = tpu.memref_squeeze %dma_wait3A_116 : memref<1x160x128xi32, #tpu.memory_space<hbm>> -> memref<160x128xi32, #tpu.memory_space<hbm>>
      %dma_wait3A_118 = arith.constant 0 : i32
      %dma_wait3A_119 = arith.constant 0 : i32
      %dma_wait3A_120 = tpu.memref_slice %arg4[%arg1, %dma_wait3A_118, %dma_wait3A_119] : memref<16x160x128xi32, #tpu.memory_space<hbm>> -> memref<1x160x128xi32, #tpu.memory_space<hbm>>
      %dma_wait3A_121 = tpu.memref_squeeze %dma_wait3A_120 : memref<1x160x128xi32, #tpu.memory_space<hbm>> -> memref<160x128xi32, #tpu.memory_space<hbm>>
      tpu.wait_dma2 semaphore(%run_scoped3A_105 : memref<!tpu.dma_semaphore, #tpu.memory_space<semaphore_mem>>) src(%dma_wait3A_121 : memref<160x128xi32, #tpu.memory_space<hbm>>) dst(%arg8 : memref<160x128xi32, #tpu.memory_space<vmem>>)
      tpu.yield
    }) : () -> ()
    "tpu.region"() ({
      %run_scoped3A_105 = tpu.sem_alloc : memref<!tpu.dma_semaphore, #tpu.memory_space<semaphore_mem>>
      %dma_start3A_106 = arith.constant 0 : i32
      %dma_start3A_107 = arith.constant 0 : i32
      %dma_start3A_108 = arith.constant 0 : i32
      %dma_start3A_109 = tpu.memref_slice %arg5[%arg0, %dma_start3A_106, %dma_start3A_107, %dma_start3A_108] : memref<2x16x5x128xi32, #tpu.memory_space<hbm>> -> memref<1x16x5x128xi32, #tpu.memory_space<hbm>>
      %dma_start3A_110 = tpu.memref_squeeze %dma_start3A_109 : memref<1x16x5x128xi32, #tpu.memory_space<hbm>> -> memref<16x5x128xi32, #tpu.memory_space<hbm>>
      %dma_start3A_111 = arith.constant 0 : i32
      %dma_start3A_112 = arith.constant 0 : i32
      %dma_start3A_113 = tpu.memref_slice %dma_start3A_110[%arg1, %dma_start3A_111, %dma_start3A_112] : memref<16x5x128xi32, #tpu.memory_space<hbm>> -> memref<1x5x128xi32, #tpu.memory_space<hbm>>
      %dma_start3A_114 = tpu.memref_squeeze %dma_start3A_113 : memref<1x5x128xi32, #tpu.memory_space<hbm>> -> memref<5x128xi32, #tpu.memory_space<hbm>>
      %dma_start3A_115 = arith.constant 0 : i32
      %dma_start3A_116 = arith.constant 0 : i32
      %dma_start3A_117 = arith.constant 0 : i32
      %dma_start3A_118 = tpu.memref_slice %arg5[%arg0, %dma_start3A_115, %dma_start3A_116, %dma_start3A_117] : memref<2x16x5x128xi32, #tpu.memory_space<hbm>> -> memref<1x16x5x128xi32, #tpu.memory_space<hbm>>
      %dma_start3A_119 = tpu.memref_squeeze %dma_start3A_118 : memref<1x16x5x128xi32, #tpu.memory_space<hbm>> -> memref<16x5x128xi32, #tpu.memory_space<hbm>>
      %dma_start3A_120 = arith.constant 0 : i32
      %dma_start3A_121 = arith.constant 0 : i32
      %dma_start3A_122 = tpu.memref_slice %dma_start3A_119[%arg1, %dma_start3A_120, %dma_start3A_121] : memref<16x5x128xi32, #tpu.memory_space<hbm>> -> memref<1x5x128xi32, #tpu.memory_space<hbm>>
      %dma_start3A_123 = tpu.memref_squeeze %dma_start3A_122 : memref<1x5x128xi32, #tpu.memory_space<hbm>> -> memref<5x128xi32, #tpu.memory_space<hbm>>
      tpu.enqueue_dma source(%dma_start3A_123 : memref<5x128xi32, #tpu.memory_space<hbm>>) target(%arg9 : memref<5x128xi32, #tpu.memory_space<vmem>>) target_semaphore(%run_scoped3A_105 : memref<!tpu.dma_semaphore, #tpu.memory_space<semaphore_mem>>)
      %dma_wait3A_124 = arith.constant 0 : i32
      %dma_wait3A_125 = arith.constant 0 : i32
      %dma_wait3A_126 = arith.constant 0 : i32
      %dma_wait3A_127 = tpu.memref_slice %arg5[%arg0, %dma_wait3A_124, %dma_wait3A_125, %dma_wait3A_126] : memref<2x16x5x128xi32, #tpu.memory_space<hbm>> -> memref<1x16x5x128xi32, #tpu.memory_space<hbm>>
      %dma_wait3A_128 = tpu.memref_squeeze %dma_wait3A_127 : memref<1x16x5x128xi32, #tpu.memory_space<hbm>> -> memref<16x5x128xi32, #tpu.memory_space<hbm>>
      %dma_wait3A_129 = arith.constant 0 : i32
      %dma_wait3A_130 = arith.constant 0 : i32
      %dma_wait3A_131 = tpu.memref_slice %dma_wait3A_128[%arg1, %dma_wait3A_129, %dma_wait3A_130] : memref<16x5x128xi32, #tpu.memory_space<hbm>> -> memref<1x5x128xi32, #tpu.memory_space<hbm>>
      %dma_wait3A_132 = tpu.memref_squeeze %dma_wait3A_131 : memref<1x5x128xi32, #tpu.memory_space<hbm>> -> memref<5x128xi32, #tpu.memory_space<hbm>>
      %dma_wait3A_133 = arith.constant 0 : i32
      %dma_wait3A_134 = arith.constant 0 : i32
      %dma_wait3A_135 = arith.constant 0 : i32
      %dma_wait3A_136 = tpu.memref_slice %arg5[%arg0, %dma_wait3A_133, %dma_wait3A_134, %dma_wait3A_135] : memref<2x16x5x128xi32, #tpu.memory_space<hbm>> -> memref<1x16x5x128xi32, #tpu.memory_space<hbm>>
      %dma_wait3A_137 = tpu.memref_squeeze %dma_wait3A_136 : memref<1x16x5x128xi32, #tpu.memory_space<hbm>> -> memref<16x5x128xi32, #tpu.memory_space<hbm>>
      %dma_wait3A_138 = arith.constant 0 : i32
      %dma_wait3A_139 = arith.constant 0 : i32
      %dma_wait3A_140 = tpu.memref_slice %dma_wait3A_137[%arg1, %dma_wait3A_138, %dma_wait3A_139] : memref<16x5x128xi32, #tpu.memory_space<hbm>> -> memref<1x5x128xi32, #tpu.memory_space<hbm>>
      %dma_wait3A_141 = tpu.memref_squeeze %dma_wait3A_140 : memref<1x5x128xi32, #tpu.memory_space<hbm>> -> memref<5x128xi32, #tpu.memory_space<hbm>>
      tpu.wait_dma2 semaphore(%run_scoped3A_105 : memref<!tpu.dma_semaphore, #tpu.memory_space<semaphore_mem>>) src(%dma_wait3A_141 : memref<5x128xi32, #tpu.memory_space<hbm>>) dst(%arg9 : memref<5x128xi32, #tpu.memory_space<vmem>>)
      tpu.yield
    }) : () -> ()
    %dma_start3A = arith.constant 0 : i32
    %dma_start3A_1 = arith.constant 0 : i32
    %dma_start3A_2 = arith.constant 0 : i32
    %dma_start3A_3 = arith.constant 0 : i32
    %dma_start3A_4 = tpu.memref_slice %arg10[%dma_start3A_1, %dma_start3A_2, %dma_start3A_3] : memref<4x128x64xf32, #tpu.memory_space<vmem>> -> memref<1x128x64xf32, #tpu.memory_space<vmem>>
    %dma_start3A_5 = tpu.memref_squeeze %dma_start3A_4 : memref<1x128x64xf32, #tpu.memory_space<vmem>> -> memref<128x64xf32, #tpu.memory_space<vmem>>
    %dma_start3A_6 = arith.constant 0 : i32
    %dma_start3A_7 = tpu.memref_slice %arg7[%dma_start3A, %dma_start3A_6] : memref<160x128xi32, #tpu.memory_space<vmem>> -> memref<1x128xi32, #tpu.memory_space<vmem>>
    %dma_start3A_8 = tpu.memref_squeeze %dma_start3A_7 : memref<1x128xi32, #tpu.memory_space<vmem>> -> memref<128xi32, #tpu.memory_space<vmem>>
    %dma_start3A_9 = arith.constant 0 : i32
    %dma_start3A_10 = arith.constant 0 : i32
    %dma_start3A_11 = tpu.memref_slice %arg2[%dma_start3A_9, %dma_start3A_10] : memref<20480x64xf32, #tpu.memory_space<hbm>> -> memref<20480x64xf32, #tpu.memory_space<hbm>>
    tpu.enqueue_indirect_dma source(%dma_start3A_11 : memref<20480x64xf32, #tpu.memory_space<hbm>>) target(%dma_start3A_5 : memref<128x64xf32, #tpu.memory_space<vmem>>) offsets(%dma_start3A_8 : memref<128xi32, #tpu.memory_space<vmem>>) semaphore(%arg13 : memref<!tpu.dma_semaphore, #tpu.memory_space<semaphore_mem>>)
    %dma_start3A_12 = arith.constant 1 : i32
    %dma_start3A_13 = arith.constant 1 : i32
    %dma_start3A_14 = arith.constant 0 : i32
    %dma_start3A_15 = arith.constant 0 : i32
    %dma_start3A_16 = tpu.memref_slice %arg10[%dma_start3A_13, %dma_start3A_14, %dma_start3A_15] : memref<4x128x64xf32, #tpu.memory_space<vmem>> -> memref<1x128x64xf32, #tpu.memory_space<vmem>>
    %dma_start3A_17 = tpu.memref_squeeze %dma_start3A_16 : memref<1x128x64xf32, #tpu.memory_space<vmem>> -> memref<128x64xf32, #tpu.memory_space<vmem>>
    %dma_start3A_18 = arith.constant 0 : i32
    %dma_start3A_19 = tpu.memref_slice %arg7[%dma_start3A_12, %dma_start3A_18] : memref<160x128xi32, #tpu.memory_space<vmem>> -> memref<1x128xi32, #tpu.memory_space<vmem>>
    %dma_start3A_20 = tpu.memref_squeeze %dma_start3A_19 : memref<1x128xi32, #tpu.memory_space<vmem>> -> memref<128xi32, #tpu.memory_space<vmem>>
    %dma_start3A_21 = arith.constant 0 : i32
    %dma_start3A_22 = arith.constant 0 : i32
    %dma_start3A_23 = tpu.memref_slice %arg2[%dma_start3A_21, %dma_start3A_22] : memref<20480x64xf32, #tpu.memory_space<hbm>> -> memref<20480x64xf32, #tpu.memory_space<hbm>>
    tpu.enqueue_indirect_dma source(%dma_start3A_23 : memref<20480x64xf32, #tpu.memory_space<hbm>>) target(%dma_start3A_17 : memref<128x64xf32, #tpu.memory_space<vmem>>) offsets(%dma_start3A_20 : memref<128xi32, #tpu.memory_space<vmem>>) semaphore(%arg14 : memref<!tpu.dma_semaphore, #tpu.memory_space<semaphore_mem>>)
    %scan3A = arith.constant 0 : i32
    %scan3A_24 = arith.constant 0 : i32
    %scan3A_25 = arith.constant 128 : i32
    %scan3A_26 = arith.addi %scan3A_24, %scan3A_25 : i32
    %scan3A_27 = arith.constant 1 : i32
    scf.for %scan3A_105 = %scan3A_24 to %scan3A_26 step %scan3A_27  : i32 {
      %swap3A = arith.index_cast %scan3A_105 : i32 to index
      %swap3A_106 = arith.constant 0 : index
      %swap3A_107 = tpu.vector_load %arg11[%swap3A, %swap3A_106] {strides = array<i32>} : memref<128x64xf32, #tpu.memory_space<vmem>>, vector<16xf32>,
      tpu.vector_store %arg11[%swap3A, %swap3A_106], %broadcast_in_dim3A_0 {strides = array<i32>} : memref<128x64xf32, #tpu.memory_space<vmem>>, vector<16xf32>,
      %swap3A_108 = arith.index_cast %scan3A_105 : i32 to index
      %swap3A_109 = arith.constant 16 : index
      %swap3A_110 = tpu.vector_load %arg11[%swap3A_108, %swap3A_109] {strides = array<i32>} : memref<128x64xf32, #tpu.memory_space<vmem>>, vector<16xf32>,
      tpu.vector_store %arg11[%swap3A_108, %swap3A_109], %broadcast_in_dim3A_0 {strides = array<i32>} : memref<128x64xf32, #tpu.memory_space<vmem>>, vector<16xf32>,
      %swap3A_111 = arith.index_cast %scan3A_105 : i32 to index
      %swap3A_112 = arith.constant 32 : index
      %swap3A_113 = tpu.vector_load %arg11[%swap3A_111, %swap3A_112] {strides = array<i32>} : memref<128x64xf32, #tpu.memory_space<vmem>>, vector<16xf32>,
      tpu.vector_store %arg11[%swap3A_111, %swap3A_112], %broadcast_in_dim3A_0 {strides = array<i32>} : memref<128x64xf32, #tpu.memory_space<vmem>>, vector<16xf32>,
      %swap3A_114 = arith.index_cast %scan3A_105 : i32 to index
      %swap3A_115 = arith.constant 48 : index
      %swap3A_116 = tpu.vector_load %arg11[%swap3A_114, %swap3A_115] {strides = array<i32>} : memref<128x64xf32, #tpu.memory_space<vmem>>, vector<16xf32>,
      tpu.vector_store %arg11[%swap3A_114, %swap3A_115], %broadcast_in_dim3A_0 {strides = array<i32>} : memref<128x64xf32, #tpu.memory_space<vmem>>, vector<16xf32>,
    }
    %scan3A_28 = arith.constant 128 : i32
    %mul3A = arith.constant 648 : i32
    %mul3A_29 = arith.muli %arg1, %mul3A : i32
    %add3A = arith.constant 0 : i32
    %add3A_30 = arith.addi %mul3A_29, %add3A : i32
    "tpu.region"() ({
      %run_scoped3A_105 = tpu.sem_alloc : memref<!tpu.dma_semaphore, #tpu.memory_space<semaphore_mem>>
      %dma_start3A_106 = arith.constant 0 : i32
      %dma_start3A_107 = tpu.memref_slice %arg12[%add3A_30, %dma_start3A_106] : memref<10368x64xf32, #tpu.memory_space<vmem_shared>> -> memref<128x64xf32, #tpu.memory_space<vmem_shared>>
      %dma_start3A_108 = arith.constant 0 : i32
      %dma_start3A_109 = tpu.memref_slice %arg12[%add3A_30, %dma_start3A_108] : memref<10368x64xf32, #tpu.memory_space<vmem_shared>> -> memref<128x64xf32, #tpu.memory_space<vmem_shared>>
      tpu.enqueue_dma source(%arg11 : memref<128x64xf32, #tpu.memory_space<vmem>>) target(%dma_start3A_109 : memref<128x64xf32, #tpu.memory_space<vmem_shared>>) target_semaphore(%run_scoped3A_105 : memref<!tpu.dma_semaphore, #tpu.memory_space<semaphore_mem>>)
      %dma_wait3A_110 = arith.constant 0 : i32
      %dma_wait3A_111 = tpu.memref_slice %arg12[%add3A_30, %dma_wait3A_110] : memref<10368x64xf32, #tpu.memory_space<vmem_shared>> -> memref<128x64xf32, #tpu.memory_space<vmem_shared>>
      %dma_wait3A_112 = arith.constant 0 : i32
      %dma_wait3A_113 = tpu.memref_slice %arg12[%add3A_30, %dma_wait3A_112] : memref<10368x64xf32, #tpu.memory_space<vmem_shared>> -> memref<128x64xf32, #tpu.memory_space<vmem_shared>>
      tpu.wait_dma2 semaphore(%run_scoped3A_105 : memref<!tpu.dma_semaphore, #tpu.memory_space<semaphore_mem>>) src(%arg11 : memref<128x64xf32, #tpu.memory_space<vmem>>) dst(%dma_wait3A_113 : memref<128x64xf32, #tpu.memory_space<vmem_shared>>)
      tpu.yield
    }) : () -> ()
    %mul3A_31 = arith.constant 648 : i32
    %mul3A_32 = arith.muli %arg1, %mul3A_31 : i32
    %add3A_33 = arith.constant 128 : i32
    %add3A_34 = arith.addi %mul3A_32, %add3A_33 : i32
    "tpu.region"() ({
      %run_scoped3A_105 = tpu.sem_alloc : memref<!tpu.dma_semaphore, #tpu.memory_space<semaphore_mem>>
      %dma_start3A_106 = arith.constant 0 : i32
      %dma_start3A_107 = tpu.memref_slice %arg12[%add3A_34, %dma_start3A_106] : memref<10368x64xf32, #tpu.memory_space<vmem_shared>> -> memref<128x64xf32, #tpu.memory_space<vmem_shared>>
      %dma_start3A_108 = arith.constant 0 : i32
      %dma_start3A_109 = tpu.memref_slice %arg12[%add3A_34, %dma_start3A_108] : memref<10368x64xf32, #tpu.memory_space<vmem_shared>> -> memref<128x64xf32, #tpu.memory_space<vmem_shared>>
      tpu.enqueue_dma source(%arg11 : memref<128x64xf32, #tpu.memory_space<vmem>>) target(%dma_start3A_109 : memref<128x64xf32, #tpu.memory_space<vmem_shared>>) target_semaphore(%run_scoped3A_105 : memref<!tpu.dma_semaphore, #tpu.memory_space<semaphore_mem>>)
      %dma_wait3A_110 = arith.constant 0 : i32
      %dma_wait3A_111 = tpu.memref_slice %arg12[%add3A_34, %dma_wait3A_110] : memref<10368x64xf32, #tpu.memory_space<vmem_shared>> -> memref<128x64xf32, #tpu.memory_space<vmem_shared>>
      %dma_wait3A_112 = arith.constant 0 : i32
      %dma_wait3A_113 = tpu.memref_slice %arg12[%add3A_34, %dma_wait3A_112] : memref<10368x64xf32, #tpu.memory_space<vmem_shared>> -> memref<128x64xf32, #tpu.memory_space<vmem_shared>>
      tpu.wait_dma2 semaphore(%run_scoped3A_105 : memref<!tpu.dma_semaphore, #tpu.memory_space<semaphore_mem>>) src(%arg11 : memref<128x64xf32, #tpu.memory_space<vmem>>) dst(%dma_wait3A_113 : memref<128x64xf32, #tpu.memory_space<vmem_shared>>)
      tpu.yield
    }) : () -> ()
    %mul3A_35 = arith.constant 648 : i32
    %mul3A_36 = arith.muli %arg1, %mul3A_35 : i32
    %add3A_37 = arith.constant 256 : i32
    %add3A_38 = arith.addi %mul3A_36, %add3A_37 : i32
    "tpu.region"() ({
      %run_scoped3A_105 = tpu.sem_alloc : memref<!tpu.dma_semaphore, #tpu.memory_space<semaphore_mem>>
      %dma_start3A_106 = arith.constant 0 : i32
      %dma_start3A_107 = tpu.memref_slice %arg12[%add3A_38, %dma_start3A_106] : memref<10368x64xf32, #tpu.memory_space<vmem_shared>> -> memref<128x64xf32, #tpu.memory_space<vmem_shared>>
      %dma_start3A_108 = arith.constant 0 : i32
      %dma_start3A_109 = tpu.memref_slice %arg12[%add3A_38, %dma_start3A_108] : memref<10368x64xf32, #tpu.memory_space<vmem_shared>> -> memref<128x64xf32, #tpu.memory_space<vmem_shared>>
      tpu.enqueue_dma source(%arg11 : memref<128x64xf32, #tpu.memory_space<vmem>>) target(%dma_start3A_109 : memref<128x64xf32, #tpu.memory_space<vmem_shared>>) target_semaphore(%run_scoped3A_105 : memref<!tpu.dma_semaphore, #tpu.memory_space<semaphore_mem>>)
      %dma_wait3A_110 = arith.constant 0 : i32
      %dma_wait3A_111 = tpu.memref_slice %arg12[%add3A_38, %dma_wait3A_110] : memref<10368x64xf32, #tpu.memory_space<vmem_shared>> -> memref<128x64xf32, #tpu.memory_space<vmem_shared>>
      %dma_wait3A_112 = arith.constant 0 : i32
      %dma_wait3A_113 = tpu.memref_slice %arg12[%add3A_38, %dma_wait3A_112] : memref<10368x64xf32, #tpu.memory_space<vmem_shared>> -> memref<128x64xf32, #tpu.memory_space<vmem_shared>>
      tpu.wait_dma2 semaphore(%run_scoped3A_105 : memref<!tpu.dma_semaphore, #tpu.memory_space<semaphore_mem>>) src(%arg11 : memref<128x64xf32, #tpu.memory_space<vmem>>) dst(%dma_wait3A_113 : memref<128x64xf32, #tpu.memory_space<vmem_shared>>)
      tpu.yield
    }) : () -> ()
    %mul3A_39 = arith.constant 648 : i32
    %mul3A_40 = arith.muli %arg1, %mul3A_39 : i32
    %add3A_41 = arith.constant 384 : i32
    %add3A_42 = arith.addi %mul3A_40, %add3A_41 : i32
    "tpu.region"() ({
      %run_scoped3A_105 = tpu.sem_alloc : memref<!tpu.dma_semaphore, #tpu.memory_space<semaphore_mem>>
      %dma_start3A_106 = arith.constant 0 : i32
      %dma_start3A_107 = tpu.memref_slice %arg12[%add3A_42, %dma_start3A_106] : memref<10368x64xf32, #tpu.memory_space<vmem_shared>> -> memref<128x64xf32, #tpu.memory_space<vmem_shared>>
      %dma_start3A_108 = arith.constant 0 : i32
      %dma_start3A_109 = tpu.memref_slice %arg12[%add3A_42, %dma_start3A_108] : memref<10368x64xf32, #tpu.memory_space<vmem_shared>> -> memref<128x64xf32, #tpu.memory_space<vmem_shared>>
      tpu.enqueue_dma source(%arg11 : memref<128x64xf32, #tpu.memory_space<vmem>>) target(%dma_start3A_109 : memref<128x64xf32, #tpu.memory_space<vmem_shared>>) target_semaphore(%run_scoped3A_105 : memref<!tpu.dma_semaphore, #tpu.memory_space<semaphore_mem>>)
      %dma_wait3A_110 = arith.constant 0 : i32
      %dma_wait3A_111 = tpu.memref_slice %arg12[%add3A_42, %dma_wait3A_110] : memref<10368x64xf32, #tpu.memory_space<vmem_shared>> -> memref<128x64xf32, #tpu.memory_space<vmem_shared>>
      %dma_wait3A_112 = arith.constant 0 : i32
      %dma_wait3A_113 = tpu.memref_slice %arg12[%add3A_42, %dma_wait3A_112] : memref<10368x64xf32, #tpu.memory_space<vmem_shared>> -> memref<128x64xf32, #tpu.memory_space<vmem_shared>>
      tpu.wait_dma2 semaphore(%run_scoped3A_105 : memref<!tpu.dma_semaphore, #tpu.memory_space<semaphore_mem>>) src(%arg11 : memref<128x64xf32, #tpu.memory_space<vmem>>) dst(%dma_wait3A_113 : memref<128x64xf32, #tpu.memory_space<vmem_shared>>)
      tpu.yield
    }) : () -> ()
    %mul3A_43 = arith.constant 648 : i32
    %mul3A_44 = arith.muli %arg1, %mul3A_43 : i32
    %add3A_45 = arith.constant 512 : i32
    %add3A_46 = arith.addi %mul3A_44, %add3A_45 : i32
    "tpu.region"() ({
      %run_scoped3A_105 = tpu.sem_alloc : memref<!tpu.dma_semaphore, #tpu.memory_space<semaphore_mem>>
      %dma_start3A_106 = arith.constant 0 : i32
      %dma_start3A_107 = tpu.memref_slice %arg12[%add3A_46, %dma_start3A_106] : memref<10368x64xf32, #tpu.memory_space<vmem_shared>> -> memref<128x64xf32, #tpu.memory_space<vmem_shared>>
      %dma_start3A_108 = arith.constant 0 : i32
      %dma_start3A_109 = tpu.memref_slice %arg12[%add3A_46, %dma_start3A_108] : memref<10368x64xf32, #tpu.memory_space<vmem_shared>> -> memref<128x64xf32, #tpu.memory_space<vmem_shared>>
      tpu.enqueue_dma source(%arg11 : memref<128x64xf32, #tpu.memory_space<vmem>>) target(%dma_start3A_109 : memref<128x64xf32, #tpu.memory_space<vmem_shared>>) target_semaphore(%run_scoped3A_105 : memref<!tpu.dma_semaphore, #tpu.memory_space<semaphore_mem>>)
      %dma_wait3A_110 = arith.constant 0 : i32
      %dma_wait3A_111 = tpu.memref_slice %arg12[%add3A_46, %dma_wait3A_110] : memref<10368x64xf32, #tpu.memory_space<vmem_shared>> -> memref<128x64xf32, #tpu.memory_space<vmem_shared>>
      %dma_wait3A_112 = arith.constant 0 : i32
      %dma_wait3A_113 = tpu.memref_slice %arg12[%add3A_46, %dma_wait3A_112] : memref<10368x64xf32, #tpu.memory_space<vmem_shared>> -> memref<128x64xf32, #tpu.memory_space<vmem_shared>>
      tpu.wait_dma2 semaphore(%run_scoped3A_105 : memref<!tpu.dma_semaphore, #tpu.memory_space<semaphore_mem>>) src(%arg11 : memref<128x64xf32, #tpu.memory_space<vmem>>) dst(%dma_wait3A_113 : memref<128x64xf32, #tpu.memory_space<vmem_shared>>)
      tpu.yield
    }) : () -> ()
    %mul3A_47 = arith.constant 648 : i32
    %mul3A_48 = arith.muli %arg1, %mul3A_47 : i32
    %add3A_49 = arith.constant 640 : i32
    %add3A_50 = arith.addi %mul3A_48, %add3A_49 : i32
    "tpu.region"() ({
      %run_scoped3A_105 = tpu.sem_alloc : memref<!tpu.dma_semaphore, #tpu.memory_space<semaphore_mem>>
      %dma_start3A_106 = arith.constant 0 : i32
      %dma_start3A_107 = arith.constant 0 : i32
      %dma_start3A_108 = tpu.memref_slice %arg11[%dma_start3A_106, %dma_start3A_107] : memref<128x64xf32, #tpu.memory_space<vmem>> -> memref<8x64xf32, #tpu.memory_space<vmem>>
      %dma_start3A_109 = arith.constant 0 : i32
      %dma_start3A_110 = tpu.memref_slice %arg12[%add3A_50, %dma_start3A_109] : memref<10368x64xf32, #tpu.memory_space<vmem_shared>> -> memref<8x64xf32, #tpu.memory_space<vmem_shared>>
      %dma_start3A_111 = arith.constant 0 : i32
      %dma_start3A_112 = tpu.memref_slice %arg12[%add3A_50, %dma_start3A_111] : memref<10368x64xf32, #tpu.memory_space<vmem_shared>> -> memref<8x64xf32, #tpu.memory_space<vmem_shared>>
      %dma_start3A_113 = arith.constant 0 : i32
      %dma_start3A_114 = arith.constant 0 : i32
      %dma_start3A_115 = tpu.memref_slice %arg11[%dma_start3A_113, %dma_start3A_114] : memref<128x64xf32, #tpu.memory_space<vmem>> -> memref<8x64xf32, #tpu.memory_space<vmem>>
      tpu.enqueue_dma source(%dma_start3A_115 : memref<8x64xf32, #tpu.memory_space<vmem>>) target(%dma_start3A_112 : memref<8x64xf32, #tpu.memory_space<vmem_shared>>) target_semaphore(%run_scoped3A_105 : memref<!tpu.dma_semaphore, #tpu.memory_space<semaphore_mem>>)
      %dma_wait3A_116 = arith.constant 0 : i32
      %dma_wait3A_117 = arith.constant 0 : i32
      %dma_wait3A_118 = tpu.memref_slice %arg11[%dma_wait3A_116, %dma_wait3A_117] : memref<128x64xf32, #tpu.memory_space<vmem>> -> memref<8x64xf32, #tpu.memory_space<vmem>>
      %dma_wait3A_119 = arith.constant 0 : i32
      %dma_wait3A_120 = tpu.memref_slice %arg12[%add3A_50, %dma_wait3A_119] : memref<10368x64xf32, #tpu.memory_space<vmem_shared>> -> memref<8x64xf32, #tpu.memory_space<vmem_shared>>
      %dma_wait3A_121 = arith.constant 0 : i32
      %dma_wait3A_122 = tpu.memref_slice %arg12[%add3A_50, %dma_wait3A_121] : memref<10368x64xf32, #tpu.memory_space<vmem_shared>> -> memref<8x64xf32, #tpu.memory_space<vmem_shared>>
      %dma_wait3A_123 = arith.constant 0 : i32
      %dma_wait3A_124 = arith.constant 0 : i32
      %dma_wait3A_125 = tpu.memref_slice %arg11[%dma_wait3A_123, %dma_wait3A_124] : memref<128x64xf32, #tpu.memory_space<vmem>> -> memref<8x64xf32, #tpu.memory_space<vmem>>
      tpu.wait_dma2 semaphore(%run_scoped3A_105 : memref<!tpu.dma_semaphore, #tpu.memory_space<semaphore_mem>>) src(%dma_wait3A_125 : memref<8x64xf32, #tpu.memory_space<vmem>>) dst(%dma_wait3A_122 : memref<8x64xf32, #tpu.memory_space<vmem_shared>>)
      tpu.yield
    }) : () -> ()
    %barrier3A = arith.constant 0 : index
    tpu.barrier barrier_id(%barrier3A)
    %scan3A_51 = arith.constant 0 : i32
    %scan3A_52 = arith.constant 0 : i32
    %scan3A_53 = arith.constant 40 : i32
    %scan3A_54 = arith.addi %scan3A_52, %scan3A_53 : i32
    %scan3A_55 = arith.constant 1 : i32
    scf.for %scan3A_105 = %scan3A_52 to %scan3A_54 step %scan3A_55  : i32 {
      %mul3A_106 = arith.constant 4 : i32
      %mul3A_107 = arith.muli %scan3A_105, %mul3A_106 : i32
      %add3A_108 = arith.constant 0 : i32
      %add3A_109 = arith.addi %mul3A_107, %add3A_108 : i32
      %dma_wait3A_110 = arith.constant 0 : i32
      %dma_wait3A_111 = arith.constant 0 : i32
      %dma_wait3A_112 = arith.constant 0 : i32
      %dma_wait3A_113 = tpu.memref_slice %arg10[%dma_wait3A_110, %dma_wait3A_111, %dma_wait3A_112] : memref<4x128x64xf32, #tpu.memory_space<vmem>> -> memref<1x128x64xf32, #tpu.memory_space<vmem>>
      %dma_wait3A_114 = tpu.memref_squeeze %dma_wait3A_113 : memref<1x128x64xf32, #tpu.memory_space<vmem>> -> memref<128x64xf32, #tpu.memory_space<vmem>>
      %dma_wait3A_115 = arith.constant 0 : i32
      %dma_wait3A_116 = tpu.memref_slice %arg7[%add3A_109, %dma_wait3A_115] : memref<160x128xi32, #tpu.memory_space<vmem>> -> memref<1x128xi32, #tpu.memory_space<vmem>>
      %dma_wait3A_117 = tpu.memref_squeeze %dma_wait3A_116 : memref<1x128xi32, #tpu.memory_space<vmem>> -> memref<128xi32, #tpu.memory_space<vmem>>
      %dma_wait3A_118 = arith.constant 0 : i32
      %dma_wait3A_119 = arith.constant 0 : i32
      %dma_wait3A_120 = tpu.memref_slice %arg2[%dma_wait3A_118, %dma_wait3A_119] : memref<20480x64xf32, #tpu.memory_space<hbm>> -> memref<20480x64xf32, #tpu.memory_space<hbm>>
      tpu.wait_indirect_dma semaphore(%arg13 : memref<!tpu.dma_semaphore, #tpu.memory_space<semaphore_mem>>) src(%dma_wait3A_120 : memref<20480x64xf32, #tpu.memory_space<hbm>>) dst(%dma_wait3A_114 : memref<128x64xf32, #tpu.memory_space<vmem>>)
      %dma_start3A_121 = arith.constant 0 : i32
      %dma_start3A_122 = arith.constant 0 : i32
      %dma_start3A_123 = arith.constant 0 : i32
      %dma_start3A_124 = tpu.memref_slice %arg10[%dma_start3A_121, %dma_start3A_122, %dma_start3A_123] : memref<4x128x64xf32, #tpu.memory_space<vmem>> -> memref<1x128x64xf32, #tpu.memory_space<vmem>>
      %dma_start3A_125 = tpu.memref_squeeze %dma_start3A_124 : memref<1x128x64xf32, #tpu.memory_space<vmem>> -> memref<128x64xf32, #tpu.memory_space<vmem>>
      %dma_start3A_126 = arith.constant 0 : i32
      %dma_start3A_127 = tpu.memref_slice %arg8[%add3A_109, %dma_start3A_126] : memref<160x128xi32, #tpu.memory_space<vmem>> -> memref<1x128xi32, #tpu.memory_space<vmem>>
      %dma_start3A_128 = tpu.memref_squeeze %dma_start3A_127 : memref<1x128xi32, #tpu.memory_space<vmem>> -> memref<128xi32, #tpu.memory_space<vmem>>
      %dma_start3A_129 = arith.constant 0 : i32
      %dma_start3A_130 = arith.constant 0 : i32
      %dma_start3A_131 = tpu.memref_slice %arg12[%dma_start3A_129, %dma_start3A_130] : memref<10368x64xf32, #tpu.memory_space<vmem_shared>> -> memref<10368x64xf32, #tpu.memory_space<vmem_shared>>
      tpu.enqueue_indirect_dma source(%dma_start3A_125 : memref<128x64xf32, #tpu.memory_space<vmem>>) target(%dma_start3A_131 : memref<10368x64xf32, #tpu.memory_space<vmem_shared>>) offsets(%dma_start3A_128 : memref<128xi32, #tpu.memory_space<vmem>>) semaphore(%arg17 : memref<!tpu.dma_semaphore, #tpu.memory_space<semaphore_mem>>) {add = true}
      %ge3A = arith.constant 2 : i32
      %ge3A_132 = arith.cmpi sge, %add3A_109, %ge3A : i32
      %convert_element_type3A = arith.extui %ge3A_132 : i1 to i32
      %cond3A = arith.constant 0 : i32
      %cond3A_133 = arith.cmpi ne, %convert_element_type3A, %cond3A : i32
      scf.if %cond3A_133 {
        %sub3A = arith.constant 2 : i32
        %sub3A_254 = arith.subi %add3A_109, %sub3A : i32
        %dma_wait3A_255 = arith.constant 2 : i32
        %dma_wait3A_256 = arith.constant 0 : i32
        %dma_wait3A_257 = arith.constant 0 : i32
        %dma_wait3A_258 = tpu.memref_slice %arg10[%dma_wait3A_255, %dma_wait3A_256, %dma_wait3A_257] : memref<4x128x64xf32, #tpu.memory_space<vmem>> -> memref<1x128x64xf32, #tpu.memory_space<vmem>>
        %dma_wait3A_259 = tpu.memref_squeeze %dma_wait3A_258 : memref<1x128x64xf32, #tpu.memory_space<vmem>> -> memref<128x64xf32, #tpu.memory_space<vmem>>
        %dma_wait3A_260 = arith.constant 0 : i32
        %dma_wait3A_261 = tpu.memref_slice %arg8[%sub3A_254, %dma_wait3A_260] : memref<160x128xi32, #tpu.memory_space<vmem>> -> memref<1x128xi32, #tpu.memory_space<vmem>>
        %dma_wait3A_262 = tpu.memref_squeeze %dma_wait3A_261 : memref<1x128xi32, #tpu.memory_space<vmem>> -> memref<128xi32, #tpu.memory_space<vmem>>
        %dma_wait3A_263 = arith.constant 0 : i32
        %dma_wait3A_264 = arith.constant 0 : i32
        %dma_wait3A_265 = tpu.memref_slice %arg12[%dma_wait3A_263, %dma_wait3A_264] : memref<10368x64xf32, #tpu.memory_space<vmem_shared>> -> memref<10368x64xf32, #tpu.memory_space<vmem_shared>>
        tpu.wait_indirect_dma semaphore(%arg19 : memref<!tpu.dma_semaphore, #tpu.memory_space<semaphore_mem>>) src(%dma_wait3A_259 : memref<128x64xf32, #tpu.memory_space<vmem>>) dst(%dma_wait3A_265 : memref<10368x64xf32, #tpu.memory_space<vmem_shared>>)
      } else {
      }
      %add3A_134 = arith.constant 2 : i32
      %add3A_135 = arith.addi %add3A_109, %add3A_134 : i32
      %lt3A = arith.constant 160 : i32
      %lt3A_136 = arith.cmpi slt, %add3A_135, %lt3A : i32
      %convert_element_type3A_137 = arith.extui %lt3A_136 : i1 to i32
      %cond3A_138 = arith.constant 0 : i32
      %cond3A_139 = arith.cmpi ne, %convert_element_type3A_137, %cond3A_138 : i32
      scf.if %cond3A_139 {
        %add3A_254 = arith.constant 2 : i32
        %add3A_255 = arith.addi %add3A_109, %add3A_254 : i32
        %dma_start3A_256 = arith.constant 2 : i32
        %dma_start3A_257 = arith.constant 0 : i32
        %dma_start3A_258 = arith.constant 0 : i32
        %dma_start3A_259 = tpu.memref_slice %arg10[%dma_start3A_256, %dma_start3A_257, %dma_start3A_258] : memref<4x128x64xf32, #tpu.memory_space<vmem>> -> memref<1x128x64xf32, #tpu.memory_space<vmem>>
        %dma_start3A_260 = tpu.memref_squeeze %dma_start3A_259 : memref<1x128x64xf32, #tpu.memory_space<vmem>> -> memref<128x64xf32, #tpu.memory_space<vmem>>
        %dma_start3A_261 = arith.constant 0 : i32
        %dma_start3A_262 = tpu.memref_slice %arg7[%add3A_255, %dma_start3A_261] : memref<160x128xi32, #tpu.memory_space<vmem>> -> memref<1x128xi32, #tpu.memory_space<vmem>>
        %dma_start3A_263 = tpu.memref_squeeze %dma_start3A_262 : memref<1x128xi32, #tpu.memory_space<vmem>> -> memref<128xi32, #tpu.memory_space<vmem>>
        %dma_start3A_264 = arith.constant 0 : i32
        %dma_start3A_265 = arith.constant 0 : i32
        %dma_start3A_266 = tpu.memref_slice %arg2[%dma_start3A_264, %dma_start3A_265] : memref<20480x64xf32, #tpu.memory_space<hbm>> -> memref<20480x64xf32, #tpu.memory_space<hbm>>
        tpu.enqueue_indirect_dma source(%dma_start3A_266 : memref<20480x64xf32, #tpu.memory_space<hbm>>) target(%dma_start3A_260 : memref<128x64xf32, #tpu.memory_space<vmem>>) offsets(%dma_start3A_263 : memref<128xi32, #tpu.memory_space<vmem>>) semaphore(%arg15 : memref<!tpu.dma_semaphore, #tpu.memory_space<semaphore_mem>>)
      } else {
      }
      %mul3A_140 = arith.constant 4 : i32
      %mul3A_141 = arith.muli %scan3A_105, %mul3A_140 : i32
      %add3A_142 = arith.constant 1 : i32
      %add3A_143 = arith.addi %mul3A_141, %add3A_142 : i32
      %dma_wait3A_144 = arith.constant 1 : i32
      %dma_wait3A_145 = arith.constant 0 : i32
      %dma_wait3A_146 = arith.constant 0 : i32
      %dma_wait3A_147 = tpu.memref_slice %arg10[%dma_wait3A_144, %dma_wait3A_145, %dma_wait3A_146] : memref<4x128x64xf32, #tpu.memory_space<vmem>> -> memref<1x128x64xf32, #tpu.memory_space<vmem>>
      %dma_wait3A_148 = tpu.memref_squeeze %dma_wait3A_147 : memref<1x128x64xf32, #tpu.memory_space<vmem>> -> memref<128x64xf32, #tpu.memory_space<vmem>>
      %dma_wait3A_149 = arith.constant 0 : i32
      %dma_wait3A_150 = tpu.memref_slice %arg7[%add3A_143, %dma_wait3A_149] : memref<160x128xi32, #tpu.memory_space<vmem>> -> memref<1x128xi32, #tpu.memory_space<vmem>>
      %dma_wait3A_151 = tpu.memref_squeeze %dma_wait3A_150 : memref<1x128xi32, #tpu.memory_space<vmem>> -> memref<128xi32, #tpu.memory_space<vmem>>
      %dma_wait3A_152 = arith.constant 0 : i32
      %dma_wait3A_153 = arith.constant 0 : i32
      %dma_wait3A_154 = tpu.memref_slice %arg2[%dma_wait3A_152, %dma_wait3A_153] : memref<20480x64xf32, #tpu.memory_space<hbm>> -> memref<20480x64xf32, #tpu.memory_space<hbm>>
      tpu.wait_indirect_dma semaphore(%arg14 : memref<!tpu.dma_semaphore, #tpu.memory_space<semaphore_mem>>) src(%dma_wait3A_154 : memref<20480x64xf32, #tpu.memory_space<hbm>>) dst(%dma_wait3A_148 : memref<128x64xf32, #tpu.memory_space<vmem>>)
      %dma_start3A_155 = arith.constant 1 : i32
      %dma_start3A_156 = arith.constant 0 : i32
      %dma_start3A_157 = arith.constant 0 : i32
      %dma_start3A_158 = tpu.memref_slice %arg10[%dma_start3A_155, %dma_start3A_156, %dma_start3A_157] : memref<4x128x64xf32, #tpu.memory_space<vmem>> -> memref<1x128x64xf32, #tpu.memory_space<vmem>>
      %dma_start3A_159 = tpu.memref_squeeze %dma_start3A_158 : memref<1x128x64xf32, #tpu.memory_space<vmem>> -> memref<128x64xf32, #tpu.memory_space<vmem>>
      %dma_start3A_160 = arith.constant 0 : i32
      %dma_start3A_161 = tpu.memref_slice %arg8[%add3A_143, %dma_start3A_160] : memref<160x128xi32, #tpu.memory_space<vmem>> -> memref<1x128xi32, #tpu.memory_space<vmem>>
      %dma_start3A_162 = tpu.memref_squeeze %dma_start3A_161 : memref<1x128xi32, #tpu.memory_space<vmem>> -> memref<128xi32, #tpu.memory_space<vmem>>
      %dma_start3A_163 = arith.constant 0 : i32
      %dma_start3A_164 = arith.constant 0 : i32
      %dma_start3A_165 = tpu.memref_slice %arg12[%dma_start3A_163, %dma_start3A_164] : memref<10368x64xf32, #tpu.memory_space<vmem_shared>> -> memref<10368x64xf32, #tpu.memory_space<vmem_shared>>
      tpu.enqueue_indirect_dma source(%dma_start3A_159 : memref<128x64xf32, #tpu.memory_space<vmem>>) target(%dma_start3A_165 : memref<10368x64xf32, #tpu.memory_space<vmem_shared>>) offsets(%dma_start3A_162 : memref<128xi32, #tpu.memory_space<vmem>>) semaphore(%arg18 : memref<!tpu.dma_semaphore, #tpu.memory_space<semaphore_mem>>) {add = true}
      %ge3A_166 = arith.constant 2 : i32
      %ge3A_167 = arith.cmpi sge, %add3A_143, %ge3A_166 : i32
      %convert_element_type3A_168 = arith.extui %ge3A_167 : i1 to i32
      %cond3A_169 = arith.constant 0 : i32
      %cond3A_170 = arith.cmpi ne, %convert_element_type3A_168, %cond3A_169 : i32
      scf.if %cond3A_170 {
        %sub3A = arith.constant 2 : i32
        %sub3A_254 = arith.subi %add3A_143, %sub3A : i32
        %dma_wait3A_255 = arith.constant 3 : i32
        %dma_wait3A_256 = arith.constant 0 : i32
        %dma_wait3A_257 = arith.constant 0 : i32
        %dma_wait3A_258 = tpu.memref_slice %arg10[%dma_wait3A_255, %dma_wait3A_256, %dma_wait3A_257] : memref<4x128x64xf32, #tpu.memory_space<vmem>> -> memref<1x128x64xf32, #tpu.memory_space<vmem>>
        %dma_wait3A_259 = tpu.memref_squeeze %dma_wait3A_258 : memref<1x128x64xf32, #tpu.memory_space<vmem>> -> memref<128x64xf32, #tpu.memory_space<vmem>>
        %dma_wait3A_260 = arith.constant 0 : i32
        %dma_wait3A_261 = tpu.memref_slice %arg8[%sub3A_254, %dma_wait3A_260] : memref<160x128xi32, #tpu.memory_space<vmem>> -> memref<1x128xi32, #tpu.memory_space<vmem>>
        %dma_wait3A_262 = tpu.memref_squeeze %dma_wait3A_261 : memref<1x128xi32, #tpu.memory_space<vmem>> -> memref<128xi32, #tpu.memory_space<vmem>>
        %dma_wait3A_263 = arith.constant 0 : i32
        %dma_wait3A_264 = arith.constant 0 : i32
        %dma_wait3A_265 = tpu.memref_slice %arg12[%dma_wait3A_263, %dma_wait3A_264] : memref<10368x64xf32, #tpu.memory_space<vmem_shared>> -> memref<10368x64xf32, #tpu.memory_space<vmem_shared>>
        tpu.wait_indirect_dma semaphore(%arg20 : memref<!tpu.dma_semaphore, #tpu.memory_space<semaphore_mem>>) src(%dma_wait3A_259 : memref<128x64xf32, #tpu.memory_space<vmem>>) dst(%dma_wait3A_265 : memref<10368x64xf32, #tpu.memory_space<vmem_shared>>)
      } else {
      }
      %add3A_171 = arith.constant 2 : i32
      %add3A_172 = arith.addi %add3A_143, %add3A_171 : i32
      %lt3A_173 = arith.constant 160 : i32
      %lt3A_174 = arith.cmpi slt, %add3A_172, %lt3A_173 : i32
      %convert_element_type3A_175 = arith.extui %lt3A_174 : i1 to i32
      %cond3A_176 = arith.constant 0 : i32
      %cond3A_177 = arith.cmpi ne, %convert_element_type3A_175, %cond3A_176 : i32
      scf.if %cond3A_177 {
        %add3A_254 = arith.constant 2 : i32
        %add3A_255 = arith.addi %add3A_143, %add3A_254 : i32
        %dma_start3A_256 = arith.constant 3 : i32
        %dma_start3A_257 = arith.constant 0 : i32
        %dma_start3A_258 = arith.constant 0 : i32
        %dma_start3A_259 = tpu.memref_slice %arg10[%dma_start3A_256, %dma_start3A_257, %dma_start3A_258] : memref<4x128x64xf32, #tpu.memory_space<vmem>> -> memref<1x128x64xf32, #tpu.memory_space<vmem>>
        %dma_start3A_260 = tpu.memref_squeeze %dma_start3A_259 : memref<1x128x64xf32, #tpu.memory_space<vmem>> -> memref<128x64xf32, #tpu.memory_space<vmem>>
        %dma_start3A_261 = arith.constant 0 : i32
        %dma_start3A_262 = tpu.memref_slice %arg7[%add3A_255, %dma_start3A_261] : memref<160x128xi32, #tpu.memory_space<vmem>> -> memref<1x128xi32, #tpu.memory_space<vmem>>
        %dma_start3A_263 = tpu.memref_squeeze %dma_start3A_262 : memref<1x128xi32, #tpu.memory_space<vmem>> -> memref<128xi32, #tpu.memory_space<vmem>>
        %dma_start3A_264 = arith.constant 0 : i32
        %dma_start3A_265 = arith.constant 0 : i32
        %dma_start3A_266 = tpu.memref_slice %arg2[%dma_start3A_264, %dma_start3A_265] : memref<20480x64xf32, #tpu.memory_space<hbm>> -> memref<20480x64xf32, #tpu.memory_space<hbm>>
        tpu.enqueue_indirect_dma source(%dma_start3A_266 : memref<20480x64xf32, #tpu.memory_space<hbm>>) target(%dma_start3A_260 : memref<128x64xf32, #tpu.memory_space<vmem>>) offsets(%dma_start3A_263 : memref<128xi32, #tpu.memory_space<vmem>>) semaphore(%arg16 : memref<!tpu.dma_semaphore, #tpu.memory_space<semaphore_mem>>)
      } else {
      }
      %mul3A_178 = arith.constant 4 : i32
      %mul3A_179 = arith.muli %scan3A_105, %mul3A_178 : i32
      %add3A_180 = arith.constant 2 : i32
      %add3A_181 = arith.addi %mul3A_179, %add3A_180 : i32
      %dma_wait3A_182 = arith.constant 2 : i32
      %dma_wait3A_183 = arith.constant 0 : i32
      %dma_wait3A_184 = arith.constant 0 : i32
      %dma_wait3A_185 = tpu.memref_slice %arg10[%dma_wait3A_182, %dma_wait3A_183, %dma_wait3A_184] : memref<4x128x64xf32, #tpu.memory_space<vmem>> -> memref<1x128x64xf32, #tpu.memory_space<vmem>>
      %dma_wait3A_186 = tpu.memref_squeeze %dma_wait3A_185 : memref<1x128x64xf32, #tpu.memory_space<vmem>> -> memref<128x64xf32, #tpu.memory_space<vmem>>
      %dma_wait3A_187 = arith.constant 0 : i32
      %dma_wait3A_188 = tpu.memref_slice %arg7[%add3A_181, %dma_wait3A_187] : memref<160x128xi32, #tpu.memory_space<vmem>> -> memref<1x128xi32, #tpu.memory_space<vmem>>
      %dma_wait3A_189 = tpu.memref_squeeze %dma_wait3A_188 : memref<1x128xi32, #tpu.memory_space<vmem>> -> memref<128xi32, #tpu.memory_space<vmem>>
      %dma_wait3A_190 = arith.constant 0 : i32
      %dma_wait3A_191 = arith.constant 0 : i32
      %dma_wait3A_192 = tpu.memref_slice %arg2[%dma_wait3A_190, %dma_wait3A_191] : memref<20480x64xf32, #tpu.memory_space<hbm>> -> memref<20480x64xf32, #tpu.memory_space<hbm>>
      tpu.wait_indirect_dma semaphore(%arg15 : memref<!tpu.dma_semaphore, #tpu.memory_space<semaphore_mem>>) src(%dma_wait3A_192 : memref<20480x64xf32, #tpu.memory_space<hbm>>) dst(%dma_wait3A_186 : memref<128x64xf32, #tpu.memory_space<vmem>>)
      %dma_start3A_193 = arith.constant 2 : i32
      %dma_start3A_194 = arith.constant 0 : i32
      %dma_start3A_195 = arith.constant 0 : i32
      %dma_start3A_196 = tpu.memref_slice %arg10[%dma_start3A_193, %dma_start3A_194, %dma_start3A_195] : memref<4x128x64xf32, #tpu.memory_space<vmem>> -> memref<1x128x64xf32, #tpu.memory_space<vmem>>
      %dma_start3A_197 = tpu.memref_squeeze %dma_start3A_196 : memref<1x128x64xf32, #tpu.memory_space<vmem>> -> memref<128x64xf32, #tpu.memory_space<vmem>>
      %dma_start3A_198 = arith.constant 0 : i32
      %dma_start3A_199 = tpu.memref_slice %arg8[%add3A_181, %dma_start3A_198] : memref<160x128xi32, #tpu.memory_space<vmem>> -> memref<1x128xi32, #tpu.memory_space<vmem>>
      %dma_start3A_200 = tpu.memref_squeeze %dma_start3A_199 : memref<1x128xi32, #tpu.memory_space<vmem>> -> memref<128xi32, #tpu.memory_space<vmem>>
      %dma_start3A_201 = arith.constant 0 : i32
      %dma_start3A_202 = arith.constant 0 : i32
      %dma_start3A_203 = tpu.memref_slice %arg12[%dma_start3A_201, %dma_start3A_202] : memref<10368x64xf32, #tpu.memory_space<vmem_shared>> -> memref<10368x64xf32, #tpu.memory_space<vmem_shared>>
      tpu.enqueue_indirect_dma source(%dma_start3A_197 : memref<128x64xf32, #tpu.memory_space<vmem>>) target(%dma_start3A_203 : memref<10368x64xf32, #tpu.memory_space<vmem_shared>>) offsets(%dma_start3A_200 : memref<128xi32, #tpu.memory_space<vmem>>) semaphore(%arg19 : memref<!tpu.dma_semaphore, #tpu.memory_space<semaphore_mem>>) {add = true}
      %ge3A_204 = arith.constant 2 : i32
      %ge3A_205 = arith.cmpi sge, %add3A_181, %ge3A_204 : i32
      %convert_element_type3A_206 = arith.extui %ge3A_205 : i1 to i32
      %cond3A_207 = arith.constant 0 : i32
      %cond3A_208 = arith.cmpi ne, %convert_element_type3A_206, %cond3A_207 : i32
      scf.if %cond3A_208 {
        %sub3A = arith.constant 2 : i32
        %sub3A_254 = arith.subi %add3A_181, %sub3A : i32
        %dma_wait3A_255 = arith.constant 0 : i32
        %dma_wait3A_256 = arith.constant 0 : i32
        %dma_wait3A_257 = arith.constant 0 : i32
        %dma_wait3A_258 = tpu.memref_slice %arg10[%dma_wait3A_255, %dma_wait3A_256, %dma_wait3A_257] : memref<4x128x64xf32, #tpu.memory_space<vmem>> -> memref<1x128x64xf32, #tpu.memory_space<vmem>>
        %dma_wait3A_259 = tpu.memref_squeeze %dma_wait3A_258 : memref<1x128x64xf32, #tpu.memory_space<vmem>> -> memref<128x64xf32, #tpu.memory_space<vmem>>
        %dma_wait3A_260 = arith.constant 0 : i32
        %dma_wait3A_261 = tpu.memref_slice %arg8[%sub3A_254, %dma_wait3A_260] : memref<160x128xi32, #tpu.memory_space<vmem>> -> memref<1x128xi32, #tpu.memory_space<vmem>>
        %dma_wait3A_262 = tpu.memref_squeeze %dma_wait3A_261 : memref<1x128xi32, #tpu.memory_space<vmem>> -> memref<128xi32, #tpu.memory_space<vmem>>
        %dma_wait3A_263 = arith.constant 0 : i32
        %dma_wait3A_264 = arith.constant 0 : i32
        %dma_wait3A_265 = tpu.memref_slice %arg12[%dma_wait3A_263, %dma_wait3A_264] : memref<10368x64xf32, #tpu.memory_space<vmem_shared>> -> memref<10368x64xf32, #tpu.memory_space<vmem_shared>>
        tpu.wait_indirect_dma semaphore(%arg17 : memref<!tpu.dma_semaphore, #tpu.memory_space<semaphore_mem>>) src(%dma_wait3A_259 : memref<128x64xf32, #tpu.memory_space<vmem>>) dst(%dma_wait3A_265 : memref<10368x64xf32, #tpu.memory_space<vmem_shared>>)
      } else {
      }
      %add3A_209 = arith.constant 2 : i32
      %add3A_210 = arith.addi %add3A_181, %add3A_209 : i32
      %lt3A_211 = arith.constant 160 : i32
      %lt3A_212 = arith.cmpi slt, %add3A_210, %lt3A_211 : i32
      %convert_element_type3A_213 = arith.extui %lt3A_212 : i1 to i32
      %cond3A_214 = arith.constant 0 : i32
      %cond3A_215 = arith.cmpi ne, %convert_element_type3A_213, %cond3A_214 : i32
      scf.if %cond3A_215 {
        %add3A_254 = arith.constant 2 : i32
        %add3A_255 = arith.addi %add3A_181, %add3A_254 : i32
        %dma_start3A_256 = arith.constant 0 : i32
        %dma_start3A_257 = arith.constant 0 : i32
        %dma_start3A_258 = arith.constant 0 : i32
        %dma_start3A_259 = tpu.memref_slice %arg10[%dma_start3A_256, %dma_start3A_257, %dma_start3A_258] : memref<4x128x64xf32, #tpu.memory_space<vmem>> -> memref<1x128x64xf32, #tpu.memory_space<vmem>>
        %dma_start3A_260 = tpu.memref_squeeze %dma_start3A_259 : memref<1x128x64xf32, #tpu.memory_space<vmem>> -> memref<128x64xf32, #tpu.memory_space<vmem>>
        %dma_start3A_261 = arith.constant 0 : i32
        %dma_start3A_262 = tpu.memref_slice %arg7[%add3A_255, %dma_start3A_261] : memref<160x128xi32, #tpu.memory_space<vmem>> -> memref<1x128xi32, #tpu.memory_space<vmem>>
        %dma_start3A_263 = tpu.memref_squeeze %dma_start3A_262 : memref<1x128xi32, #tpu.memory_space<vmem>> -> memref<128xi32, #tpu.memory_space<vmem>>
        %dma_start3A_264 = arith.constant 0 : i32
        %dma_start3A_265 = arith.constant 0 : i32
        %dma_start3A_266 = tpu.memref_slice %arg2[%dma_start3A_264, %dma_start3A_265] : memref<20480x64xf32, #tpu.memory_space<hbm>> -> memref<20480x64xf32, #tpu.memory_space<hbm>>
        tpu.enqueue_indirect_dma source(%dma_start3A_266 : memref<20480x64xf32, #tpu.memory_space<hbm>>) target(%dma_start3A_260 : memref<128x64xf32, #tpu.memory_space<vmem>>) offsets(%dma_start3A_263 : memref<128xi32, #tpu.memory_space<vmem>>) semaphore(%arg13 : memref<!tpu.dma_semaphore, #tpu.memory_space<semaphore_mem>>)
      } else {
      }
      %mul3A_216 = arith.constant 4 : i32
      %mul3A_217 = arith.muli %scan3A_105, %mul3A_216 : i32
      %add3A_218 = arith.constant 3 : i32
      %add3A_219 = arith.addi %mul3A_217, %add3A_218 : i32
      %dma_wait3A_220 = arith.constant 3 : i32
      %dma_wait3A_221 = arith.constant 0 : i32
      %dma_wait3A_222 = arith.constant 0 : i32
      %dma_wait3A_223 = tpu.memref_slice %arg10[%dma_wait3A_220, %dma_wait3A_221, %dma_wait3A_222] : memref<4x128x64xf32, #tpu.memory_space<vmem>> -> memref<1x128x64xf32, #tpu.memory_space<vmem>>
      %dma_wait3A_224 = tpu.memref_squeeze %dma_wait3A_223 : memref<1x128x64xf32, #tpu.memory_space<vmem>> -> memref<128x64xf32, #tpu.memory_space<vmem>>
      %dma_wait3A_225 = arith.constant 0 : i32
      %dma_wait3A_226 = tpu.memref_slice %arg7[%add3A_219, %dma_wait3A_225] : memref<160x128xi32, #tpu.memory_space<vmem>> -> memref<1x128xi32, #tpu.memory_space<vmem>>
      %dma_wait3A_227 = tpu.memref_squeeze %dma_wait3A_226 : memref<1x128xi32, #tpu.memory_space<vmem>> -> memref<128xi32, #tpu.memory_space<vmem>>
      %dma_wait3A_228 = arith.constant 0 : i32
      %dma_wait3A_229 = arith.constant 0 : i32
      %dma_wait3A_230 = tpu.memref_slice %arg2[%dma_wait3A_228, %dma_wait3A_229] : memref<20480x64xf32, #tpu.memory_space<hbm>> -> memref<20480x64xf32, #tpu.memory_space<hbm>>
      tpu.wait_indirect_dma semaphore(%arg16 : memref<!tpu.dma_semaphore, #tpu.memory_space<semaphore_mem>>) src(%dma_wait3A_230 : memref<20480x64xf32, #tpu.memory_space<hbm>>) dst(%dma_wait3A_224 : memref<128x64xf32, #tpu.memory_space<vmem>>)
      %dma_start3A_231 = arith.constant 3 : i32
      %dma_start3A_232 = arith.constant 0 : i32
      %dma_start3A_233 = arith.constant 0 : i32
      %dma_start3A_234 = tpu.memref_slice %arg10[%dma_start3A_231, %dma_start3A_232, %dma_start3A_233] : memref<4x128x64xf32, #tpu.memory_space<vmem>> -> memref<1x128x64xf32, #tpu.memory_space<vmem>>
      %dma_start3A_235 = tpu.memref_squeeze %dma_start3A_234 : memref<1x128x64xf32, #tpu.memory_space<vmem>> -> memref<128x64xf32, #tpu.memory_space<vmem>>
      %dma_start3A_236 = arith.constant 0 : i32
      %dma_start3A_237 = tpu.memref_slice %arg8[%add3A_219, %dma_start3A_236] : memref<160x128xi32, #tpu.memory_space<vmem>> -> memref<1x128xi32, #tpu.memory_space<vmem>>
      %dma_start3A_238 = tpu.memref_squeeze %dma_start3A_237 : memref<1x128xi32, #tpu.memory_space<vmem>> -> memref<128xi32, #tpu.memory_space<vmem>>
      %dma_start3A_239 = arith.constant 0 : i32
      %dma_start3A_240 = arith.constant 0 : i32
      %dma_start3A_241 = tpu.memref_slice %arg12[%dma_start3A_239, %dma_start3A_240] : memref<10368x64xf32, #tpu.memory_space<vmem_shared>> -> memref<10368x64xf32, #tpu.memory_space<vmem_shared>>
      tpu.enqueue_indirect_dma source(%dma_start3A_235 : memref<128x64xf32, #tpu.memory_space<vmem>>) target(%dma_start3A_241 : memref<10368x64xf32, #tpu.memory_space<vmem_shared>>) offsets(%dma_start3A_238 : memref<128xi32, #tpu.memory_space<vmem>>) semaphore(%arg20 : memref<!tpu.dma_semaphore, #tpu.memory_space<semaphore_mem>>) {add = true}
      %ge3A_242 = arith.constant 2 : i32
      %ge3A_243 = arith.cmpi sge, %add3A_219, %ge3A_242 : i32
      %convert_element_type3A_244 = arith.extui %ge3A_243 : i1 to i32
      %cond3A_245 = arith.constant 0 : i32
      %cond3A_246 = arith.cmpi ne, %convert_element_type3A_244, %cond3A_245 : i32
      scf.if %cond3A_246 {
        %sub3A = arith.constant 2 : i32
        %sub3A_254 = arith.subi %add3A_219, %sub3A : i32
        %dma_wait3A_255 = arith.constant 1 : i32
        %dma_wait3A_256 = arith.constant 0 : i32
        %dma_wait3A_257 = arith.constant 0 : i32
        %dma_wait3A_258 = tpu.memref_slice %arg10[%dma_wait3A_255, %dma_wait3A_256, %dma_wait3A_257] : memref<4x128x64xf32, #tpu.memory_space<vmem>> -> memref<1x128x64xf32, #tpu.memory_space<vmem>>
        %dma_wait3A_259 = tpu.memref_squeeze %dma_wait3A_258 : memref<1x128x64xf32, #tpu.memory_space<vmem>> -> memref<128x64xf32, #tpu.memory_space<vmem>>
        %dma_wait3A_260 = arith.constant 0 : i32
        %dma_wait3A_261 = tpu.memref_slice %arg8[%sub3A_254, %dma_wait3A_260] : memref<160x128xi32, #tpu.memory_space<vmem>> -> memref<1x128xi32, #tpu.memory_space<vmem>>
        %dma_wait3A_262 = tpu.memref_squeeze %dma_wait3A_261 : memref<1x128xi32, #tpu.memory_space<vmem>> -> memref<128xi32, #tpu.memory_space<vmem>>
        %dma_wait3A_263 = arith.constant 0 : i32
        %dma_wait3A_264 = arith.constant 0 : i32
        %dma_wait3A_265 = tpu.memref_slice %arg12[%dma_wait3A_263, %dma_wait3A_264] : memref<10368x64xf32, #tpu.memory_space<vmem_shared>> -> memref<10368x64xf32, #tpu.memory_space<vmem_shared>>
        tpu.wait_indirect_dma semaphore(%arg18 : memref<!tpu.dma_semaphore, #tpu.memory_space<semaphore_mem>>) src(%dma_wait3A_259 : memref<128x64xf32, #tpu.memory_space<vmem>>) dst(%dma_wait3A_265 : memref<10368x64xf32, #tpu.memory_space<vmem_shared>>)
      } else {
      }
      %add3A_247 = arith.constant 2 : i32
      %add3A_248 = arith.addi %add3A_219, %add3A_247 : i32
      %lt3A_249 = arith.constant 160 : i32
      %lt3A_250 = arith.cmpi slt, %add3A_248, %lt3A_249 : i32
      %convert_element_type3A_251 = arith.extui %lt3A_250 : i1 to i32
      %cond3A_252 = arith.constant 0 : i32
      %cond3A_253 = arith.cmpi ne, %convert_element_type3A_251, %cond3A_252 : i32
      scf.if %cond3A_253 {
        %add3A_254 = arith.constant 2 : i32
        %add3A_255 = arith.addi %add3A_219, %add3A_254 : i32
        %dma_start3A_256 = arith.constant 1 : i32
        %dma_start3A_257 = arith.constant 0 : i32
        %dma_start3A_258 = arith.constant 0 : i32
        %dma_start3A_259 = tpu.memref_slice %arg10[%dma_start3A_256, %dma_start3A_257, %dma_start3A_258] : memref<4x128x64xf32, #tpu.memory_space<vmem>> -> memref<1x128x64xf32, #tpu.memory_space<vmem>>
        %dma_start3A_260 = tpu.memref_squeeze %dma_start3A_259 : memref<1x128x64xf32, #tpu.memory_space<vmem>> -> memref<128x64xf32, #tpu.memory_space<vmem>>
        %dma_start3A_261 = arith.constant 0 : i32
        %dma_start3A_262 = tpu.memref_slice %arg7[%add3A_255, %dma_start3A_261] : memref<160x128xi32, #tpu.memory_space<vmem>> -> memref<1x128xi32, #tpu.memory_space<vmem>>
        %dma_start3A_263 = tpu.memref_squeeze %dma_start3A_262 : memref<1x128xi32, #tpu.memory_space<vmem>> -> memref<128xi32, #tpu.memory_space<vmem>>
        %dma_start3A_264 = arith.constant 0 : i32
        %dma_start3A_265 = arith.constant 0 : i32
        %dma_start3A_266 = tpu.memref_slice %arg2[%dma_start3A_264, %dma_start3A_265] : memref<20480x64xf32, #tpu.memory_space<hbm>> -> memref<20480x64xf32, #tpu.memory_space<hbm>>
        tpu.enqueue_indirect_dma source(%dma_start3A_266 : memref<20480x64xf32, #tpu.memory_space<hbm>>) target(%dma_start3A_260 : memref<128x64xf32, #tpu.memory_space<vmem>>) offsets(%dma_start3A_263 : memref<128xi32, #tpu.memory_space<vmem>>) semaphore(%arg14 : memref<!tpu.dma_semaphore, #tpu.memory_space<semaphore_mem>>)
      } else {
      }
    }
    %scan3A_56 = arith.constant 40 : i32
    %dma_wait3A = arith.constant 2 : i32
    %dma_wait3A_57 = arith.constant 158 : i32
    %dma_wait3A_58 = arith.constant 0 : i32
    %dma_wait3A_59 = arith.constant 0 : i32
    %dma_wait3A_60 = tpu.memref_slice %arg10[%dma_wait3A, %dma_wait3A_58, %dma_wait3A_59] : memref<4x128x64xf32, #tpu.memory_space<vmem>> -> memref<1x128x64xf32, #tpu.memory_space<vmem>>
    %dma_wait3A_61 = tpu.memref_squeeze %dma_wait3A_60 : memref<1x128x64xf32, #tpu.memory_space<vmem>> -> memref<128x64xf32, #tpu.memory_space<vmem>>
    %dma_wait3A_62 = arith.constant 0 : i32
    %dma_wait3A_63 = tpu.memref_slice %arg8[%dma_wait3A_57, %dma_wait3A_62] : memref<160x128xi32, #tpu.memory_space<vmem>> -> memref<1x128xi32, #tpu.memory_space<vmem>>
    %dma_wait3A_64 = tpu.memref_squeeze %dma_wait3A_63 : memref<1x128xi32, #tpu.memory_space<vmem>> -> memref<128xi32, #tpu.memory_space<vmem>>
    %dma_wait3A_65 = arith.constant 0 : i32
    %dma_wait3A_66 = arith.constant 0 : i32
    %dma_wait3A_67 = tpu.memref_slice %arg12[%dma_wait3A_65, %dma_wait3A_66] : memref<10368x64xf32, #tpu.memory_space<vmem_shared>> -> memref<10368x64xf32, #tpu.memory_space<vmem_shared>>
    tpu.wait_indirect_dma semaphore(%arg19 : memref<!tpu.dma_semaphore, #tpu.memory_space<semaphore_mem>>) src(%dma_wait3A_61 : memref<128x64xf32, #tpu.memory_space<vmem>>) dst(%dma_wait3A_67 : memref<10368x64xf32, #tpu.memory_space<vmem_shared>>)
    %dma_wait3A_68 = arith.constant 3 : i32
    %dma_wait3A_69 = arith.constant 159 : i32
    %dma_wait3A_70 = arith.constant 0 : i32
    %dma_wait3A_71 = arith.constant 0 : i32
    %dma_wait3A_72 = tpu.memref_slice %arg10[%dma_wait3A_68, %dma_wait3A_70, %dma_wait3A_71] : memref<4x128x64xf32, #tpu.memory_space<vmem>> -> memref<1x128x64xf32, #tpu.memory_space<vmem>>
    %dma_wait3A_73 = tpu.memref_squeeze %dma_wait3A_72 : memref<1x128x64xf32, #tpu.memory_space<vmem>> -> memref<128x64xf32, #tpu.memory_space<vmem>>
    %dma_wait3A_74 = arith.constant 0 : i32
    %dma_wait3A_75 = tpu.memref_slice %arg8[%dma_wait3A_69, %dma_wait3A_74] : memref<160x128xi32, #tpu.memory_space<vmem>> -> memref<1x128xi32, #tpu.memory_space<vmem>>
    %dma_wait3A_76 = tpu.memref_squeeze %dma_wait3A_75 : memref<1x128xi32, #tpu.memory_space<vmem>> -> memref<128xi32, #tpu.memory_space<vmem>>
    %dma_wait3A_77 = arith.constant 0 : i32
    %dma_wait3A_78 = arith.constant 0 : i32
    %dma_wait3A_79 = tpu.memref_slice %arg12[%dma_wait3A_77, %dma_wait3A_78] : memref<10368x64xf32, #tpu.memory_space<vmem_shared>> -> memref<10368x64xf32, #tpu.memory_space<vmem_shared>>
    tpu.wait_indirect_dma semaphore(%arg20 : memref<!tpu.dma_semaphore, #tpu.memory_space<semaphore_mem>>) src(%dma_wait3A_73 : memref<128x64xf32, #tpu.memory_space<vmem>>) dst(%dma_wait3A_79 : memref<10368x64xf32, #tpu.memory_space<vmem_shared>>)
    %barrier3A_80 = arith.constant 0 : index
    tpu.barrier barrier_id(%barrier3A_80)
    %mul3A_81 = arith.constant 640 : i32
    %mul3A_82 = arith.muli %arg1, %mul3A_81 : i32
    %add3A_83 = arith.constant 0 : i32
    %add3A_84 = arith.addi %mul3A_82, %add3A_83 : i32
    "tpu.region"() ({
      %run_scoped3A_105 = tpu.sem_alloc : memref<!tpu.dma_semaphore, #tpu.memory_space<semaphore_mem>>
      %dma_start3A_106 = arith.constant 0 : i32
      %dma_start3A_107 = tpu.memref_slice %arg12[%add3A_84, %dma_start3A_106] : memref<10368x64xf32, #tpu.memory_space<vmem_shared>> -> memref<128x64xf32, #tpu.memory_space<vmem_shared>>
      %dma_start3A_108 = arith.constant 0 : i32
      %dma_start3A_109 = tpu.memref_slice %arg12[%add3A_84, %dma_start3A_108] : memref<10368x64xf32, #tpu.memory_space<vmem_shared>> -> memref<128x64xf32, #tpu.memory_space<vmem_shared>>
      tpu.enqueue_dma source(%dma_start3A_109 : memref<128x64xf32, #tpu.memory_space<vmem_shared>>) target(%arg11 : memref<128x64xf32, #tpu.memory_space<vmem>>) target_semaphore(%run_scoped3A_105 : memref<!tpu.dma_semaphore, #tpu.memory_space<semaphore_mem>>)
      %dma_wait3A_110 = arith.constant 0 : i32
      %dma_wait3A_111 = tpu.memref_slice %arg12[%add3A_84, %dma_wait3A_110] : memref<10368x64xf32, #tpu.memory_space<vmem_shared>> -> memref<128x64xf32, #tpu.memory_space<vmem_shared>>
      %dma_wait3A_112 = arith.constant 0 : i32
      %dma_wait3A_113 = tpu.memref_slice %arg12[%add3A_84, %dma_wait3A_112] : memref<10368x64xf32, #tpu.memory_space<vmem_shared>> -> memref<128x64xf32, #tpu.memory_space<vmem_shared>>
      tpu.wait_dma2 semaphore(%run_scoped3A_105 : memref<!tpu.dma_semaphore, #tpu.memory_space<semaphore_mem>>) src(%dma_wait3A_113 : memref<128x64xf32, #tpu.memory_space<vmem_shared>>) dst(%arg11 : memref<128x64xf32, #tpu.memory_space<vmem>>)
      tpu.yield
    }) : () -> ()
    %run_scoped3A = arith.constant 0 : i32
    "tpu.region"() ({
      %run_scoped3A_105 = tpu.sem_alloc : memref<!tpu.dma_semaphore, #tpu.memory_space<semaphore_mem>>
      %dma_start3A_106 = arith.constant 0 : i32
      %dma_start3A_107 = tpu.memref_slice %arg9[%run_scoped3A, %dma_start3A_106] : memref<5x128xi32, #tpu.memory_space<vmem>> -> memref<1x128xi32, #tpu.memory_space<vmem>>
      %dma_start3A_108 = tpu.memref_squeeze %dma_start3A_107 : memref<1x128xi32, #tpu.memory_space<vmem>> -> memref<128xi32, #tpu.memory_space<vmem>>
      %dma_start3A_109 = arith.constant 0 : i32
      %dma_start3A_110 = arith.constant 0 : i32
      %dma_start3A_111 = tpu.memref_slice %arg6[%dma_start3A_109, %dma_start3A_110] : memref<20480x64xf32, #tpu.memory_space<hbm>> -> memref<20480x64xf32, #tpu.memory_space<hbm>>
      tpu.enqueue_indirect_dma source(%arg11 : memref<128x64xf32, #tpu.memory_space<vmem>>) target(%dma_start3A_111 : memref<20480x64xf32, #tpu.memory_space<hbm>>) offsets(%dma_start3A_108 : memref<128xi32, #tpu.memory_space<vmem>>) semaphore(%run_scoped3A_105 : memref<!tpu.dma_semaphore, #tpu.memory_space<semaphore_mem>>)
      %dma_wait3A_112 = arith.constant 0 : i32
      %dma_wait3A_113 = tpu.memref_slice %arg9[%run_scoped3A, %dma_wait3A_112] : memref<5x128xi32, #tpu.memory_space<vmem>> -> memref<1x128xi32, #tpu.memory_space<vmem>>
      %dma_wait3A_114 = tpu.memref_squeeze %dma_wait3A_113 : memref<1x128xi32, #tpu.memory_space<vmem>> -> memref<128xi32, #tpu.memory_space<vmem>>
      %dma_wait3A_115 = arith.constant 0 : i32
      %dma_wait3A_116 = arith.constant 0 : i32
      %dma_wait3A_117 = tpu.memref_slice %arg6[%dma_wait3A_115, %dma_wait3A_116] : memref<20480x64xf32, #tpu.memory_space<hbm>> -> memref<20480x64xf32, #tpu.memory_space<hbm>>
      tpu.wait_indirect_dma semaphore(%run_scoped3A_105 : memref<!tpu.dma_semaphore, #tpu.memory_space<semaphore_mem>>) src(%arg11 : memref<128x64xf32, #tpu.memory_space<vmem>>) dst(%dma_wait3A_117 : memref<20480x64xf32, #tpu.memory_space<hbm>>)
      tpu.yield
    }) : () -> ()
    %mul3A_85 = arith.constant 640 : i32
    %mul3A_86 = arith.muli %arg1, %mul3A_85 : i32
    %add3A_87 = arith.constant 128 : i32
    %add3A_88 = arith.addi %mul3A_86, %add3A_87 : i32
    "tpu.region"() ({
      %run_scoped3A_105 = tpu.sem_alloc : memref<!tpu.dma_semaphore, #tpu.memory_space<semaphore_mem>>
      %dma_start3A_106 = arith.constant 0 : i32
      %dma_start3A_107 = tpu.memref_slice %arg12[%add3A_88, %dma_start3A_106] : memref<10368x64xf32, #tpu.memory_space<vmem_shared>> -> memref<128x64xf32, #tpu.memory_space<vmem_shared>>
      %dma_start3A_108 = arith.constant 0 : i32
      %dma_start3A_109 = tpu.memref_slice %arg12[%add3A_88, %dma_start3A_108] : memref<10368x64xf32, #tpu.memory_space<vmem_shared>> -> memref<128x64xf32, #tpu.memory_space<vmem_shared>>
      tpu.enqueue_dma source(%dma_start3A_109 : memref<128x64xf32, #tpu.memory_space<vmem_shared>>) target(%arg11 : memref<128x64xf32, #tpu.memory_space<vmem>>) target_semaphore(%run_scoped3A_105 : memref<!tpu.dma_semaphore, #tpu.memory_space<semaphore_mem>>)
      %dma_wait3A_110 = arith.constant 0 : i32
      %dma_wait3A_111 = tpu.memref_slice %arg12[%add3A_88, %dma_wait3A_110] : memref<10368x64xf32, #tpu.memory_space<vmem_shared>> -> memref<128x64xf32, #tpu.memory_space<vmem_shared>>
      %dma_wait3A_112 = arith.constant 0 : i32
      %dma_wait3A_113 = tpu.memref_slice %arg12[%add3A_88, %dma_wait3A_112] : memref<10368x64xf32, #tpu.memory_space<vmem_shared>> -> memref<128x64xf32, #tpu.memory_space<vmem_shared>>
      tpu.wait_dma2 semaphore(%run_scoped3A_105 : memref<!tpu.dma_semaphore, #tpu.memory_space<semaphore_mem>>) src(%dma_wait3A_113 : memref<128x64xf32, #tpu.memory_space<vmem_shared>>) dst(%arg11 : memref<128x64xf32, #tpu.memory_space<vmem>>)
      tpu.yield
    }) : () -> ()
    %run_scoped3A_89 = arith.constant 1 : i32
    "tpu.region"() ({
      %run_scoped3A_105 = tpu.sem_alloc : memref<!tpu.dma_semaphore, #tpu.memory_space<semaphore_mem>>
      %dma_start3A_106 = arith.constant 0 : i32
      %dma_start3A_107 = tpu.memref_slice %arg9[%run_scoped3A_89, %dma_start3A_106] : memref<5x128xi32, #tpu.memory_space<vmem>> -> memref<1x128xi32, #tpu.memory_space<vmem>>
      %dma_start3A_108 = tpu.memref_squeeze %dma_start3A_107 : memref<1x128xi32, #tpu.memory_space<vmem>> -> memref<128xi32, #tpu.memory_space<vmem>>
      %dma_start3A_109 = arith.constant 0 : i32
      %dma_start3A_110 = arith.constant 0 : i32
      %dma_start3A_111 = tpu.memref_slice %arg6[%dma_start3A_109, %dma_start3A_110] : memref<20480x64xf32, #tpu.memory_space<hbm>> -> memref<20480x64xf32, #tpu.memory_space<hbm>>
      tpu.enqueue_indirect_dma source(%arg11 : memref<128x64xf32, #tpu.memory_space<vmem>>) target(%dma_start3A_111 : memref<20480x64xf32, #tpu.memory_space<hbm>>) offsets(%dma_start3A_108 : memref<128xi32, #tpu.memory_space<vmem>>) semaphore(%run_scoped3A_105 : memref<!tpu.dma_semaphore, #tpu.memory_space<semaphore_mem>>)
      %dma_wait3A_112 = arith.constant 0 : i32
      %dma_wait3A_113 = tpu.memref_slice %arg9[%run_scoped3A_89, %dma_wait3A_112] : memref<5x128xi32, #tpu.memory_space<vmem>> -> memref<1x128xi32, #tpu.memory_space<vmem>>
      %dma_wait3A_114 = tpu.memref_squeeze %dma_wait3A_113 : memref<1x128xi32, #tpu.memory_space<vmem>> -> memref<128xi32, #tpu.memory_space<vmem>>
      %dma_wait3A_115 = arith.constant 0 : i32
      %dma_wait3A_116 = arith.constant 0 : i32
      %dma_wait3A_117 = tpu.memref_slice %arg6[%dma_wait3A_115, %dma_wait3A_116] : memref<20480x64xf32, #tpu.memory_space<hbm>> -> memref<20480x64xf32, #tpu.memory_space<hbm>>
      tpu.wait_indirect_dma semaphore(%run_scoped3A_105 : memref<!tpu.dma_semaphore, #tpu.memory_space<semaphore_mem>>) src(%arg11 : memref<128x64xf32, #tpu.memory_space<vmem>>) dst(%dma_wait3A_117 : memref<20480x64xf32, #tpu.memory_space<hbm>>)
      tpu.yield
    }) : () -> ()
    %mul3A_90 = arith.constant 640 : i32
    %mul3A_91 = arith.muli %arg1, %mul3A_90 : i32
    %add3A_92 = arith.constant 256 : i32
    %add3A_93 = arith.addi %mul3A_91, %add3A_92 : i32
    "tpu.region"() ({
      %run_scoped3A_105 = tpu.sem_alloc : memref<!tpu.dma_semaphore, #tpu.memory_space<semaphore_mem>>
      %dma_start3A_106 = arith.constant 0 : i32
      %dma_start3A_107 = tpu.memref_slice %arg12[%add3A_93, %dma_start3A_106] : memref<10368x64xf32, #tpu.memory_space<vmem_shared>> -> memref<128x64xf32, #tpu.memory_space<vmem_shared>>
      %dma_start3A_108 = arith.constant 0 : i32
      %dma_start3A_109 = tpu.memref_slice %arg12[%add3A_93, %dma_start3A_108] : memref<10368x64xf32, #tpu.memory_space<vmem_shared>> -> memref<128x64xf32, #tpu.memory_space<vmem_shared>>
      tpu.enqueue_dma source(%dma_start3A_109 : memref<128x64xf32, #tpu.memory_space<vmem_shared>>) target(%arg11 : memref<128x64xf32, #tpu.memory_space<vmem>>) target_semaphore(%run_scoped3A_105 : memref<!tpu.dma_semaphore, #tpu.memory_space<semaphore_mem>>)
      %dma_wait3A_110 = arith.constant 0 : i32
      %dma_wait3A_111 = tpu.memref_slice %arg12[%add3A_93, %dma_wait3A_110] : memref<10368x64xf32, #tpu.memory_space<vmem_shared>> -> memref<128x64xf32, #tpu.memory_space<vmem_shared>>
      %dma_wait3A_112 = arith.constant 0 : i32
      %dma_wait3A_113 = tpu.memref_slice %arg12[%add3A_93, %dma_wait3A_112] : memref<10368x64xf32, #tpu.memory_space<vmem_shared>> -> memref<128x64xf32, #tpu.memory_space<vmem_shared>>
      tpu.wait_dma2 semaphore(%run_scoped3A_105 : memref<!tpu.dma_semaphore, #tpu.memory_space<semaphore_mem>>) src(%dma_wait3A_113 : memref<128x64xf32, #tpu.memory_space<vmem_shared>>) dst(%arg11 : memref<128x64xf32, #tpu.memory_space<vmem>>)
      tpu.yield
    }) : () -> ()
    %run_scoped3A_94 = arith.constant 2 : i32
    "tpu.region"() ({
      %run_scoped3A_105 = tpu.sem_alloc : memref<!tpu.dma_semaphore, #tpu.memory_space<semaphore_mem>>
      %dma_start3A_106 = arith.constant 0 : i32
      %dma_start3A_107 = tpu.memref_slice %arg9[%run_scoped3A_94, %dma_start3A_106] : memref<5x128xi32, #tpu.memory_space<vmem>> -> memref<1x128xi32, #tpu.memory_space<vmem>>
      %dma_start3A_108 = tpu.memref_squeeze %dma_start3A_107 : memref<1x128xi32, #tpu.memory_space<vmem>> -> memref<128xi32, #tpu.memory_space<vmem>>
      %dma_start3A_109 = arith.constant 0 : i32
      %dma_start3A_110 = arith.constant 0 : i32
      %dma_start3A_111 = tpu.memref_slice %arg6[%dma_start3A_109, %dma_start3A_110] : memref<20480x64xf32, #tpu.memory_space<hbm>> -> memref<20480x64xf32, #tpu.memory_space<hbm>>
      tpu.enqueue_indirect_dma source(%arg11 : memref<128x64xf32, #tpu.memory_space<vmem>>) target(%dma_start3A_111 : memref<20480x64xf32, #tpu.memory_space<hbm>>) offsets(%dma_start3A_108 : memref<128xi32, #tpu.memory_space<vmem>>) semaphore(%run_scoped3A_105 : memref<!tpu.dma_semaphore, #tpu.memory_space<semaphore_mem>>)
      %dma_wait3A_112 = arith.constant 0 : i32
      %dma_wait3A_113 = tpu.memref_slice %arg9[%run_scoped3A_94, %dma_wait3A_112] : memref<5x128xi32, #tpu.memory_space<vmem>> -> memref<1x128xi32, #tpu.memory_space<vmem>>
      %dma_wait3A_114 = tpu.memref_squeeze %dma_wait3A_113 : memref<1x128xi32, #tpu.memory_space<vmem>> -> memref<128xi32, #tpu.memory_space<vmem>>
      %dma_wait3A_115 = arith.constant 0 : i32
      %dma_wait3A_116 = arith.constant 0 : i32
      %dma_wait3A_117 = tpu.memref_slice %arg6[%dma_wait3A_115, %dma_wait3A_116] : memref<20480x64xf32, #tpu.memory_space<hbm>> -> memref<20480x64xf32, #tpu.memory_space<hbm>>
      tpu.wait_indirect_dma semaphore(%run_scoped3A_105 : memref<!tpu.dma_semaphore, #tpu.memory_space<semaphore_mem>>) src(%arg11 : memref<128x64xf32, #tpu.memory_space<vmem>>) dst(%dma_wait3A_117 : memref<20480x64xf32, #tpu.memory_space<hbm>>)
      tpu.yield
    }) : () -> ()
    %mul3A_95 = arith.constant 640 : i32
    %mul3A_96 = arith.muli %arg1, %mul3A_95 : i32
    %add3A_97 = arith.constant 384 : i32
    %add3A_98 = arith.addi %mul3A_96, %add3A_97 : i32
    "tpu.region"() ({
      %run_scoped3A_105 = tpu.sem_alloc : memref<!tpu.dma_semaphore, #tpu.memory_space<semaphore_mem>>
      %dma_start3A_106 = arith.constant 0 : i32
      %dma_start3A_107 = tpu.memref_slice %arg12[%add3A_98, %dma_start3A_106] : memref<10368x64xf32, #tpu.memory_space<vmem_shared>> -> memref<128x64xf32, #tpu.memory_space<vmem_shared>>
      %dma_start3A_108 = arith.constant 0 : i32
      %dma_start3A_109 = tpu.memref_slice %arg12[%add3A_98, %dma_start3A_108] : memref<10368x64xf32, #tpu.memory_space<vmem_shared>> -> memref<128x64xf32, #tpu.memory_space<vmem_shared>>
      tpu.enqueue_dma source(%dma_start3A_109 : memref<128x64xf32, #tpu.memory_space<vmem_shared>>) target(%arg11 : memref<128x64xf32, #tpu.memory_space<vmem>>) target_semaphore(%run_scoped3A_105 : memref<!tpu.dma_semaphore, #tpu.memory_space<semaphore_mem>>)
      %dma_wait3A_110 = arith.constant 0 : i32
      %dma_wait3A_111 = tpu.memref_slice %arg12[%add3A_98, %dma_wait3A_110] : memref<10368x64xf32, #tpu.memory_space<vmem_shared>> -> memref<128x64xf32, #tpu.memory_space<vmem_shared>>
      %dma_wait3A_112 = arith.constant 0 : i32
      %dma_wait3A_113 = tpu.memref_slice %arg12[%add3A_98, %dma_wait3A_112] : memref<10368x64xf32, #tpu.memory_space<vmem_shared>> -> memref<128x64xf32, #tpu.memory_space<vmem_shared>>
      tpu.wait_dma2 semaphore(%run_scoped3A_105 : memref<!tpu.dma_semaphore, #tpu.memory_space<semaphore_mem>>) src(%dma_wait3A_113 : memref<128x64xf32, #tpu.memory_space<vmem_shared>>) dst(%arg11 : memref<128x64xf32, #tpu.memory_space<vmem>>)
      tpu.yield
    }) : () -> ()
    %run_scoped3A_99 = arith.constant 3 : i32
    "tpu.region"() ({
      %run_scoped3A_105 = tpu.sem_alloc : memref<!tpu.dma_semaphore, #tpu.memory_space<semaphore_mem>>
      %dma_start3A_106 = arith.constant 0 : i32
      %dma_start3A_107 = tpu.memref_slice %arg9[%run_scoped3A_99, %dma_start3A_106] : memref<5x128xi32, #tpu.memory_space<vmem>> -> memref<1x128xi32, #tpu.memory_space<vmem>>
      %dma_start3A_108 = tpu.memref_squeeze %dma_start3A_107 : memref<1x128xi32, #tpu.memory_space<vmem>> -> memref<128xi32, #tpu.memory_space<vmem>>
      %dma_start3A_109 = arith.constant 0 : i32
      %dma_start3A_110 = arith.constant 0 : i32
      %dma_start3A_111 = tpu.memref_slice %arg6[%dma_start3A_109, %dma_start3A_110] : memref<20480x64xf32, #tpu.memory_space<hbm>> -> memref<20480x64xf32, #tpu.memory_space<hbm>>
      tpu.enqueue_indirect_dma source(%arg11 : memref<128x64xf32, #tpu.memory_space<vmem>>) target(%dma_start3A_111 : memref<20480x64xf32, #tpu.memory_space<hbm>>) offsets(%dma_start3A_108 : memref<128xi32, #tpu.memory_space<vmem>>) semaphore(%run_scoped3A_105 : memref<!tpu.dma_semaphore, #tpu.memory_space<semaphore_mem>>)
      %dma_wait3A_112 = arith.constant 0 : i32
      %dma_wait3A_113 = tpu.memref_slice %arg9[%run_scoped3A_99, %dma_wait3A_112] : memref<5x128xi32, #tpu.memory_space<vmem>> -> memref<1x128xi32, #tpu.memory_space<vmem>>
      %dma_wait3A_114 = tpu.memref_squeeze %dma_wait3A_113 : memref<1x128xi32, #tpu.memory_space<vmem>> -> memref<128xi32, #tpu.memory_space<vmem>>
      %dma_wait3A_115 = arith.constant 0 : i32
      %dma_wait3A_116 = arith.constant 0 : i32
      %dma_wait3A_117 = tpu.memref_slice %arg6[%dma_wait3A_115, %dma_wait3A_116] : memref<20480x64xf32, #tpu.memory_space<hbm>> -> memref<20480x64xf32, #tpu.memory_space<hbm>>
      tpu.wait_indirect_dma semaphore(%run_scoped3A_105 : memref<!tpu.dma_semaphore, #tpu.memory_space<semaphore_mem>>) src(%arg11 : memref<128x64xf32, #tpu.memory_space<vmem>>) dst(%dma_wait3A_117 : memref<20480x64xf32, #tpu.memory_space<hbm>>)
      tpu.yield
    }) : () -> ()
    %mul3A_100 = arith.constant 640 : i32
    %mul3A_101 = arith.muli %arg1, %mul3A_100 : i32
    %add3A_102 = arith.constant 512 : i32
    %add3A_103 = arith.addi %mul3A_101, %add3A_102 : i32
    "tpu.region"() ({
      %run_scoped3A_105 = tpu.sem_alloc : memref<!tpu.dma_semaphore, #tpu.memory_space<semaphore_mem>>
      %dma_start3A_106 = arith.constant 0 : i32
      %dma_start3A_107 = tpu.memref_slice %arg12[%add3A_103, %dma_start3A_106] : memref<10368x64xf32, #tpu.memory_space<vmem_shared>> -> memref<128x64xf32, #tpu.memory_space<vmem_shared>>
      %dma_start3A_108 = arith.constant 0 : i32
      %dma_start3A_109 = tpu.memref_slice %arg12[%add3A_103, %dma_start3A_108] : memref<10368x64xf32, #tpu.memory_space<vmem_shared>> -> memref<128x64xf32, #tpu.memory_space<vmem_shared>>
      tpu.enqueue_dma source(%dma_start3A_109 : memref<128x64xf32, #tpu.memory_space<vmem_shared>>) target(%arg11 : memref<128x64xf32, #tpu.memory_space<vmem>>) target_semaphore(%run_scoped3A_105 : memref<!tpu.dma_semaphore, #tpu.memory_space<semaphore_mem>>)
      %dma_wait3A_110 = arith.constant 0 : i32
      %dma_wait3A_111 = tpu.memref_slice %arg12[%add3A_103, %dma_wait3A_110] : memref<10368x64xf32, #tpu.memory_space<vmem_shared>> -> memref<128x64xf32, #tpu.memory_space<vmem_shared>>
      %dma_wait3A_112 = arith.constant 0 : i32
      %dma_wait3A_113 = tpu.memref_slice %arg12[%add3A_103, %dma_wait3A_112] : memref<10368x64xf32, #tpu.memory_space<vmem_shared>> -> memref<128x64xf32, #tpu.memory_space<vmem_shared>>
      tpu.wait_dma2 semaphore(%run_scoped3A_105 : memref<!tpu.dma_semaphore, #tpu.memory_space<semaphore_mem>>) src(%dma_wait3A_113 : memref<128x64xf32, #tpu.memory_space<vmem_shared>>) dst(%arg11 : memref<128x64xf32, #tpu.memory_space<vmem>>)
      tpu.yield
    }) : () -> ()
    %run_scoped3A_104 = arith.constant 4 : i32
    "tpu.region"() ({
      %run_scoped3A_105 = tpu.sem_alloc : memref<!tpu.dma_semaphore, #tpu.memory_space<semaphore_mem>>
      %dma_start3A_106 = arith.constant 0 : i32
      %dma_start3A_107 = tpu.memref_slice %arg9[%run_scoped3A_104, %dma_start3A_106] : memref<5x128xi32, #tpu.memory_space<vmem>> -> memref<1x128xi32, #tpu.memory_space<vmem>>
      %dma_start3A_108 = tpu.memref_squeeze %dma_start3A_107 : memref<1x128xi32, #tpu.memory_space<vmem>> -> memref<128xi32, #tpu.memory_space<vmem>>
      %dma_start3A_109 = arith.constant 0 : i32
      %dma_start3A_110 = arith.constant 0 : i32
      %dma_start3A_111 = tpu.memref_slice %arg6[%dma_start3A_109, %dma_start3A_110] : memref<20480x64xf32, #tpu.memory_space<hbm>> -> memref<20480x64xf32, #tpu.memory_space<hbm>>
      tpu.enqueue_indirect_dma source(%arg11 : memref<128x64xf32, #tpu.memory_space<vmem>>) target(%dma_start3A_111 : memref<20480x64xf32, #tpu.memory_space<hbm>>) offsets(%dma_start3A_108 : memref<128xi32, #tpu.memory_space<vmem>>) semaphore(%run_scoped3A_105 : memref<!tpu.dma_semaphore, #tpu.memory_space<semaphore_mem>>)
      %dma_wait3A_112 = arith.constant 0 : i32
      %dma_wait3A_113 = tpu.memref_slice %arg9[%run_scoped3A_104, %dma_wait3A_112] : memref<5x128xi32, #tpu.memory_space<vmem>> -> memref<1x128xi32, #tpu.memory_space<vmem>>
      %dma_wait3A_114 = tpu.memref_squeeze %dma_wait3A_113 : memref<1x128xi32, #tpu.memory_space<vmem>> -> memref<128xi32, #tpu.memory_space<vmem>>
      %dma_wait3A_115 = arith.constant 0 : i32
      %dma_wait3A_116 = arith.constant 0 : i32
      %dma_wait3A_117 = tpu.memref_slice %arg6[%dma_wait3A_115, %dma_wait3A_116] : memref<20480x64xf32, #tpu.memory_space<hbm>> -> memref<20480x64xf32, #tpu.memory_space<hbm>>
      tpu.wait_indirect_dma semaphore(%run_scoped3A_105 : memref<!tpu.dma_semaphore, #tpu.memory_space<semaphore_mem>>) src(%arg11 : memref<128x64xf32, #tpu.memory_space<vmem>>) dst(%dma_wait3A_117 : memref<20480x64xf32, #tpu.memory_space<hbm>>)
      tpu.yield
    }) : () -> ()
    return
  }
}

#map = affine_map<(d0, d1) -> (0, 0)>
#map1 = affine_map<(d0, d1) -> (0, 0, 0, 0)>
#map2 = affine_map<(d0, d1) -> (0, 0, 0)>
module attributes {stable_mosaic.version = 14 : i64} {
  func.func @_sc_edge_acc(%arg0: i32, %arg1: i32, %arg2: memref<20480x64xf32, #tpu.memory_space<hbm>>, %arg3: memref<2x16x160x128xi32, #tpu.memory_space<hbm>>, %arg4: memref<16x160x128xi32, #tpu.memory_space<hbm>>, %arg5: memref<2x16x5x128xi32, #tpu.memory_space<hbm>>, %arg6: memref<20480x64xf32, #tpu.memory_space<hbm>>, %arg7: memref<160x128xi32, #tpu.memory_space<vmem>>, %arg8: memref<160x128xi32, #tpu.memory_space<vmem>>, %arg9: memref<5x128xi32, #tpu.memory_space<vmem>>, %arg10: memref<4x128x64xf32, #tpu.memory_space<vmem>>, %arg11: memref<128x64xf32, #tpu.memory_space<vmem>>, %arg12: memref<10368x64xf32, #tpu.memory_space<vmem_shared>>, %arg13: memref<!tpu.dma_semaphore, #tpu.memory_space<semaphore_mem>>, %arg14: memref<!tpu.dma_semaphore, #tpu.memory_space<semaphore_mem>>, %arg15: memref<!tpu.dma_semaphore, #tpu.memory_space<semaphore_mem>>, %arg16: memref<!tpu.dma_semaphore, #tpu.memory_space<semaphore_mem>>, %arg17: memref<!tpu.dma_semaphore, #tpu.memory_space<semaphore_mem>>, %arg18: memref<!tpu.dma_semaphore, #tpu.memory_space<semaphore_mem>>, %arg19: memref<!tpu.dma_semaphore, #tpu.memory_space<semaphore_mem>>, %arg20: memref<!tpu.dma_semaphore, #tpu.memory_space<semaphore_mem>>) attributes {dimension_semantics = [#tpu.dimension_semantics<core_parallel>, #tpu.dimension_semantics<subcore_parallel>], iteration_bounds = array<i64: 2, 16>, scalar_prefetch = 0 : i64, scratch_operands = 14 : i64, tpu.core_type = #tpu.core_type<sc_vector_subcore>, window_params = [{transform_indices = #map}, {transform_indices = #map1}, {transform_indices = #map2}, {transform_indices = #map1}, {transform_indices = #map}]} {
    %broadcast_in_dim3A = arith.constant 0.000000e+00 : f32
    %broadcast_in_dim3A_0 = vector.broadcast %broadcast_in_dim3A : f32 to vector<16xf32>
    "tpu.region"() ({
      %run_scoped3A_105 = tpu.sem_alloc : memref<!tpu.dma_semaphore, #tpu.memory_space<semaphore_mem>>
      %dma_start3A_106 = arith.constant 0 : i32
      %dma_start3A_107 = arith.constant 0 : i32
      %dma_start3A_108 = arith.constant 0 : i32
      %dma_start3A_109 = tpu.memref_slice %arg3[%arg0, %dma_start3A_106, %dma_start3A_107, %dma_start3A_108] : memref<2x16x160x128xi32, #tpu.memory_space<hbm>> -> memref<1x16x160x128xi32, #tpu.memory_space<hbm>>
      %dma_start3A_110 = tpu.memref_squeeze %dma_start3A_109 : memref<1x16x160x128xi32, #tpu.memory_space<hbm>> -> memref<16x160x128xi32, #tpu.memory_space<hbm>>
      %dma_start3A_111 = arith.constant 0 : i32
      %dma_start3A_112 = arith.constant 0 : i32
      %dma_start3A_113 = tpu.memref_slice %dma_start3A_110[%arg1, %dma_start3A_111, %dma_start3A_112] : memref<16x160x128xi32, #tpu.memory_space<hbm>> -> memref<1x160x128xi32, #tpu.memory_space<hbm>>
      %dma_start3A_114 = tpu.memref_squeeze %dma_start3A_113 : memref<1x160x128xi32, #tpu.memory_space<hbm>> -> memref<160x128xi32, #tpu.memory_space<hbm>>
      %dma_start3A_115 = arith.constant 0 : i32
      %dma_start3A_116 = arith.constant 0 : i32
      %dma_start3A_117 = arith.constant 0 : i32
      %dma_start3A_118 = tpu.memref_slice %arg3[%arg0, %dma_start3A_115, %dma_start3A_116, %dma_start3A_117] : memref<2x16x160x128xi32, #tpu.memory_space<hbm>> -> memref<1x16x160x128xi32, #tpu.memory_space<hbm>>
      %dma_start3A_119 = tpu.memref_squeeze %dma_start3A_118 : memref<1x16x160x128xi32, #tpu.memory_space<hbm>> -> memref<16x160x128xi32, #tpu.memory_space<hbm>>
      %dma_start3A_120 = arith.constant 0 : i32
      %dma_start3A_121 = arith.constant 0 : i32
      %dma_start3A_122 = tpu.memref_slice %dma_start3A_119[%arg1, %dma_start3A_120, %dma_start3A_121] : memref<16x160x128xi32, #tpu.memory_space<hbm>> -> memref<1x160x128xi32, #tpu.memory_space<hbm>>
      %dma_start3A_123 = tpu.memref_squeeze %dma_start3A_122 : memref<1x160x128xi32, #tpu.memory_space<hbm>> -> memref<160x128xi32, #tpu.memory_space<hbm>>
      tpu.enqueue_dma source(%dma_start3A_123 : memref<160x128xi32, #tpu.memory_space<hbm>>) target(%arg7 : memref<160x128xi32, #tpu.memory_space<vmem>>) target_semaphore(%run_scoped3A_105 : memref<!tpu.dma_semaphore, #tpu.memory_space<semaphore_mem>>)
      %dma_wait3A_124 = arith.constant 0 : i32
      %dma_wait3A_125 = arith.constant 0 : i32
      %dma_wait3A_126 = arith.constant 0 : i32
      %dma_wait3A_127 = tpu.memref_slice %arg3[%arg0, %dma_wait3A_124, %dma_wait3A_125, %dma_wait3A_126] : memref<2x16x160x128xi32, #tpu.memory_space<hbm>> -> memref<1x16x160x128xi32, #tpu.memory_space<hbm>>
      %dma_wait3A_128 = tpu.memref_squeeze %dma_wait3A_127 : memref<1x16x160x128xi32, #tpu.memory_space<hbm>> -> memref<16x160x128xi32, #tpu.memory_space<hbm>>
      %dma_wait3A_129 = arith.constant 0 : i32
      %dma_wait3A_130 = arith.constant 0 : i32
      %dma_wait3A_131 = tpu.memref_slice %dma_wait3A_128[%arg1, %dma_wait3A_129, %dma_wait3A_130] : memref<16x160x128xi32, #tpu.memory_space<hbm>> -> memref<1x160x128xi32, #tpu.memory_space<hbm>>
      %dma_wait3A_132 = tpu.memref_squeeze %dma_wait3A_131 : memref<1x160x128xi32, #tpu.memory_space<hbm>> -> memref<160x128xi32, #tpu.memory_space<hbm>>
      %dma_wait3A_133 = arith.constant 0 : i32
      %dma_wait3A_134 = arith.constant 0 : i32
      %dma_wait3A_135 = arith.constant 0 : i32
      %dma_wait3A_136 = tpu.memref_slice %arg3[%arg0, %dma_wait3A_133, %dma_wait3A_134, %dma_wait3A_135] : memref<2x16x160x128xi32, #tpu.memory_space<hbm>> -> memref<1x16x160x128xi32, #tpu.memory_space<hbm>>
      %dma_wait3A_137 = tpu.memref_squeeze %dma_wait3A_136 : memref<1x16x160x128xi32, #tpu.memory_space<hbm>> -> memref<16x160x128xi32, #tpu.memory_space<hbm>>
      %dma_wait3A_138 = arith.constant 0 : i32
      %dma_wait3A_139 = arith.constant 0 : i32
      %dma_wait3A_140 = tpu.memref_slice %dma_wait3A_137[%arg1, %dma_wait3A_138, %dma_wait3A_139] : memref<16x160x128xi32, #tpu.memory_space<hbm>> -> memref<1x160x128xi32, #tpu.memory_space<hbm>>
      %dma_wait3A_141 = tpu.memref_squeeze %dma_wait3A_140 : memref<1x160x128xi32, #tpu.memory_space<hbm>> -> memref<160x128xi32, #tpu.memory_space<hbm>>
      tpu.wait_dma2 semaphore(%run_scoped3A_105 : memref<!tpu.dma_semaphore, #tpu.memory_space<semaphore_mem>>) src(%dma_wait3A_141 : memref<160x128xi32, #tpu.memory_space<hbm>>) dst(%arg7 : memref<160x128xi32, #tpu.memory_space<vmem>>)
      tpu.yield
    }) : () -> ()
    "tpu.region"() ({
      %run_scoped3A_105 = tpu.sem_alloc : memref<!tpu.dma_semaphore, #tpu.memory_space<semaphore_mem>>
      %dma_start3A_106 = arith.constant 0 : i32
      %dma_start3A_107 = arith.constant 0 : i32
      %dma_start3A_108 = tpu.memref_slice %arg4[%arg1, %dma_start3A_106, %dma_start3A_107] : memref<16x160x128xi32, #tpu.memory_space<hbm>> -> memref<1x160x128xi32, #tpu.memory_space<hbm>>
      %dma_start3A_109 = tpu.memref_squeeze %dma_start3A_108 : memref<1x160x128xi32, #tpu.memory_space<hbm>> -> memref<160x128xi32, #tpu.memory_space<hbm>>
      %dma_start3A_110 = arith.constant 0 : i32
      %dma_start3A_111 = arith.constant 0 : i32
      %dma_start3A_112 = tpu.memref_slice %arg4[%arg1, %dma_start3A_110, %dma_start3A_111] : memref<16x160x128xi32, #tpu.memory_space<hbm>> -> memref<1x160x128xi32, #tpu.memory_space<hbm>>
      %dma_start3A_113 = tpu.memref_squeeze %dma_start3A_112 : memref<1x160x128xi32, #tpu.memory_space<hbm>> -> memref<160x128xi32, #tpu.memory_space<hbm>>
      tpu.enqueue_dma source(%dma_start3A_113 : memref<160x128xi32, #tpu.memory_space<hbm>>) target(%arg8 : memref<160x128xi32, #tpu.memory_space<vmem>>) target_semaphore(%run_scoped3A_105 : memref<!tpu.dma_semaphore, #tpu.memory_space<semaphore_mem>>)
      %dma_wait3A_114 = arith.constant 0 : i32
      %dma_wait3A_115 = arith.constant 0 : i32
      %dma_wait3A_116 = tpu.memref_slice %arg4[%arg1, %dma_wait3A_114, %dma_wait3A_115] : memref<16x160x128xi32, #tpu.memory_space<hbm>> -> memref<1x160x128xi32, #tpu.memory_space<hbm>>
      %dma_wait3A_117 = tpu.memref_squeeze %dma_wait3A_116 : memref<1x160x128xi32, #tpu.memory_space<hbm>> -> memref<160x128xi32, #tpu.memory_space<hbm>>
      %dma_wait3A_118 = arith.constant 0 : i32
      %dma_wait3A_119 = arith.constant 0 : i32
      %dma_wait3A_120 = tpu.memref_slice %arg4[%arg1, %dma_wait3A_118, %dma_wait3A_119] : memref<16x160x128xi32, #tpu.memory_space<hbm>> -> memref<1x160x128xi32, #tpu.memory_space<hbm>>
      %dma_wait3A_121 = tpu.memref_squeeze %dma_wait3A_120 : memref<1x160x128xi32, #tpu.memory_space<hbm>> -> memref<160x128xi32, #tpu.memory_space<hbm>>
      tpu.wait_dma2 semaphore(%run_scoped3A_105 : memref<!tpu.dma_semaphore, #tpu.memory_space<semaphore_mem>>) src(%dma_wait3A_121 : memref<160x128xi32, #tpu.memory_space<hbm>>) dst(%arg8 : memref<160x128xi32, #tpu.memory_space<vmem>>)
      tpu.yield
    }) : () -> ()
    "tpu.region"() ({
      %run_scoped3A_105 = tpu.sem_alloc : memref<!tpu.dma_semaphore, #tpu.memory_space<semaphore_mem>>
      %dma_start3A_106 = arith.constant 0 : i32
      %dma_start3A_107 = arith.constant 0 : i32
      %dma_start3A_108 = arith.constant 0 : i32
      %dma_start3A_109 = tpu.memref_slice %arg5[%arg0, %dma_start3A_106, %dma_start3A_107, %dma_start3A_108] : memref<2x16x5x128xi32, #tpu.memory_space<hbm>> -> memref<1x16x5x128xi32, #tpu.memory_space<hbm>>
      %dma_start3A_110 = tpu.memref_squeeze %dma_start3A_109 : memref<1x16x5x128xi32, #tpu.memory_space<hbm>> -> memref<16x5x128xi32, #tpu.memory_space<hbm>>
      %dma_start3A_111 = arith.constant 0 : i32
      %dma_start3A_112 = arith.constant 0 : i32
      %dma_start3A_113 = tpu.memref_slice %dma_start3A_110[%arg1, %dma_start3A_111, %dma_start3A_112] : memref<16x5x128xi32, #tpu.memory_space<hbm>> -> memref<1x5x128xi32, #tpu.memory_space<hbm>>
      %dma_start3A_114 = tpu.memref_squeeze %dma_start3A_113 : memref<1x5x128xi32, #tpu.memory_space<hbm>> -> memref<5x128xi32, #tpu.memory_space<hbm>>
      %dma_start3A_115 = arith.constant 0 : i32
      %dma_start3A_116 = arith.constant 0 : i32
      %dma_start3A_117 = arith.constant 0 : i32
      %dma_start3A_118 = tpu.memref_slice %arg5[%arg0, %dma_start3A_115, %dma_start3A_116, %dma_start3A_117] : memref<2x16x5x128xi32, #tpu.memory_space<hbm>> -> memref<1x16x5x128xi32, #tpu.memory_space<hbm>>
      %dma_start3A_119 = tpu.memref_squeeze %dma_start3A_118 : memref<1x16x5x128xi32, #tpu.memory_space<hbm>> -> memref<16x5x128xi32, #tpu.memory_space<hbm>>
      %dma_start3A_120 = arith.constant 0 : i32
      %dma_start3A_121 = arith.constant 0 : i32
      %dma_start3A_122 = tpu.memref_slice %dma_start3A_119[%arg1, %dma_start3A_120, %dma_start3A_121] : memref<16x5x128xi32, #tpu.memory_space<hbm>> -> memref<1x5x128xi32, #tpu.memory_space<hbm>>
      %dma_start3A_123 = tpu.memref_squeeze %dma_start3A_122 : memref<1x5x128xi32, #tpu.memory_space<hbm>> -> memref<5x128xi32, #tpu.memory_space<hbm>>
      tpu.enqueue_dma source(%dma_start3A_123 : memref<5x128xi32, #tpu.memory_space<hbm>>) target(%arg9 : memref<5x128xi32, #tpu.memory_space<vmem>>) target_semaphore(%run_scoped3A_105 : memref<!tpu.dma_semaphore, #tpu.memory_space<semaphore_mem>>)
      %dma_wait3A_124 = arith.constant 0 : i32
      %dma_wait3A_125 = arith.constant 0 : i32
      %dma_wait3A_126 = arith.constant 0 : i32
      %dma_wait3A_127 = tpu.memref_slice %arg5[%arg0, %dma_wait3A_124, %dma_wait3A_125, %dma_wait3A_126] : memref<2x16x5x128xi32, #tpu.memory_space<hbm>> -> memref<1x16x5x128xi32, #tpu.memory_space<hbm>>
      %dma_wait3A_128 = tpu.memref_squeeze %dma_wait3A_127 : memref<1x16x5x128xi32, #tpu.memory_space<hbm>> -> memref<16x5x128xi32, #tpu.memory_space<hbm>>
      %dma_wait3A_129 = arith.constant 0 : i32
      %dma_wait3A_130 = arith.constant 0 : i32
      %dma_wait3A_131 = tpu.memref_slice %dma_wait3A_128[%arg1, %dma_wait3A_129, %dma_wait3A_130] : memref<16x5x128xi32, #tpu.memory_space<hbm>> -> memref<1x5x128xi32, #tpu.memory_space<hbm>>
      %dma_wait3A_132 = tpu.memref_squeeze %dma_wait3A_131 : memref<1x5x128xi32, #tpu.memory_space<hbm>> -> memref<5x128xi32, #tpu.memory_space<hbm>>
      %dma_wait3A_133 = arith.constant 0 : i32
      %dma_wait3A_134 = arith.constant 0 : i32
      %dma_wait3A_135 = arith.constant 0 : i32
      %dma_wait3A_136 = tpu.memref_slice %arg5[%arg0, %dma_wait3A_133, %dma_wait3A_134, %dma_wait3A_135] : memref<2x16x5x128xi32, #tpu.memory_space<hbm>> -> memref<1x16x5x128xi32, #tpu.memory_space<hbm>>
      %dma_wait3A_137 = tpu.memref_squeeze %dma_wait3A_136 : memref<1x16x5x128xi32, #tpu.memory_space<hbm>> -> memref<16x5x128xi32, #tpu.memory_space<hbm>>
      %dma_wait3A_138 = arith.constant 0 : i32
      %dma_wait3A_139 = arith.constant 0 : i32
      %dma_wait3A_140 = tpu.memref_slice %dma_wait3A_137[%arg1, %dma_wait3A_138, %dma_wait3A_139] : memref<16x5x128xi32, #tpu.memory_space<hbm>> -> memref<1x5x128xi32, #tpu.memory_space<hbm>>
      %dma_wait3A_141 = tpu.memref_squeeze %dma_wait3A_140 : memref<1x5x128xi32, #tpu.memory_space<hbm>> -> memref<5x128xi32, #tpu.memory_space<hbm>>
      tpu.wait_dma2 semaphore(%run_scoped3A_105 : memref<!tpu.dma_semaphore, #tpu.memory_space<semaphore_mem>>) src(%dma_wait3A_141 : memref<5x128xi32, #tpu.memory_space<hbm>>) dst(%arg9 : memref<5x128xi32, #tpu.memory_space<vmem>>)
      tpu.yield
    }) : () -> ()
    %dma_start3A = arith.constant 0 : i32
    %dma_start3A_1 = arith.constant 0 : i32
    %dma_start3A_2 = arith.constant 0 : i32
    %dma_start3A_3 = arith.constant 0 : i32
    %dma_start3A_4 = tpu.memref_slice %arg10[%dma_start3A_1, %dma_start3A_2, %dma_start3A_3] : memref<4x128x64xf32, #tpu.memory_space<vmem>> -> memref<1x128x64xf32, #tpu.memory_space<vmem>>
    %dma_start3A_5 = tpu.memref_squeeze %dma_start3A_4 : memref<1x128x64xf32, #tpu.memory_space<vmem>> -> memref<128x64xf32, #tpu.memory_space<vmem>>
    %dma_start3A_6 = arith.constant 0 : i32
    %dma_start3A_7 = tpu.memref_slice %arg7[%dma_start3A, %dma_start3A_6] : memref<160x128xi32, #tpu.memory_space<vmem>> -> memref<1x128xi32, #tpu.memory_space<vmem>>
    %dma_start3A_8 = tpu.memref_squeeze %dma_start3A_7 : memref<1x128xi32, #tpu.memory_space<vmem>> -> memref<128xi32, #tpu.memory_space<vmem>>
    %dma_start3A_9 = arith.constant 0 : i32
    %dma_start3A_10 = arith.constant 0 : i32
    %dma_start3A_11 = tpu.memref_slice %arg2[%dma_start3A_9, %dma_start3A_10] : memref<20480x64xf32, #tpu.memory_space<hbm>> -> memref<20480x64xf32, #tpu.memory_space<hbm>>
    tpu.enqueue_indirect_dma source(%dma_start3A_11 : memref<20480x64xf32, #tpu.memory_space<hbm>>) target(%dma_start3A_5 : memref<128x64xf32, #tpu.memory_space<vmem>>) offsets(%dma_start3A_8 : memref<128xi32, #tpu.memory_space<vmem>>) semaphore(%arg13 : memref<!tpu.dma_semaphore, #tpu.memory_space<semaphore_mem>>)
    %dma_start3A_12 = arith.constant 1 : i32
    %dma_start3A_13 = arith.constant 1 : i32
    %dma_start3A_14 = arith.constant 0 : i32
    %dma_start3A_15 = arith.constant 0 : i32
    %dma_start3A_16 = tpu.memref_slice %arg10[%dma_start3A_13, %dma_start3A_14, %dma_start3A_15] : memref<4x128x64xf32, #tpu.memory_space<vmem>> -> memref<1x128x64xf32, #tpu.memory_space<vmem>>
    %dma_start3A_17 = tpu.memref_squeeze %dma_start3A_16 : memref<1x128x64xf32, #tpu.memory_space<vmem>> -> memref<128x64xf32, #tpu.memory_space<vmem>>
    %dma_start3A_18 = arith.constant 0 : i32
    %dma_start3A_19 = tpu.memref_slice %arg7[%dma_start3A_12, %dma_start3A_18] : memref<160x128xi32, #tpu.memory_space<vmem>> -> memref<1x128xi32, #tpu.memory_space<vmem>>
    %dma_start3A_20 = tpu.memref_squeeze %dma_start3A_19 : memref<1x128xi32, #tpu.memory_space<vmem>> -> memref<128xi32, #tpu.memory_space<vmem>>
    %dma_start3A_21 = arith.constant 0 : i32
    %dma_start3A_22 = arith.constant 0 : i32
    %dma_start3A_23 = tpu.memref_slice %arg2[%dma_start3A_21, %dma_start3A_22] : memref<20480x64xf32, #tpu.memory_space<hbm>> -> memref<20480x64xf32, #tpu.memory_space<hbm>>
    tpu.enqueue_indirect_dma source(%dma_start3A_23 : memref<20480x64xf32, #tpu.memory_space<hbm>>) target(%dma_start3A_17 : memref<128x64xf32, #tpu.memory_space<vmem>>) offsets(%dma_start3A_20 : memref<128xi32, #tpu.memory_space<vmem>>) semaphore(%arg14 : memref<!tpu.dma_semaphore, #tpu.memory_space<semaphore_mem>>)
    %scan3A = arith.constant 0 : i32
    %scan3A_24 = arith.constant 0 : i32
    %scan3A_25 = arith.constant 128 : i32
    %scan3A_26 = arith.addi %scan3A_24, %scan3A_25 : i32
    %scan3A_27 = arith.constant 1 : i32
    scf.for %scan3A_105 = %scan3A_24 to %scan3A_26 step %scan3A_27  : i32 {
      %swap3A = arith.index_cast %scan3A_105 : i32 to index
      %swap3A_106 = arith.constant 0 : index
      %swap3A_107 = tpu.vector_load %arg11[%swap3A, %swap3A_106] {strides = array<i32>} : memref<128x64xf32, #tpu.memory_space<vmem>>, vector<16xf32>,
      tpu.vector_store %arg11[%swap3A, %swap3A_106], %broadcast_in_dim3A_0 {strides = array<i32>} : memref<128x64xf32, #tpu.memory_space<vmem>>, vector<16xf32>,
      %swap3A_108 = arith.index_cast %scan3A_105 : i32 to index
      %swap3A_109 = arith.constant 16 : index
      %swap3A_110 = tpu.vector_load %arg11[%swap3A_108, %swap3A_109] {strides = array<i32>} : memref<128x64xf32, #tpu.memory_space<vmem>>, vector<16xf32>,
      tpu.vector_store %arg11[%swap3A_108, %swap3A_109], %broadcast_in_dim3A_0 {strides = array<i32>} : memref<128x64xf32, #tpu.memory_space<vmem>>, vector<16xf32>,
      %swap3A_111 = arith.index_cast %scan3A_105 : i32 to index
      %swap3A_112 = arith.constant 32 : index
      %swap3A_113 = tpu.vector_load %arg11[%swap3A_111, %swap3A_112] {strides = array<i32>} : memref<128x64xf32, #tpu.memory_space<vmem>>, vector<16xf32>,
      tpu.vector_store %arg11[%swap3A_111, %swap3A_112], %broadcast_in_dim3A_0 {strides = array<i32>} : memref<128x64xf32, #tpu.memory_space<vmem>>, vector<16xf32>,
      %swap3A_114 = arith.index_cast %scan3A_105 : i32 to index
      %swap3A_115 = arith.constant 48 : index
      %swap3A_116 = tpu.vector_load %arg11[%swap3A_114, %swap3A_115] {strides = array<i32>} : memref<128x64xf32, #tpu.memory_space<vmem>>, vector<16xf32>,
      tpu.vector_store %arg11[%swap3A_114, %swap3A_115], %broadcast_in_dim3A_0 {strides = array<i32>} : memref<128x64xf32, #tpu.memory_space<vmem>>, vector<16xf32>,
    }
    %scan3A_28 = arith.constant 128 : i32
    %mul3A = arith.constant 648 : i32
    %mul3A_29 = arith.muli %arg1, %mul3A : i32
    %add3A = arith.constant 0 : i32
    %add3A_30 = arith.addi %mul3A_29, %add3A : i32
    "tpu.region"() ({
      %run_scoped3A_105 = tpu.sem_alloc : memref<!tpu.dma_semaphore, #tpu.memory_space<semaphore_mem>>
      %dma_start3A_106 = arith.constant 0 : i32
      %dma_start3A_107 = tpu.memref_slice %arg12[%add3A_30, %dma_start3A_106] : memref<10368x64xf32, #tpu.memory_space<vmem_shared>> -> memref<128x64xf32, #tpu.memory_space<vmem_shared>>
      %dma_start3A_108 = arith.constant 0 : i32
      %dma_start3A_109 = tpu.memref_slice %arg12[%add3A_30, %dma_start3A_108] : memref<10368x64xf32, #tpu.memory_space<vmem_shared>> -> memref<128x64xf32, #tpu.memory_space<vmem_shared>>
      tpu.enqueue_dma source(%arg11 : memref<128x64xf32, #tpu.memory_space<vmem>>) target(%dma_start3A_109 : memref<128x64xf32, #tpu.memory_space<vmem_shared>>) target_semaphore(%run_scoped3A_105 : memref<!tpu.dma_semaphore, #tpu.memory_space<semaphore_mem>>)
      %dma_wait3A_110 = arith.constant 0 : i32
      %dma_wait3A_111 = tpu.memref_slice %arg12[%add3A_30, %dma_wait3A_110] : memref<10368x64xf32, #tpu.memory_space<vmem_shared>> -> memref<128x64xf32, #tpu.memory_space<vmem_shared>>
      %dma_wait3A_112 = arith.constant 0 : i32
      %dma_wait3A_113 = tpu.memref_slice %arg12[%add3A_30, %dma_wait3A_112] : memref<10368x64xf32, #tpu.memory_space<vmem_shared>> -> memref<128x64xf32, #tpu.memory_space<vmem_shared>>
      tpu.wait_dma2 semaphore(%run_scoped3A_105 : memref<!tpu.dma_semaphore, #tpu.memory_space<semaphore_mem>>) src(%arg11 : memref<128x64xf32, #tpu.memory_space<vmem>>) dst(%dma_wait3A_113 : memref<128x64xf32, #tpu.memory_space<vmem_shared>>)
      tpu.yield
    }) : () -> ()
    %mul3A_31 = arith.constant 648 : i32
    %mul3A_32 = arith.muli %arg1, %mul3A_31 : i32
    %add3A_33 = arith.constant 128 : i32
    %add3A_34 = arith.addi %mul3A_32, %add3A_33 : i32
    "tpu.region"() ({
      %run_scoped3A_105 = tpu.sem_alloc : memref<!tpu.dma_semaphore, #tpu.memory_space<semaphore_mem>>
      %dma_start3A_106 = arith.constant 0 : i32
      %dma_start3A_107 = tpu.memref_slice %arg12[%add3A_34, %dma_start3A_106] : memref<10368x64xf32, #tpu.memory_space<vmem_shared>> -> memref<128x64xf32, #tpu.memory_space<vmem_shared>>
      %dma_start3A_108 = arith.constant 0 : i32
      %dma_start3A_109 = tpu.memref_slice %arg12[%add3A_34, %dma_start3A_108] : memref<10368x64xf32, #tpu.memory_space<vmem_shared>> -> memref<128x64xf32, #tpu.memory_space<vmem_shared>>
      tpu.enqueue_dma source(%arg11 : memref<128x64xf32, #tpu.memory_space<vmem>>) target(%dma_start3A_109 : memref<128x64xf32, #tpu.memory_space<vmem_shared>>) target_semaphore(%run_scoped3A_105 : memref<!tpu.dma_semaphore, #tpu.memory_space<semaphore_mem>>)
      %dma_wait3A_110 = arith.constant 0 : i32
      %dma_wait3A_111 = tpu.memref_slice %arg12[%add3A_34, %dma_wait3A_110] : memref<10368x64xf32, #tpu.memory_space<vmem_shared>> -> memref<128x64xf32, #tpu.memory_space<vmem_shared>>
      %dma_wait3A_112 = arith.constant 0 : i32
      %dma_wait3A_113 = tpu.memref_slice %arg12[%add3A_34, %dma_wait3A_112] : memref<10368x64xf32, #tpu.memory_space<vmem_shared>> -> memref<128x64xf32, #tpu.memory_space<vmem_shared>>
      tpu.wait_dma2 semaphore(%run_scoped3A_105 : memref<!tpu.dma_semaphore, #tpu.memory_space<semaphore_mem>>) src(%arg11 : memref<128x64xf32, #tpu.memory_space<vmem>>) dst(%dma_wait3A_113 : memref<128x64xf32, #tpu.memory_space<vmem_shared>>)
      tpu.yield
    }) : () -> ()
    %mul3A_35 = arith.constant 648 : i32
    %mul3A_36 = arith.muli %arg1, %mul3A_35 : i32
    %add3A_37 = arith.constant 256 : i32
    %add3A_38 = arith.addi %mul3A_36, %add3A_37 : i32
    "tpu.region"() ({
      %run_scoped3A_105 = tpu.sem_alloc : memref<!tpu.dma_semaphore, #tpu.memory_space<semaphore_mem>>
      %dma_start3A_106 = arith.constant 0 : i32
      %dma_start3A_107 = tpu.memref_slice %arg12[%add3A_38, %dma_start3A_106] : memref<10368x64xf32, #tpu.memory_space<vmem_shared>> -> memref<128x64xf32, #tpu.memory_space<vmem_shared>>
      %dma_start3A_108 = arith.constant 0 : i32
      %dma_start3A_109 = tpu.memref_slice %arg12[%add3A_38, %dma_start3A_108] : memref<10368x64xf32, #tpu.memory_space<vmem_shared>> -> memref<128x64xf32, #tpu.memory_space<vmem_shared>>
      tpu.enqueue_dma source(%arg11 : memref<128x64xf32, #tpu.memory_space<vmem>>) target(%dma_start3A_109 : memref<128x64xf32, #tpu.memory_space<vmem_shared>>) target_semaphore(%run_scoped3A_105 : memref<!tpu.dma_semaphore, #tpu.memory_space<semaphore_mem>>)
      %dma_wait3A_110 = arith.constant 0 : i32
      %dma_wait3A_111 = tpu.memref_slice %arg12[%add3A_38, %dma_wait3A_110] : memref<10368x64xf32, #tpu.memory_space<vmem_shared>> -> memref<128x64xf32, #tpu.memory_space<vmem_shared>>
      %dma_wait3A_112 = arith.constant 0 : i32
      %dma_wait3A_113 = tpu.memref_slice %arg12[%add3A_38, %dma_wait3A_112] : memref<10368x64xf32, #tpu.memory_space<vmem_shared>> -> memref<128x64xf32, #tpu.memory_space<vmem_shared>>
      tpu.wait_dma2 semaphore(%run_scoped3A_105 : memref<!tpu.dma_semaphore, #tpu.memory_space<semaphore_mem>>) src(%arg11 : memref<128x64xf32, #tpu.memory_space<vmem>>) dst(%dma_wait3A_113 : memref<128x64xf32, #tpu.memory_space<vmem_shared>>)
      tpu.yield
    }) : () -> ()
    %mul3A_39 = arith.constant 648 : i32
    %mul3A_40 = arith.muli %arg1, %mul3A_39 : i32
    %add3A_41 = arith.constant 384 : i32
    %add3A_42 = arith.addi %mul3A_40, %add3A_41 : i32
    "tpu.region"() ({
      %run_scoped3A_105 = tpu.sem_alloc : memref<!tpu.dma_semaphore, #tpu.memory_space<semaphore_mem>>
      %dma_start3A_106 = arith.constant 0 : i32
      %dma_start3A_107 = tpu.memref_slice %arg12[%add3A_42, %dma_start3A_106] : memref<10368x64xf32, #tpu.memory_space<vmem_shared>> -> memref<128x64xf32, #tpu.memory_space<vmem_shared>>
      %dma_start3A_108 = arith.constant 0 : i32
      %dma_start3A_109 = tpu.memref_slice %arg12[%add3A_42, %dma_start3A_108] : memref<10368x64xf32, #tpu.memory_space<vmem_shared>> -> memref<128x64xf32, #tpu.memory_space<vmem_shared>>
      tpu.enqueue_dma source(%arg11 : memref<128x64xf32, #tpu.memory_space<vmem>>) target(%dma_start3A_109 : memref<128x64xf32, #tpu.memory_space<vmem_shared>>) target_semaphore(%run_scoped3A_105 : memref<!tpu.dma_semaphore, #tpu.memory_space<semaphore_mem>>)
      %dma_wait3A_110 = arith.constant 0 : i32
      %dma_wait3A_111 = tpu.memref_slice %arg12[%add3A_42, %dma_wait3A_110] : memref<10368x64xf32, #tpu.memory_space<vmem_shared>> -> memref<128x64xf32, #tpu.memory_space<vmem_shared>>
      %dma_wait3A_112 = arith.constant 0 : i32
      %dma_wait3A_113 = tpu.memref_slice %arg12[%add3A_42, %dma_wait3A_112] : memref<10368x64xf32, #tpu.memory_space<vmem_shared>> -> memref<128x64xf32, #tpu.memory_space<vmem_shared>>
      tpu.wait_dma2 semaphore(%run_scoped3A_105 : memref<!tpu.dma_semaphore, #tpu.memory_space<semaphore_mem>>) src(%arg11 : memref<128x64xf32, #tpu.memory_space<vmem>>) dst(%dma_wait3A_113 : memref<128x64xf32, #tpu.memory_space<vmem_shared>>)
      tpu.yield
    }) : () -> ()
    %mul3A_43 = arith.constant 648 : i32
    %mul3A_44 = arith.muli %arg1, %mul3A_43 : i32
    %add3A_45 = arith.constant 512 : i32
    %add3A_46 = arith.addi %mul3A_44, %add3A_45 : i32
    "tpu.region"() ({
      %run_scoped3A_105 = tpu.sem_alloc : memref<!tpu.dma_semaphore, #tpu.memory_space<semaphore_mem>>
      %dma_start3A_106 = arith.constant 0 : i32
      %dma_start3A_107 = tpu.memref_slice %arg12[%add3A_46, %dma_start3A_106] : memref<10368x64xf32, #tpu.memory_space<vmem_shared>> -> memref<128x64xf32, #tpu.memory_space<vmem_shared>>
      %dma_start3A_108 = arith.constant 0 : i32
      %dma_start3A_109 = tpu.memref_slice %arg12[%add3A_46, %dma_start3A_108] : memref<10368x64xf32, #tpu.memory_space<vmem_shared>> -> memref<128x64xf32, #tpu.memory_space<vmem_shared>>
      tpu.enqueue_dma source(%arg11 : memref<128x64xf32, #tpu.memory_space<vmem>>) target(%dma_start3A_109 : memref<128x64xf32, #tpu.memory_space<vmem_shared>>) target_semaphore(%run_scoped3A_105 : memref<!tpu.dma_semaphore, #tpu.memory_space<semaphore_mem>>)
      %dma_wait3A_110 = arith.constant 0 : i32
      %dma_wait3A_111 = tpu.memref_slice %arg12[%add3A_46, %dma_wait3A_110] : memref<10368x64xf32, #tpu.memory_space<vmem_shared>> -> memref<128x64xf32, #tpu.memory_space<vmem_shared>>
      %dma_wait3A_112 = arith.constant 0 : i32
      %dma_wait3A_113 = tpu.memref_slice %arg12[%add3A_46, %dma_wait3A_112] : memref<10368x64xf32, #tpu.memory_space<vmem_shared>> -> memref<128x64xf32, #tpu.memory_space<vmem_shared>>
      tpu.wait_dma2 semaphore(%run_scoped3A_105 : memref<!tpu.dma_semaphore, #tpu.memory_space<semaphore_mem>>) src(%arg11 : memref<128x64xf32, #tpu.memory_space<vmem>>) dst(%dma_wait3A_113 : memref<128x64xf32, #tpu.memory_space<vmem_shared>>)
      tpu.yield
    }) : () -> ()
    %mul3A_47 = arith.constant 648 : i32
    %mul3A_48 = arith.muli %arg1, %mul3A_47 : i32
    %add3A_49 = arith.constant 640 : i32
    %add3A_50 = arith.addi %mul3A_48, %add3A_49 : i32
    "tpu.region"() ({
      %run_scoped3A_105 = tpu.sem_alloc : memref<!tpu.dma_semaphore, #tpu.memory_space<semaphore_mem>>
      %dma_start3A_106 = arith.constant 0 : i32
      %dma_start3A_107 = arith.constant 0 : i32
      %dma_start3A_108 = tpu.memref_slice %arg11[%dma_start3A_106, %dma_start3A_107] : memref<128x64xf32, #tpu.memory_space<vmem>> -> memref<8x64xf32, #tpu.memory_space<vmem>>
      %dma_start3A_109 = arith.constant 0 : i32
      %dma_start3A_110 = tpu.memref_slice %arg12[%add3A_50, %dma_start3A_109] : memref<10368x64xf32, #tpu.memory_space<vmem_shared>> -> memref<8x64xf32, #tpu.memory_space<vmem_shared>>
      %dma_start3A_111 = arith.constant 0 : i32
      %dma_start3A_112 = tpu.memref_slice %arg12[%add3A_50, %dma_start3A_111] : memref<10368x64xf32, #tpu.memory_space<vmem_shared>> -> memref<8x64xf32, #tpu.memory_space<vmem_shared>>
      %dma_start3A_113 = arith.constant 0 : i32
      %dma_start3A_114 = arith.constant 0 : i32
      %dma_start3A_115 = tpu.memref_slice %arg11[%dma_start3A_113, %dma_start3A_114] : memref<128x64xf32, #tpu.memory_space<vmem>> -> memref<8x64xf32, #tpu.memory_space<vmem>>
      tpu.enqueue_dma source(%dma_start3A_115 : memref<8x64xf32, #tpu.memory_space<vmem>>) target(%dma_start3A_112 : memref<8x64xf32, #tpu.memory_space<vmem_shared>>) target_semaphore(%run_scoped3A_105 : memref<!tpu.dma_semaphore, #tpu.memory_space<semaphore_mem>>)
      %dma_wait3A_116 = arith.constant 0 : i32
      %dma_wait3A_117 = arith.constant 0 : i32
      %dma_wait3A_118 = tpu.memref_slice %arg11[%dma_wait3A_116, %dma_wait3A_117] : memref<128x64xf32, #tpu.memory_space<vmem>> -> memref<8x64xf32, #tpu.memory_space<vmem>>
      %dma_wait3A_119 = arith.constant 0 : i32
      %dma_wait3A_120 = tpu.memref_slice %arg12[%add3A_50, %dma_wait3A_119] : memref<10368x64xf32, #tpu.memory_space<vmem_shared>> -> memref<8x64xf32, #tpu.memory_space<vmem_shared>>
      %dma_wait3A_121 = arith.constant 0 : i32
      %dma_wait3A_122 = tpu.memref_slice %arg12[%add3A_50, %dma_wait3A_121] : memref<10368x64xf32, #tpu.memory_space<vmem_shared>> -> memref<8x64xf32, #tpu.memory_space<vmem_shared>>
      %dma_wait3A_123 = arith.constant 0 : i32
      %dma_wait3A_124 = arith.constant 0 : i32
      %dma_wait3A_125 = tpu.memref_slice %arg11[%dma_wait3A_123, %dma_wait3A_124] : memref<128x64xf32, #tpu.memory_space<vmem>> -> memref<8x64xf32, #tpu.memory_space<vmem>>
      tpu.wait_dma2 semaphore(%run_scoped3A_105 : memref<!tpu.dma_semaphore, #tpu.memory_space<semaphore_mem>>) src(%dma_wait3A_125 : memref<8x64xf32, #tpu.memory_space<vmem>>) dst(%dma_wait3A_122 : memref<8x64xf32, #tpu.memory_space<vmem_shared>>)
      tpu.yield
    }) : () -> ()
    %barrier3A = arith.constant 0 : index
    tpu.barrier barrier_id(%barrier3A)
    %scan3A_51 = arith.constant 0 : i32
    %scan3A_52 = arith.constant 0 : i32
    %scan3A_53 = arith.constant 40 : i32
    %scan3A_54 = arith.addi %scan3A_52, %scan3A_53 : i32
    %scan3A_55 = arith.constant 1 : i32
    scf.for %scan3A_105 = %scan3A_52 to %scan3A_54 step %scan3A_55  : i32 {
      %mul3A_106 = arith.constant 4 : i32
      %mul3A_107 = arith.muli %scan3A_105, %mul3A_106 : i32
      %add3A_108 = arith.constant 0 : i32
      %add3A_109 = arith.addi %mul3A_107, %add3A_108 : i32
      %dma_wait3A_110 = arith.constant 0 : i32
      %dma_wait3A_111 = arith.constant 0 : i32
      %dma_wait3A_112 = arith.constant 0 : i32
      %dma_wait3A_113 = tpu.memref_slice %arg10[%dma_wait3A_110, %dma_wait3A_111, %dma_wait3A_112] : memref<4x128x64xf32, #tpu.memory_space<vmem>> -> memref<1x128x64xf32, #tpu.memory_space<vmem>>
      %dma_wait3A_114 = tpu.memref_squeeze %dma_wait3A_113 : memref<1x128x64xf32, #tpu.memory_space<vmem>> -> memref<128x64xf32, #tpu.memory_space<vmem>>
      %dma_wait3A_115 = arith.constant 0 : i32
      %dma_wait3A_116 = tpu.memref_slice %arg7[%add3A_109, %dma_wait3A_115] : memref<160x128xi32, #tpu.memory_space<vmem>> -> memref<1x128xi32, #tpu.memory_space<vmem>>
      %dma_wait3A_117 = tpu.memref_squeeze %dma_wait3A_116 : memref<1x128xi32, #tpu.memory_space<vmem>> -> memref<128xi32, #tpu.memory_space<vmem>>
      %dma_wait3A_118 = arith.constant 0 : i32
      %dma_wait3A_119 = arith.constant 0 : i32
      %dma_wait3A_120 = tpu.memref_slice %arg2[%dma_wait3A_118, %dma_wait3A_119] : memref<20480x64xf32, #tpu.memory_space<hbm>> -> memref<20480x64xf32, #tpu.memory_space<hbm>>
      tpu.wait_indirect_dma semaphore(%arg13 : memref<!tpu.dma_semaphore, #tpu.memory_space<semaphore_mem>>) src(%dma_wait3A_120 : memref<20480x64xf32, #tpu.memory_space<hbm>>) dst(%dma_wait3A_114 : memref<128x64xf32, #tpu.memory_space<vmem>>)
      %dma_start3A_121 = arith.constant 0 : i32
      %dma_start3A_122 = arith.constant 0 : i32
      %dma_start3A_123 = arith.constant 0 : i32
      %dma_start3A_124 = tpu.memref_slice %arg10[%dma_start3A_121, %dma_start3A_122, %dma_start3A_123] : memref<4x128x64xf32, #tpu.memory_space<vmem>> -> memref<1x128x64xf32, #tpu.memory_space<vmem>>
      %dma_start3A_125 = tpu.memref_squeeze %dma_start3A_124 : memref<1x128x64xf32, #tpu.memory_space<vmem>> -> memref<128x64xf32, #tpu.memory_space<vmem>>
      %dma_start3A_126 = arith.constant 0 : i32
      %dma_start3A_127 = tpu.memref_slice %arg8[%add3A_109, %dma_start3A_126] : memref<160x128xi32, #tpu.memory_space<vmem>> -> memref<1x128xi32, #tpu.memory_space<vmem>>
      %dma_start3A_128 = tpu.memref_squeeze %dma_start3A_127 : memref<1x128xi32, #tpu.memory_space<vmem>> -> memref<128xi32, #tpu.memory_space<vmem>>
      %dma_start3A_129 = arith.constant 0 : i32
      %dma_start3A_130 = arith.constant 0 : i32
      %dma_start3A_131 = tpu.memref_slice %arg12[%dma_start3A_129, %dma_start3A_130] : memref<10368x64xf32, #tpu.memory_space<vmem_shared>> -> memref<10368x64xf32, #tpu.memory_space<vmem_shared>>
      tpu.enqueue_indirect_dma source(%dma_start3A_125 : memref<128x64xf32, #tpu.memory_space<vmem>>) target(%dma_start3A_131 : memref<10368x64xf32, #tpu.memory_space<vmem_shared>>) offsets(%dma_start3A_128 : memref<128xi32, #tpu.memory_space<vmem>>) semaphore(%arg17 : memref<!tpu.dma_semaphore, #tpu.memory_space<semaphore_mem>>) {add = true}
      %ge3A = arith.constant 2 : i32
      %ge3A_132 = arith.cmpi sge, %add3A_109, %ge3A : i32
      %convert_element_type3A = arith.extui %ge3A_132 : i1 to i32
      %cond3A = arith.constant 0 : i32
      %cond3A_133 = arith.cmpi ne, %convert_element_type3A, %cond3A : i32
      scf.if %cond3A_133 {
        %sub3A = arith.constant 2 : i32
        %sub3A_254 = arith.subi %add3A_109, %sub3A : i32
        %dma_wait3A_255 = arith.constant 2 : i32
        %dma_wait3A_256 = arith.constant 0 : i32
        %dma_wait3A_257 = arith.constant 0 : i32
        %dma_wait3A_258 = tpu.memref_slice %arg10[%dma_wait3A_255, %dma_wait3A_256, %dma_wait3A_257] : memref<4x128x64xf32, #tpu.memory_space<vmem>> -> memref<1x128x64xf32, #tpu.memory_space<vmem>>
        %dma_wait3A_259 = tpu.memref_squeeze %dma_wait3A_258 : memref<1x128x64xf32, #tpu.memory_space<vmem>> -> memref<128x64xf32, #tpu.memory_space<vmem>>
        %dma_wait3A_260 = arith.constant 0 : i32
        %dma_wait3A_261 = tpu.memref_slice %arg8[%sub3A_254, %dma_wait3A_260] : memref<160x128xi32, #tpu.memory_space<vmem>> -> memref<1x128xi32, #tpu.memory_space<vmem>>
        %dma_wait3A_262 = tpu.memref_squeeze %dma_wait3A_261 : memref<1x128xi32, #tpu.memory_space<vmem>> -> memref<128xi32, #tpu.memory_space<vmem>>
        %dma_wait3A_263 = arith.constant 0 : i32
        %dma_wait3A_264 = arith.constant 0 : i32
        %dma_wait3A_265 = tpu.memref_slice %arg12[%dma_wait3A_263, %dma_wait3A_264] : memref<10368x64xf32, #tpu.memory_space<vmem_shared>> -> memref<10368x64xf32, #tpu.memory_space<vmem_shared>>
        tpu.wait_indirect_dma semaphore(%arg19 : memref<!tpu.dma_semaphore, #tpu.memory_space<semaphore_mem>>) src(%dma_wait3A_259 : memref<128x64xf32, #tpu.memory_space<vmem>>) dst(%dma_wait3A_265 : memref<10368x64xf32, #tpu.memory_space<vmem_shared>>)
      } else {
      }
      %add3A_134 = arith.constant 2 : i32
      %add3A_135 = arith.addi %add3A_109, %add3A_134 : i32
      %lt3A = arith.constant 160 : i32
      %lt3A_136 = arith.cmpi slt, %add3A_135, %lt3A : i32
      %convert_element_type3A_137 = arith.extui %lt3A_136 : i1 to i32
      %cond3A_138 = arith.constant 0 : i32
      %cond3A_139 = arith.cmpi ne, %convert_element_type3A_137, %cond3A_138 : i32
      scf.if %cond3A_139 {
        %add3A_254 = arith.constant 2 : i32
        %add3A_255 = arith.addi %add3A_109, %add3A_254 : i32
        %dma_start3A_256 = arith.constant 2 : i32
        %dma_start3A_257 = arith.constant 0 : i32
        %dma_start3A_258 = arith.constant 0 : i32
        %dma_start3A_259 = tpu.memref_slice %arg10[%dma_start3A_256, %dma_start3A_257, %dma_start3A_258] : memref<4x128x64xf32, #tpu.memory_space<vmem>> -> memref<1x128x64xf32, #tpu.memory_space<vmem>>
        %dma_start3A_260 = tpu.memref_squeeze %dma_start3A_259 : memref<1x128x64xf32, #tpu.memory_space<vmem>> -> memref<128x64xf32, #tpu.memory_space<vmem>>
        %dma_start3A_261 = arith.constant 0 : i32
        %dma_start3A_262 = tpu.memref_slice %arg7[%add3A_255, %dma_start3A_261] : memref<160x128xi32, #tpu.memory_space<vmem>> -> memref<1x128xi32, #tpu.memory_space<vmem>>
        %dma_start3A_263 = tpu.memref_squeeze %dma_start3A_262 : memref<1x128xi32, #tpu.memory_space<vmem>> -> memref<128xi32, #tpu.memory_space<vmem>>
        %dma_start3A_264 = arith.constant 0 : i32
        %dma_start3A_265 = arith.constant 0 : i32
        %dma_start3A_266 = tpu.memref_slice %arg2[%dma_start3A_264, %dma_start3A_265] : memref<20480x64xf32, #tpu.memory_space<hbm>> -> memref<20480x64xf32, #tpu.memory_space<hbm>>
        tpu.enqueue_indirect_dma source(%dma_start3A_266 : memref<20480x64xf32, #tpu.memory_space<hbm>>) target(%dma_start3A_260 : memref<128x64xf32, #tpu.memory_space<vmem>>) offsets(%dma_start3A_263 : memref<128xi32, #tpu.memory_space<vmem>>) semaphore(%arg15 : memref<!tpu.dma_semaphore, #tpu.memory_space<semaphore_mem>>)
      } else {
      }
      %mul3A_140 = arith.constant 4 : i32
      %mul3A_141 = arith.muli %scan3A_105, %mul3A_140 : i32
      %add3A_142 = arith.constant 1 : i32
      %add3A_143 = arith.addi %mul3A_141, %add3A_142 : i32
      %dma_wait3A_144 = arith.constant 1 : i32
      %dma_wait3A_145 = arith.constant 0 : i32
      %dma_wait3A_146 = arith.constant 0 : i32
      %dma_wait3A_147 = tpu.memref_slice %arg10[%dma_wait3A_144, %dma_wait3A_145, %dma_wait3A_146] : memref<4x128x64xf32, #tpu.memory_space<vmem>> -> memref<1x128x64xf32, #tpu.memory_space<vmem>>
      %dma_wait3A_148 = tpu.memref_squeeze %dma_wait3A_147 : memref<1x128x64xf32, #tpu.memory_space<vmem>> -> memref<128x64xf32, #tpu.memory_space<vmem>>
      %dma_wait3A_149 = arith.constant 0 : i32
      %dma_wait3A_150 = tpu.memref_slice %arg7[%add3A_143, %dma_wait3A_149] : memref<160x128xi32, #tpu.memory_space<vmem>> -> memref<1x128xi32, #tpu.memory_space<vmem>>
      %dma_wait3A_151 = tpu.memref_squeeze %dma_wait3A_150 : memref<1x128xi32, #tpu.memory_space<vmem>> -> memref<128xi32, #tpu.memory_space<vmem>>
      %dma_wait3A_152 = arith.constant 0 : i32
      %dma_wait3A_153 = arith.constant 0 : i32
      %dma_wait3A_154 = tpu.memref_slice %arg2[%dma_wait3A_152, %dma_wait3A_153] : memref<20480x64xf32, #tpu.memory_space<hbm>> -> memref<20480x64xf32, #tpu.memory_space<hbm>>
      tpu.wait_indirect_dma semaphore(%arg14 : memref<!tpu.dma_semaphore, #tpu.memory_space<semaphore_mem>>) src(%dma_wait3A_154 : memref<20480x64xf32, #tpu.memory_space<hbm>>) dst(%dma_wait3A_148 : memref<128x64xf32, #tpu.memory_space<vmem>>)
      %dma_start3A_155 = arith.constant 1 : i32
      %dma_start3A_156 = arith.constant 0 : i32
      %dma_start3A_157 = arith.constant 0 : i32
      %dma_start3A_158 = tpu.memref_slice %arg10[%dma_start3A_155, %dma_start3A_156, %dma_start3A_157] : memref<4x128x64xf32, #tpu.memory_space<vmem>> -> memref<1x128x64xf32, #tpu.memory_space<vmem>>
      %dma_start3A_159 = tpu.memref_squeeze %dma_start3A_158 : memref<1x128x64xf32, #tpu.memory_space<vmem>> -> memref<128x64xf32, #tpu.memory_space<vmem>>
      %dma_start3A_160 = arith.constant 0 : i32
      %dma_start3A_161 = tpu.memref_slice %arg8[%add3A_143, %dma_start3A_160] : memref<160x128xi32, #tpu.memory_space<vmem>> -> memref<1x128xi32, #tpu.memory_space<vmem>>
      %dma_start3A_162 = tpu.memref_squeeze %dma_start3A_161 : memref<1x128xi32, #tpu.memory_space<vmem>> -> memref<128xi32, #tpu.memory_space<vmem>>
      %dma_start3A_163 = arith.constant 0 : i32
      %dma_start3A_164 = arith.constant 0 : i32
      %dma_start3A_165 = tpu.memref_slice %arg12[%dma_start3A_163, %dma_start3A_164] : memref<10368x64xf32, #tpu.memory_space<vmem_shared>> -> memref<10368x64xf32, #tpu.memory_space<vmem_shared>>
      tpu.enqueue_indirect_dma source(%dma_start3A_159 : memref<128x64xf32, #tpu.memory_space<vmem>>) target(%dma_start3A_165 : memref<10368x64xf32, #tpu.memory_space<vmem_shared>>) offsets(%dma_start3A_162 : memref<128xi32, #tpu.memory_space<vmem>>) semaphore(%arg18 : memref<!tpu.dma_semaphore, #tpu.memory_space<semaphore_mem>>) {add = true}
      %ge3A_166 = arith.constant 2 : i32
      %ge3A_167 = arith.cmpi sge, %add3A_143, %ge3A_166 : i32
      %convert_element_type3A_168 = arith.extui %ge3A_167 : i1 to i32
      %cond3A_169 = arith.constant 0 : i32
      %cond3A_170 = arith.cmpi ne, %convert_element_type3A_168, %cond3A_169 : i32
      scf.if %cond3A_170 {
        %sub3A = arith.constant 2 : i32
        %sub3A_254 = arith.subi %add3A_143, %sub3A : i32
        %dma_wait3A_255 = arith.constant 3 : i32
        %dma_wait3A_256 = arith.constant 0 : i32
        %dma_wait3A_257 = arith.constant 0 : i32
        %dma_wait3A_258 = tpu.memref_slice %arg10[%dma_wait3A_255, %dma_wait3A_256, %dma_wait3A_257] : memref<4x128x64xf32, #tpu.memory_space<vmem>> -> memref<1x128x64xf32, #tpu.memory_space<vmem>>
        %dma_wait3A_259 = tpu.memref_squeeze %dma_wait3A_258 : memref<1x128x64xf32, #tpu.memory_space<vmem>> -> memref<128x64xf32, #tpu.memory_space<vmem>>
        %dma_wait3A_260 = arith.constant 0 : i32
        %dma_wait3A_261 = tpu.memref_slice %arg8[%sub3A_254, %dma_wait3A_260] : memref<160x128xi32, #tpu.memory_space<vmem>> -> memref<1x128xi32, #tpu.memory_space<vmem>>
        %dma_wait3A_262 = tpu.memref_squeeze %dma_wait3A_261 : memref<1x128xi32, #tpu.memory_space<vmem>> -> memref<128xi32, #tpu.memory_space<vmem>>
        %dma_wait3A_263 = arith.constant 0 : i32
        %dma_wait3A_264 = arith.constant 0 : i32
        %dma_wait3A_265 = tpu.memref_slice %arg12[%dma_wait3A_263, %dma_wait3A_264] : memref<10368x64xf32, #tpu.memory_space<vmem_shared>> -> memref<10368x64xf32, #tpu.memory_space<vmem_shared>>
        tpu.wait_indirect_dma semaphore(%arg20 : memref<!tpu.dma_semaphore, #tpu.memory_space<semaphore_mem>>) src(%dma_wait3A_259 : memref<128x64xf32, #tpu.memory_space<vmem>>) dst(%dma_wait3A_265 : memref<10368x64xf32, #tpu.memory_space<vmem_shared>>)
      } else {
      }
      %add3A_171 = arith.constant 2 : i32
      %add3A_172 = arith.addi %add3A_143, %add3A_171 : i32
      %lt3A_173 = arith.constant 160 : i32
      %lt3A_174 = arith.cmpi slt, %add3A_172, %lt3A_173 : i32
      %convert_element_type3A_175 = arith.extui %lt3A_174 : i1 to i32
      %cond3A_176 = arith.constant 0 : i32
      %cond3A_177 = arith.cmpi ne, %convert_element_type3A_175, %cond3A_176 : i32
      scf.if %cond3A_177 {
        %add3A_254 = arith.constant 2 : i32
        %add3A_255 = arith.addi %add3A_143, %add3A_254 : i32
        %dma_start3A_256 = arith.constant 3 : i32
        %dma_start3A_257 = arith.constant 0 : i32
        %dma_start3A_258 = arith.constant 0 : i32
        %dma_start3A_259 = tpu.memref_slice %arg10[%dma_start3A_256, %dma_start3A_257, %dma_start3A_258] : memref<4x128x64xf32, #tpu.memory_space<vmem>> -> memref<1x128x64xf32, #tpu.memory_space<vmem>>
        %dma_start3A_260 = tpu.memref_squeeze %dma_start3A_259 : memref<1x128x64xf32, #tpu.memory_space<vmem>> -> memref<128x64xf32, #tpu.memory_space<vmem>>
        %dma_start3A_261 = arith.constant 0 : i32
        %dma_start3A_262 = tpu.memref_slice %arg7[%add3A_255, %dma_start3A_261] : memref<160x128xi32, #tpu.memory_space<vmem>> -> memref<1x128xi32, #tpu.memory_space<vmem>>
        %dma_start3A_263 = tpu.memref_squeeze %dma_start3A_262 : memref<1x128xi32, #tpu.memory_space<vmem>> -> memref<128xi32, #tpu.memory_space<vmem>>
        %dma_start3A_264 = arith.constant 0 : i32
        %dma_start3A_265 = arith.constant 0 : i32
        %dma_start3A_266 = tpu.memref_slice %arg2[%dma_start3A_264, %dma_start3A_265] : memref<20480x64xf32, #tpu.memory_space<hbm>> -> memref<20480x64xf32, #tpu.memory_space<hbm>>
        tpu.enqueue_indirect_dma source(%dma_start3A_266 : memref<20480x64xf32, #tpu.memory_space<hbm>>) target(%dma_start3A_260 : memref<128x64xf32, #tpu.memory_space<vmem>>) offsets(%dma_start3A_263 : memref<128xi32, #tpu.memory_space<vmem>>) semaphore(%arg16 : memref<!tpu.dma_semaphore, #tpu.memory_space<semaphore_mem>>)
      } else {
      }
      %mul3A_178 = arith.constant 4 : i32
      %mul3A_179 = arith.muli %scan3A_105, %mul3A_178 : i32
      %add3A_180 = arith.constant 2 : i32
      %add3A_181 = arith.addi %mul3A_179, %add3A_180 : i32
      %dma_wait3A_182 = arith.constant 2 : i32
      %dma_wait3A_183 = arith.constant 0 : i32
      %dma_wait3A_184 = arith.constant 0 : i32
      %dma_wait3A_185 = tpu.memref_slice %arg10[%dma_wait3A_182, %dma_wait3A_183, %dma_wait3A_184] : memref<4x128x64xf32, #tpu.memory_space<vmem>> -> memref<1x128x64xf32, #tpu.memory_space<vmem>>
      %dma_wait3A_186 = tpu.memref_squeeze %dma_wait3A_185 : memref<1x128x64xf32, #tpu.memory_space<vmem>> -> memref<128x64xf32, #tpu.memory_space<vmem>>
      %dma_wait3A_187 = arith.constant 0 : i32
      %dma_wait3A_188 = tpu.memref_slice %arg7[%add3A_181, %dma_wait3A_187] : memref<160x128xi32, #tpu.memory_space<vmem>> -> memref<1x128xi32, #tpu.memory_space<vmem>>
      %dma_wait3A_189 = tpu.memref_squeeze %dma_wait3A_188 : memref<1x128xi32, #tpu.memory_space<vmem>> -> memref<128xi32, #tpu.memory_space<vmem>>
      %dma_wait3A_190 = arith.constant 0 : i32
      %dma_wait3A_191 = arith.constant 0 : i32
      %dma_wait3A_192 = tpu.memref_slice %arg2[%dma_wait3A_190, %dma_wait3A_191] : memref<20480x64xf32, #tpu.memory_space<hbm>> -> memref<20480x64xf32, #tpu.memory_space<hbm>>
      tpu.wait_indirect_dma semaphore(%arg15 : memref<!tpu.dma_semaphore, #tpu.memory_space<semaphore_mem>>) src(%dma_wait3A_192 : memref<20480x64xf32, #tpu.memory_space<hbm>>) dst(%dma_wait3A_186 : memref<128x64xf32, #tpu.memory_space<vmem>>)
      %dma_start3A_193 = arith.constant 2 : i32
      %dma_start3A_194 = arith.constant 0 : i32
      %dma_start3A_195 = arith.constant 0 : i32
      %dma_start3A_196 = tpu.memref_slice %arg10[%dma_start3A_193, %dma_start3A_194, %dma_start3A_195] : memref<4x128x64xf32, #tpu.memory_space<vmem>> -> memref<1x128x64xf32, #tpu.memory_space<vmem>>
      %dma_start3A_197 = tpu.memref_squeeze %dma_start3A_196 : memref<1x128x64xf32, #tpu.memory_space<vmem>> -> memref<128x64xf32, #tpu.memory_space<vmem>>
      %dma_start3A_198 = arith.constant 0 : i32
      %dma_start3A_199 = tpu.memref_slice %arg8[%add3A_181, %dma_start3A_198] : memref<160x128xi32, #tpu.memory_space<vmem>> -> memref<1x128xi32, #tpu.memory_space<vmem>>
      %dma_start3A_200 = tpu.memref_squeeze %dma_start3A_199 : memref<1x128xi32, #tpu.memory_space<vmem>> -> memref<128xi32, #tpu.memory_space<vmem>>
      %dma_start3A_201 = arith.constant 0 : i32
      %dma_start3A_202 = arith.constant 0 : i32
      %dma_start3A_203 = tpu.memref_slice %arg12[%dma_start3A_201, %dma_start3A_202] : memref<10368x64xf32, #tpu.memory_space<vmem_shared>> -> memref<10368x64xf32, #tpu.memory_space<vmem_shared>>
      tpu.enqueue_indirect_dma source(%dma_start3A_197 : memref<128x64xf32, #tpu.memory_space<vmem>>) target(%dma_start3A_203 : memref<10368x64xf32, #tpu.memory_space<vmem_shared>>) offsets(%dma_start3A_200 : memref<128xi32, #tpu.memory_space<vmem>>) semaphore(%arg19 : memref<!tpu.dma_semaphore, #tpu.memory_space<semaphore_mem>>) {add = true}
      %ge3A_204 = arith.constant 2 : i32
      %ge3A_205 = arith.cmpi sge, %add3A_181, %ge3A_204 : i32
      %convert_element_type3A_206 = arith.extui %ge3A_205 : i1 to i32
      %cond3A_207 = arith.constant 0 : i32
      %cond3A_208 = arith.cmpi ne, %convert_element_type3A_206, %cond3A_207 : i32
      scf.if %cond3A_208 {
        %sub3A = arith.constant 2 : i32
        %sub3A_254 = arith.subi %add3A_181, %sub3A : i32
        %dma_wait3A_255 = arith.constant 0 : i32
        %dma_wait3A_256 = arith.constant 0 : i32
        %dma_wait3A_257 = arith.constant 0 : i32
        %dma_wait3A_258 = tpu.memref_slice %arg10[%dma_wait3A_255, %dma_wait3A_256, %dma_wait3A_257] : memref<4x128x64xf32, #tpu.memory_space<vmem>> -> memref<1x128x64xf32, #tpu.memory_space<vmem>>
        %dma_wait3A_259 = tpu.memref_squeeze %dma_wait3A_258 : memref<1x128x64xf32, #tpu.memory_space<vmem>> -> memref<128x64xf32, #tpu.memory_space<vmem>>
        %dma_wait3A_260 = arith.constant 0 : i32
        %dma_wait3A_261 = tpu.memref_slice %arg8[%sub3A_254, %dma_wait3A_260] : memref<160x128xi32, #tpu.memory_space<vmem>> -> memref<1x128xi32, #tpu.memory_space<vmem>>
        %dma_wait3A_262 = tpu.memref_squeeze %dma_wait3A_261 : memref<1x128xi32, #tpu.memory_space<vmem>> -> memref<128xi32, #tpu.memory_space<vmem>>
        %dma_wait3A_263 = arith.constant 0 : i32
        %dma_wait3A_264 = arith.constant 0 : i32
        %dma_wait3A_265 = tpu.memref_slice %arg12[%dma_wait3A_263, %dma_wait3A_264] : memref<10368x64xf32, #tpu.memory_space<vmem_shared>> -> memref<10368x64xf32, #tpu.memory_space<vmem_shared>>
        tpu.wait_indirect_dma semaphore(%arg17 : memref<!tpu.dma_semaphore, #tpu.memory_space<semaphore_mem>>) src(%dma_wait3A_259 : memref<128x64xf32, #tpu.memory_space<vmem>>) dst(%dma_wait3A_265 : memref<10368x64xf32, #tpu.memory_space<vmem_shared>>)
      } else {
      }
      %add3A_209 = arith.constant 2 : i32
      %add3A_210 = arith.addi %add3A_181, %add3A_209 : i32
      %lt3A_211 = arith.constant 160 : i32
      %lt3A_212 = arith.cmpi slt, %add3A_210, %lt3A_211 : i32
      %convert_element_type3A_213 = arith.extui %lt3A_212 : i1 to i32
      %cond3A_214 = arith.constant 0 : i32
      %cond3A_215 = arith.cmpi ne, %convert_element_type3A_213, %cond3A_214 : i32
      scf.if %cond3A_215 {
        %add3A_254 = arith.constant 2 : i32
        %add3A_255 = arith.addi %add3A_181, %add3A_254 : i32
        %dma_start3A_256 = arith.constant 0 : i32
        %dma_start3A_257 = arith.constant 0 : i32
        %dma_start3A_258 = arith.constant 0 : i32
        %dma_start3A_259 = tpu.memref_slice %arg10[%dma_start3A_256, %dma_start3A_257, %dma_start3A_258] : memref<4x128x64xf32, #tpu.memory_space<vmem>> -> memref<1x128x64xf32, #tpu.memory_space<vmem>>
        %dma_start3A_260 = tpu.memref_squeeze %dma_start3A_259 : memref<1x128x64xf32, #tpu.memory_space<vmem>> -> memref<128x64xf32, #tpu.memory_space<vmem>>
        %dma_start3A_261 = arith.constant 0 : i32
        %dma_start3A_262 = tpu.memref_slice %arg7[%add3A_255, %dma_start3A_261] : memref<160x128xi32, #tpu.memory_space<vmem>> -> memref<1x128xi32, #tpu.memory_space<vmem>>
        %dma_start3A_263 = tpu.memref_squeeze %dma_start3A_262 : memref<1x128xi32, #tpu.memory_space<vmem>> -> memref<128xi32, #tpu.memory_space<vmem>>
        %dma_start3A_264 = arith.constant 0 : i32
        %dma_start3A_265 = arith.constant 0 : i32
        %dma_start3A_266 = tpu.memref_slice %arg2[%dma_start3A_264, %dma_start3A_265] : memref<20480x64xf32, #tpu.memory_space<hbm>> -> memref<20480x64xf32, #tpu.memory_space<hbm>>
        tpu.enqueue_indirect_dma source(%dma_start3A_266 : memref<20480x64xf32, #tpu.memory_space<hbm>>) target(%dma_start3A_260 : memref<128x64xf32, #tpu.memory_space<vmem>>) offsets(%dma_start3A_263 : memref<128xi32, #tpu.memory_space<vmem>>) semaphore(%arg13 : memref<!tpu.dma_semaphore, #tpu.memory_space<semaphore_mem>>)
      } else {
      }
      %mul3A_216 = arith.constant 4 : i32
      %mul3A_217 = arith.muli %scan3A_105, %mul3A_216 : i32
      %add3A_218 = arith.constant 3 : i32
      %add3A_219 = arith.addi %mul3A_217, %add3A_218 : i32
      %dma_wait3A_220 = arith.constant 3 : i32
      %dma_wait3A_221 = arith.constant 0 : i32
      %dma_wait3A_222 = arith.constant 0 : i32
      %dma_wait3A_223 = tpu.memref_slice %arg10[%dma_wait3A_220, %dma_wait3A_221, %dma_wait3A_222] : memref<4x128x64xf32, #tpu.memory_space<vmem>> -> memref<1x128x64xf32, #tpu.memory_space<vmem>>
      %dma_wait3A_224 = tpu.memref_squeeze %dma_wait3A_223 : memref<1x128x64xf32, #tpu.memory_space<vmem>> -> memref<128x64xf32, #tpu.memory_space<vmem>>
      %dma_wait3A_225 = arith.constant 0 : i32
      %dma_wait3A_226 = tpu.memref_slice %arg7[%add3A_219, %dma_wait3A_225] : memref<160x128xi32, #tpu.memory_space<vmem>> -> memref<1x128xi32, #tpu.memory_space<vmem>>
      %dma_wait3A_227 = tpu.memref_squeeze %dma_wait3A_226 : memref<1x128xi32, #tpu.memory_space<vmem>> -> memref<128xi32, #tpu.memory_space<vmem>>
      %dma_wait3A_228 = arith.constant 0 : i32
      %dma_wait3A_229 = arith.constant 0 : i32
      %dma_wait3A_230 = tpu.memref_slice %arg2[%dma_wait3A_228, %dma_wait3A_229] : memref<20480x64xf32, #tpu.memory_space<hbm>> -> memref<20480x64xf32, #tpu.memory_space<hbm>>
      tpu.wait_indirect_dma semaphore(%arg16 : memref<!tpu.dma_semaphore, #tpu.memory_space<semaphore_mem>>) src(%dma_wait3A_230 : memref<20480x64xf32, #tpu.memory_space<hbm>>) dst(%dma_wait3A_224 : memref<128x64xf32, #tpu.memory_space<vmem>>)
      %dma_start3A_231 = arith.constant 3 : i32
      %dma_start3A_232 = arith.constant 0 : i32
      %dma_start3A_233 = arith.constant 0 : i32
      %dma_start3A_234 = tpu.memref_slice %arg10[%dma_start3A_231, %dma_start3A_232, %dma_start3A_233] : memref<4x128x64xf32, #tpu.memory_space<vmem>> -> memref<1x128x64xf32, #tpu.memory_space<vmem>>
      %dma_start3A_235 = tpu.memref_squeeze %dma_start3A_234 : memref<1x128x64xf32, #tpu.memory_space<vmem>> -> memref<128x64xf32, #tpu.memory_space<vmem>>
      %dma_start3A_236 = arith.constant 0 : i32
      %dma_start3A_237 = tpu.memref_slice %arg8[%add3A_219, %dma_start3A_236] : memref<160x128xi32, #tpu.memory_space<vmem>> -> memref<1x128xi32, #tpu.memory_space<vmem>>
      %dma_start3A_238 = tpu.memref_squeeze %dma_start3A_237 : memref<1x128xi32, #tpu.memory_space<vmem>> -> memref<128xi32, #tpu.memory_space<vmem>>
      %dma_start3A_239 = arith.constant 0 : i32
      %dma_start3A_240 = arith.constant 0 : i32
      %dma_start3A_241 = tpu.memref_slice %arg12[%dma_start3A_239, %dma_start3A_240] : memref<10368x64xf32, #tpu.memory_space<vmem_shared>> -> memref<10368x64xf32, #tpu.memory_space<vmem_shared>>
      tpu.enqueue_indirect_dma source(%dma_start3A_235 : memref<128x64xf32, #tpu.memory_space<vmem>>) target(%dma_start3A_241 : memref<10368x64xf32, #tpu.memory_space<vmem_shared>>) offsets(%dma_start3A_238 : memref<128xi32, #tpu.memory_space<vmem>>) semaphore(%arg20 : memref<!tpu.dma_semaphore, #tpu.memory_space<semaphore_mem>>) {add = true}
      %ge3A_242 = arith.constant 2 : i32
      %ge3A_243 = arith.cmpi sge, %add3A_219, %ge3A_242 : i32
      %convert_element_type3A_244 = arith.extui %ge3A_243 : i1 to i32
      %cond3A_245 = arith.constant 0 : i32
      %cond3A_246 = arith.cmpi ne, %convert_element_type3A_244, %cond3A_245 : i32
      scf.if %cond3A_246 {
        %sub3A = arith.constant 2 : i32
        %sub3A_254 = arith.subi %add3A_219, %sub3A : i32
        %dma_wait3A_255 = arith.constant 1 : i32
        %dma_wait3A_256 = arith.constant 0 : i32
        %dma_wait3A_257 = arith.constant 0 : i32
        %dma_wait3A_258 = tpu.memref_slice %arg10[%dma_wait3A_255, %dma_wait3A_256, %dma_wait3A_257] : memref<4x128x64xf32, #tpu.memory_space<vmem>> -> memref<1x128x64xf32, #tpu.memory_space<vmem>>
        %dma_wait3A_259 = tpu.memref_squeeze %dma_wait3A_258 : memref<1x128x64xf32, #tpu.memory_space<vmem>> -> memref<128x64xf32, #tpu.memory_space<vmem>>
        %dma_wait3A_260 = arith.constant 0 : i32
        %dma_wait3A_261 = tpu.memref_slice %arg8[%sub3A_254, %dma_wait3A_260] : memref<160x128xi32, #tpu.memory_space<vmem>> -> memref<1x128xi32, #tpu.memory_space<vmem>>
        %dma_wait3A_262 = tpu.memref_squeeze %dma_wait3A_261 : memref<1x128xi32, #tpu.memory_space<vmem>> -> memref<128xi32, #tpu.memory_space<vmem>>
        %dma_wait3A_263 = arith.constant 0 : i32
        %dma_wait3A_264 = arith.constant 0 : i32
        %dma_wait3A_265 = tpu.memref_slice %arg12[%dma_wait3A_263, %dma_wait3A_264] : memref<10368x64xf32, #tpu.memory_space<vmem_shared>> -> memref<10368x64xf32, #tpu.memory_space<vmem_shared>>
        tpu.wait_indirect_dma semaphore(%arg18 : memref<!tpu.dma_semaphore, #tpu.memory_space<semaphore_mem>>) src(%dma_wait3A_259 : memref<128x64xf32, #tpu.memory_space<vmem>>) dst(%dma_wait3A_265 : memref<10368x64xf32, #tpu.memory_space<vmem_shared>>)
      } else {
      }
      %add3A_247 = arith.constant 2 : i32
      %add3A_248 = arith.addi %add3A_219, %add3A_247 : i32
      %lt3A_249 = arith.constant 160 : i32
      %lt3A_250 = arith.cmpi slt, %add3A_248, %lt3A_249 : i32
      %convert_element_type3A_251 = arith.extui %lt3A_250 : i1 to i32
      %cond3A_252 = arith.constant 0 : i32
      %cond3A_253 = arith.cmpi ne, %convert_element_type3A_251, %cond3A_252 : i32
      scf.if %cond3A_253 {
        %add3A_254 = arith.constant 2 : i32
        %add3A_255 = arith.addi %add3A_219, %add3A_254 : i32
        %dma_start3A_256 = arith.constant 1 : i32
        %dma_start3A_257 = arith.constant 0 : i32
        %dma_start3A_258 = arith.constant 0 : i32
        %dma_start3A_259 = tpu.memref_slice %arg10[%dma_start3A_256, %dma_start3A_257, %dma_start3A_258] : memref<4x128x64xf32, #tpu.memory_space<vmem>> -> memref<1x128x64xf32, #tpu.memory_space<vmem>>
        %dma_start3A_260 = tpu.memref_squeeze %dma_start3A_259 : memref<1x128x64xf32, #tpu.memory_space<vmem>> -> memref<128x64xf32, #tpu.memory_space<vmem>>
        %dma_start3A_261 = arith.constant 0 : i32
        %dma_start3A_262 = tpu.memref_slice %arg7[%add3A_255, %dma_start3A_261] : memref<160x128xi32, #tpu.memory_space<vmem>> -> memref<1x128xi32, #tpu.memory_space<vmem>>
        %dma_start3A_263 = tpu.memref_squeeze %dma_start3A_262 : memref<1x128xi32, #tpu.memory_space<vmem>> -> memref<128xi32, #tpu.memory_space<vmem>>
        %dma_start3A_264 = arith.constant 0 : i32
        %dma_start3A_265 = arith.constant 0 : i32
        %dma_start3A_266 = tpu.memref_slice %arg2[%dma_start3A_264, %dma_start3A_265] : memref<20480x64xf32, #tpu.memory_space<hbm>> -> memref<20480x64xf32, #tpu.memory_space<hbm>>
        tpu.enqueue_indirect_dma source(%dma_start3A_266 : memref<20480x64xf32, #tpu.memory_space<hbm>>) target(%dma_start3A_260 : memref<128x64xf32, #tpu.memory_space<vmem>>) offsets(%dma_start3A_263 : memref<128xi32, #tpu.memory_space<vmem>>) semaphore(%arg14 : memref<!tpu.dma_semaphore, #tpu.memory_space<semaphore_mem>>)
      } else {
      }
    }
    %scan3A_56 = arith.constant 40 : i32
    %dma_wait3A = arith.constant 2 : i32
    %dma_wait3A_57 = arith.constant 158 : i32
    %dma_wait3A_58 = arith.constant 0 : i32
    %dma_wait3A_59 = arith.constant 0 : i32
    %dma_wait3A_60 = tpu.memref_slice %arg10[%dma_wait3A, %dma_wait3A_58, %dma_wait3A_59] : memref<4x128x64xf32, #tpu.memory_space<vmem>> -> memref<1x128x64xf32, #tpu.memory_space<vmem>>
    %dma_wait3A_61 = tpu.memref_squeeze %dma_wait3A_60 : memref<1x128x64xf32, #tpu.memory_space<vmem>> -> memref<128x64xf32, #tpu.memory_space<vmem>>
    %dma_wait3A_62 = arith.constant 0 : i32
    %dma_wait3A_63 = tpu.memref_slice %arg8[%dma_wait3A_57, %dma_wait3A_62] : memref<160x128xi32, #tpu.memory_space<vmem>> -> memref<1x128xi32, #tpu.memory_space<vmem>>
    %dma_wait3A_64 = tpu.memref_squeeze %dma_wait3A_63 : memref<1x128xi32, #tpu.memory_space<vmem>> -> memref<128xi32, #tpu.memory_space<vmem>>
    %dma_wait3A_65 = arith.constant 0 : i32
    %dma_wait3A_66 = arith.constant 0 : i32
    %dma_wait3A_67 = tpu.memref_slice %arg12[%dma_wait3A_65, %dma_wait3A_66] : memref<10368x64xf32, #tpu.memory_space<vmem_shared>> -> memref<10368x64xf32, #tpu.memory_space<vmem_shared>>
    tpu.wait_indirect_dma semaphore(%arg19 : memref<!tpu.dma_semaphore, #tpu.memory_space<semaphore_mem>>) src(%dma_wait3A_61 : memref<128x64xf32, #tpu.memory_space<vmem>>) dst(%dma_wait3A_67 : memref<10368x64xf32, #tpu.memory_space<vmem_shared>>)
    %dma_wait3A_68 = arith.constant 3 : i32
    %dma_wait3A_69 = arith.constant 159 : i32
    %dma_wait3A_70 = arith.constant 0 : i32
    %dma_wait3A_71 = arith.constant 0 : i32
    %dma_wait3A_72 = tpu.memref_slice %arg10[%dma_wait3A_68, %dma_wait3A_70, %dma_wait3A_71] : memref<4x128x64xf32, #tpu.memory_space<vmem>> -> memref<1x128x64xf32, #tpu.memory_space<vmem>>
    %dma_wait3A_73 = tpu.memref_squeeze %dma_wait3A_72 : memref<1x128x64xf32, #tpu.memory_space<vmem>> -> memref<128x64xf32, #tpu.memory_space<vmem>>
    %dma_wait3A_74 = arith.constant 0 : i32
    %dma_wait3A_75 = tpu.memref_slice %arg8[%dma_wait3A_69, %dma_wait3A_74] : memref<160x128xi32, #tpu.memory_space<vmem>> -> memref<1x128xi32, #tpu.memory_space<vmem>>
    %dma_wait3A_76 = tpu.memref_squeeze %dma_wait3A_75 : memref<1x128xi32, #tpu.memory_space<vmem>> -> memref<128xi32, #tpu.memory_space<vmem>>
    %dma_wait3A_77 = arith.constant 0 : i32
    %dma_wait3A_78 = arith.constant 0 : i32
    %dma_wait3A_79 = tpu.memref_slice %arg12[%dma_wait3A_77, %dma_wait3A_78] : memref<10368x64xf32, #tpu.memory_space<vmem_shared>> -> memref<10368x64xf32, #tpu.memory_space<vmem_shared>>
    tpu.wait_indirect_dma semaphore(%arg20 : memref<!tpu.dma_semaphore, #tpu.memory_space<semaphore_mem>>) src(%dma_wait3A_73 : memref<128x64xf32, #tpu.memory_space<vmem>>) dst(%dma_wait3A_79 : memref<10368x64xf32, #tpu.memory_space<vmem_shared>>)
    %barrier3A_80 = arith.constant 0 : index
    tpu.barrier barrier_id(%barrier3A_80)
    %mul3A_81 = arith.constant 640 : i32
    %mul3A_82 = arith.muli %arg1, %mul3A_81 : i32
    %add3A_83 = arith.constant 0 : i32
    %add3A_84 = arith.addi %mul3A_82, %add3A_83 : i32
    "tpu.region"() ({
      %run_scoped3A_105 = tpu.sem_alloc : memref<!tpu.dma_semaphore, #tpu.memory_space<semaphore_mem>>
      %dma_start3A_106 = arith.constant 0 : i32
      %dma_start3A_107 = tpu.memref_slice %arg12[%add3A_84, %dma_start3A_106] : memref<10368x64xf32, #tpu.memory_space<vmem_shared>> -> memref<128x64xf32, #tpu.memory_space<vmem_shared>>
      %dma_start3A_108 = arith.constant 0 : i32
      %dma_start3A_109 = tpu.memref_slice %arg12[%add3A_84, %dma_start3A_108] : memref<10368x64xf32, #tpu.memory_space<vmem_shared>> -> memref<128x64xf32, #tpu.memory_space<vmem_shared>>
      tpu.enqueue_dma source(%dma_start3A_109 : memref<128x64xf32, #tpu.memory_space<vmem_shared>>) target(%arg11 : memref<128x64xf32, #tpu.memory_space<vmem>>) target_semaphore(%run_scoped3A_105 : memref<!tpu.dma_semaphore, #tpu.memory_space<semaphore_mem>>)
      %dma_wait3A_110 = arith.constant 0 : i32
      %dma_wait3A_111 = tpu.memref_slice %arg12[%add3A_84, %dma_wait3A_110] : memref<10368x64xf32, #tpu.memory_space<vmem_shared>> -> memref<128x64xf32, #tpu.memory_space<vmem_shared>>
      %dma_wait3A_112 = arith.constant 0 : i32
      %dma_wait3A_113 = tpu.memref_slice %arg12[%add3A_84, %dma_wait3A_112] : memref<10368x64xf32, #tpu.memory_space<vmem_shared>> -> memref<128x64xf32, #tpu.memory_space<vmem_shared>>
      tpu.wait_dma2 semaphore(%run_scoped3A_105 : memref<!tpu.dma_semaphore, #tpu.memory_space<semaphore_mem>>) src(%dma_wait3A_113 : memref<128x64xf32, #tpu.memory_space<vmem_shared>>) dst(%arg11 : memref<128x64xf32, #tpu.memory_space<vmem>>)
      tpu.yield
    }) : () -> ()
    %run_scoped3A = arith.constant 0 : i32
    "tpu.region"() ({
      %run_scoped3A_105 = tpu.sem_alloc : memref<!tpu.dma_semaphore, #tpu.memory_space<semaphore_mem>>
      %dma_start3A_106 = arith.constant 0 : i32
      %dma_start3A_107 = tpu.memref_slice %arg9[%run_scoped3A, %dma_start3A_106] : memref<5x128xi32, #tpu.memory_space<vmem>> -> memref<1x128xi32, #tpu.memory_space<vmem>>
      %dma_start3A_108 = tpu.memref_squeeze %dma_start3A_107 : memref<1x128xi32, #tpu.memory_space<vmem>> -> memref<128xi32, #tpu.memory_space<vmem>>
      %dma_start3A_109 = arith.constant 0 : i32
      %dma_start3A_110 = arith.constant 0 : i32
      %dma_start3A_111 = tpu.memref_slice %arg6[%dma_start3A_109, %dma_start3A_110] : memref<20480x64xf32, #tpu.memory_space<hbm>> -> memref<20480x64xf32, #tpu.memory_space<hbm>>
      tpu.enqueue_indirect_dma source(%arg11 : memref<128x64xf32, #tpu.memory_space<vmem>>) target(%dma_start3A_111 : memref<20480x64xf32, #tpu.memory_space<hbm>>) offsets(%dma_start3A_108 : memref<128xi32, #tpu.memory_space<vmem>>) semaphore(%run_scoped3A_105 : memref<!tpu.dma_semaphore, #tpu.memory_space<semaphore_mem>>)
      %dma_wait3A_112 = arith.constant 0 : i32
      %dma_wait3A_113 = tpu.memref_slice %arg9[%run_scoped3A, %dma_wait3A_112] : memref<5x128xi32, #tpu.memory_space<vmem>> -> memref<1x128xi32, #tpu.memory_space<vmem>>
      %dma_wait3A_114 = tpu.memref_squeeze %dma_wait3A_113 : memref<1x128xi32, #tpu.memory_space<vmem>> -> memref<128xi32, #tpu.memory_space<vmem>>
      %dma_wait3A_115 = arith.constant 0 : i32
      %dma_wait3A_116 = arith.constant 0 : i32
      %dma_wait3A_117 = tpu.memref_slice %arg6[%dma_wait3A_115, %dma_wait3A_116] : memref<20480x64xf32, #tpu.memory_space<hbm>> -> memref<20480x64xf32, #tpu.memory_space<hbm>>
      tpu.wait_indirect_dma semaphore(%run_scoped3A_105 : memref<!tpu.dma_semaphore, #tpu.memory_space<semaphore_mem>>) src(%arg11 : memref<128x64xf32, #tpu.memory_space<vmem>>) dst(%dma_wait3A_117 : memref<20480x64xf32, #tpu.memory_space<hbm>>)
      tpu.yield
    }) : () -> ()
    %mul3A_85 = arith.constant 640 : i32
    %mul3A_86 = arith.muli %arg1, %mul3A_85 : i32
    %add3A_87 = arith.constant 128 : i32
    %add3A_88 = arith.addi %mul3A_86, %add3A_87 : i32
    "tpu.region"() ({
      %run_scoped3A_105 = tpu.sem_alloc : memref<!tpu.dma_semaphore, #tpu.memory_space<semaphore_mem>>
      %dma_start3A_106 = arith.constant 0 : i32
      %dma_start3A_107 = tpu.memref_slice %arg12[%add3A_88, %dma_start3A_106] : memref<10368x64xf32, #tpu.memory_space<vmem_shared>> -> memref<128x64xf32, #tpu.memory_space<vmem_shared>>
      %dma_start3A_108 = arith.constant 0 : i32
      %dma_start3A_109 = tpu.memref_slice %arg12[%add3A_88, %dma_start3A_108] : memref<10368x64xf32, #tpu.memory_space<vmem_shared>> -> memref<128x64xf32, #tpu.memory_space<vmem_shared>>
      tpu.enqueue_dma source(%dma_start3A_109 : memref<128x64xf32, #tpu.memory_space<vmem_shared>>) target(%arg11 : memref<128x64xf32, #tpu.memory_space<vmem>>) target_semaphore(%run_scoped3A_105 : memref<!tpu.dma_semaphore, #tpu.memory_space<semaphore_mem>>)
      %dma_wait3A_110 = arith.constant 0 : i32
      %dma_wait3A_111 = tpu.memref_slice %arg12[%add3A_88, %dma_wait3A_110] : memref<10368x64xf32, #tpu.memory_space<vmem_shared>> -> memref<128x64xf32, #tpu.memory_space<vmem_shared>>
      %dma_wait3A_112 = arith.constant 0 : i32
      %dma_wait3A_113 = tpu.memref_slice %arg12[%add3A_88, %dma_wait3A_112] : memref<10368x64xf32, #tpu.memory_space<vmem_shared>> -> memref<128x64xf32, #tpu.memory_space<vmem_shared>>
      tpu.wait_dma2 semaphore(%run_scoped3A_105 : memref<!tpu.dma_semaphore, #tpu.memory_space<semaphore_mem>>) src(%dma_wait3A_113 : memref<128x64xf32, #tpu.memory_space<vmem_shared>>) dst(%arg11 : memref<128x64xf32, #tpu.memory_space<vmem>>)
      tpu.yield
    }) : () -> ()
    %run_scoped3A_89 = arith.constant 1 : i32
    "tpu.region"() ({
      %run_scoped3A_105 = tpu.sem_alloc : memref<!tpu.dma_semaphore, #tpu.memory_space<semaphore_mem>>
      %dma_start3A_106 = arith.constant 0 : i32
      %dma_start3A_107 = tpu.memref_slice %arg9[%run_scoped3A_89, %dma_start3A_106] : memref<5x128xi32, #tpu.memory_space<vmem>> -> memref<1x128xi32, #tpu.memory_space<vmem>>
      %dma_start3A_108 = tpu.memref_squeeze %dma_start3A_107 : memref<1x128xi32, #tpu.memory_space<vmem>> -> memref<128xi32, #tpu.memory_space<vmem>>
      %dma_start3A_109 = arith.constant 0 : i32
      %dma_start3A_110 = arith.constant 0 : i32
      %dma_start3A_111 = tpu.memref_slice %arg6[%dma_start3A_109, %dma_start3A_110] : memref<20480x64xf32, #tpu.memory_space<hbm>> -> memref<20480x64xf32, #tpu.memory_space<hbm>>
      tpu.enqueue_indirect_dma source(%arg11 : memref<128x64xf32, #tpu.memory_space<vmem>>) target(%dma_start3A_111 : memref<20480x64xf32, #tpu.memory_space<hbm>>) offsets(%dma_start3A_108 : memref<128xi32, #tpu.memory_space<vmem>>) semaphore(%run_scoped3A_105 : memref<!tpu.dma_semaphore, #tpu.memory_space<semaphore_mem>>)
      %dma_wait3A_112 = arith.constant 0 : i32
      %dma_wait3A_113 = tpu.memref_slice %arg9[%run_scoped3A_89, %dma_wait3A_112] : memref<5x128xi32, #tpu.memory_space<vmem>> -> memref<1x128xi32, #tpu.memory_space<vmem>>
      %dma_wait3A_114 = tpu.memref_squeeze %dma_wait3A_113 : memref<1x128xi32, #tpu.memory_space<vmem>> -> memref<128xi32, #tpu.memory_space<vmem>>
      %dma_wait3A_115 = arith.constant 0 : i32
      %dma_wait3A_116 = arith.constant 0 : i32
      %dma_wait3A_117 = tpu.memref_slice %arg6[%dma_wait3A_115, %dma_wait3A_116] : memref<20480x64xf32, #tpu.memory_space<hbm>> -> memref<20480x64xf32, #tpu.memory_space<hbm>>
      tpu.wait_indirect_dma semaphore(%run_scoped3A_105 : memref<!tpu.dma_semaphore, #tpu.memory_space<semaphore_mem>>) src(%arg11 : memref<128x64xf32, #tpu.memory_space<vmem>>) dst(%dma_wait3A_117 : memref<20480x64xf32, #tpu.memory_space<hbm>>)
      tpu.yield
    }) : () -> ()
    %mul3A_90 = arith.constant 640 : i32
    %mul3A_91 = arith.muli %arg1, %mul3A_90 : i32
    %add3A_92 = arith.constant 256 : i32
    %add3A_93 = arith.addi %mul3A_91, %add3A_92 : i32
    "tpu.region"() ({
      %run_scoped3A_105 = tpu.sem_alloc : memref<!tpu.dma_semaphore, #tpu.memory_space<semaphore_mem>>
      %dma_start3A_106 = arith.constant 0 : i32
      %dma_start3A_107 = tpu.memref_slice %arg12[%add3A_93, %dma_start3A_106] : memref<10368x64xf32, #tpu.memory_space<vmem_shared>> -> memref<128x64xf32, #tpu.memory_space<vmem_shared>>
      %dma_start3A_108 = arith.constant 0 : i32
      %dma_start3A_109 = tpu.memref_slice %arg12[%add3A_93, %dma_start3A_108] : memref<10368x64xf32, #tpu.memory_space<vmem_shared>> -> memref<128x64xf32, #tpu.memory_space<vmem_shared>>
      tpu.enqueue_dma source(%dma_start3A_109 : memref<128x64xf32, #tpu.memory_space<vmem_shared>>) target(%arg11 : memref<128x64xf32, #tpu.memory_space<vmem>>) target_semaphore(%run_scoped3A_105 : memref<!tpu.dma_semaphore, #tpu.memory_space<semaphore_mem>>)
      %dma_wait3A_110 = arith.constant 0 : i32
      %dma_wait3A_111 = tpu.memref_slice %arg12[%add3A_93, %dma_wait3A_110] : memref<10368x64xf32, #tpu.memory_space<vmem_shared>> -> memref<128x64xf32, #tpu.memory_space<vmem_shared>>
      %dma_wait3A_112 = arith.constant 0 : i32
      %dma_wait3A_113 = tpu.memref_slice %arg12[%add3A_93, %dma_wait3A_112] : memref<10368x64xf32, #tpu.memory_space<vmem_shared>> -> memref<128x64xf32, #tpu.memory_space<vmem_shared>>
      tpu.wait_dma2 semaphore(%run_scoped3A_105 : memref<!tpu.dma_semaphore, #tpu.memory_space<semaphore_mem>>) src(%dma_wait3A_113 : memref<128x64xf32, #tpu.memory_space<vmem_shared>>) dst(%arg11 : memref<128x64xf32, #tpu.memory_space<vmem>>)
      tpu.yield
    }) : () -> ()
    %run_scoped3A_94 = arith.constant 2 : i32
    "tpu.region"() ({
      %run_scoped3A_105 = tpu.sem_alloc : memref<!tpu.dma_semaphore, #tpu.memory_space<semaphore_mem>>
      %dma_start3A_106 = arith.constant 0 : i32
      %dma_start3A_107 = tpu.memref_slice %arg9[%run_scoped3A_94, %dma_start3A_106] : memref<5x128xi32, #tpu.memory_space<vmem>> -> memref<1x128xi32, #tpu.memory_space<vmem>>
      %dma_start3A_108 = tpu.memref_squeeze %dma_start3A_107 : memref<1x128xi32, #tpu.memory_space<vmem>> -> memref<128xi32, #tpu.memory_space<vmem>>
      %dma_start3A_109 = arith.constant 0 : i32
      %dma_start3A_110 = arith.constant 0 : i32
      %dma_start3A_111 = tpu.memref_slice %arg6[%dma_start3A_109, %dma_start3A_110] : memref<20480x64xf32, #tpu.memory_space<hbm>> -> memref<20480x64xf32, #tpu.memory_space<hbm>>
      tpu.enqueue_indirect_dma source(%arg11 : memref<128x64xf32, #tpu.memory_space<vmem>>) target(%dma_start3A_111 : memref<20480x64xf32, #tpu.memory_space<hbm>>) offsets(%dma_start3A_108 : memref<128xi32, #tpu.memory_space<vmem>>) semaphore(%run_scoped3A_105 : memref<!tpu.dma_semaphore, #tpu.memory_space<semaphore_mem>>)
      %dma_wait3A_112 = arith.constant 0 : i32
      %dma_wait3A_113 = tpu.memref_slice %arg9[%run_scoped3A_94, %dma_wait3A_112] : memref<5x128xi32, #tpu.memory_space<vmem>> -> memref<1x128xi32, #tpu.memory_space<vmem>>
      %dma_wait3A_114 = tpu.memref_squeeze %dma_wait3A_113 : memref<1x128xi32, #tpu.memory_space<vmem>> -> memref<128xi32, #tpu.memory_space<vmem>>
      %dma_wait3A_115 = arith.constant 0 : i32
      %dma_wait3A_116 = arith.constant 0 : i32
      %dma_wait3A_117 = tpu.memref_slice %arg6[%dma_wait3A_115, %dma_wait3A_116] : memref<20480x64xf32, #tpu.memory_space<hbm>> -> memref<20480x64xf32, #tpu.memory_space<hbm>>
      tpu.wait_indirect_dma semaphore(%run_scoped3A_105 : memref<!tpu.dma_semaphore, #tpu.memory_space<semaphore_mem>>) src(%arg11 : memref<128x64xf32, #tpu.memory_space<vmem>>) dst(%dma_wait3A_117 : memref<20480x64xf32, #tpu.memory_space<hbm>>)
      tpu.yield
    }) : () -> ()
    %mul3A_95 = arith.constant 640 : i32
    %mul3A_96 = arith.muli %arg1, %mul3A_95 : i32
    %add3A_97 = arith.constant 384 : i32
    %add3A_98 = arith.addi %mul3A_96, %add3A_97 : i32
    "tpu.region"() ({
      %run_scoped3A_105 = tpu.sem_alloc : memref<!tpu.dma_semaphore, #tpu.memory_space<semaphore_mem>>
      %dma_start3A_106 = arith.constant 0 : i32
      %dma_start3A_107 = tpu.memref_slice %arg12[%add3A_98, %dma_start3A_106] : memref<10368x64xf32, #tpu.memory_space<vmem_shared>> -> memref<128x64xf32, #tpu.memory_space<vmem_shared>>
      %dma_start3A_108 = arith.constant 0 : i32
      %dma_start3A_109 = tpu.memref_slice %arg12[%add3A_98, %dma_start3A_108] : memref<10368x64xf32, #tpu.memory_space<vmem_shared>> -> memref<128x64xf32, #tpu.memory_space<vmem_shared>>
      tpu.enqueue_dma source(%dma_start3A_109 : memref<128x64xf32, #tpu.memory_space<vmem_shared>>) target(%arg11 : memref<128x64xf32, #tpu.memory_space<vmem>>) target_semaphore(%run_scoped3A_105 : memref<!tpu.dma_semaphore, #tpu.memory_space<semaphore_mem>>)
      %dma_wait3A_110 = arith.constant 0 : i32
      %dma_wait3A_111 = tpu.memref_slice %arg12[%add3A_98, %dma_wait3A_110] : memref<10368x64xf32, #tpu.memory_space<vmem_shared>> -> memref<128x64xf32, #tpu.memory_space<vmem_shared>>
      %dma_wait3A_112 = arith.constant 0 : i32
      %dma_wait3A_113 = tpu.memref_slice %arg12[%add3A_98, %dma_wait3A_112] : memref<10368x64xf32, #tpu.memory_space<vmem_shared>> -> memref<128x64xf32, #tpu.memory_space<vmem_shared>>
      tpu.wait_dma2 semaphore(%run_scoped3A_105 : memref<!tpu.dma_semaphore, #tpu.memory_space<semaphore_mem>>) src(%dma_wait3A_113 : memref<128x64xf32, #tpu.memory_space<vmem_shared>>) dst(%arg11 : memref<128x64xf32, #tpu.memory_space<vmem>>)
      tpu.yield
    }) : () -> ()
    %run_scoped3A_99 = arith.constant 3 : i32
    "tpu.region"() ({
      %run_scoped3A_105 = tpu.sem_alloc : memref<!tpu.dma_semaphore, #tpu.memory_space<semaphore_mem>>
      %dma_start3A_106 = arith.constant 0 : i32
      %dma_start3A_107 = tpu.memref_slice %arg9[%run_scoped3A_99, %dma_start3A_106] : memref<5x128xi32, #tpu.memory_space<vmem>> -> memref<1x128xi32, #tpu.memory_space<vmem>>
      %dma_start3A_108 = tpu.memref_squeeze %dma_start3A_107 : memref<1x128xi32, #tpu.memory_space<vmem>> -> memref<128xi32, #tpu.memory_space<vmem>>
      %dma_start3A_109 = arith.constant 0 : i32
      %dma_start3A_110 = arith.constant 0 : i32
      %dma_start3A_111 = tpu.memref_slice %arg6[%dma_start3A_109, %dma_start3A_110] : memref<20480x64xf32, #tpu.memory_space<hbm>> -> memref<20480x64xf32, #tpu.memory_space<hbm>>
      tpu.enqueue_indirect_dma source(%arg11 : memref<128x64xf32, #tpu.memory_space<vmem>>) target(%dma_start3A_111 : memref<20480x64xf32, #tpu.memory_space<hbm>>) offsets(%dma_start3A_108 : memref<128xi32, #tpu.memory_space<vmem>>) semaphore(%run_scoped3A_105 : memref<!tpu.dma_semaphore, #tpu.memory_space<semaphore_mem>>)
      %dma_wait3A_112 = arith.constant 0 : i32
      %dma_wait3A_113 = tpu.memref_slice %arg9[%run_scoped3A_99, %dma_wait3A_112] : memref<5x128xi32, #tpu.memory_space<vmem>> -> memref<1x128xi32, #tpu.memory_space<vmem>>
      %dma_wait3A_114 = tpu.memref_squeeze %dma_wait3A_113 : memref<1x128xi32, #tpu.memory_space<vmem>> -> memref<128xi32, #tpu.memory_space<vmem>>
      %dma_wait3A_115 = arith.constant 0 : i32
      %dma_wait3A_116 = arith.constant 0 : i32
      %dma_wait3A_117 = tpu.memref_slice %arg6[%dma_wait3A_115, %dma_wait3A_116] : memref<20480x64xf32, #tpu.memory_space<hbm>> -> memref<20480x64xf32, #tpu.memory_space<hbm>>
      tpu.wait_indirect_dma semaphore(%run_scoped3A_105 : memref<!tpu.dma_semaphore, #tpu.memory_space<semaphore_mem>>) src(%arg11 : memref<128x64xf32, #tpu.memory_space<vmem>>) dst(%dma_wait3A_117 : memref<20480x64xf32, #tpu.memory_space<hbm>>)
      tpu.yield
    }) : () -> ()
    %mul3A_100 = arith.constant 640 : i32
    %mul3A_101 = arith.muli %arg1, %mul3A_100 : i32
    %add3A_102 = arith.constant 512 : i32
    %add3A_103 = arith.addi %mul3A_101, %add3A_102 : i32
    "tpu.region"() ({
      %run_scoped3A_105 = tpu.sem_alloc : memref<!tpu.dma_semaphore, #tpu.memory_space<semaphore_mem>>
      %dma_start3A_106 = arith.constant 0 : i32
      %dma_start3A_107 = tpu.memref_slice %arg12[%add3A_103, %dma_start3A_106] : memref<10368x64xf32, #tpu.memory_space<vmem_shared>> -> memref<128x64xf32, #tpu.memory_space<vmem_shared>>
      %dma_start3A_108 = arith.constant 0 : i32
      %dma_start3A_109 = tpu.memref_slice %arg12[%add3A_103, %dma_start3A_108] : memref<10368x64xf32, #tpu.memory_space<vmem_shared>> -> memref<128x64xf32, #tpu.memory_space<vmem_shared>>
      tpu.enqueue_dma source(%dma_start3A_109 : memref<128x64xf32, #tpu.memory_space<vmem_shared>>) target(%arg11 : memref<128x64xf32, #tpu.memory_space<vmem>>) target_semaphore(%run_scoped3A_105 : memref<!tpu.dma_semaphore, #tpu.memory_space<semaphore_mem>>)
      %dma_wait3A_110 = arith.constant 0 : i32
      %dma_wait3A_111 = tpu.memref_slice %arg12[%add3A_103, %dma_wait3A_110] : memref<10368x64xf32, #tpu.memory_space<vmem_shared>> -> memref<128x64xf32, #tpu.memory_space<vmem_shared>>
      %dma_wait3A_112 = arith.constant 0 : i32
      %dma_wait3A_113 = tpu.memref_slice %arg12[%add3A_103, %dma_wait3A_112] : memref<10368x64xf32, #tpu.memory_space<vmem_shared>> -> memref<128x64xf32, #tpu.memory_space<vmem_shared>>
      tpu.wait_dma2 semaphore(%run_scoped3A_105 : memref<!tpu.dma_semaphore, #tpu.memory_space<semaphore_mem>>) src(%dma_wait3A_113 : memref<128x64xf32, #tpu.memory_space<vmem_shared>>) dst(%arg11 : memref<128x64xf32, #tpu.memory_space<vmem>>)
      tpu.yield
    }) : () -> ()
    %run_scoped3A_104 = arith.constant 4 : i32
    "tpu.region"() ({
      %run_scoped3A_105 = tpu.sem_alloc : memref<!tpu.dma_semaphore, #tpu.memory_space<semaphore_mem>>
      %dma_start3A_106 = arith.constant 0 : i32
      %dma_start3A_107 = tpu.memref_slice %arg9[%run_scoped3A_104, %dma_start3A_106] : memref<5x128xi32, #tpu.memory_space<vmem>> -> memref<1x128xi32, #tpu.memory_space<vmem>>
      %dma_start3A_108 = tpu.memref_squeeze %dma_start3A_107 : memref<1x128xi32, #tpu.memory_space<vmem>> -> memref<128xi32, #tpu.memory_space<vmem>>
      %dma_start3A_109 = arith.constant 0 : i32
      %dma_start3A_110 = arith.constant 0 : i32
      %dma_start3A_111 = tpu.memref_slice %arg6[%dma_start3A_109, %dma_start3A_110] : memref<20480x64xf32, #tpu.memory_space<hbm>> -> memref<20480x64xf32, #tpu.memory_space<hbm>>
      tpu.enqueue_indirect_dma source(%arg11 : memref<128x64xf32, #tpu.memory_space<vmem>>) target(%dma_start3A_111 : memref<20480x64xf32, #tpu.memory_space<hbm>>) offsets(%dma_start3A_108 : memref<128xi32, #tpu.memory_space<vmem>>) semaphore(%run_scoped3A_105 : memref<!tpu.dma_semaphore, #tpu.memory_space<semaphore_mem>>)
      %dma_wait3A_112 = arith.constant 0 : i32
      %dma_wait3A_113 = tpu.memref_slice %arg9[%run_scoped3A_104, %dma_wait3A_112] : memref<5x128xi32, #tpu.memory_space<vmem>> -> memref<1x128xi32, #tpu.memory_space<vmem>>
      %dma_wait3A_114 = tpu.memref_squeeze %dma_wait3A_113 : memref<1x128xi32, #tpu.memory_space<vmem>> -> memref<128xi32, #tpu.memory_space<vmem>>
      %dma_wait3A_115 = arith.constant 0 : i32
      %dma_wait3A_116 = arith.constant 0 : i32
      %dma_wait3A_117 = tpu.memref_slice %arg6[%dma_wait3A_115, %dma_wait3A_116] : memref<20480x64xf32, #tpu.memory_space<hbm>> -> memref<20480x64xf32, #tpu.memory_space<hbm>>
      tpu.wait_indirect_dma semaphore(%run_scoped3A_105 : memref<!tpu.dma_semaphore, #tpu.memory_space<semaphore_mem>>) src(%arg11 : memref<128x64xf32, #tpu.memory_space<vmem>>) dst(%dma_wait3A_117 : memref<20480x64xf32, #tpu.memory_space<hbm>>)
      tpu.yield
    }) : () -> ()
    return
  }
}

#map = affine_map<(d0, d1) -> (0, 0, 0)>
#map1 = affine_map<(d0, d1) -> (0, 0)>
module attributes {stable_mosaic.version = 14 : i64} {
  func.func @_sc_degree(%arg0: i32, %arg1: i32, %arg2: memref<32x80x125xi32, #tpu.memory_space<hbm>>, %arg3: memref<2x10240xf32, #tpu.memory_space<hbm>>, %arg4: memref<80x125xi32, #tpu.memory_space<vmem>>, %arg5: memref<640xf32, #tpu.memory_space<vmem>>, %arg6: memref<128xf32, #tpu.memory_space<vmem>>, %arg7: memref<10240xf32, #tpu.memory_space<vmem_shared>>) attributes {dimension_semantics = [#tpu.dimension_semantics<core_parallel>, #tpu.dimension_semantics<subcore_parallel>], iteration_bounds = array<i64: 2, 16>, scalar_prefetch = 0 : i64, scratch_operands = 4 : i64, tpu.core_type = #tpu.core_type<sc_vector_subcore>, window_params = [{transform_indices = #map}, {transform_indices = #map1}]} {
    %mul3A = arith.constant 2 : i32
    %mul3A_0 = arith.muli %arg1, %mul3A : i32
    %add3A = arith.addi %mul3A_0, %arg0 : i32
    %broadcast_in_dim3A = arith.constant 0.000000e+00 : f32
    %broadcast_in_dim3A_1 = vector.broadcast %broadcast_in_dim3A : f32 to vector<16xf32>
    %broadcast_in_dim3A_2 = arith.constant 1.000000e+00 : f32
    %broadcast_in_dim3A_3 = vector.broadcast %broadcast_in_dim3A_2 : f32 to vector<16xf32>
    %swap3A = arith.constant 0 : index
    %swap3A_4 = tpu.vector_load %arg5[%swap3A] {strides = array<i32>} : memref<640xf32, #tpu.memory_space<vmem>>, vector<16xf32>,
    tpu.vector_store %arg5[%swap3A], %broadcast_in_dim3A_1 {strides = array<i32>} : memref<640xf32, #tpu.memory_space<vmem>>, vector<16xf32>,
    %swap3A_5 = arith.constant 16 : index
    %swap3A_6 = tpu.vector_load %arg5[%swap3A_5] {strides = array<i32>} : memref<640xf32, #tpu.memory_space<vmem>>, vector<16xf32>,
    tpu.vector_store %arg5[%swap3A_5], %broadcast_in_dim3A_1 {strides = array<i32>} : memref<640xf32, #tpu.memory_space<vmem>>, vector<16xf32>,
    %swap3A_7 = arith.constant 32 : index
    %swap3A_8 = tpu.vector_load %arg5[%swap3A_7] {strides = array<i32>} : memref<640xf32, #tpu.memory_space<vmem>>, vector<16xf32>,
    tpu.vector_store %arg5[%swap3A_7], %broadcast_in_dim3A_1 {strides = array<i32>} : memref<640xf32, #tpu.memory_space<vmem>>, vector<16xf32>,
    %swap3A_9 = arith.constant 48 : index
    %swap3A_10 = tpu.vector_load %arg5[%swap3A_9] {strides = array<i32>} : memref<640xf32, #tpu.memory_space<vmem>>, vector<16xf32>,
    tpu.vector_store %arg5[%swap3A_9], %broadcast_in_dim3A_1 {strides = array<i32>} : memref<640xf32, #tpu.memory_space<vmem>>, vector<16xf32>,
    %swap3A_11 = arith.constant 64 : index
    %swap3A_12 = tpu.vector_load %arg5[%swap3A_11] {strides = array<i32>} : memref<640xf32, #tpu.memory_space<vmem>>, vector<16xf32>,
    tpu.vector_store %arg5[%swap3A_11], %broadcast_in_dim3A_1 {strides = array<i32>} : memref<640xf32, #tpu.memory_space<vmem>>, vector<16xf32>,
    %swap3A_13 = arith.constant 80 : index
    %swap3A_14 = tpu.vector_load %arg5[%swap3A_13] {strides = array<i32>} : memref<640xf32, #tpu.memory_space<vmem>>, vector<16xf32>,
    tpu.vector_store %arg5[%swap3A_13], %broadcast_in_dim3A_1 {strides = array<i32>} : memref<640xf32, #tpu.memory_space<vmem>>, vector<16xf32>,
    %swap3A_15 = arith.constant 96 : index
    %swap3A_16 = tpu.vector_load %arg5[%swap3A_15] {strides = array<i32>} : memref<640xf32, #tpu.memory_space<vmem>>, vector<16xf32>,
    tpu.vector_store %arg5[%swap3A_15], %broadcast_in_dim3A_1 {strides = array<i32>} : memref<640xf32, #tpu.memory_space<vmem>>, vector<16xf32>,
    %swap3A_17 = arith.constant 112 : index
    %swap3A_18 = tpu.vector_load %arg5[%swap3A_17] {strides = array<i32>} : memref<640xf32, #tpu.memory_space<vmem>>, vector<16xf32>,
    tpu.vector_store %arg5[%swap3A_17], %broadcast_in_dim3A_1 {strides = array<i32>} : memref<640xf32, #tpu.memory_space<vmem>>, vector<16xf32>,
    %swap3A_19 = arith.constant 128 : index
    %swap3A_20 = tpu.vector_load %arg5[%swap3A_19] {strides = array<i32>} : memref<640xf32, #tpu.memory_space<vmem>>, vector<16xf32>,
    tpu.vector_store %arg5[%swap3A_19], %broadcast_in_dim3A_1 {strides = array<i32>} : memref<640xf32, #tpu.memory_space<vmem>>, vector<16xf32>,
    %swap3A_21 = arith.constant 144 : index
    %swap3A_22 = tpu.vector_load %arg5[%swap3A_21] {strides = array<i32>} : memref<640xf32, #tpu.memory_space<vmem>>, vector<16xf32>,
    tpu.vector_store %arg5[%swap3A_21], %broadcast_in_dim3A_1 {strides = array<i32>} : memref<640xf32, #tpu.memory_space<vmem>>, vector<16xf32>,
    %swap3A_23 = arith.constant 160 : index
    %swap3A_24 = tpu.vector_load %arg5[%swap3A_23] {strides = array<i32>} : memref<640xf32, #tpu.memory_space<vmem>>, vector<16xf32>,
    tpu.vector_store %arg5[%swap3A_23], %broadcast_in_dim3A_1 {strides = array<i32>} : memref<640xf32, #tpu.memory_space<vmem>>, vector<16xf32>,
    %swap3A_25 = arith.constant 176 : index
    %swap3A_26 = tpu.vector_load %arg5[%swap3A_25] {strides = array<i32>} : memref<640xf32, #tpu.memory_space<vmem>>, vector<16xf32>,
    tpu.vector_store %arg5[%swap3A_25], %broadcast_in_dim3A_1 {strides = array<i32>} : memref<640xf32, #tpu.memory_space<vmem>>, vector<16xf32>,
    %swap3A_27 = arith.constant 192 : index
    %swap3A_28 = tpu.vector_load %arg5[%swap3A_27] {strides = array<i32>} : memref<640xf32, #tpu.memory_space<vmem>>, vector<16xf32>,
    tpu.vector_store %arg5[%swap3A_27], %broadcast_in_dim3A_1 {strides = array<i32>} : memref<640xf32, #tpu.memory_space<vmem>>, vector<16xf32>,
    %swap3A_29 = arith.constant 208 : index
    %swap3A_30 = tpu.vector_load %arg5[%swap3A_29] {strides = array<i32>} : memref<640xf32, #tpu.memory_space<vmem>>, vector<16xf32>,
    tpu.vector_store %arg5[%swap3A_29], %broadcast_in_dim3A_1 {strides = array<i32>} : memref<640xf32, #tpu.memory_space<vmem>>, vector<16xf32>,
    %swap3A_31 = arith.constant 224 : index
    %swap3A_32 = tpu.vector_load %arg5[%swap3A_31] {strides = array<i32>} : memref<640xf32, #tpu.memory_space<vmem>>, vector<16xf32>,
    tpu.vector_store %arg5[%swap3A_31], %broadcast_in_dim3A_1 {strides = array<i32>} : memref<640xf32, #tpu.memory_space<vmem>>, vector<16xf32>,
    %swap3A_33 = arith.constant 240 : index
    %swap3A_34 = tpu.vector_load %arg5[%swap3A_33] {strides = array<i32>} : memref<640xf32, #tpu.memory_space<vmem>>, vector<16xf32>,
    tpu.vector_store %arg5[%swap3A_33], %broadcast_in_dim3A_1 {strides = array<i32>} : memref<640xf32, #tpu.memory_space<vmem>>, vector<16xf32>,
    %swap3A_35 = arith.constant 256 : index
    %swap3A_36 = tpu.vector_load %arg5[%swap3A_35] {strides = array<i32>} : memref<640xf32, #tpu.memory_space<vmem>>, vector<16xf32>,
    tpu.vector_store %arg5[%swap3A_35], %broadcast_in_dim3A_1 {strides = array<i32>} : memref<640xf32, #tpu.memory_space<vmem>>, vector<16xf32>,
    %swap3A_37 = arith.constant 272 : index
    %swap3A_38 = tpu.vector_load %arg5[%swap3A_37] {strides = array<i32>} : memref<640xf32, #tpu.memory_space<vmem>>, vector<16xf32>,
    tpu.vector_store %arg5[%swap3A_37], %broadcast_in_dim3A_1 {strides = array<i32>} : memref<640xf32, #tpu.memory_space<vmem>>, vector<16xf32>,
    %swap3A_39 = arith.constant 288 : index
    %swap3A_40 = tpu.vector_load %arg5[%swap3A_39] {strides = array<i32>} : memref<640xf32, #tpu.memory_space<vmem>>, vector<16xf32>,
    tpu.vector_store %arg5[%swap3A_39], %broadcast_in_dim3A_1 {strides = array<i32>} : memref<640xf32, #tpu.memory_space<vmem>>, vector<16xf32>,
    %swap3A_41 = arith.constant 304 : index
    %swap3A_42 = tpu.vector_load %arg5[%swap3A_41] {strides = array<i32>} : memref<640xf32, #tpu.memory_space<vmem>>, vector<16xf32>,
    tpu.vector_store %arg5[%swap3A_41], %broadcast_in_dim3A_1 {strides = array<i32>} : memref<640xf32, #tpu.memory_space<vmem>>, vector<16xf32>,
    %swap3A_43 = arith.constant 320 : index
    %swap3A_44 = tpu.vector_load %arg5[%swap3A_43] {strides = array<i32>} : memref<640xf32, #tpu.memory_space<vmem>>, vector<16xf32>,
    tpu.vector_store %arg5[%swap3A_43], %broadcast_in_dim3A_1 {strides = array<i32>} : memref<640xf32, #tpu.memory_space<vmem>>, vector<16xf32>,
    %swap3A_45 = arith.constant 336 : index
    %swap3A_46 = tpu.vector_load %arg5[%swap3A_45] {strides = array<i32>} : memref<640xf32, #tpu.memory_space<vmem>>, vector<16xf32>,
    tpu.vector_store %arg5[%swap3A_45], %broadcast_in_dim3A_1 {strides = array<i32>} : memref<640xf32, #tpu.memory_space<vmem>>, vector<16xf32>,
    %swap3A_47 = arith.constant 352 : index
    %swap3A_48 = tpu.vector_load %arg5[%swap3A_47] {strides = array<i32>} : memref<640xf32, #tpu.memory_space<vmem>>, vector<16xf32>,
    tpu.vector_store %arg5[%swap3A_47], %broadcast_in_dim3A_1 {strides = array<i32>} : memref<640xf32, #tpu.memory_space<vmem>>, vector<16xf32>,
    %swap3A_49 = arith.constant 368 : index
    %swap3A_50 = tpu.vector_load %arg5[%swap3A_49] {strides = array<i32>} : memref<640xf32, #tpu.memory_space<vmem>>, vector<16xf32>,
    tpu.vector_store %arg5[%swap3A_49], %broadcast_in_dim3A_1 {strides = array<i32>} : memref<640xf32, #tpu.memory_space<vmem>>, vector<16xf32>,
    %swap3A_51 = arith.constant 384 : index
    %swap3A_52 = tpu.vector_load %arg5[%swap3A_51] {strides = array<i32>} : memref<640xf32, #tpu.memory_space<vmem>>, vector<16xf32>,
    tpu.vector_store %arg5[%swap3A_51], %broadcast_in_dim3A_1 {strides = array<i32>} : memref<640xf32, #tpu.memory_space<vmem>>, vector<16xf32>,
    %swap3A_53 = arith.constant 400 : index
    %swap3A_54 = tpu.vector_load %arg5[%swap3A_53] {strides = array<i32>} : memref<640xf32, #tpu.memory_space<vmem>>, vector<16xf32>,
    tpu.vector_store %arg5[%swap3A_53], %broadcast_in_dim3A_1 {strides = array<i32>} : memref<640xf32, #tpu.memory_space<vmem>>, vector<16xf32>,
    %swap3A_55 = arith.constant 416 : index
    %swap3A_56 = tpu.vector_load %arg5[%swap3A_55] {strides = array<i32>} : memref<640xf32, #tpu.memory_space<vmem>>, vector<16xf32>,
    tpu.vector_store %arg5[%swap3A_55], %broadcast_in_dim3A_1 {strides = array<i32>} : memref<640xf32, #tpu.memory_space<vmem>>, vector<16xf32>,
    %swap3A_57 = arith.constant 432 : index
    %swap3A_58 = tpu.vector_load %arg5[%swap3A_57] {strides = array<i32>} : memref<640xf32, #tpu.memory_space<vmem>>, vector<16xf32>,
    tpu.vector_store %arg5[%swap3A_57], %broadcast_in_dim3A_1 {strides = array<i32>} : memref<640xf32, #tpu.memory_space<vmem>>, vector<16xf32>,
    %swap3A_59 = arith.constant 448 : index
    %swap3A_60 = tpu.vector_load %arg5[%swap3A_59] {strides = array<i32>} : memref<640xf32, #tpu.memory_space<vmem>>, vector<16xf32>,
    tpu.vector_store %arg5[%swap3A_59], %broadcast_in_dim3A_1 {strides = array<i32>} : memref<640xf32, #tpu.memory_space<vmem>>, vector<16xf32>,
    %swap3A_61 = arith.constant 464 : index
    %swap3A_62 = tpu.vector_load %arg5[%swap3A_61] {strides = array<i32>} : memref<640xf32, #tpu.memory_space<vmem>>, vector<16xf32>,
    tpu.vector_store %arg5[%swap3A_61], %broadcast_in_dim3A_1 {strides = array<i32>} : memref<640xf32, #tpu.memory_space<vmem>>, vector<16xf32>,
    %swap3A_63 = arith.constant 480 : index
    %swap3A_64 = tpu.vector_load %arg5[%swap3A_63] {strides = array<i32>} : memref<640xf32, #tpu.memory_space<vmem>>, vector<16xf32>,
    tpu.vector_store %arg5[%swap3A_63], %broadcast_in_dim3A_1 {strides = array<i32>} : memref<640xf32, #tpu.memory_space<vmem>>, vector<16xf32>,
    %swap3A_65 = arith.constant 496 : index
    %swap3A_66 = tpu.vector_load %arg5[%swap3A_65] {strides = array<i32>} : memref<640xf32, #tpu.memory_space<vmem>>, vector<16xf32>,
    tpu.vector_store %arg5[%swap3A_65], %broadcast_in_dim3A_1 {strides = array<i32>} : memref<640xf32, #tpu.memory_space<vmem>>, vector<16xf32>,
    %swap3A_67 = arith.constant 512 : index
    %swap3A_68 = tpu.vector_load %arg5[%swap3A_67] {strides = array<i32>} : memref<640xf32, #tpu.memory_space<vmem>>, vector<16xf32>,
    tpu.vector_store %arg5[%swap3A_67], %broadcast_in_dim3A_1 {strides = array<i32>} : memref<640xf32, #tpu.memory_space<vmem>>, vector<16xf32>,
    %swap3A_69 = arith.constant 528 : index
    %swap3A_70 = tpu.vector_load %arg5[%swap3A_69] {strides = array<i32>} : memref<640xf32, #tpu.memory_space<vmem>>, vector<16xf32>,
    tpu.vector_store %arg5[%swap3A_69], %broadcast_in_dim3A_1 {strides = array<i32>} : memref<640xf32, #tpu.memory_space<vmem>>, vector<16xf32>,
    %swap3A_71 = arith.constant 544 : index
    %swap3A_72 = tpu.vector_load %arg5[%swap3A_71] {strides = array<i32>} : memref<640xf32, #tpu.memory_space<vmem>>, vector<16xf32>,
    tpu.vector_store %arg5[%swap3A_71], %broadcast_in_dim3A_1 {strides = array<i32>} : memref<640xf32, #tpu.memory_space<vmem>>, vector<16xf32>,
    %swap3A_73 = arith.constant 560 : index
    %swap3A_74 = tpu.vector_load %arg5[%swap3A_73] {strides = array<i32>} : memref<640xf32, #tpu.memory_space<vmem>>, vector<16xf32>,
    tpu.vector_store %arg5[%swap3A_73], %broadcast_in_dim3A_1 {strides = array<i32>} : memref<640xf32, #tpu.memory_space<vmem>>, vector<16xf32>,
    %swap3A_75 = arith.constant 576 : index
    %swap3A_76 = tpu.vector_load %arg5[%swap3A_75] {strides = array<i32>} : memref<640xf32, #tpu.memory_space<vmem>>, vector<16xf32>,
    tpu.vector_store %arg5[%swap3A_75], %broadcast_in_dim3A_1 {strides = array<i32>} : memref<640xf32, #tpu.memory_space<vmem>>, vector<16xf32>,
    %swap3A_77 = arith.constant 592 : index
    %swap3A_78 = tpu.vector_load %arg5[%swap3A_77] {strides = array<i32>} : memref<640xf32, #tpu.memory_space<vmem>>, vector<16xf32>,
    tpu.vector_store %arg5[%swap3A_77], %broadcast_in_dim3A_1 {strides = array<i32>} : memref<640xf32, #tpu.memory_space<vmem>>, vector<16xf32>,
    %swap3A_79 = arith.constant 608 : index
    %swap3A_80 = tpu.vector_load %arg5[%swap3A_79] {strides = array<i32>} : memref<640xf32, #tpu.memory_space<vmem>>, vector<16xf32>,
    tpu.vector_store %arg5[%swap3A_79], %broadcast_in_dim3A_1 {strides = array<i32>} : memref<640xf32, #tpu.memory_space<vmem>>, vector<16xf32>,
    %swap3A_81 = arith.constant 624 : index
    %swap3A_82 = tpu.vector_load %arg5[%swap3A_81] {strides = array<i32>} : memref<640xf32, #tpu.memory_space<vmem>>, vector<16xf32>,
    tpu.vector_store %arg5[%swap3A_81], %broadcast_in_dim3A_1 {strides = array<i32>} : memref<640xf32, #tpu.memory_space<vmem>>, vector<16xf32>,
    %swap3A_83 = arith.constant 0 : index
    %swap3A_84 = tpu.vector_load %arg6[%swap3A_83] {strides = array<i32>} : memref<128xf32, #tpu.memory_space<vmem>>, vector<16xf32>,
    tpu.vector_store %arg6[%swap3A_83], %broadcast_in_dim3A_3 {strides = array<i32>} : memref<128xf32, #tpu.memory_space<vmem>>, vector<16xf32>,
    %swap3A_85 = arith.constant 16 : index
    %swap3A_86 = tpu.vector_load %arg6[%swap3A_85] {strides = array<i32>} : memref<128xf32, #tpu.memory_space<vmem>>, vector<16xf32>,
    tpu.vector_store %arg6[%swap3A_85], %broadcast_in_dim3A_3 {strides = array<i32>} : memref<128xf32, #tpu.memory_space<vmem>>, vector<16xf32>,
    %swap3A_87 = arith.constant 32 : index
    %swap3A_88 = tpu.vector_load %arg6[%swap3A_87] {strides = array<i32>} : memref<128xf32, #tpu.memory_space<vmem>>, vector<16xf32>,
    tpu.vector_store %arg6[%swap3A_87], %broadcast_in_dim3A_3 {strides = array<i32>} : memref<128xf32, #tpu.memory_space<vmem>>, vector<16xf32>,
    %swap3A_89 = arith.constant 48 : index
    %swap3A_90 = tpu.vector_load %arg6[%swap3A_89] {strides = array<i32>} : memref<128xf32, #tpu.memory_space<vmem>>, vector<16xf32>,
    tpu.vector_store %arg6[%swap3A_89], %broadcast_in_dim3A_3 {strides = array<i32>} : memref<128xf32, #tpu.memory_space<vmem>>, vector<16xf32>,
    %swap3A_91 = arith.constant 64 : index
    %swap3A_92 = tpu.vector_load %arg6[%swap3A_91] {strides = array<i32>} : memref<128xf32, #tpu.memory_space<vmem>>, vector<16xf32>,
    tpu.vector_store %arg6[%swap3A_91], %broadcast_in_dim3A_3 {strides = array<i32>} : memref<128xf32, #tpu.memory_space<vmem>>, vector<16xf32>,
    %swap3A_93 = arith.constant 80 : index
    %swap3A_94 = tpu.vector_load %arg6[%swap3A_93] {strides = array<i32>} : memref<128xf32, #tpu.memory_space<vmem>>, vector<16xf32>,
    tpu.vector_store %arg6[%swap3A_93], %broadcast_in_dim3A_3 {strides = array<i32>} : memref<128xf32, #tpu.memory_space<vmem>>, vector<16xf32>,
    %swap3A_95 = arith.constant 96 : index
    %swap3A_96 = tpu.vector_load %arg6[%swap3A_95] {strides = array<i32>} : memref<128xf32, #tpu.memory_space<vmem>>, vector<16xf32>,
    tpu.vector_store %arg6[%swap3A_95], %broadcast_in_dim3A_3 {strides = array<i32>} : memref<128xf32, #tpu.memory_space<vmem>>, vector<16xf32>,
    %swap3A_97 = arith.constant 112 : index
    %swap3A_98 = tpu.vector_load %arg6[%swap3A_97] {strides = array<i32>} : memref<128xf32, #tpu.memory_space<vmem>>, vector<16xf32>,
    tpu.vector_store %arg6[%swap3A_97], %broadcast_in_dim3A_3 {strides = array<i32>} : memref<128xf32, #tpu.memory_space<vmem>>, vector<16xf32>,
    %mul3A_99 = arith.constant 640 : i32
    %mul3A_100 = arith.muli %arg1, %mul3A_99 : i32
    "tpu.region"() ({
      %run_scoped3A = tpu.sem_alloc : memref<!tpu.dma_semaphore, #tpu.memory_space<semaphore_mem>>
      %dma_start3A = tpu.memref_slice %arg7[%mul3A_100] : memref<10240xf32, #tpu.memory_space<vmem_shared>> -> memref<640xf32, #tpu.memory_space<vmem_shared>>
      %dma_start3A_111 = tpu.memref_slice %arg7[%mul3A_100] : memref<10240xf32, #tpu.memory_space<vmem_shared>> -> memref<640xf32, #tpu.memory_space<vmem_shared>>
      tpu.enqueue_dma source(%arg5 : memref<640xf32, #tpu.memory_space<vmem>>) target(%dma_start3A_111 : memref<640xf32, #tpu.memory_space<vmem_shared>>) target_semaphore(%run_scoped3A : memref<!tpu.dma_semaphore, #tpu.memory_space<semaphore_mem>>)
      %dma_wait3A = tpu.memref_slice %arg7[%mul3A_100] : memref<10240xf32, #tpu.memory_space<vmem_shared>> -> memref<640xf32, #tpu.memory_space<vmem_shared>>
      %dma_wait3A_112 = tpu.memref_slice %arg7[%mul3A_100] : memref<10240xf32, #tpu.memory_space<vmem_shared>> -> memref<640xf32, #tpu.memory_space<vmem_shared>>
      tpu.wait_dma2 semaphore(%run_scoped3A : memref<!tpu.dma_semaphore, #tpu.memory_space<semaphore_mem>>) src(%arg5 : memref<640xf32, #tpu.memory_space<vmem>>) dst(%dma_wait3A_112 : memref<640xf32, #tpu.memory_space<vmem_shared>>)
      tpu.yield
    }) : () -> ()
    "tpu.region"() ({
      %run_scoped3A = tpu.sem_alloc : memref<!tpu.dma_semaphore, #tpu.memory_space<semaphore_mem>>
      %dma_start3A = arith.constant 0 : i32
      %dma_start3A_111 = arith.constant 0 : i32
      %dma_start3A_112 = tpu.memref_slice %arg2[%add3A, %dma_start3A, %dma_start3A_111] : memref<32x80x125xi32, #tpu.memory_space<hbm>> -> memref<1x80x125xi32, #tpu.memory_space<hbm>>
      %dma_start3A_113 = tpu.memref_squeeze %dma_start3A_112 : memref<1x80x125xi32, #tpu.memory_space<hbm>> -> memref<80x125xi32, #tpu.memory_space<hbm>>
      %dma_start3A_114 = arith.constant 0 : i32
      %dma_start3A_115 = arith.constant 0 : i32
      %dma_start3A_116 = tpu.memref_slice %arg2[%add3A, %dma_start3A_114, %dma_start3A_115] : memref<32x80x125xi32, #tpu.memory_space<hbm>> -> memref<1x80x125xi32, #tpu.memory_space<hbm>>
      %dma_start3A_117 = tpu.memref_squeeze %dma_start3A_116 : memref<1x80x125xi32, #tpu.memory_space<hbm>> -> memref<80x125xi32, #tpu.memory_space<hbm>>
      tpu.enqueue_dma source(%dma_start3A_117 : memref<80x125xi32, #tpu.memory_space<hbm>>) target(%arg4 : memref<80x125xi32, #tpu.memory_space<vmem>>) target_semaphore(%run_scoped3A : memref<!tpu.dma_semaphore, #tpu.memory_space<semaphore_mem>>)
      %dma_wait3A = arith.constant 0 : i32
      %dma_wait3A_118 = arith.constant 0 : i32
      %dma_wait3A_119 = tpu.memref_slice %arg2[%add3A, %dma_wait3A, %dma_wait3A_118] : memref<32x80x125xi32, #tpu.memory_space<hbm>> -> memref<1x80x125xi32, #tpu.memory_space<hbm>>
      %dma_wait3A_120 = tpu.memref_squeeze %dma_wait3A_119 : memref<1x80x125xi32, #tpu.memory_space<hbm>> -> memref<80x125xi32, #tpu.memory_space<hbm>>
      %dma_wait3A_121 = arith.constant 0 : i32
      %dma_wait3A_122 = arith.constant 0 : i32
      %dma_wait3A_123 = tpu.memref_slice %arg2[%add3A, %dma_wait3A_121, %dma_wait3A_122] : memref<32x80x125xi32, #tpu.memory_space<hbm>> -> memref<1x80x125xi32, #tpu.memory_space<hbm>>
      %dma_wait3A_124 = tpu.memref_squeeze %dma_wait3A_123 : memref<1x80x125xi32, #tpu.memory_space<hbm>> -> memref<80x125xi32, #tpu.memory_space<hbm>>
      tpu.wait_dma2 semaphore(%run_scoped3A : memref<!tpu.dma_semaphore, #tpu.memory_space<semaphore_mem>>) src(%dma_wait3A_124 : memref<80x125xi32, #tpu.memory_space<hbm>>) dst(%arg4 : memref<80x125xi32, #tpu.memory_space<vmem>>)
      tpu.yield
    }) : () -> ()
    %barrier3A = arith.constant 0 : index
    tpu.barrier barrier_id(%barrier3A)
    %scan3A = arith.constant 0 : i32
    %scan3A_101 = arith.constant 0 : i32
    %scan3A_102 = arith.constant 80 : i32
    %scan3A_103 = arith.addi %scan3A_101, %scan3A_102 : i32
    %scan3A_104 = arith.constant 1 : i32
    scf.for %scan3A_111 = %scan3A_101 to %scan3A_103 step %scan3A_104  : i32 {
      "tpu.region"() ({
        %run_scoped3A = tpu.sem_alloc : memref<!tpu.dma_semaphore, #tpu.memory_space<semaphore_mem>>
        %dma_start3A = arith.constant 0 : i32
        %dma_start3A_112 = tpu.memref_slice %arg6[%dma_start3A] : memref<128xf32, #tpu.memory_space<vmem>> -> memref<125xf32, #tpu.memory_space<vmem>>
        %dma_start3A_113 = arith.constant 0 : i32
        %dma_start3A_114 = tpu.memref_slice %arg4[%scan3A_111, %dma_start3A_113] : memref<80x125xi32, #tpu.memory_space<vmem>> -> memref<1x125xi32, #tpu.memory_space<vmem>>
        %dma_start3A_115 = tpu.memref_squeeze %dma_start3A_114 : memref<1x125xi32, #tpu.memory_space<vmem>> -> memref<125xi32, #tpu.memory_space<vmem>>
        %dma_start3A_116 = arith.constant 0 : i32
        %dma_start3A_117 = tpu.memref_slice %arg7[%dma_start3A_116] : memref<10240xf32, #tpu.memory_space<vmem_shared>> -> memref<10240xf32, #tpu.memory_space<vmem_shared>>
        tpu.enqueue_indirect_dma source(%dma_start3A_112 : memref<125xf32, #tpu.memory_space<vmem>>) target(%dma_start3A_117 : memref<10240xf32, #tpu.memory_space<vmem_shared>>) offsets(%dma_start3A_115 : memref<125xi32, #tpu.memory_space<vmem>>) semaphore(%run_scoped3A : memref<!tpu.dma_semaphore, #tpu.memory_space<semaphore_mem>>) {add = true}
        %dma_wait3A = arith.constant 0 : i32
        %dma_wait3A_118 = tpu.memref_slice %arg6[%dma_wait3A] : memref<128xf32, #tpu.memory_space<vmem>> -> memref<125xf32, #tpu.memory_space<vmem>>
        %dma_wait3A_119 = arith.constant 0 : i32
        %dma_wait3A_120 = tpu.memref_slice %arg4[%scan3A_111, %dma_wait3A_119] : memref<80x125xi32, #tpu.memory_space<vmem>> -> memref<1x125xi32, #tpu.memory_space<vmem>>
        %dma_wait3A_121 = tpu.memref_squeeze %dma_wait3A_120 : memref<1x125xi32, #tpu.memory_space<vmem>> -> memref<125xi32, #tpu.memory_space<vmem>>
        %dma_wait3A_122 = arith.constant 0 : i32
        %dma_wait3A_123 = tpu.memref_slice %arg7[%dma_wait3A_122] : memref<10240xf32, #tpu.memory_space<vmem_shared>> -> memref<10240xf32, #tpu.memory_space<vmem_shared>>
        tpu.wait_indirect_dma semaphore(%run_scoped3A : memref<!tpu.dma_semaphore, #tpu.memory_space<semaphore_mem>>) src(%dma_wait3A_118 : memref<125xf32, #tpu.memory_space<vmem>>) dst(%dma_wait3A_123 : memref<10240xf32, #tpu.memory_space<vmem_shared>>)
        tpu.yield
      }) : () -> ()
    }
    %scan3A_105 = arith.constant 80 : i32
    %barrier3A_106 = arith.constant 0 : index
    tpu.barrier barrier_id(%barrier3A_106)
    %mul3A_107 = arith.constant 640 : i32
    %mul3A_108 = arith.muli %arg1, %mul3A_107 : i32
    "tpu.region"() ({
      %run_scoped3A = tpu.sem_alloc : memref<!tpu.dma_semaphore, #tpu.memory_space<semaphore_mem>>
      %dma_start3A = tpu.memref_slice %arg7[%mul3A_108] : memref<10240xf32, #tpu.memory_space<vmem_shared>> -> memref<640xf32, #tpu.memory_space<vmem_shared>>
      %dma_start3A_111 = tpu.memref_slice %arg7[%mul3A_108] : memref<10240xf32, #tpu.memory_space<vmem_shared>> -> memref<640xf32, #tpu.memory_space<vmem_shared>>
      tpu.enqueue_dma source(%dma_start3A_111 : memref<640xf32, #tpu.memory_space<vmem_shared>>) target(%arg5 : memref<640xf32, #tpu.memory_space<vmem>>) target_semaphore(%run_scoped3A : memref<!tpu.dma_semaphore, #tpu.memory_space<semaphore_mem>>)
      %dma_wait3A = tpu.memref_slice %arg7[%mul3A_108] : memref<10240xf32, #tpu.memory_space<vmem_shared>> -> memref<640xf32, #tpu.memory_space<vmem_shared>>
      %dma_wait3A_112 = tpu.memref_slice %arg7[%mul3A_108] : memref<10240xf32, #tpu.memory_space<vmem_shared>> -> memref<640xf32, #tpu.memory_space<vmem_shared>>
      tpu.wait_dma2 semaphore(%run_scoped3A : memref<!tpu.dma_semaphore, #tpu.memory_space<semaphore_mem>>) src(%dma_wait3A_112 : memref<640xf32, #tpu.memory_space<vmem_shared>>) dst(%arg5 : memref<640xf32, #tpu.memory_space<vmem>>)
      tpu.yield
    }) : () -> ()
    %mul3A_109 = arith.constant 640 : i32
    %mul3A_110 = arith.muli %arg1, %mul3A_109 : i32
    "tpu.region"() ({
      %run_scoped3A = tpu.sem_alloc : memref<!tpu.dma_semaphore, #tpu.memory_space<semaphore_mem>>
      %dma_start3A = arith.constant 0 : i32
      %dma_start3A_111 = tpu.memref_slice %arg3[%arg0, %dma_start3A] : memref<2x10240xf32, #tpu.memory_space<hbm>> -> memref<1x10240xf32, #tpu.memory_space<hbm>>
      %dma_start3A_112 = tpu.memref_squeeze %dma_start3A_111 : memref<1x10240xf32, #tpu.memory_space<hbm>> -> memref<10240xf32, #tpu.memory_space<hbm>>
      %dma_start3A_113 = tpu.memref_slice %dma_start3A_112[%mul3A_110] : memref<10240xf32, #tpu.memory_space<hbm>> -> memref<640xf32, #tpu.memory_space<hbm>>
      %dma_start3A_114 = arith.constant 0 : i32
      %dma_start3A_115 = tpu.memref_slice %arg3[%arg0, %dma_start3A_114] : memref<2x10240xf32, #tpu.memory_space<hbm>> -> memref<1x10240xf32, #tpu.memory_space<hbm>>
      %dma_start3A_116 = tpu.memref_squeeze %dma_start3A_115 : memref<1x10240xf32, #tpu.memory_space<hbm>> -> memref<10240xf32, #tpu.memory_space<hbm>>
      %dma_start3A_117 = tpu.memref_slice %dma_start3A_116[%mul3A_110] : memref<10240xf32, #tpu.memory_space<hbm>> -> memref<640xf32, #tpu.memory_space<hbm>>
      tpu.enqueue_dma source(%arg5 : memref<640xf32, #tpu.memory_space<vmem>>) target(%dma_start3A_117 : memref<640xf32, #tpu.memory_space<hbm>>) target_semaphore(%run_scoped3A : memref<!tpu.dma_semaphore, #tpu.memory_space<semaphore_mem>>)
      %dma_wait3A = arith.constant 0 : i32
      %dma_wait3A_118 = tpu.memref_slice %arg3[%arg0, %dma_wait3A] : memref<2x10240xf32, #tpu.memory_space<hbm>> -> memref<1x10240xf32, #tpu.memory_space<hbm>>
      %dma_wait3A_119 = tpu.memref_squeeze %dma_wait3A_118 : memref<1x10240xf32, #tpu.memory_space<hbm>> -> memref<10240xf32, #tpu.memory_space<hbm>>
      %dma_wait3A_120 = tpu.memref_slice %dma_wait3A_119[%mul3A_110] : memref<10240xf32, #tpu.memory_space<hbm>> -> memref<640xf32, #tpu.memory_space<hbm>>
      %dma_wait3A_121 = arith.constant 0 : i32
      %dma_wait3A_122 = tpu.memref_slice %arg3[%arg0, %dma_wait3A_121] : memref<2x10240xf32, #tpu.memory_space<hbm>> -> memref<1x10240xf32, #tpu.memory_space<hbm>>
      %dma_wait3A_123 = tpu.memref_squeeze %dma_wait3A_122 : memref<1x10240xf32, #tpu.memory_space<hbm>> -> memref<10240xf32, #tpu.memory_space<hbm>>
      %dma_wait3A_124 = tpu.memref_slice %dma_wait3A_123[%mul3A_110] : memref<10240xf32, #tpu.memory_space<hbm>> -> memref<640xf32, #tpu.memory_space<hbm>>
      tpu.wait_dma2 semaphore(%run_scoped3A : memref<!tpu.dma_semaphore, #tpu.memory_space<semaphore_mem>>) src(%arg5 : memref<640xf32, #tpu.memory_space<vmem>>) dst(%dma_wait3A_124 : memref<640xf32, #tpu.memory_space<hbm>>)
      tpu.yield
    }) : () -> ()
    return
  }
}

#map = affine_map<(d0, d1) -> (0, 0)>
#map1 = affine_map<(d0, d1) -> (0, 0, 0, 0)>
#map2 = affine_map<(d0, d1) -> (0, 0, 0)>
module attributes {stable_mosaic.version = 14 : i64} {
  func.func @_sc_edge_acc(%arg0: i32, %arg1: i32, %arg2: memref<20480x64xf32, #tpu.memory_space<hbm>>, %arg3: memref<2x16x160x128xi32, #tpu.memory_space<hbm>>, %arg4: memref<16x160x128xi32, #tpu.memory_space<hbm>>, %arg5: memref<2x16x5x128xi32, #tpu.memory_space<hbm>>, %arg6: memref<20480x64xf32, #tpu.memory_space<hbm>>, %arg7: memref<160x128xi32, #tpu.memory_space<vmem>>, %arg8: memref<160x128xi32, #tpu.memory_space<vmem>>, %arg9: memref<5x128xi32, #tpu.memory_space<vmem>>, %arg10: memref<4x128x64xf32, #tpu.memory_space<vmem>>, %arg11: memref<128x64xf32, #tpu.memory_space<vmem>>, %arg12: memref<10368x64xf32, #tpu.memory_space<vmem_shared>>, %arg13: memref<!tpu.dma_semaphore, #tpu.memory_space<semaphore_mem>>, %arg14: memref<!tpu.dma_semaphore, #tpu.memory_space<semaphore_mem>>, %arg15: memref<!tpu.dma_semaphore, #tpu.memory_space<semaphore_mem>>, %arg16: memref<!tpu.dma_semaphore, #tpu.memory_space<semaphore_mem>>, %arg17: memref<!tpu.dma_semaphore, #tpu.memory_space<semaphore_mem>>, %arg18: memref<!tpu.dma_semaphore, #tpu.memory_space<semaphore_mem>>, %arg19: memref<!tpu.dma_semaphore, #tpu.memory_space<semaphore_mem>>, %arg20: memref<!tpu.dma_semaphore, #tpu.memory_space<semaphore_mem>>) attributes {dimension_semantics = [#tpu.dimension_semantics<core_parallel>, #tpu.dimension_semantics<subcore_parallel>], iteration_bounds = array<i64: 2, 16>, scalar_prefetch = 0 : i64, scratch_operands = 14 : i64, tpu.core_type = #tpu.core_type<sc_vector_subcore>, window_params = [{transform_indices = #map}, {transform_indices = #map1}, {transform_indices = #map2}, {transform_indices = #map1}, {transform_indices = #map}]} {
    %broadcast_in_dim3A = arith.constant 0.000000e+00 : f32
    %broadcast_in_dim3A_0 = vector.broadcast %broadcast_in_dim3A : f32 to vector<16xf32>
    "tpu.region"() ({
      %run_scoped3A_105 = tpu.sem_alloc : memref<!tpu.dma_semaphore, #tpu.memory_space<semaphore_mem>>
      %dma_start3A_106 = arith.constant 0 : i32
      %dma_start3A_107 = arith.constant 0 : i32
      %dma_start3A_108 = arith.constant 0 : i32
      %dma_start3A_109 = tpu.memref_slice %arg3[%arg0, %dma_start3A_106, %dma_start3A_107, %dma_start3A_108] : memref<2x16x160x128xi32, #tpu.memory_space<hbm>> -> memref<1x16x160x128xi32, #tpu.memory_space<hbm>>
      %dma_start3A_110 = tpu.memref_squeeze %dma_start3A_109 : memref<1x16x160x128xi32, #tpu.memory_space<hbm>> -> memref<16x160x128xi32, #tpu.memory_space<hbm>>
      %dma_start3A_111 = arith.constant 0 : i32
      %dma_start3A_112 = arith.constant 0 : i32
      %dma_start3A_113 = tpu.memref_slice %dma_start3A_110[%arg1, %dma_start3A_111, %dma_start3A_112] : memref<16x160x128xi32, #tpu.memory_space<hbm>> -> memref<1x160x128xi32, #tpu.memory_space<hbm>>
      %dma_start3A_114 = tpu.memref_squeeze %dma_start3A_113 : memref<1x160x128xi32, #tpu.memory_space<hbm>> -> memref<160x128xi32, #tpu.memory_space<hbm>>
      %dma_start3A_115 = arith.constant 0 : i32
      %dma_start3A_116 = arith.constant 0 : i32
      %dma_start3A_117 = arith.constant 0 : i32
      %dma_start3A_118 = tpu.memref_slice %arg3[%arg0, %dma_start3A_115, %dma_start3A_116, %dma_start3A_117] : memref<2x16x160x128xi32, #tpu.memory_space<hbm>> -> memref<1x16x160x128xi32, #tpu.memory_space<hbm>>
      %dma_start3A_119 = tpu.memref_squeeze %dma_start3A_118 : memref<1x16x160x128xi32, #tpu.memory_space<hbm>> -> memref<16x160x128xi32, #tpu.memory_space<hbm>>
      %dma_start3A_120 = arith.constant 0 : i32
      %dma_start3A_121 = arith.constant 0 : i32
      %dma_start3A_122 = tpu.memref_slice %dma_start3A_119[%arg1, %dma_start3A_120, %dma_start3A_121] : memref<16x160x128xi32, #tpu.memory_space<hbm>> -> memref<1x160x128xi32, #tpu.memory_space<hbm>>
      %dma_start3A_123 = tpu.memref_squeeze %dma_start3A_122 : memref<1x160x128xi32, #tpu.memory_space<hbm>> -> memref<160x128xi32, #tpu.memory_space<hbm>>
      tpu.enqueue_dma source(%dma_start3A_123 : memref<160x128xi32, #tpu.memory_space<hbm>>) target(%arg7 : memref<160x128xi32, #tpu.memory_space<vmem>>) target_semaphore(%run_scoped3A_105 : memref<!tpu.dma_semaphore, #tpu.memory_space<semaphore_mem>>)
      %dma_wait3A_124 = arith.constant 0 : i32
      %dma_wait3A_125 = arith.constant 0 : i32
      %dma_wait3A_126 = arith.constant 0 : i32
      %dma_wait3A_127 = tpu.memref_slice %arg3[%arg0, %dma_wait3A_124, %dma_wait3A_125, %dma_wait3A_126] : memref<2x16x160x128xi32, #tpu.memory_space<hbm>> -> memref<1x16x160x128xi32, #tpu.memory_space<hbm>>
      %dma_wait3A_128 = tpu.memref_squeeze %dma_wait3A_127 : memref<1x16x160x128xi32, #tpu.memory_space<hbm>> -> memref<16x160x128xi32, #tpu.memory_space<hbm>>
      %dma_wait3A_129 = arith.constant 0 : i32
      %dma_wait3A_130 = arith.constant 0 : i32
      %dma_wait3A_131 = tpu.memref_slice %dma_wait3A_128[%arg1, %dma_wait3A_129, %dma_wait3A_130] : memref<16x160x128xi32, #tpu.memory_space<hbm>> -> memref<1x160x128xi32, #tpu.memory_space<hbm>>
      %dma_wait3A_132 = tpu.memref_squeeze %dma_wait3A_131 : memref<1x160x128xi32, #tpu.memory_space<hbm>> -> memref<160x128xi32, #tpu.memory_space<hbm>>
      %dma_wait3A_133 = arith.constant 0 : i32
      %dma_wait3A_134 = arith.constant 0 : i32
      %dma_wait3A_135 = arith.constant 0 : i32
      %dma_wait3A_136 = tpu.memref_slice %arg3[%arg0, %dma_wait3A_133, %dma_wait3A_134, %dma_wait3A_135] : memref<2x16x160x128xi32, #tpu.memory_space<hbm>> -> memref<1x16x160x128xi32, #tpu.memory_space<hbm>>
      %dma_wait3A_137 = tpu.memref_squeeze %dma_wait3A_136 : memref<1x16x160x128xi32, #tpu.memory_space<hbm>> -> memref<16x160x128xi32, #tpu.memory_space<hbm>>
      %dma_wait3A_138 = arith.constant 0 : i32
      %dma_wait3A_139 = arith.constant 0 : i32
      %dma_wait3A_140 = tpu.memref_slice %dma_wait3A_137[%arg1, %dma_wait3A_138, %dma_wait3A_139] : memref<16x160x128xi32, #tpu.memory_space<hbm>> -> memref<1x160x128xi32, #tpu.memory_space<hbm>>
      %dma_wait3A_141 = tpu.memref_squeeze %dma_wait3A_140 : memref<1x160x128xi32, #tpu.memory_space<hbm>> -> memref<160x128xi32, #tpu.memory_space<hbm>>
      tpu.wait_dma2 semaphore(%run_scoped3A_105 : memref<!tpu.dma_semaphore, #tpu.memory_space<semaphore_mem>>) src(%dma_wait3A_141 : memref<160x128xi32, #tpu.memory_space<hbm>>) dst(%arg7 : memref<160x128xi32, #tpu.memory_space<vmem>>)
      tpu.yield
    }) : () -> ()
    "tpu.region"() ({
      %run_scoped3A_105 = tpu.sem_alloc : memref<!tpu.dma_semaphore, #tpu.memory_space<semaphore_mem>>
      %dma_start3A_106 = arith.constant 0 : i32
      %dma_start3A_107 = arith.constant 0 : i32
      %dma_start3A_108 = tpu.memref_slice %arg4[%arg1, %dma_start3A_106, %dma_start3A_107] : memref<16x160x128xi32, #tpu.memory_space<hbm>> -> memref<1x160x128xi32, #tpu.memory_space<hbm>>
      %dma_start3A_109 = tpu.memref_squeeze %dma_start3A_108 : memref<1x160x128xi32, #tpu.memory_space<hbm>> -> memref<160x128xi32, #tpu.memory_space<hbm>>
      %dma_start3A_110 = arith.constant 0 : i32
      %dma_start3A_111 = arith.constant 0 : i32
      %dma_start3A_112 = tpu.memref_slice %arg4[%arg1, %dma_start3A_110, %dma_start3A_111] : memref<16x160x128xi32, #tpu.memory_space<hbm>> -> memref<1x160x128xi32, #tpu.memory_space<hbm>>
      %dma_start3A_113 = tpu.memref_squeeze %dma_start3A_112 : memref<1x160x128xi32, #tpu.memory_space<hbm>> -> memref<160x128xi32, #tpu.memory_space<hbm>>
      tpu.enqueue_dma source(%dma_start3A_113 : memref<160x128xi32, #tpu.memory_space<hbm>>) target(%arg8 : memref<160x128xi32, #tpu.memory_space<vmem>>) target_semaphore(%run_scoped3A_105 : memref<!tpu.dma_semaphore, #tpu.memory_space<semaphore_mem>>)
      %dma_wait3A_114 = arith.constant 0 : i32
      %dma_wait3A_115 = arith.constant 0 : i32
      %dma_wait3A_116 = tpu.memref_slice %arg4[%arg1, %dma_wait3A_114, %dma_wait3A_115] : memref<16x160x128xi32, #tpu.memory_space<hbm>> -> memref<1x160x128xi32, #tpu.memory_space<hbm>>
      %dma_wait3A_117 = tpu.memref_squeeze %dma_wait3A_116 : memref<1x160x128xi32, #tpu.memory_space<hbm>> -> memref<160x128xi32, #tpu.memory_space<hbm>>
      %dma_wait3A_118 = arith.constant 0 : i32
      %dma_wait3A_119 = arith.constant 0 : i32
      %dma_wait3A_120 = tpu.memref_slice %arg4[%arg1, %dma_wait3A_118, %dma_wait3A_119] : memref<16x160x128xi32, #tpu.memory_space<hbm>> -> memref<1x160x128xi32, #tpu.memory_space<hbm>>
      %dma_wait3A_121 = tpu.memref_squeeze %dma_wait3A_120 : memref<1x160x128xi32, #tpu.memory_space<hbm>> -> memref<160x128xi32, #tpu.memory_space<hbm>>
      tpu.wait_dma2 semaphore(%run_scoped3A_105 : memref<!tpu.dma_semaphore, #tpu.memory_space<semaphore_mem>>) src(%dma_wait3A_121 : memref<160x128xi32, #tpu.memory_space<hbm>>) dst(%arg8 : memref<160x128xi32, #tpu.memory_space<vmem>>)
      tpu.yield
    }) : () -> ()
    "tpu.region"() ({
      %run_scoped3A_105 = tpu.sem_alloc : memref<!tpu.dma_semaphore, #tpu.memory_space<semaphore_mem>>
      %dma_start3A_106 = arith.constant 0 : i32
      %dma_start3A_107 = arith.constant 0 : i32
      %dma_start3A_108 = arith.constant 0 : i32
      %dma_start3A_109 = tpu.memref_slice %arg5[%arg0, %dma_start3A_106, %dma_start3A_107, %dma_start3A_108] : memref<2x16x5x128xi32, #tpu.memory_space<hbm>> -> memref<1x16x5x128xi32, #tpu.memory_space<hbm>>
      %dma_start3A_110 = tpu.memref_squeeze %dma_start3A_109 : memref<1x16x5x128xi32, #tpu.memory_space<hbm>> -> memref<16x5x128xi32, #tpu.memory_space<hbm>>
      %dma_start3A_111 = arith.constant 0 : i32
      %dma_start3A_112 = arith.constant 0 : i32
      %dma_start3A_113 = tpu.memref_slice %dma_start3A_110[%arg1, %dma_start3A_111, %dma_start3A_112] : memref<16x5x128xi32, #tpu.memory_space<hbm>> -> memref<1x5x128xi32, #tpu.memory_space<hbm>>
      %dma_start3A_114 = tpu.memref_squeeze %dma_start3A_113 : memref<1x5x128xi32, #tpu.memory_space<hbm>> -> memref<5x128xi32, #tpu.memory_space<hbm>>
      %dma_start3A_115 = arith.constant 0 : i32
      %dma_start3A_116 = arith.constant 0 : i32
      %dma_start3A_117 = arith.constant 0 : i32
      %dma_start3A_118 = tpu.memref_slice %arg5[%arg0, %dma_start3A_115, %dma_start3A_116, %dma_start3A_117] : memref<2x16x5x128xi32, #tpu.memory_space<hbm>> -> memref<1x16x5x128xi32, #tpu.memory_space<hbm>>
      %dma_start3A_119 = tpu.memref_squeeze %dma_start3A_118 : memref<1x16x5x128xi32, #tpu.memory_space<hbm>> -> memref<16x5x128xi32, #tpu.memory_space<hbm>>
      %dma_start3A_120 = arith.constant 0 : i32
      %dma_start3A_121 = arith.constant 0 : i32
      %dma_start3A_122 = tpu.memref_slice %dma_start3A_119[%arg1, %dma_start3A_120, %dma_start3A_121] : memref<16x5x128xi32, #tpu.memory_space<hbm>> -> memref<1x5x128xi32, #tpu.memory_space<hbm>>
      %dma_start3A_123 = tpu.memref_squeeze %dma_start3A_122 : memref<1x5x128xi32, #tpu.memory_space<hbm>> -> memref<5x128xi32, #tpu.memory_space<hbm>>
      tpu.enqueue_dma source(%dma_start3A_123 : memref<5x128xi32, #tpu.memory_space<hbm>>) target(%arg9 : memref<5x128xi32, #tpu.memory_space<vmem>>) target_semaphore(%run_scoped3A_105 : memref<!tpu.dma_semaphore, #tpu.memory_space<semaphore_mem>>)
      %dma_wait3A_124 = arith.constant 0 : i32
      %dma_wait3A_125 = arith.constant 0 : i32
      %dma_wait3A_126 = arith.constant 0 : i32
      %dma_wait3A_127 = tpu.memref_slice %arg5[%arg0, %dma_wait3A_124, %dma_wait3A_125, %dma_wait3A_126] : memref<2x16x5x128xi32, #tpu.memory_space<hbm>> -> memref<1x16x5x128xi32, #tpu.memory_space<hbm>>
      %dma_wait3A_128 = tpu.memref_squeeze %dma_wait3A_127 : memref<1x16x5x128xi32, #tpu.memory_space<hbm>> -> memref<16x5x128xi32, #tpu.memory_space<hbm>>
      %dma_wait3A_129 = arith.constant 0 : i32
      %dma_wait3A_130 = arith.constant 0 : i32
      %dma_wait3A_131 = tpu.memref_slice %dma_wait3A_128[%arg1, %dma_wait3A_129, %dma_wait3A_130] : memref<16x5x128xi32, #tpu.memory_space<hbm>> -> memref<1x5x128xi32, #tpu.memory_space<hbm>>
      %dma_wait3A_132 = tpu.memref_squeeze %dma_wait3A_131 : memref<1x5x128xi32, #tpu.memory_space<hbm>> -> memref<5x128xi32, #tpu.memory_space<hbm>>
      %dma_wait3A_133 = arith.constant 0 : i32
      %dma_wait3A_134 = arith.constant 0 : i32
      %dma_wait3A_135 = arith.constant 0 : i32
      %dma_wait3A_136 = tpu.memref_slice %arg5[%arg0, %dma_wait3A_133, %dma_wait3A_134, %dma_wait3A_135] : memref<2x16x5x128xi32, #tpu.memory_space<hbm>> -> memref<1x16x5x128xi32, #tpu.memory_space<hbm>>
      %dma_wait3A_137 = tpu.memref_squeeze %dma_wait3A_136 : memref<1x16x5x128xi32, #tpu.memory_space<hbm>> -> memref<16x5x128xi32, #tpu.memory_space<hbm>>
      %dma_wait3A_138 = arith.constant 0 : i32
      %dma_wait3A_139 = arith.constant 0 : i32
      %dma_wait3A_140 = tpu.memref_slice %dma_wait3A_137[%arg1, %dma_wait3A_138, %dma_wait3A_139] : memref<16x5x128xi32, #tpu.memory_space<hbm>> -> memref<1x5x128xi32, #tpu.memory_space<hbm>>
      %dma_wait3A_141 = tpu.memref_squeeze %dma_wait3A_140 : memref<1x5x128xi32, #tpu.memory_space<hbm>> -> memref<5x128xi32, #tpu.memory_space<hbm>>
      tpu.wait_dma2 semaphore(%run_scoped3A_105 : memref<!tpu.dma_semaphore, #tpu.memory_space<semaphore_mem>>) src(%dma_wait3A_141 : memref<5x128xi32, #tpu.memory_space<hbm>>) dst(%arg9 : memref<5x128xi32, #tpu.memory_space<vmem>>)
      tpu.yield
    }) : () -> ()
    %dma_start3A = arith.constant 0 : i32
    %dma_start3A_1 = arith.constant 0 : i32
    %dma_start3A_2 = arith.constant 0 : i32
    %dma_start3A_3 = arith.constant 0 : i32
    %dma_start3A_4 = tpu.memref_slice %arg10[%dma_start3A_1, %dma_start3A_2, %dma_start3A_3] : memref<4x128x64xf32, #tpu.memory_space<vmem>> -> memref<1x128x64xf32, #tpu.memory_space<vmem>>
    %dma_start3A_5 = tpu.memref_squeeze %dma_start3A_4 : memref<1x128x64xf32, #tpu.memory_space<vmem>> -> memref<128x64xf32, #tpu.memory_space<vmem>>
    %dma_start3A_6 = arith.constant 0 : i32
    %dma_start3A_7 = tpu.memref_slice %arg7[%dma_start3A, %dma_start3A_6] : memref<160x128xi32, #tpu.memory_space<vmem>> -> memref<1x128xi32, #tpu.memory_space<vmem>>
    %dma_start3A_8 = tpu.memref_squeeze %dma_start3A_7 : memref<1x128xi32, #tpu.memory_space<vmem>> -> memref<128xi32, #tpu.memory_space<vmem>>
    %dma_start3A_9 = arith.constant 0 : i32
    %dma_start3A_10 = arith.constant 0 : i32
    %dma_start3A_11 = tpu.memref_slice %arg2[%dma_start3A_9, %dma_start3A_10] : memref<20480x64xf32, #tpu.memory_space<hbm>> -> memref<20480x64xf32, #tpu.memory_space<hbm>>
    tpu.enqueue_indirect_dma source(%dma_start3A_11 : memref<20480x64xf32, #tpu.memory_space<hbm>>) target(%dma_start3A_5 : memref<128x64xf32, #tpu.memory_space<vmem>>) offsets(%dma_start3A_8 : memref<128xi32, #tpu.memory_space<vmem>>) semaphore(%arg13 : memref<!tpu.dma_semaphore, #tpu.memory_space<semaphore_mem>>)
    %dma_start3A_12 = arith.constant 1 : i32
    %dma_start3A_13 = arith.constant 1 : i32
    %dma_start3A_14 = arith.constant 0 : i32
    %dma_start3A_15 = arith.constant 0 : i32
    %dma_start3A_16 = tpu.memref_slice %arg10[%dma_start3A_13, %dma_start3A_14, %dma_start3A_15] : memref<4x128x64xf32, #tpu.memory_space<vmem>> -> memref<1x128x64xf32, #tpu.memory_space<vmem>>
    %dma_start3A_17 = tpu.memref_squeeze %dma_start3A_16 : memref<1x128x64xf32, #tpu.memory_space<vmem>> -> memref<128x64xf32, #tpu.memory_space<vmem>>
    %dma_start3A_18 = arith.constant 0 : i32
    %dma_start3A_19 = tpu.memref_slice %arg7[%dma_start3A_12, %dma_start3A_18] : memref<160x128xi32, #tpu.memory_space<vmem>> -> memref<1x128xi32, #tpu.memory_space<vmem>>
    %dma_start3A_20 = tpu.memref_squeeze %dma_start3A_19 : memref<1x128xi32, #tpu.memory_space<vmem>> -> memref<128xi32, #tpu.memory_space<vmem>>
    %dma_start3A_21 = arith.constant 0 : i32
    %dma_start3A_22 = arith.constant 0 : i32
    %dma_start3A_23 = tpu.memref_slice %arg2[%dma_start3A_21, %dma_start3A_22] : memref<20480x64xf32, #tpu.memory_space<hbm>> -> memref<20480x64xf32, #tpu.memory_space<hbm>>
    tpu.enqueue_indirect_dma source(%dma_start3A_23 : memref<20480x64xf32, #tpu.memory_space<hbm>>) target(%dma_start3A_17 : memref<128x64xf32, #tpu.memory_space<vmem>>) offsets(%dma_start3A_20 : memref<128xi32, #tpu.memory_space<vmem>>) semaphore(%arg14 : memref<!tpu.dma_semaphore, #tpu.memory_space<semaphore_mem>>)
    %scan3A = arith.constant 0 : i32
    %scan3A_24 = arith.constant 0 : i32
    %scan3A_25 = arith.constant 128 : i32
    %scan3A_26 = arith.addi %scan3A_24, %scan3A_25 : i32
    %scan3A_27 = arith.constant 1 : i32
    scf.for %scan3A_105 = %scan3A_24 to %scan3A_26 step %scan3A_27  : i32 {
      %swap3A = arith.index_cast %scan3A_105 : i32 to index
      %swap3A_106 = arith.constant 0 : index
      %swap3A_107 = tpu.vector_load %arg11[%swap3A, %swap3A_106] {strides = array<i32>} : memref<128x64xf32, #tpu.memory_space<vmem>>, vector<16xf32>,
      tpu.vector_store %arg11[%swap3A, %swap3A_106], %broadcast_in_dim3A_0 {strides = array<i32>} : memref<128x64xf32, #tpu.memory_space<vmem>>, vector<16xf32>,
      %swap3A_108 = arith.index_cast %scan3A_105 : i32 to index
      %swap3A_109 = arith.constant 16 : index
      %swap3A_110 = tpu.vector_load %arg11[%swap3A_108, %swap3A_109] {strides = array<i32>} : memref<128x64xf32, #tpu.memory_space<vmem>>, vector<16xf32>,
      tpu.vector_store %arg11[%swap3A_108, %swap3A_109], %broadcast_in_dim3A_0 {strides = array<i32>} : memref<128x64xf32, #tpu.memory_space<vmem>>, vector<16xf32>,
      %swap3A_111 = arith.index_cast %scan3A_105 : i32 to index
      %swap3A_112 = arith.constant 32 : index
      %swap3A_113 = tpu.vector_load %arg11[%swap3A_111, %swap3A_112] {strides = array<i32>} : memref<128x64xf32, #tpu.memory_space<vmem>>, vector<16xf32>,
      tpu.vector_store %arg11[%swap3A_111, %swap3A_112], %broadcast_in_dim3A_0 {strides = array<i32>} : memref<128x64xf32, #tpu.memory_space<vmem>>, vector<16xf32>,
      %swap3A_114 = arith.index_cast %scan3A_105 : i32 to index
      %swap3A_115 = arith.constant 48 : index
      %swap3A_116 = tpu.vector_load %arg11[%swap3A_114, %swap3A_115] {strides = array<i32>} : memref<128x64xf32, #tpu.memory_space<vmem>>, vector<16xf32>,
      tpu.vector_store %arg11[%swap3A_114, %swap3A_115], %broadcast_in_dim3A_0 {strides = array<i32>} : memref<128x64xf32, #tpu.memory_space<vmem>>, vector<16xf32>,
    }
    %scan3A_28 = arith.constant 128 : i32
    %mul3A = arith.constant 648 : i32
    %mul3A_29 = arith.muli %arg1, %mul3A : i32
    %add3A = arith.constant 0 : i32
    %add3A_30 = arith.addi %mul3A_29, %add3A : i32
    "tpu.region"() ({
      %run_scoped3A_105 = tpu.sem_alloc : memref<!tpu.dma_semaphore, #tpu.memory_space<semaphore_mem>>
      %dma_start3A_106 = arith.constant 0 : i32
      %dma_start3A_107 = tpu.memref_slice %arg12[%add3A_30, %dma_start3A_106] : memref<10368x64xf32, #tpu.memory_space<vmem_shared>> -> memref<128x64xf32, #tpu.memory_space<vmem_shared>>
      %dma_start3A_108 = arith.constant 0 : i32
      %dma_start3A_109 = tpu.memref_slice %arg12[%add3A_30, %dma_start3A_108] : memref<10368x64xf32, #tpu.memory_space<vmem_shared>> -> memref<128x64xf32, #tpu.memory_space<vmem_shared>>
      tpu.enqueue_dma source(%arg11 : memref<128x64xf32, #tpu.memory_space<vmem>>) target(%dma_start3A_109 : memref<128x64xf32, #tpu.memory_space<vmem_shared>>) target_semaphore(%run_scoped3A_105 : memref<!tpu.dma_semaphore, #tpu.memory_space<semaphore_mem>>)
      %dma_wait3A_110 = arith.constant 0 : i32
      %dma_wait3A_111 = tpu.memref_slice %arg12[%add3A_30, %dma_wait3A_110] : memref<10368x64xf32, #tpu.memory_space<vmem_shared>> -> memref<128x64xf32, #tpu.memory_space<vmem_shared>>
      %dma_wait3A_112 = arith.constant 0 : i32
      %dma_wait3A_113 = tpu.memref_slice %arg12[%add3A_30, %dma_wait3A_112] : memref<10368x64xf32, #tpu.memory_space<vmem_shared>> -> memref<128x64xf32, #tpu.memory_space<vmem_shared>>
      tpu.wait_dma2 semaphore(%run_scoped3A_105 : memref<!tpu.dma_semaphore, #tpu.memory_space<semaphore_mem>>) src(%arg11 : memref<128x64xf32, #tpu.memory_space<vmem>>) dst(%dma_wait3A_113 : memref<128x64xf32, #tpu.memory_space<vmem_shared>>)
      tpu.yield
    }) : () -> ()
    %mul3A_31 = arith.constant 648 : i32
    %mul3A_32 = arith.muli %arg1, %mul3A_31 : i32
    %add3A_33 = arith.constant 128 : i32
    %add3A_34 = arith.addi %mul3A_32, %add3A_33 : i32
    "tpu.region"() ({
      %run_scoped3A_105 = tpu.sem_alloc : memref<!tpu.dma_semaphore, #tpu.memory_space<semaphore_mem>>
      %dma_start3A_106 = arith.constant 0 : i32
      %dma_start3A_107 = tpu.memref_slice %arg12[%add3A_34, %dma_start3A_106] : memref<10368x64xf32, #tpu.memory_space<vmem_shared>> -> memref<128x64xf32, #tpu.memory_space<vmem_shared>>
      %dma_start3A_108 = arith.constant 0 : i32
      %dma_start3A_109 = tpu.memref_slice %arg12[%add3A_34, %dma_start3A_108] : memref<10368x64xf32, #tpu.memory_space<vmem_shared>> -> memref<128x64xf32, #tpu.memory_space<vmem_shared>>
      tpu.enqueue_dma source(%arg11 : memref<128x64xf32, #tpu.memory_space<vmem>>) target(%dma_start3A_109 : memref<128x64xf32, #tpu.memory_space<vmem_shared>>) target_semaphore(%run_scoped3A_105 : memref<!tpu.dma_semaphore, #tpu.memory_space<semaphore_mem>>)
      %dma_wait3A_110 = arith.constant 0 : i32
      %dma_wait3A_111 = tpu.memref_slice %arg12[%add3A_34, %dma_wait3A_110] : memref<10368x64xf32, #tpu.memory_space<vmem_shared>> -> memref<128x64xf32, #tpu.memory_space<vmem_shared>>
      %dma_wait3A_112 = arith.constant 0 : i32
      %dma_wait3A_113 = tpu.memref_slice %arg12[%add3A_34, %dma_wait3A_112] : memref<10368x64xf32, #tpu.memory_space<vmem_shared>> -> memref<128x64xf32, #tpu.memory_space<vmem_shared>>
      tpu.wait_dma2 semaphore(%run_scoped3A_105 : memref<!tpu.dma_semaphore, #tpu.memory_space<semaphore_mem>>) src(%arg11 : memref<128x64xf32, #tpu.memory_space<vmem>>) dst(%dma_wait3A_113 : memref<128x64xf32, #tpu.memory_space<vmem_shared>>)
      tpu.yield
    }) : () -> ()
    %mul3A_35 = arith.constant 648 : i32
    %mul3A_36 = arith.muli %arg1, %mul3A_35 : i32
    %add3A_37 = arith.constant 256 : i32
    %add3A_38 = arith.addi %mul3A_36, %add3A_37 : i32
    "tpu.region"() ({
      %run_scoped3A_105 = tpu.sem_alloc : memref<!tpu.dma_semaphore, #tpu.memory_space<semaphore_mem>>
      %dma_start3A_106 = arith.constant 0 : i32
      %dma_start3A_107 = tpu.memref_slice %arg12[%add3A_38, %dma_start3A_106] : memref<10368x64xf32, #tpu.memory_space<vmem_shared>> -> memref<128x64xf32, #tpu.memory_space<vmem_shared>>
      %dma_start3A_108 = arith.constant 0 : i32
      %dma_start3A_109 = tpu.memref_slice %arg12[%add3A_38, %dma_start3A_108] : memref<10368x64xf32, #tpu.memory_space<vmem_shared>> -> memref<128x64xf32, #tpu.memory_space<vmem_shared>>
      tpu.enqueue_dma source(%arg11 : memref<128x64xf32, #tpu.memory_space<vmem>>) target(%dma_start3A_109 : memref<128x64xf32, #tpu.memory_space<vmem_shared>>) target_semaphore(%run_scoped3A_105 : memref<!tpu.dma_semaphore, #tpu.memory_space<semaphore_mem>>)
      %dma_wait3A_110 = arith.constant 0 : i32
      %dma_wait3A_111 = tpu.memref_slice %arg12[%add3A_38, %dma_wait3A_110] : memref<10368x64xf32, #tpu.memory_space<vmem_shared>> -> memref<128x64xf32, #tpu.memory_space<vmem_shared>>
      %dma_wait3A_112 = arith.constant 0 : i32
      %dma_wait3A_113 = tpu.memref_slice %arg12[%add3A_38, %dma_wait3A_112] : memref<10368x64xf32, #tpu.memory_space<vmem_shared>> -> memref<128x64xf32, #tpu.memory_space<vmem_shared>>
      tpu.wait_dma2 semaphore(%run_scoped3A_105 : memref<!tpu.dma_semaphore, #tpu.memory_space<semaphore_mem>>) src(%arg11 : memref<128x64xf32, #tpu.memory_space<vmem>>) dst(%dma_wait3A_113 : memref<128x64xf32, #tpu.memory_space<vmem_shared>>)
      tpu.yield
    }) : () -> ()
    %mul3A_39 = arith.constant 648 : i32
    %mul3A_40 = arith.muli %arg1, %mul3A_39 : i32
    %add3A_41 = arith.constant 384 : i32
    %add3A_42 = arith.addi %mul3A_40, %add3A_41 : i32
    "tpu.region"() ({
      %run_scoped3A_105 = tpu.sem_alloc : memref<!tpu.dma_semaphore, #tpu.memory_space<semaphore_mem>>
      %dma_start3A_106 = arith.constant 0 : i32
      %dma_start3A_107 = tpu.memref_slice %arg12[%add3A_42, %dma_start3A_106] : memref<10368x64xf32, #tpu.memory_space<vmem_shared>> -> memref<128x64xf32, #tpu.memory_space<vmem_shared>>
      %dma_start3A_108 = arith.constant 0 : i32
      %dma_start3A_109 = tpu.memref_slice %arg12[%add3A_42, %dma_start3A_108] : memref<10368x64xf32, #tpu.memory_space<vmem_shared>> -> memref<128x64xf32, #tpu.memory_space<vmem_shared>>
      tpu.enqueue_dma source(%arg11 : memref<128x64xf32, #tpu.memory_space<vmem>>) target(%dma_start3A_109 : memref<128x64xf32, #tpu.memory_space<vmem_shared>>) target_semaphore(%run_scoped3A_105 : memref<!tpu.dma_semaphore, #tpu.memory_space<semaphore_mem>>)
      %dma_wait3A_110 = arith.constant 0 : i32
      %dma_wait3A_111 = tpu.memref_slice %arg12[%add3A_42, %dma_wait3A_110] : memref<10368x64xf32, #tpu.memory_space<vmem_shared>> -> memref<128x64xf32, #tpu.memory_space<vmem_shared>>
      %dma_wait3A_112 = arith.constant 0 : i32
      %dma_wait3A_113 = tpu.memref_slice %arg12[%add3A_42, %dma_wait3A_112] : memref<10368x64xf32, #tpu.memory_space<vmem_shared>> -> memref<128x64xf32, #tpu.memory_space<vmem_shared>>
      tpu.wait_dma2 semaphore(%run_scoped3A_105 : memref<!tpu.dma_semaphore, #tpu.memory_space<semaphore_mem>>) src(%arg11 : memref<128x64xf32, #tpu.memory_space<vmem>>) dst(%dma_wait3A_113 : memref<128x64xf32, #tpu.memory_space<vmem_shared>>)
      tpu.yield
    }) : () -> ()
    %mul3A_43 = arith.constant 648 : i32
    %mul3A_44 = arith.muli %arg1, %mul3A_43 : i32
    %add3A_45 = arith.constant 512 : i32
    %add3A_46 = arith.addi %mul3A_44, %add3A_45 : i32
    "tpu.region"() ({
      %run_scoped3A_105 = tpu.sem_alloc : memref<!tpu.dma_semaphore, #tpu.memory_space<semaphore_mem>>
      %dma_start3A_106 = arith.constant 0 : i32
      %dma_start3A_107 = tpu.memref_slice %arg12[%add3A_46, %dma_start3A_106] : memref<10368x64xf32, #tpu.memory_space<vmem_shared>> -> memref<128x64xf32, #tpu.memory_space<vmem_shared>>
      %dma_start3A_108 = arith.constant 0 : i32
      %dma_start3A_109 = tpu.memref_slice %arg12[%add3A_46, %dma_start3A_108] : memref<10368x64xf32, #tpu.memory_space<vmem_shared>> -> memref<128x64xf32, #tpu.memory_space<vmem_shared>>
      tpu.enqueue_dma source(%arg11 : memref<128x64xf32, #tpu.memory_space<vmem>>) target(%dma_start3A_109 : memref<128x64xf32, #tpu.memory_space<vmem_shared>>) target_semaphore(%run_scoped3A_105 : memref<!tpu.dma_semaphore, #tpu.memory_space<semaphore_mem>>)
      %dma_wait3A_110 = arith.constant 0 : i32
      %dma_wait3A_111 = tpu.memref_slice %arg12[%add3A_46, %dma_wait3A_110] : memref<10368x64xf32, #tpu.memory_space<vmem_shared>> -> memref<128x64xf32, #tpu.memory_space<vmem_shared>>
      %dma_wait3A_112 = arith.constant 0 : i32
      %dma_wait3A_113 = tpu.memref_slice %arg12[%add3A_46, %dma_wait3A_112] : memref<10368x64xf32, #tpu.memory_space<vmem_shared>> -> memref<128x64xf32, #tpu.memory_space<vmem_shared>>
      tpu.wait_dma2 semaphore(%run_scoped3A_105 : memref<!tpu.dma_semaphore, #tpu.memory_space<semaphore_mem>>) src(%arg11 : memref<128x64xf32, #tpu.memory_space<vmem>>) dst(%dma_wait3A_113 : memref<128x64xf32, #tpu.memory_space<vmem_shared>>)
      tpu.yield
    }) : () -> ()
    %mul3A_47 = arith.constant 648 : i32
    %mul3A_48 = arith.muli %arg1, %mul3A_47 : i32
    %add3A_49 = arith.constant 640 : i32
    %add3A_50 = arith.addi %mul3A_48, %add3A_49 : i32
    "tpu.region"() ({
      %run_scoped3A_105 = tpu.sem_alloc : memref<!tpu.dma_semaphore, #tpu.memory_space<semaphore_mem>>
      %dma_start3A_106 = arith.constant 0 : i32
      %dma_start3A_107 = arith.constant 0 : i32
      %dma_start3A_108 = tpu.memref_slice %arg11[%dma_start3A_106, %dma_start3A_107] : memref<128x64xf32, #tpu.memory_space<vmem>> -> memref<8x64xf32, #tpu.memory_space<vmem>>
      %dma_start3A_109 = arith.constant 0 : i32
      %dma_start3A_110 = tpu.memref_slice %arg12[%add3A_50, %dma_start3A_109] : memref<10368x64xf32, #tpu.memory_space<vmem_shared>> -> memref<8x64xf32, #tpu.memory_space<vmem_shared>>
      %dma_start3A_111 = arith.constant 0 : i32
      %dma_start3A_112 = tpu.memref_slice %arg12[%add3A_50, %dma_start3A_111] : memref<10368x64xf32, #tpu.memory_space<vmem_shared>> -> memref<8x64xf32, #tpu.memory_space<vmem_shared>>
      %dma_start3A_113 = arith.constant 0 : i32
      %dma_start3A_114 = arith.constant 0 : i32
      %dma_start3A_115 = tpu.memref_slice %arg11[%dma_start3A_113, %dma_start3A_114] : memref<128x64xf32, #tpu.memory_space<vmem>> -> memref<8x64xf32, #tpu.memory_space<vmem>>
      tpu.enqueue_dma source(%dma_start3A_115 : memref<8x64xf32, #tpu.memory_space<vmem>>) target(%dma_start3A_112 : memref<8x64xf32, #tpu.memory_space<vmem_shared>>) target_semaphore(%run_scoped3A_105 : memref<!tpu.dma_semaphore, #tpu.memory_space<semaphore_mem>>)
      %dma_wait3A_116 = arith.constant 0 : i32
      %dma_wait3A_117 = arith.constant 0 : i32
      %dma_wait3A_118 = tpu.memref_slice %arg11[%dma_wait3A_116, %dma_wait3A_117] : memref<128x64xf32, #tpu.memory_space<vmem>> -> memref<8x64xf32, #tpu.memory_space<vmem>>
      %dma_wait3A_119 = arith.constant 0 : i32
      %dma_wait3A_120 = tpu.memref_slice %arg12[%add3A_50, %dma_wait3A_119] : memref<10368x64xf32, #tpu.memory_space<vmem_shared>> -> memref<8x64xf32, #tpu.memory_space<vmem_shared>>
      %dma_wait3A_121 = arith.constant 0 : i32
      %dma_wait3A_122 = tpu.memref_slice %arg12[%add3A_50, %dma_wait3A_121] : memref<10368x64xf32, #tpu.memory_space<vmem_shared>> -> memref<8x64xf32, #tpu.memory_space<vmem_shared>>
      %dma_wait3A_123 = arith.constant 0 : i32
      %dma_wait3A_124 = arith.constant 0 : i32
      %dma_wait3A_125 = tpu.memref_slice %arg11[%dma_wait3A_123, %dma_wait3A_124] : memref<128x64xf32, #tpu.memory_space<vmem>> -> memref<8x64xf32, #tpu.memory_space<vmem>>
      tpu.wait_dma2 semaphore(%run_scoped3A_105 : memref<!tpu.dma_semaphore, #tpu.memory_space<semaphore_mem>>) src(%dma_wait3A_125 : memref<8x64xf32, #tpu.memory_space<vmem>>) dst(%dma_wait3A_122 : memref<8x64xf32, #tpu.memory_space<vmem_shared>>)
      tpu.yield
    }) : () -> ()
    %barrier3A = arith.constant 0 : index
    tpu.barrier barrier_id(%barrier3A)
    %scan3A_51 = arith.constant 0 : i32
    %scan3A_52 = arith.constant 0 : i32
    %scan3A_53 = arith.constant 40 : i32
    %scan3A_54 = arith.addi %scan3A_52, %scan3A_53 : i32
    %scan3A_55 = arith.constant 1 : i32
    scf.for %scan3A_105 = %scan3A_52 to %scan3A_54 step %scan3A_55  : i32 {
      %mul3A_106 = arith.constant 4 : i32
      %mul3A_107 = arith.muli %scan3A_105, %mul3A_106 : i32
      %add3A_108 = arith.constant 0 : i32
      %add3A_109 = arith.addi %mul3A_107, %add3A_108 : i32
      %dma_wait3A_110 = arith.constant 0 : i32
      %dma_wait3A_111 = arith.constant 0 : i32
      %dma_wait3A_112 = arith.constant 0 : i32
      %dma_wait3A_113 = tpu.memref_slice %arg10[%dma_wait3A_110, %dma_wait3A_111, %dma_wait3A_112] : memref<4x128x64xf32, #tpu.memory_space<vmem>> -> memref<1x128x64xf32, #tpu.memory_space<vmem>>
      %dma_wait3A_114 = tpu.memref_squeeze %dma_wait3A_113 : memref<1x128x64xf32, #tpu.memory_space<vmem>> -> memref<128x64xf32, #tpu.memory_space<vmem>>
      %dma_wait3A_115 = arith.constant 0 : i32
      %dma_wait3A_116 = tpu.memref_slice %arg7[%add3A_109, %dma_wait3A_115] : memref<160x128xi32, #tpu.memory_space<vmem>> -> memref<1x128xi32, #tpu.memory_space<vmem>>
      %dma_wait3A_117 = tpu.memref_squeeze %dma_wait3A_116 : memref<1x128xi32, #tpu.memory_space<vmem>> -> memref<128xi32, #tpu.memory_space<vmem>>
      %dma_wait3A_118 = arith.constant 0 : i32
      %dma_wait3A_119 = arith.constant 0 : i32
      %dma_wait3A_120 = tpu.memref_slice %arg2[%dma_wait3A_118, %dma_wait3A_119] : memref<20480x64xf32, #tpu.memory_space<hbm>> -> memref<20480x64xf32, #tpu.memory_space<hbm>>
      tpu.wait_indirect_dma semaphore(%arg13 : memref<!tpu.dma_semaphore, #tpu.memory_space<semaphore_mem>>) src(%dma_wait3A_120 : memref<20480x64xf32, #tpu.memory_space<hbm>>) dst(%dma_wait3A_114 : memref<128x64xf32, #tpu.memory_space<vmem>>)
      %dma_start3A_121 = arith.constant 0 : i32
      %dma_start3A_122 = arith.constant 0 : i32
      %dma_start3A_123 = arith.constant 0 : i32
      %dma_start3A_124 = tpu.memref_slice %arg10[%dma_start3A_121, %dma_start3A_122, %dma_start3A_123] : memref<4x128x64xf32, #tpu.memory_space<vmem>> -> memref<1x128x64xf32, #tpu.memory_space<vmem>>
      %dma_start3A_125 = tpu.memref_squeeze %dma_start3A_124 : memref<1x128x64xf32, #tpu.memory_space<vmem>> -> memref<128x64xf32, #tpu.memory_space<vmem>>
      %dma_start3A_126 = arith.constant 0 : i32
      %dma_start3A_127 = tpu.memref_slice %arg8[%add3A_109, %dma_start3A_126] : memref<160x128xi32, #tpu.memory_space<vmem>> -> memref<1x128xi32, #tpu.memory_space<vmem>>
      %dma_start3A_128 = tpu.memref_squeeze %dma_start3A_127 : memref<1x128xi32, #tpu.memory_space<vmem>> -> memref<128xi32, #tpu.memory_space<vmem>>
      %dma_start3A_129 = arith.constant 0 : i32
      %dma_start3A_130 = arith.constant 0 : i32
      %dma_start3A_131 = tpu.memref_slice %arg12[%dma_start3A_129, %dma_start3A_130] : memref<10368x64xf32, #tpu.memory_space<vmem_shared>> -> memref<10368x64xf32, #tpu.memory_space<vmem_shared>>
      tpu.enqueue_indirect_dma source(%dma_start3A_125 : memref<128x64xf32, #tpu.memory_space<vmem>>) target(%dma_start3A_131 : memref<10368x64xf32, #tpu.memory_space<vmem_shared>>) offsets(%dma_start3A_128 : memref<128xi32, #tpu.memory_space<vmem>>) semaphore(%arg17 : memref<!tpu.dma_semaphore, #tpu.memory_space<semaphore_mem>>) {add = true}
      %ge3A = arith.constant 2 : i32
      %ge3A_132 = arith.cmpi sge, %add3A_109, %ge3A : i32
      %convert_element_type3A = arith.extui %ge3A_132 : i1 to i32
      %cond3A = arith.constant 0 : i32
      %cond3A_133 = arith.cmpi ne, %convert_element_type3A, %cond3A : i32
      scf.if %cond3A_133 {
        %sub3A = arith.constant 2 : i32
        %sub3A_254 = arith.subi %add3A_109, %sub3A : i32
        %dma_wait3A_255 = arith.constant 2 : i32
        %dma_wait3A_256 = arith.constant 0 : i32
        %dma_wait3A_257 = arith.constant 0 : i32
        %dma_wait3A_258 = tpu.memref_slice %arg10[%dma_wait3A_255, %dma_wait3A_256, %dma_wait3A_257] : memref<4x128x64xf32, #tpu.memory_space<vmem>> -> memref<1x128x64xf32, #tpu.memory_space<vmem>>
        %dma_wait3A_259 = tpu.memref_squeeze %dma_wait3A_258 : memref<1x128x64xf32, #tpu.memory_space<vmem>> -> memref<128x64xf32, #tpu.memory_space<vmem>>
        %dma_wait3A_260 = arith.constant 0 : i32
        %dma_wait3A_261 = tpu.memref_slice %arg8[%sub3A_254, %dma_wait3A_260] : memref<160x128xi32, #tpu.memory_space<vmem>> -> memref<1x128xi32, #tpu.memory_space<vmem>>
        %dma_wait3A_262 = tpu.memref_squeeze %dma_wait3A_261 : memref<1x128xi32, #tpu.memory_space<vmem>> -> memref<128xi32, #tpu.memory_space<vmem>>
        %dma_wait3A_263 = arith.constant 0 : i32
        %dma_wait3A_264 = arith.constant 0 : i32
        %dma_wait3A_265 = tpu.memref_slice %arg12[%dma_wait3A_263, %dma_wait3A_264] : memref<10368x64xf32, #tpu.memory_space<vmem_shared>> -> memref<10368x64xf32, #tpu.memory_space<vmem_shared>>
        tpu.wait_indirect_dma semaphore(%arg19 : memref<!tpu.dma_semaphore, #tpu.memory_space<semaphore_mem>>) src(%dma_wait3A_259 : memref<128x64xf32, #tpu.memory_space<vmem>>) dst(%dma_wait3A_265 : memref<10368x64xf32, #tpu.memory_space<vmem_shared>>)
      } else {
      }
      %add3A_134 = arith.constant 2 : i32
      %add3A_135 = arith.addi %add3A_109, %add3A_134 : i32
      %lt3A = arith.constant 160 : i32
      %lt3A_136 = arith.cmpi slt, %add3A_135, %lt3A : i32
      %convert_element_type3A_137 = arith.extui %lt3A_136 : i1 to i32
      %cond3A_138 = arith.constant 0 : i32
      %cond3A_139 = arith.cmpi ne, %convert_element_type3A_137, %cond3A_138 : i32
      scf.if %cond3A_139 {
        %add3A_254 = arith.constant 2 : i32
        %add3A_255 = arith.addi %add3A_109, %add3A_254 : i32
        %dma_start3A_256 = arith.constant 2 : i32
        %dma_start3A_257 = arith.constant 0 : i32
        %dma_start3A_258 = arith.constant 0 : i32
        %dma_start3A_259 = tpu.memref_slice %arg10[%dma_start3A_256, %dma_start3A_257, %dma_start3A_258] : memref<4x128x64xf32, #tpu.memory_space<vmem>> -> memref<1x128x64xf32, #tpu.memory_space<vmem>>
        %dma_start3A_260 = tpu.memref_squeeze %dma_start3A_259 : memref<1x128x64xf32, #tpu.memory_space<vmem>> -> memref<128x64xf32, #tpu.memory_space<vmem>>
        %dma_start3A_261 = arith.constant 0 : i32
        %dma_start3A_262 = tpu.memref_slice %arg7[%add3A_255, %dma_start3A_261] : memref<160x128xi32, #tpu.memory_space<vmem>> -> memref<1x128xi32, #tpu.memory_space<vmem>>
        %dma_start3A_263 = tpu.memref_squeeze %dma_start3A_262 : memref<1x128xi32, #tpu.memory_space<vmem>> -> memref<128xi32, #tpu.memory_space<vmem>>
        %dma_start3A_264 = arith.constant 0 : i32
        %dma_start3A_265 = arith.constant 0 : i32
        %dma_start3A_266 = tpu.memref_slice %arg2[%dma_start3A_264, %dma_start3A_265] : memref<20480x64xf32, #tpu.memory_space<hbm>> -> memref<20480x64xf32, #tpu.memory_space<hbm>>
        tpu.enqueue_indirect_dma source(%dma_start3A_266 : memref<20480x64xf32, #tpu.memory_space<hbm>>) target(%dma_start3A_260 : memref<128x64xf32, #tpu.memory_space<vmem>>) offsets(%dma_start3A_263 : memref<128xi32, #tpu.memory_space<vmem>>) semaphore(%arg15 : memref<!tpu.dma_semaphore, #tpu.memory_space<semaphore_mem>>)
      } else {
      }
      %mul3A_140 = arith.constant 4 : i32
      %mul3A_141 = arith.muli %scan3A_105, %mul3A_140 : i32
      %add3A_142 = arith.constant 1 : i32
      %add3A_143 = arith.addi %mul3A_141, %add3A_142 : i32
      %dma_wait3A_144 = arith.constant 1 : i32
      %dma_wait3A_145 = arith.constant 0 : i32
      %dma_wait3A_146 = arith.constant 0 : i32
      %dma_wait3A_147 = tpu.memref_slice %arg10[%dma_wait3A_144, %dma_wait3A_145, %dma_wait3A_146] : memref<4x128x64xf32, #tpu.memory_space<vmem>> -> memref<1x128x64xf32, #tpu.memory_space<vmem>>
      %dma_wait3A_148 = tpu.memref_squeeze %dma_wait3A_147 : memref<1x128x64xf32, #tpu.memory_space<vmem>> -> memref<128x64xf32, #tpu.memory_space<vmem>>
      %dma_wait3A_149 = arith.constant 0 : i32
      %dma_wait3A_150 = tpu.memref_slice %arg7[%add3A_143, %dma_wait3A_149] : memref<160x128xi32, #tpu.memory_space<vmem>> -> memref<1x128xi32, #tpu.memory_space<vmem>>
      %dma_wait3A_151 = tpu.memref_squeeze %dma_wait3A_150 : memref<1x128xi32, #tpu.memory_space<vmem>> -> memref<128xi32, #tpu.memory_space<vmem>>
      %dma_wait3A_152 = arith.constant 0 : i32
      %dma_wait3A_153 = arith.constant 0 : i32
      %dma_wait3A_154 = tpu.memref_slice %arg2[%dma_wait3A_152, %dma_wait3A_153] : memref<20480x64xf32, #tpu.memory_space<hbm>> -> memref<20480x64xf32, #tpu.memory_space<hbm>>
      tpu.wait_indirect_dma semaphore(%arg14 : memref<!tpu.dma_semaphore, #tpu.memory_space<semaphore_mem>>) src(%dma_wait3A_154 : memref<20480x64xf32, #tpu.memory_space<hbm>>) dst(%dma_wait3A_148 : memref<128x64xf32, #tpu.memory_space<vmem>>)
      %dma_start3A_155 = arith.constant 1 : i32
      %dma_start3A_156 = arith.constant 0 : i32
      %dma_start3A_157 = arith.constant 0 : i32
      %dma_start3A_158 = tpu.memref_slice %arg10[%dma_start3A_155, %dma_start3A_156, %dma_start3A_157] : memref<4x128x64xf32, #tpu.memory_space<vmem>> -> memref<1x128x64xf32, #tpu.memory_space<vmem>>
      %dma_start3A_159 = tpu.memref_squeeze %dma_start3A_158 : memref<1x128x64xf32, #tpu.memory_space<vmem>> -> memref<128x64xf32, #tpu.memory_space<vmem>>
      %dma_start3A_160 = arith.constant 0 : i32
      %dma_start3A_161 = tpu.memref_slice %arg8[%add3A_143, %dma_start3A_160] : memref<160x128xi32, #tpu.memory_space<vmem>> -> memref<1x128xi32, #tpu.memory_space<vmem>>
      %dma_start3A_162 = tpu.memref_squeeze %dma_start3A_161 : memref<1x128xi32, #tpu.memory_space<vmem>> -> memref<128xi32, #tpu.memory_space<vmem>>
      %dma_start3A_163 = arith.constant 0 : i32
      %dma_start3A_164 = arith.constant 0 : i32
      %dma_start3A_165 = tpu.memref_slice %arg12[%dma_start3A_163, %dma_start3A_164] : memref<10368x64xf32, #tpu.memory_space<vmem_shared>> -> memref<10368x64xf32, #tpu.memory_space<vmem_shared>>
      tpu.enqueue_indirect_dma source(%dma_start3A_159 : memref<128x64xf32, #tpu.memory_space<vmem>>) target(%dma_start3A_165 : memref<10368x64xf32, #tpu.memory_space<vmem_shared>>) offsets(%dma_start3A_162 : memref<128xi32, #tpu.memory_space<vmem>>) semaphore(%arg18 : memref<!tpu.dma_semaphore, #tpu.memory_space<semaphore_mem>>) {add = true}
      %ge3A_166 = arith.constant 2 : i32
      %ge3A_167 = arith.cmpi sge, %add3A_143, %ge3A_166 : i32
      %convert_element_type3A_168 = arith.extui %ge3A_167 : i1 to i32
      %cond3A_169 = arith.constant 0 : i32
      %cond3A_170 = arith.cmpi ne, %convert_element_type3A_168, %cond3A_169 : i32
      scf.if %cond3A_170 {
        %sub3A = arith.constant 2 : i32
        %sub3A_254 = arith.subi %add3A_143, %sub3A : i32
        %dma_wait3A_255 = arith.constant 3 : i32
        %dma_wait3A_256 = arith.constant 0 : i32
        %dma_wait3A_257 = arith.constant 0 : i32
        %dma_wait3A_258 = tpu.memref_slice %arg10[%dma_wait3A_255, %dma_wait3A_256, %dma_wait3A_257] : memref<4x128x64xf32, #tpu.memory_space<vmem>> -> memref<1x128x64xf32, #tpu.memory_space<vmem>>
        %dma_wait3A_259 = tpu.memref_squeeze %dma_wait3A_258 : memref<1x128x64xf32, #tpu.memory_space<vmem>> -> memref<128x64xf32, #tpu.memory_space<vmem>>
        %dma_wait3A_260 = arith.constant 0 : i32
        %dma_wait3A_261 = tpu.memref_slice %arg8[%sub3A_254, %dma_wait3A_260] : memref<160x128xi32, #tpu.memory_space<vmem>> -> memref<1x128xi32, #tpu.memory_space<vmem>>
        %dma_wait3A_262 = tpu.memref_squeeze %dma_wait3A_261 : memref<1x128xi32, #tpu.memory_space<vmem>> -> memref<128xi32, #tpu.memory_space<vmem>>
        %dma_wait3A_263 = arith.constant 0 : i32
        %dma_wait3A_264 = arith.constant 0 : i32
        %dma_wait3A_265 = tpu.memref_slice %arg12[%dma_wait3A_263, %dma_wait3A_264] : memref<10368x64xf32, #tpu.memory_space<vmem_shared>> -> memref<10368x64xf32, #tpu.memory_space<vmem_shared>>
        tpu.wait_indirect_dma semaphore(%arg20 : memref<!tpu.dma_semaphore, #tpu.memory_space<semaphore_mem>>) src(%dma_wait3A_259 : memref<128x64xf32, #tpu.memory_space<vmem>>) dst(%dma_wait3A_265 : memref<10368x64xf32, #tpu.memory_space<vmem_shared>>)
      } else {
      }
      %add3A_171 = arith.constant 2 : i32
      %add3A_172 = arith.addi %add3A_143, %add3A_171 : i32
      %lt3A_173 = arith.constant 160 : i32
      %lt3A_174 = arith.cmpi slt, %add3A_172, %lt3A_173 : i32
      %convert_element_type3A_175 = arith.extui %lt3A_174 : i1 to i32
      %cond3A_176 = arith.constant 0 : i32
      %cond3A_177 = arith.cmpi ne, %convert_element_type3A_175, %cond3A_176 : i32
      scf.if %cond3A_177 {
        %add3A_254 = arith.constant 2 : i32
        %add3A_255 = arith.addi %add3A_143, %add3A_254 : i32
        %dma_start3A_256 = arith.constant 3 : i32
        %dma_start3A_257 = arith.constant 0 : i32
        %dma_start3A_258 = arith.constant 0 : i32
        %dma_start3A_259 = tpu.memref_slice %arg10[%dma_start3A_256, %dma_start3A_257, %dma_start3A_258] : memref<4x128x64xf32, #tpu.memory_space<vmem>> -> memref<1x128x64xf32, #tpu.memory_space<vmem>>
        %dma_start3A_260 = tpu.memref_squeeze %dma_start3A_259 : memref<1x128x64xf32, #tpu.memory_space<vmem>> -> memref<128x64xf32, #tpu.memory_space<vmem>>
        %dma_start3A_261 = arith.constant 0 : i32
        %dma_start3A_262 = tpu.memref_slice %arg7[%add3A_255, %dma_start3A_261] : memref<160x128xi32, #tpu.memory_space<vmem>> -> memref<1x128xi32, #tpu.memory_space<vmem>>
        %dma_start3A_263 = tpu.memref_squeeze %dma_start3A_262 : memref<1x128xi32, #tpu.memory_space<vmem>> -> memref<128xi32, #tpu.memory_space<vmem>>
        %dma_start3A_264 = arith.constant 0 : i32
        %dma_start3A_265 = arith.constant 0 : i32
        %dma_start3A_266 = tpu.memref_slice %arg2[%dma_start3A_264, %dma_start3A_265] : memref<20480x64xf32, #tpu.memory_space<hbm>> -> memref<20480x64xf32, #tpu.memory_space<hbm>>
        tpu.enqueue_indirect_dma source(%dma_start3A_266 : memref<20480x64xf32, #tpu.memory_space<hbm>>) target(%dma_start3A_260 : memref<128x64xf32, #tpu.memory_space<vmem>>) offsets(%dma_start3A_263 : memref<128xi32, #tpu.memory_space<vmem>>) semaphore(%arg16 : memref<!tpu.dma_semaphore, #tpu.memory_space<semaphore_mem>>)
      } else {
      }
      %mul3A_178 = arith.constant 4 : i32
      %mul3A_179 = arith.muli %scan3A_105, %mul3A_178 : i32
      %add3A_180 = arith.constant 2 : i32
      %add3A_181 = arith.addi %mul3A_179, %add3A_180 : i32
      %dma_wait3A_182 = arith.constant 2 : i32
      %dma_wait3A_183 = arith.constant 0 : i32
      %dma_wait3A_184 = arith.constant 0 : i32
      %dma_wait3A_185 = tpu.memref_slice %arg10[%dma_wait3A_182, %dma_wait3A_183, %dma_wait3A_184] : memref<4x128x64xf32, #tpu.memory_space<vmem>> -> memref<1x128x64xf32, #tpu.memory_space<vmem>>
      %dma_wait3A_186 = tpu.memref_squeeze %dma_wait3A_185 : memref<1x128x64xf32, #tpu.memory_space<vmem>> -> memref<128x64xf32, #tpu.memory_space<vmem>>
      %dma_wait3A_187 = arith.constant 0 : i32
      %dma_wait3A_188 = tpu.memref_slice %arg7[%add3A_181, %dma_wait3A_187] : memref<160x128xi32, #tpu.memory_space<vmem>> -> memref<1x128xi32, #tpu.memory_space<vmem>>
      %dma_wait3A_189 = tpu.memref_squeeze %dma_wait3A_188 : memref<1x128xi32, #tpu.memory_space<vmem>> -> memref<128xi32, #tpu.memory_space<vmem>>
      %dma_wait3A_190 = arith.constant 0 : i32
      %dma_wait3A_191 = arith.constant 0 : i32
      %dma_wait3A_192 = tpu.memref_slice %arg2[%dma_wait3A_190, %dma_wait3A_191] : memref<20480x64xf32, #tpu.memory_space<hbm>> -> memref<20480x64xf32, #tpu.memory_space<hbm>>
      tpu.wait_indirect_dma semaphore(%arg15 : memref<!tpu.dma_semaphore, #tpu.memory_space<semaphore_mem>>) src(%dma_wait3A_192 : memref<20480x64xf32, #tpu.memory_space<hbm>>) dst(%dma_wait3A_186 : memref<128x64xf32, #tpu.memory_space<vmem>>)
      %dma_start3A_193 = arith.constant 2 : i32
      %dma_start3A_194 = arith.constant 0 : i32
      %dma_start3A_195 = arith.constant 0 : i32
      %dma_start3A_196 = tpu.memref_slice %arg10[%dma_start3A_193, %dma_start3A_194, %dma_start3A_195] : memref<4x128x64xf32, #tpu.memory_space<vmem>> -> memref<1x128x64xf32, #tpu.memory_space<vmem>>
      %dma_start3A_197 = tpu.memref_squeeze %dma_start3A_196 : memref<1x128x64xf32, #tpu.memory_space<vmem>> -> memref<128x64xf32, #tpu.memory_space<vmem>>
      %dma_start3A_198 = arith.constant 0 : i32
      %dma_start3A_199 = tpu.memref_slice %arg8[%add3A_181, %dma_start3A_198] : memref<160x128xi32, #tpu.memory_space<vmem>> -> memref<1x128xi32, #tpu.memory_space<vmem>>
      %dma_start3A_200 = tpu.memref_squeeze %dma_start3A_199 : memref<1x128xi32, #tpu.memory_space<vmem>> -> memref<128xi32, #tpu.memory_space<vmem>>
      %dma_start3A_201 = arith.constant 0 : i32
      %dma_start3A_202 = arith.constant 0 : i32
      %dma_start3A_203 = tpu.memref_slice %arg12[%dma_start3A_201, %dma_start3A_202] : memref<10368x64xf32, #tpu.memory_space<vmem_shared>> -> memref<10368x64xf32, #tpu.memory_space<vmem_shared>>
      tpu.enqueue_indirect_dma source(%dma_start3A_197 : memref<128x64xf32, #tpu.memory_space<vmem>>) target(%dma_start3A_203 : memref<10368x64xf32, #tpu.memory_space<vmem_shared>>) offsets(%dma_start3A_200 : memref<128xi32, #tpu.memory_space<vmem>>) semaphore(%arg19 : memref<!tpu.dma_semaphore, #tpu.memory_space<semaphore_mem>>) {add = true}
      %ge3A_204 = arith.constant 2 : i32
      %ge3A_205 = arith.cmpi sge, %add3A_181, %ge3A_204 : i32
      %convert_element_type3A_206 = arith.extui %ge3A_205 : i1 to i32
      %cond3A_207 = arith.constant 0 : i32
      %cond3A_208 = arith.cmpi ne, %convert_element_type3A_206, %cond3A_207 : i32
      scf.if %cond3A_208 {
        %sub3A = arith.constant 2 : i32
        %sub3A_254 = arith.subi %add3A_181, %sub3A : i32
        %dma_wait3A_255 = arith.constant 0 : i32
        %dma_wait3A_256 = arith.constant 0 : i32
        %dma_wait3A_257 = arith.constant 0 : i32
        %dma_wait3A_258 = tpu.memref_slice %arg10[%dma_wait3A_255, %dma_wait3A_256, %dma_wait3A_257] : memref<4x128x64xf32, #tpu.memory_space<vmem>> -> memref<1x128x64xf32, #tpu.memory_space<vmem>>
        %dma_wait3A_259 = tpu.memref_squeeze %dma_wait3A_258 : memref<1x128x64xf32, #tpu.memory_space<vmem>> -> memref<128x64xf32, #tpu.memory_space<vmem>>
        %dma_wait3A_260 = arith.constant 0 : i32
        %dma_wait3A_261 = tpu.memref_slice %arg8[%sub3A_254, %dma_wait3A_260] : memref<160x128xi32, #tpu.memory_space<vmem>> -> memref<1x128xi32, #tpu.memory_space<vmem>>
        %dma_wait3A_262 = tpu.memref_squeeze %dma_wait3A_261 : memref<1x128xi32, #tpu.memory_space<vmem>> -> memref<128xi32, #tpu.memory_space<vmem>>
        %dma_wait3A_263 = arith.constant 0 : i32
        %dma_wait3A_264 = arith.constant 0 : i32
        %dma_wait3A_265 = tpu.memref_slice %arg12[%dma_wait3A_263, %dma_wait3A_264] : memref<10368x64xf32, #tpu.memory_space<vmem_shared>> -> memref<10368x64xf32, #tpu.memory_space<vmem_shared>>
        tpu.wait_indirect_dma semaphore(%arg17 : memref<!tpu.dma_semaphore, #tpu.memory_space<semaphore_mem>>) src(%dma_wait3A_259 : memref<128x64xf32, #tpu.memory_space<vmem>>) dst(%dma_wait3A_265 : memref<10368x64xf32, #tpu.memory_space<vmem_shared>>)
      } else {
      }
      %add3A_209 = arith.constant 2 : i32
      %add3A_210 = arith.addi %add3A_181, %add3A_209 : i32
      %lt3A_211 = arith.constant 160 : i32
      %lt3A_212 = arith.cmpi slt, %add3A_210, %lt3A_211 : i32
      %convert_element_type3A_213 = arith.extui %lt3A_212 : i1 to i32
      %cond3A_214 = arith.constant 0 : i32
      %cond3A_215 = arith.cmpi ne, %convert_element_type3A_213, %cond3A_214 : i32
      scf.if %cond3A_215 {
        %add3A_254 = arith.constant 2 : i32
        %add3A_255 = arith.addi %add3A_181, %add3A_254 : i32
        %dma_start3A_256 = arith.constant 0 : i32
        %dma_start3A_257 = arith.constant 0 : i32
        %dma_start3A_258 = arith.constant 0 : i32
        %dma_start3A_259 = tpu.memref_slice %arg10[%dma_start3A_256, %dma_start3A_257, %dma_start3A_258] : memref<4x128x64xf32, #tpu.memory_space<vmem>> -> memref<1x128x64xf32, #tpu.memory_space<vmem>>
        %dma_start3A_260 = tpu.memref_squeeze %dma_start3A_259 : memref<1x128x64xf32, #tpu.memory_space<vmem>> -> memref<128x64xf32, #tpu.memory_space<vmem>>
        %dma_start3A_261 = arith.constant 0 : i32
        %dma_start3A_262 = tpu.memref_slice %arg7[%add3A_255, %dma_start3A_261] : memref<160x128xi32, #tpu.memory_space<vmem>> -> memref<1x128xi32, #tpu.memory_space<vmem>>
        %dma_start3A_263 = tpu.memref_squeeze %dma_start3A_262 : memref<1x128xi32, #tpu.memory_space<vmem>> -> memref<128xi32, #tpu.memory_space<vmem>>
        %dma_start3A_264 = arith.constant 0 : i32
        %dma_start3A_265 = arith.constant 0 : i32
        %dma_start3A_266 = tpu.memref_slice %arg2[%dma_start3A_264, %dma_start3A_265] : memref<20480x64xf32, #tpu.memory_space<hbm>> -> memref<20480x64xf32, #tpu.memory_space<hbm>>
        tpu.enqueue_indirect_dma source(%dma_start3A_266 : memref<20480x64xf32, #tpu.memory_space<hbm>>) target(%dma_start3A_260 : memref<128x64xf32, #tpu.memory_space<vmem>>) offsets(%dma_start3A_263 : memref<128xi32, #tpu.memory_space<vmem>>) semaphore(%arg13 : memref<!tpu.dma_semaphore, #tpu.memory_space<semaphore_mem>>)
      } else {
      }
      %mul3A_216 = arith.constant 4 : i32
      %mul3A_217 = arith.muli %scan3A_105, %mul3A_216 : i32
      %add3A_218 = arith.constant 3 : i32
      %add3A_219 = arith.addi %mul3A_217, %add3A_218 : i32
      %dma_wait3A_220 = arith.constant 3 : i32
      %dma_wait3A_221 = arith.constant 0 : i32
      %dma_wait3A_222 = arith.constant 0 : i32
      %dma_wait3A_223 = tpu.memref_slice %arg10[%dma_wait3A_220, %dma_wait3A_221, %dma_wait3A_222] : memref<4x128x64xf32, #tpu.memory_space<vmem>> -> memref<1x128x64xf32, #tpu.memory_space<vmem>>
      %dma_wait3A_224 = tpu.memref_squeeze %dma_wait3A_223 : memref<1x128x64xf32, #tpu.memory_space<vmem>> -> memref<128x64xf32, #tpu.memory_space<vmem>>
      %dma_wait3A_225 = arith.constant 0 : i32
      %dma_wait3A_226 = tpu.memref_slice %arg7[%add3A_219, %dma_wait3A_225] : memref<160x128xi32, #tpu.memory_space<vmem>> -> memref<1x128xi32, #tpu.memory_space<vmem>>
      %dma_wait3A_227 = tpu.memref_squeeze %dma_wait3A_226 : memref<1x128xi32, #tpu.memory_space<vmem>> -> memref<128xi32, #tpu.memory_space<vmem>>
      %dma_wait3A_228 = arith.constant 0 : i32
      %dma_wait3A_229 = arith.constant 0 : i32
      %dma_wait3A_230 = tpu.memref_slice %arg2[%dma_wait3A_228, %dma_wait3A_229] : memref<20480x64xf32, #tpu.memory_space<hbm>> -> memref<20480x64xf32, #tpu.memory_space<hbm>>
      tpu.wait_indirect_dma semaphore(%arg16 : memref<!tpu.dma_semaphore, #tpu.memory_space<semaphore_mem>>) src(%dma_wait3A_230 : memref<20480x64xf32, #tpu.memory_space<hbm>>) dst(%dma_wait3A_224 : memref<128x64xf32, #tpu.memory_space<vmem>>)
      %dma_start3A_231 = arith.constant 3 : i32
      %dma_start3A_232 = arith.constant 0 : i32
      %dma_start3A_233 = arith.constant 0 : i32
      %dma_start3A_234 = tpu.memref_slice %arg10[%dma_start3A_231, %dma_start3A_232, %dma_start3A_233] : memref<4x128x64xf32, #tpu.memory_space<vmem>> -> memref<1x128x64xf32, #tpu.memory_space<vmem>>
      %dma_start3A_235 = tpu.memref_squeeze %dma_start3A_234 : memref<1x128x64xf32, #tpu.memory_space<vmem>> -> memref<128x64xf32, #tpu.memory_space<vmem>>
      %dma_start3A_236 = arith.constant 0 : i32
      %dma_start3A_237 = tpu.memref_slice %arg8[%add3A_219, %dma_start3A_236] : memref<160x128xi32, #tpu.memory_space<vmem>> -> memref<1x128xi32, #tpu.memory_space<vmem>>
      %dma_start3A_238 = tpu.memref_squeeze %dma_start3A_237 : memref<1x128xi32, #tpu.memory_space<vmem>> -> memref<128xi32, #tpu.memory_space<vmem>>
      %dma_start3A_239 = arith.constant 0 : i32
      %dma_start3A_240 = arith.constant 0 : i32
      %dma_start3A_241 = tpu.memref_slice %arg12[%dma_start3A_239, %dma_start3A_240] : memref<10368x64xf32, #tpu.memory_space<vmem_shared>> -> memref<10368x64xf32, #tpu.memory_space<vmem_shared>>
      tpu.enqueue_indirect_dma source(%dma_start3A_235 : memref<128x64xf32, #tpu.memory_space<vmem>>) target(%dma_start3A_241 : memref<10368x64xf32, #tpu.memory_space<vmem_shared>>) offsets(%dma_start3A_238 : memref<128xi32, #tpu.memory_space<vmem>>) semaphore(%arg20 : memref<!tpu.dma_semaphore, #tpu.memory_space<semaphore_mem>>) {add = true}
      %ge3A_242 = arith.constant 2 : i32
      %ge3A_243 = arith.cmpi sge, %add3A_219, %ge3A_242 : i32
      %convert_element_type3A_244 = arith.extui %ge3A_243 : i1 to i32
      %cond3A_245 = arith.constant 0 : i32
      %cond3A_246 = arith.cmpi ne, %convert_element_type3A_244, %cond3A_245 : i32
      scf.if %cond3A_246 {
        %sub3A = arith.constant 2 : i32
        %sub3A_254 = arith.subi %add3A_219, %sub3A : i32
        %dma_wait3A_255 = arith.constant 1 : i32
        %dma_wait3A_256 = arith.constant 0 : i32
        %dma_wait3A_257 = arith.constant 0 : i32
        %dma_wait3A_258 = tpu.memref_slice %arg10[%dma_wait3A_255, %dma_wait3A_256, %dma_wait3A_257] : memref<4x128x64xf32, #tpu.memory_space<vmem>> -> memref<1x128x64xf32, #tpu.memory_space<vmem>>
        %dma_wait3A_259 = tpu.memref_squeeze %dma_wait3A_258 : memref<1x128x64xf32, #tpu.memory_space<vmem>> -> memref<128x64xf32, #tpu.memory_space<vmem>>
        %dma_wait3A_260 = arith.constant 0 : i32
        %dma_wait3A_261 = tpu.memref_slice %arg8[%sub3A_254, %dma_wait3A_260] : memref<160x128xi32, #tpu.memory_space<vmem>> -> memref<1x128xi32, #tpu.memory_space<vmem>>
        %dma_wait3A_262 = tpu.memref_squeeze %dma_wait3A_261 : memref<1x128xi32, #tpu.memory_space<vmem>> -> memref<128xi32, #tpu.memory_space<vmem>>
        %dma_wait3A_263 = arith.constant 0 : i32
        %dma_wait3A_264 = arith.constant 0 : i32
        %dma_wait3A_265 = tpu.memref_slice %arg12[%dma_wait3A_263, %dma_wait3A_264] : memref<10368x64xf32, #tpu.memory_space<vmem_shared>> -> memref<10368x64xf32, #tpu.memory_space<vmem_shared>>
        tpu.wait_indirect_dma semaphore(%arg18 : memref<!tpu.dma_semaphore, #tpu.memory_space<semaphore_mem>>) src(%dma_wait3A_259 : memref<128x64xf32, #tpu.memory_space<vmem>>) dst(%dma_wait3A_265 : memref<10368x64xf32, #tpu.memory_space<vmem_shared>>)
      } else {
      }
      %add3A_247 = arith.constant 2 : i32
      %add3A_248 = arith.addi %add3A_219, %add3A_247 : i32
      %lt3A_249 = arith.constant 160 : i32
      %lt3A_250 = arith.cmpi slt, %add3A_248, %lt3A_249 : i32
      %convert_element_type3A_251 = arith.extui %lt3A_250 : i1 to i32
      %cond3A_252 = arith.constant 0 : i32
      %cond3A_253 = arith.cmpi ne, %convert_element_type3A_251, %cond3A_252 : i32
      scf.if %cond3A_253 {
        %add3A_254 = arith.constant 2 : i32
        %add3A_255 = arith.addi %add3A_219, %add3A_254 : i32
        %dma_start3A_256 = arith.constant 1 : i32
        %dma_start3A_257 = arith.constant 0 : i32
        %dma_start3A_258 = arith.constant 0 : i32
        %dma_start3A_259 = tpu.memref_slice %arg10[%dma_start3A_256, %dma_start3A_257, %dma_start3A_258] : memref<4x128x64xf32, #tpu.memory_space<vmem>> -> memref<1x128x64xf32, #tpu.memory_space<vmem>>
        %dma_start3A_260 = tpu.memref_squeeze %dma_start3A_259 : memref<1x128x64xf32, #tpu.memory_space<vmem>> -> memref<128x64xf32, #tpu.memory_space<vmem>>
        %dma_start3A_261 = arith.constant 0 : i32
        %dma_start3A_262 = tpu.memref_slice %arg7[%add3A_255, %dma_start3A_261] : memref<160x128xi32, #tpu.memory_space<vmem>> -> memref<1x128xi32, #tpu.memory_space<vmem>>
        %dma_start3A_263 = tpu.memref_squeeze %dma_start3A_262 : memref<1x128xi32, #tpu.memory_space<vmem>> -> memref<128xi32, #tpu.memory_space<vmem>>
        %dma_start3A_264 = arith.constant 0 : i32
        %dma_start3A_265 = arith.constant 0 : i32
        %dma_start3A_266 = tpu.memref_slice %arg2[%dma_start3A_264, %dma_start3A_265] : memref<20480x64xf32, #tpu.memory_space<hbm>> -> memref<20480x64xf32, #tpu.memory_space<hbm>>
        tpu.enqueue_indirect_dma source(%dma_start3A_266 : memref<20480x64xf32, #tpu.memory_space<hbm>>) target(%dma_start3A_260 : memref<128x64xf32, #tpu.memory_space<vmem>>) offsets(%dma_start3A_263 : memref<128xi32, #tpu.memory_space<vmem>>) semaphore(%arg14 : memref<!tpu.dma_semaphore, #tpu.memory_space<semaphore_mem>>)
      } else {
      }
    }
    %scan3A_56 = arith.constant 40 : i32
    %dma_wait3A = arith.constant 2 : i32
    %dma_wait3A_57 = arith.constant 158 : i32
    %dma_wait3A_58 = arith.constant 0 : i32
    %dma_wait3A_59 = arith.constant 0 : i32
    %dma_wait3A_60 = tpu.memref_slice %arg10[%dma_wait3A, %dma_wait3A_58, %dma_wait3A_59] : memref<4x128x64xf32, #tpu.memory_space<vmem>> -> memref<1x128x64xf32, #tpu.memory_space<vmem>>
    %dma_wait3A_61 = tpu.memref_squeeze %dma_wait3A_60 : memref<1x128x64xf32, #tpu.memory_space<vmem>> -> memref<128x64xf32, #tpu.memory_space<vmem>>
    %dma_wait3A_62 = arith.constant 0 : i32
    %dma_wait3A_63 = tpu.memref_slice %arg8[%dma_wait3A_57, %dma_wait3A_62] : memref<160x128xi32, #tpu.memory_space<vmem>> -> memref<1x128xi32, #tpu.memory_space<vmem>>
    %dma_wait3A_64 = tpu.memref_squeeze %dma_wait3A_63 : memref<1x128xi32, #tpu.memory_space<vmem>> -> memref<128xi32, #tpu.memory_space<vmem>>
    %dma_wait3A_65 = arith.constant 0 : i32
    %dma_wait3A_66 = arith.constant 0 : i32
    %dma_wait3A_67 = tpu.memref_slice %arg12[%dma_wait3A_65, %dma_wait3A_66] : memref<10368x64xf32, #tpu.memory_space<vmem_shared>> -> memref<10368x64xf32, #tpu.memory_space<vmem_shared>>
    tpu.wait_indirect_dma semaphore(%arg19 : memref<!tpu.dma_semaphore, #tpu.memory_space<semaphore_mem>>) src(%dma_wait3A_61 : memref<128x64xf32, #tpu.memory_space<vmem>>) dst(%dma_wait3A_67 : memref<10368x64xf32, #tpu.memory_space<vmem_shared>>)
    %dma_wait3A_68 = arith.constant 3 : i32
    %dma_wait3A_69 = arith.constant 159 : i32
    %dma_wait3A_70 = arith.constant 0 : i32
    %dma_wait3A_71 = arith.constant 0 : i32
    %dma_wait3A_72 = tpu.memref_slice %arg10[%dma_wait3A_68, %dma_wait3A_70, %dma_wait3A_71] : memref<4x128x64xf32, #tpu.memory_space<vmem>> -> memref<1x128x64xf32, #tpu.memory_space<vmem>>
    %dma_wait3A_73 = tpu.memref_squeeze %dma_wait3A_72 : memref<1x128x64xf32, #tpu.memory_space<vmem>> -> memref<128x64xf32, #tpu.memory_space<vmem>>
    %dma_wait3A_74 = arith.constant 0 : i32
    %dma_wait3A_75 = tpu.memref_slice %arg8[%dma_wait3A_69, %dma_wait3A_74] : memref<160x128xi32, #tpu.memory_space<vmem>> -> memref<1x128xi32, #tpu.memory_space<vmem>>
    %dma_wait3A_76 = tpu.memref_squeeze %dma_wait3A_75 : memref<1x128xi32, #tpu.memory_space<vmem>> -> memref<128xi32, #tpu.memory_space<vmem>>
    %dma_wait3A_77 = arith.constant 0 : i32
    %dma_wait3A_78 = arith.constant 0 : i32
    %dma_wait3A_79 = tpu.memref_slice %arg12[%dma_wait3A_77, %dma_wait3A_78] : memref<10368x64xf32, #tpu.memory_space<vmem_shared>> -> memref<10368x64xf32, #tpu.memory_space<vmem_shared>>
    tpu.wait_indirect_dma semaphore(%arg20 : memref<!tpu.dma_semaphore, #tpu.memory_space<semaphore_mem>>) src(%dma_wait3A_73 : memref<128x64xf32, #tpu.memory_space<vmem>>) dst(%dma_wait3A_79 : memref<10368x64xf32, #tpu.memory_space<vmem_shared>>)
    %barrier3A_80 = arith.constant 0 : index
    tpu.barrier barrier_id(%barrier3A_80)
    %mul3A_81 = arith.constant 640 : i32
    %mul3A_82 = arith.muli %arg1, %mul3A_81 : i32
    %add3A_83 = arith.constant 0 : i32
    %add3A_84 = arith.addi %mul3A_82, %add3A_83 : i32
    "tpu.region"() ({
      %run_scoped3A_105 = tpu.sem_alloc : memref<!tpu.dma_semaphore, #tpu.memory_space<semaphore_mem>>
      %dma_start3A_106 = arith.constant 0 : i32
      %dma_start3A_107 = tpu.memref_slice %arg12[%add3A_84, %dma_start3A_106] : memref<10368x64xf32, #tpu.memory_space<vmem_shared>> -> memref<128x64xf32, #tpu.memory_space<vmem_shared>>
      %dma_start3A_108 = arith.constant 0 : i32
      %dma_start3A_109 = tpu.memref_slice %arg12[%add3A_84, %dma_start3A_108] : memref<10368x64xf32, #tpu.memory_space<vmem_shared>> -> memref<128x64xf32, #tpu.memory_space<vmem_shared>>
      tpu.enqueue_dma source(%dma_start3A_109 : memref<128x64xf32, #tpu.memory_space<vmem_shared>>) target(%arg11 : memref<128x64xf32, #tpu.memory_space<vmem>>) target_semaphore(%run_scoped3A_105 : memref<!tpu.dma_semaphore, #tpu.memory_space<semaphore_mem>>)
      %dma_wait3A_110 = arith.constant 0 : i32
      %dma_wait3A_111 = tpu.memref_slice %arg12[%add3A_84, %dma_wait3A_110] : memref<10368x64xf32, #tpu.memory_space<vmem_shared>> -> memref<128x64xf32, #tpu.memory_space<vmem_shared>>
      %dma_wait3A_112 = arith.constant 0 : i32
      %dma_wait3A_113 = tpu.memref_slice %arg12[%add3A_84, %dma_wait3A_112] : memref<10368x64xf32, #tpu.memory_space<vmem_shared>> -> memref<128x64xf32, #tpu.memory_space<vmem_shared>>
      tpu.wait_dma2 semaphore(%run_scoped3A_105 : memref<!tpu.dma_semaphore, #tpu.memory_space<semaphore_mem>>) src(%dma_wait3A_113 : memref<128x64xf32, #tpu.memory_space<vmem_shared>>) dst(%arg11 : memref<128x64xf32, #tpu.memory_space<vmem>>)
      tpu.yield
    }) : () -> ()
    %run_scoped3A = arith.constant 0 : i32
    "tpu.region"() ({
      %run_scoped3A_105 = tpu.sem_alloc : memref<!tpu.dma_semaphore, #tpu.memory_space<semaphore_mem>>
      %dma_start3A_106 = arith.constant 0 : i32
      %dma_start3A_107 = tpu.memref_slice %arg9[%run_scoped3A, %dma_start3A_106] : memref<5x128xi32, #tpu.memory_space<vmem>> -> memref<1x128xi32, #tpu.memory_space<vmem>>
      %dma_start3A_108 = tpu.memref_squeeze %dma_start3A_107 : memref<1x128xi32, #tpu.memory_space<vmem>> -> memref<128xi32, #tpu.memory_space<vmem>>
      %dma_start3A_109 = arith.constant 0 : i32
      %dma_start3A_110 = arith.constant 0 : i32
      %dma_start3A_111 = tpu.memref_slice %arg6[%dma_start3A_109, %dma_start3A_110] : memref<20480x64xf32, #tpu.memory_space<hbm>> -> memref<20480x64xf32, #tpu.memory_space<hbm>>
      tpu.enqueue_indirect_dma source(%arg11 : memref<128x64xf32, #tpu.memory_space<vmem>>) target(%dma_start3A_111 : memref<20480x64xf32, #tpu.memory_space<hbm>>) offsets(%dma_start3A_108 : memref<128xi32, #tpu.memory_space<vmem>>) semaphore(%run_scoped3A_105 : memref<!tpu.dma_semaphore, #tpu.memory_space<semaphore_mem>>)
      %dma_wait3A_112 = arith.constant 0 : i32
      %dma_wait3A_113 = tpu.memref_slice %arg9[%run_scoped3A, %dma_wait3A_112] : memref<5x128xi32, #tpu.memory_space<vmem>> -> memref<1x128xi32, #tpu.memory_space<vmem>>
      %dma_wait3A_114 = tpu.memref_squeeze %dma_wait3A_113 : memref<1x128xi32, #tpu.memory_space<vmem>> -> memref<128xi32, #tpu.memory_space<vmem>>
      %dma_wait3A_115 = arith.constant 0 : i32
      %dma_wait3A_116 = arith.constant 0 : i32
      %dma_wait3A_117 = tpu.memref_slice %arg6[%dma_wait3A_115, %dma_wait3A_116] : memref<20480x64xf32, #tpu.memory_space<hbm>> -> memref<20480x64xf32, #tpu.memory_space<hbm>>
      tpu.wait_indirect_dma semaphore(%run_scoped3A_105 : memref<!tpu.dma_semaphore, #tpu.memory_space<semaphore_mem>>) src(%arg11 : memref<128x64xf32, #tpu.memory_space<vmem>>) dst(%dma_wait3A_117 : memref<20480x64xf32, #tpu.memory_space<hbm>>)
      tpu.yield
    }) : () -> ()
    %mul3A_85 = arith.constant 640 : i32
    %mul3A_86 = arith.muli %arg1, %mul3A_85 : i32
    %add3A_87 = arith.constant 128 : i32
    %add3A_88 = arith.addi %mul3A_86, %add3A_87 : i32
    "tpu.region"() ({
      %run_scoped3A_105 = tpu.sem_alloc : memref<!tpu.dma_semaphore, #tpu.memory_space<semaphore_mem>>
      %dma_start3A_106 = arith.constant 0 : i32
      %dma_start3A_107 = tpu.memref_slice %arg12[%add3A_88, %dma_start3A_106] : memref<10368x64xf32, #tpu.memory_space<vmem_shared>> -> memref<128x64xf32, #tpu.memory_space<vmem_shared>>
      %dma_start3A_108 = arith.constant 0 : i32
      %dma_start3A_109 = tpu.memref_slice %arg12[%add3A_88, %dma_start3A_108] : memref<10368x64xf32, #tpu.memory_space<vmem_shared>> -> memref<128x64xf32, #tpu.memory_space<vmem_shared>>
      tpu.enqueue_dma source(%dma_start3A_109 : memref<128x64xf32, #tpu.memory_space<vmem_shared>>) target(%arg11 : memref<128x64xf32, #tpu.memory_space<vmem>>) target_semaphore(%run_scoped3A_105 : memref<!tpu.dma_semaphore, #tpu.memory_space<semaphore_mem>>)
      %dma_wait3A_110 = arith.constant 0 : i32
      %dma_wait3A_111 = tpu.memref_slice %arg12[%add3A_88, %dma_wait3A_110] : memref<10368x64xf32, #tpu.memory_space<vmem_shared>> -> memref<128x64xf32, #tpu.memory_space<vmem_shared>>
      %dma_wait3A_112 = arith.constant 0 : i32
      %dma_wait3A_113 = tpu.memref_slice %arg12[%add3A_88, %dma_wait3A_112] : memref<10368x64xf32, #tpu.memory_space<vmem_shared>> -> memref<128x64xf32, #tpu.memory_space<vmem_shared>>
      tpu.wait_dma2 semaphore(%run_scoped3A_105 : memref<!tpu.dma_semaphore, #tpu.memory_space<semaphore_mem>>) src(%dma_wait3A_113 : memref<128x64xf32, #tpu.memory_space<vmem_shared>>) dst(%arg11 : memref<128x64xf32, #tpu.memory_space<vmem>>)
      tpu.yield
    }) : () -> ()
    %run_scoped3A_89 = arith.constant 1 : i32
    "tpu.region"() ({
      %run_scoped3A_105 = tpu.sem_alloc : memref<!tpu.dma_semaphore, #tpu.memory_space<semaphore_mem>>
      %dma_start3A_106 = arith.constant 0 : i32
      %dma_start3A_107 = tpu.memref_slice %arg9[%run_scoped3A_89, %dma_start3A_106] : memref<5x128xi32, #tpu.memory_space<vmem>> -> memref<1x128xi32, #tpu.memory_space<vmem>>
      %dma_start3A_108 = tpu.memref_squeeze %dma_start3A_107 : memref<1x128xi32, #tpu.memory_space<vmem>> -> memref<128xi32, #tpu.memory_space<vmem>>
      %dma_start3A_109 = arith.constant 0 : i32
      %dma_start3A_110 = arith.constant 0 : i32
      %dma_start3A_111 = tpu.memref_slice %arg6[%dma_start3A_109, %dma_start3A_110] : memref<20480x64xf32, #tpu.memory_space<hbm>> -> memref<20480x64xf32, #tpu.memory_space<hbm>>
      tpu.enqueue_indirect_dma source(%arg11 : memref<128x64xf32, #tpu.memory_space<vmem>>) target(%dma_start3A_111 : memref<20480x64xf32, #tpu.memory_space<hbm>>) offsets(%dma_start3A_108 : memref<128xi32, #tpu.memory_space<vmem>>) semaphore(%run_scoped3A_105 : memref<!tpu.dma_semaphore, #tpu.memory_space<semaphore_mem>>)
      %dma_wait3A_112 = arith.constant 0 : i32
      %dma_wait3A_113 = tpu.memref_slice %arg9[%run_scoped3A_89, %dma_wait3A_112] : memref<5x128xi32, #tpu.memory_space<vmem>> -> memref<1x128xi32, #tpu.memory_space<vmem>>
      %dma_wait3A_114 = tpu.memref_squeeze %dma_wait3A_113 : memref<1x128xi32, #tpu.memory_space<vmem>> -> memref<128xi32, #tpu.memory_space<vmem>>
      %dma_wait3A_115 = arith.constant 0 : i32
      %dma_wait3A_116 = arith.constant 0 : i32
      %dma_wait3A_117 = tpu.memref_slice %arg6[%dma_wait3A_115, %dma_wait3A_116] : memref<20480x64xf32, #tpu.memory_space<hbm>> -> memref<20480x64xf32, #tpu.memory_space<hbm>>
      tpu.wait_indirect_dma semaphore(%run_scoped3A_105 : memref<!tpu.dma_semaphore, #tpu.memory_space<semaphore_mem>>) src(%arg11 : memref<128x64xf32, #tpu.memory_space<vmem>>) dst(%dma_wait3A_117 : memref<20480x64xf32, #tpu.memory_space<hbm>>)
      tpu.yield
    }) : () -> ()
    %mul3A_90 = arith.constant 640 : i32
    %mul3A_91 = arith.muli %arg1, %mul3A_90 : i32
    %add3A_92 = arith.constant 256 : i32
    %add3A_93 = arith.addi %mul3A_91, %add3A_92 : i32
    "tpu.region"() ({
      %run_scoped3A_105 = tpu.sem_alloc : memref<!tpu.dma_semaphore, #tpu.memory_space<semaphore_mem>>
      %dma_start3A_106 = arith.constant 0 : i32
      %dma_start3A_107 = tpu.memref_slice %arg12[%add3A_93, %dma_start3A_106] : memref<10368x64xf32, #tpu.memory_space<vmem_shared>> -> memref<128x64xf32, #tpu.memory_space<vmem_shared>>
      %dma_start3A_108 = arith.constant 0 : i32
      %dma_start3A_109 = tpu.memref_slice %arg12[%add3A_93, %dma_start3A_108] : memref<10368x64xf32, #tpu.memory_space<vmem_shared>> -> memref<128x64xf32, #tpu.memory_space<vmem_shared>>
      tpu.enqueue_dma source(%dma_start3A_109 : memref<128x64xf32, #tpu.memory_space<vmem_shared>>) target(%arg11 : memref<128x64xf32, #tpu.memory_space<vmem>>) target_semaphore(%run_scoped3A_105 : memref<!tpu.dma_semaphore, #tpu.memory_space<semaphore_mem>>)
      %dma_wait3A_110 = arith.constant 0 : i32
      %dma_wait3A_111 = tpu.memref_slice %arg12[%add3A_93, %dma_wait3A_110] : memref<10368x64xf32, #tpu.memory_space<vmem_shared>> -> memref<128x64xf32, #tpu.memory_space<vmem_shared>>
      %dma_wait3A_112 = arith.constant 0 : i32
      %dma_wait3A_113 = tpu.memref_slice %arg12[%add3A_93, %dma_wait3A_112] : memref<10368x64xf32, #tpu.memory_space<vmem_shared>> -> memref<128x64xf32, #tpu.memory_space<vmem_shared>>
      tpu.wait_dma2 semaphore(%run_scoped3A_105 : memref<!tpu.dma_semaphore, #tpu.memory_space<semaphore_mem>>) src(%dma_wait3A_113 : memref<128x64xf32, #tpu.memory_space<vmem_shared>>) dst(%arg11 : memref<128x64xf32, #tpu.memory_space<vmem>>)
      tpu.yield
    }) : () -> ()
    %run_scoped3A_94 = arith.constant 2 : i32
    "tpu.region"() ({
      %run_scoped3A_105 = tpu.sem_alloc : memref<!tpu.dma_semaphore, #tpu.memory_space<semaphore_mem>>
      %dma_start3A_106 = arith.constant 0 : i32
      %dma_start3A_107 = tpu.memref_slice %arg9[%run_scoped3A_94, %dma_start3A_106] : memref<5x128xi32, #tpu.memory_space<vmem>> -> memref<1x128xi32, #tpu.memory_space<vmem>>
      %dma_start3A_108 = tpu.memref_squeeze %dma_start3A_107 : memref<1x128xi32, #tpu.memory_space<vmem>> -> memref<128xi32, #tpu.memory_space<vmem>>
      %dma_start3A_109 = arith.constant 0 : i32
      %dma_start3A_110 = arith.constant 0 : i32
      %dma_start3A_111 = tpu.memref_slice %arg6[%dma_start3A_109, %dma_start3A_110] : memref<20480x64xf32, #tpu.memory_space<hbm>> -> memref<20480x64xf32, #tpu.memory_space<hbm>>
      tpu.enqueue_indirect_dma source(%arg11 : memref<128x64xf32, #tpu.memory_space<vmem>>) target(%dma_start3A_111 : memref<20480x64xf32, #tpu.memory_space<hbm>>) offsets(%dma_start3A_108 : memref<128xi32, #tpu.memory_space<vmem>>) semaphore(%run_scoped3A_105 : memref<!tpu.dma_semaphore, #tpu.memory_space<semaphore_mem>>)
      %dma_wait3A_112 = arith.constant 0 : i32
      %dma_wait3A_113 = tpu.memref_slice %arg9[%run_scoped3A_94, %dma_wait3A_112] : memref<5x128xi32, #tpu.memory_space<vmem>> -> memref<1x128xi32, #tpu.memory_space<vmem>>
      %dma_wait3A_114 = tpu.memref_squeeze %dma_wait3A_113 : memref<1x128xi32, #tpu.memory_space<vmem>> -> memref<128xi32, #tpu.memory_space<vmem>>
      %dma_wait3A_115 = arith.constant 0 : i32
      %dma_wait3A_116 = arith.constant 0 : i32
      %dma_wait3A_117 = tpu.memref_slice %arg6[%dma_wait3A_115, %dma_wait3A_116] : memref<20480x64xf32, #tpu.memory_space<hbm>> -> memref<20480x64xf32, #tpu.memory_space<hbm>>
      tpu.wait_indirect_dma semaphore(%run_scoped3A_105 : memref<!tpu.dma_semaphore, #tpu.memory_space<semaphore_mem>>) src(%arg11 : memref<128x64xf32, #tpu.memory_space<vmem>>) dst(%dma_wait3A_117 : memref<20480x64xf32, #tpu.memory_space<hbm>>)
      tpu.yield
    }) : () -> ()
    %mul3A_95 = arith.constant 640 : i32
    %mul3A_96 = arith.muli %arg1, %mul3A_95 : i32
    %add3A_97 = arith.constant 384 : i32
    %add3A_98 = arith.addi %mul3A_96, %add3A_97 : i32
    "tpu.region"() ({
      %run_scoped3A_105 = tpu.sem_alloc : memref<!tpu.dma_semaphore, #tpu.memory_space<semaphore_mem>>
      %dma_start3A_106 = arith.constant 0 : i32
      %dma_start3A_107 = tpu.memref_slice %arg12[%add3A_98, %dma_start3A_106] : memref<10368x64xf32, #tpu.memory_space<vmem_shared>> -> memref<128x64xf32, #tpu.memory_space<vmem_shared>>
      %dma_start3A_108 = arith.constant 0 : i32
      %dma_start3A_109 = tpu.memref_slice %arg12[%add3A_98, %dma_start3A_108] : memref<10368x64xf32, #tpu.memory_space<vmem_shared>> -> memref<128x64xf32, #tpu.memory_space<vmem_shared>>
      tpu.enqueue_dma source(%dma_start3A_109 : memref<128x64xf32, #tpu.memory_space<vmem_shared>>) target(%arg11 : memref<128x64xf32, #tpu.memory_space<vmem>>) target_semaphore(%run_scoped3A_105 : memref<!tpu.dma_semaphore, #tpu.memory_space<semaphore_mem>>)
      %dma_wait3A_110 = arith.constant 0 : i32
      %dma_wait3A_111 = tpu.memref_slice %arg12[%add3A_98, %dma_wait3A_110] : memref<10368x64xf32, #tpu.memory_space<vmem_shared>> -> memref<128x64xf32, #tpu.memory_space<vmem_shared>>
      %dma_wait3A_112 = arith.constant 0 : i32
      %dma_wait3A_113 = tpu.memref_slice %arg12[%add3A_98, %dma_wait3A_112] : memref<10368x64xf32, #tpu.memory_space<vmem_shared>> -> memref<128x64xf32, #tpu.memory_space<vmem_shared>>
      tpu.wait_dma2 semaphore(%run_scoped3A_105 : memref<!tpu.dma_semaphore, #tpu.memory_space<semaphore_mem>>) src(%dma_wait3A_113 : memref<128x64xf32, #tpu.memory_space<vmem_shared>>) dst(%arg11 : memref<128x64xf32, #tpu.memory_space<vmem>>)
      tpu.yield
    }) : () -> ()
    %run_scoped3A_99 = arith.constant 3 : i32
    "tpu.region"() ({
      %run_scoped3A_105 = tpu.sem_alloc : memref<!tpu.dma_semaphore, #tpu.memory_space<semaphore_mem>>
      %dma_start3A_106 = arith.constant 0 : i32
      %dma_start3A_107 = tpu.memref_slice %arg9[%run_scoped3A_99, %dma_start3A_106] : memref<5x128xi32, #tpu.memory_space<vmem>> -> memref<1x128xi32, #tpu.memory_space<vmem>>
      %dma_start3A_108 = tpu.memref_squeeze %dma_start3A_107 : memref<1x128xi32, #tpu.memory_space<vmem>> -> memref<128xi32, #tpu.memory_space<vmem>>
      %dma_start3A_109 = arith.constant 0 : i32
      %dma_start3A_110 = arith.constant 0 : i32
      %dma_start3A_111 = tpu.memref_slice %arg6[%dma_start3A_109, %dma_start3A_110] : memref<20480x64xf32, #tpu.memory_space<hbm>> -> memref<20480x64xf32, #tpu.memory_space<hbm>>
      tpu.enqueue_indirect_dma source(%arg11 : memref<128x64xf32, #tpu.memory_space<vmem>>) target(%dma_start3A_111 : memref<20480x64xf32, #tpu.memory_space<hbm>>) offsets(%dma_start3A_108 : memref<128xi32, #tpu.memory_space<vmem>>) semaphore(%run_scoped3A_105 : memref<!tpu.dma_semaphore, #tpu.memory_space<semaphore_mem>>)
      %dma_wait3A_112 = arith.constant 0 : i32
      %dma_wait3A_113 = tpu.memref_slice %arg9[%run_scoped3A_99, %dma_wait3A_112] : memref<5x128xi32, #tpu.memory_space<vmem>> -> memref<1x128xi32, #tpu.memory_space<vmem>>
      %dma_wait3A_114 = tpu.memref_squeeze %dma_wait3A_113 : memref<1x128xi32, #tpu.memory_space<vmem>> -> memref<128xi32, #tpu.memory_space<vmem>>
      %dma_wait3A_115 = arith.constant 0 : i32
      %dma_wait3A_116 = arith.constant 0 : i32
      %dma_wait3A_117 = tpu.memref_slice %arg6[%dma_wait3A_115, %dma_wait3A_116] : memref<20480x64xf32, #tpu.memory_space<hbm>> -> memref<20480x64xf32, #tpu.memory_space<hbm>>
      tpu.wait_indirect_dma semaphore(%run_scoped3A_105 : memref<!tpu.dma_semaphore, #tpu.memory_space<semaphore_mem>>) src(%arg11 : memref<128x64xf32, #tpu.memory_space<vmem>>) dst(%dma_wait3A_117 : memref<20480x64xf32, #tpu.memory_space<hbm>>)
      tpu.yield
    }) : () -> ()
    %mul3A_100 = arith.constant 640 : i32
    %mul3A_101 = arith.muli %arg1, %mul3A_100 : i32
    %add3A_102 = arith.constant 512 : i32
    %add3A_103 = arith.addi %mul3A_101, %add3A_102 : i32
    "tpu.region"() ({
      %run_scoped3A_105 = tpu.sem_alloc : memref<!tpu.dma_semaphore, #tpu.memory_space<semaphore_mem>>
      %dma_start3A_106 = arith.constant 0 : i32
      %dma_start3A_107 = tpu.memref_slice %arg12[%add3A_103, %dma_start3A_106] : memref<10368x64xf32, #tpu.memory_space<vmem_shared>> -> memref<128x64xf32, #tpu.memory_space<vmem_shared>>
      %dma_start3A_108 = arith.constant 0 : i32
      %dma_start3A_109 = tpu.memref_slice %arg12[%add3A_103, %dma_start3A_108] : memref<10368x64xf32, #tpu.memory_space<vmem_shared>> -> memref<128x64xf32, #tpu.memory_space<vmem_shared>>
      tpu.enqueue_dma source(%dma_start3A_109 : memref<128x64xf32, #tpu.memory_space<vmem_shared>>) target(%arg11 : memref<128x64xf32, #tpu.memory_space<vmem>>) target_semaphore(%run_scoped3A_105 : memref<!tpu.dma_semaphore, #tpu.memory_space<semaphore_mem>>)
      %dma_wait3A_110 = arith.constant 0 : i32
      %dma_wait3A_111 = tpu.memref_slice %arg12[%add3A_103, %dma_wait3A_110] : memref<10368x64xf32, #tpu.memory_space<vmem_shared>> -> memref<128x64xf32, #tpu.memory_space<vmem_shared>>
      %dma_wait3A_112 = arith.constant 0 : i32
      %dma_wait3A_113 = tpu.memref_slice %arg12[%add3A_103, %dma_wait3A_112] : memref<10368x64xf32, #tpu.memory_space<vmem_shared>> -> memref<128x64xf32, #tpu.memory_space<vmem_shared>>
      tpu.wait_dma2 semaphore(%run_scoped3A_105 : memref<!tpu.dma_semaphore, #tpu.memory_space<semaphore_mem>>) src(%dma_wait3A_113 : memref<128x64xf32, #tpu.memory_space<vmem_shared>>) dst(%arg11 : memref<128x64xf32, #tpu.memory_space<vmem>>)
      tpu.yield
    }) : () -> ()
    %run_scoped3A_104 = arith.constant 4 : i32
    "tpu.region"() ({
      %run_scoped3A_105 = tpu.sem_alloc : memref<!tpu.dma_semaphore, #tpu.memory_space<semaphore_mem>>
      %dma_start3A_106 = arith.constant 0 : i32
      %dma_start3A_107 = tpu.memref_slice %arg9[%run_scoped3A_104, %dma_start3A_106] : memref<5x128xi32, #tpu.memory_space<vmem>> -> memref<1x128xi32, #tpu.memory_space<vmem>>
      %dma_start3A_108 = tpu.memref_squeeze %dma_start3A_107 : memref<1x128xi32, #tpu.memory_space<vmem>> -> memref<128xi32, #tpu.memory_space<vmem>>
      %dma_start3A_109 = arith.constant 0 : i32
      %dma_start3A_110 = arith.constant 0 : i32
      %dma_start3A_111 = tpu.memref_slice %arg6[%dma_start3A_109, %dma_start3A_110] : memref<20480x64xf32, #tpu.memory_space<hbm>> -> memref<20480x64xf32, #tpu.memory_space<hbm>>
      tpu.enqueue_indirect_dma source(%arg11 : memref<128x64xf32, #tpu.memory_space<vmem>>) target(%dma_start3A_111 : memref<20480x64xf32, #tpu.memory_space<hbm>>) offsets(%dma_start3A_108 : memref<128xi32, #tpu.memory_space<vmem>>) semaphore(%run_scoped3A_105 : memref<!tpu.dma_semaphore, #tpu.memory_space<semaphore_mem>>)
      %dma_wait3A_112 = arith.constant 0 : i32
      %dma_wait3A_113 = tpu.memref_slice %arg9[%run_scoped3A_104, %dma_wait3A_112] : memref<5x128xi32, #tpu.memory_space<vmem>> -> memref<1x128xi32, #tpu.memory_space<vmem>>
      %dma_wait3A_114 = tpu.memref_squeeze %dma_wait3A_113 : memref<1x128xi32, #tpu.memory_space<vmem>> -> memref<128xi32, #tpu.memory_space<vmem>>
      %dma_wait3A_115 = arith.constant 0 : i32
      %dma_wait3A_116 = arith.constant 0 : i32
      %dma_wait3A_117 = tpu.memref_slice %arg6[%dma_wait3A_115, %dma_wait3A_116] : memref<20480x64xf32, #tpu.memory_space<hbm>> -> memref<20480x64xf32, #tpu.memory_space<hbm>>
      tpu.wait_indirect_dma semaphore(%run_scoped3A_105 : memref<!tpu.dma_semaphore, #tpu.memory_space<semaphore_mem>>) src(%arg11 : memref<128x64xf32, #tpu.memory_space<vmem>>) dst(%dma_wait3A_117 : memref<20480x64xf32, #tpu.memory_space<hbm>>)
      tpu.yield
    }) : () -> ()
    return
  }
}

#map = affine_map<(d0, d1) -> (0, 0)>
#map1 = affine_map<(d0, d1) -> (0)>
module attributes {stable_mosaic.version = 14 : i64} {
  func.func @_sc_conn(%arg0: i32, %arg1: i32, %arg2: memref<32x10000xi32, #tpu.memory_space<hbm>>, %arg3: memref<32x10000xi32, #tpu.memory_space<hbm>>, %arg4: memref<16xi32, #tpu.memory_space<hbm>>, %arg5: memref<32x10000xf32, #tpu.memory_space<hbm>>, %arg6: memref<10000xi32, #tpu.memory_space<vmem>>, %arg7: memref<10000xi32, #tpu.memory_space<vmem>>, %arg8: memref<16xi32, #tpu.memory_space<vmem>>, %arg9: memref<10240xf32, #tpu.memory_space<vmem>>) attributes {dimension_semantics = [#tpu.dimension_semantics<core_parallel>, #tpu.dimension_semantics<subcore_parallel>], iteration_bounds = array<i64: 2, 16>, scalar_prefetch = 0 : i64, scratch_operands = 4 : i64, tpu.core_type = #tpu.core_type<sc_vector_subcore>, window_params = [{transform_indices = #map}, {transform_indices = #map}, {transform_indices = #map1}, {transform_indices = #map}]} {
    %mul3A = arith.constant 2 : i32
    %mul3A_0 = arith.muli %arg1, %mul3A : i32
    %add3A = arith.addi %mul3A_0, %arg0 : i32
    %broadcast_in_dim3A = arith.constant 0.000000e+00 : f32
    %broadcast_in_dim3A_1 = vector.broadcast %broadcast_in_dim3A : f32 to vector<16xf32>
    %broadcast_in_dim3A_2 = arith.constant 1.000000e+00 : f32
    %broadcast_in_dim3A_3 = vector.broadcast %broadcast_in_dim3A_2 : f32 to vector<16xf32>
    %scan3A = arith.constant 0 : i32
    %scan3A_4 = arith.constant 0 : i32
    %scan3A_5 = arith.constant 640 : i32
    %scan3A_6 = arith.addi %scan3A_4, %scan3A_5 : i32
    %scan3A_7 = arith.constant 1 : i32
    scf.for %scan3A_16 = %scan3A_4 to %scan3A_6 step %scan3A_7  : i32 {
      %mul3A_17 = arith.constant 16 : i32
      %mul3A_18 = arith.muli %scan3A_16, %mul3A_17 : i32
      %swap3A = arith.index_cast %mul3A_18 : i32 to index
      %swap3A_19 = tpu.vector_load %arg9[%swap3A] {strides = array<i32>} : memref<10240xf32, #tpu.memory_space<vmem>>, vector<16xf32>,
      tpu.vector_store %arg9[%swap3A], %broadcast_in_dim3A_1 {strides = array<i32>} : memref<10240xf32, #tpu.memory_space<vmem>>, vector<16xf32>,
    }
    %scan3A_8 = arith.constant 640 : i32
    "tpu.region"() ({
      %run_scoped3A = tpu.sem_alloc : memref<!tpu.dma_semaphore, #tpu.memory_space<semaphore_mem>>
      %dma_start3A = arith.constant 0 : i32
      %dma_start3A_16 = tpu.memref_slice %arg2[%add3A, %dma_start3A] : memref<32x10000xi32, #tpu.memory_space<hbm>> -> memref<1x10000xi32, #tpu.memory_space<hbm>>
      %dma_start3A_17 = tpu.memref_squeeze %dma_start3A_16 : memref<1x10000xi32, #tpu.memory_space<hbm>> -> memref<10000xi32, #tpu.memory_space<hbm>>
      %dma_start3A_18 = arith.constant 0 : i32
      %dma_start3A_19 = tpu.memref_slice %arg2[%add3A, %dma_start3A_18] : memref<32x10000xi32, #tpu.memory_space<hbm>> -> memref<1x10000xi32, #tpu.memory_space<hbm>>
      %dma_start3A_20 = tpu.memref_squeeze %dma_start3A_19 : memref<1x10000xi32, #tpu.memory_space<hbm>> -> memref<10000xi32, #tpu.memory_space<hbm>>
      tpu.enqueue_dma source(%dma_start3A_20 : memref<10000xi32, #tpu.memory_space<hbm>>) target(%arg6 : memref<10000xi32, #tpu.memory_space<vmem>>) target_semaphore(%run_scoped3A : memref<!tpu.dma_semaphore, #tpu.memory_space<semaphore_mem>>)
      %dma_wait3A = arith.constant 0 : i32
      %dma_wait3A_21 = tpu.memref_slice %arg2[%add3A, %dma_wait3A] : memref<32x10000xi32, #tpu.memory_space<hbm>> -> memref<1x10000xi32, #tpu.memory_space<hbm>>
      %dma_wait3A_22 = tpu.memref_squeeze %dma_wait3A_21 : memref<1x10000xi32, #tpu.memory_space<hbm>> -> memref<10000xi32, #tpu.memory_space<hbm>>
      %dma_wait3A_23 = arith.constant 0 : i32
      %dma_wait3A_24 = tpu.memref_slice %arg2[%add3A, %dma_wait3A_23] : memref<32x10000xi32, #tpu.memory_space<hbm>> -> memref<1x10000xi32, #tpu.memory_space<hbm>>
      %dma_wait3A_25 = tpu.memref_squeeze %dma_wait3A_24 : memref<1x10000xi32, #tpu.memory_space<hbm>> -> memref<10000xi32, #tpu.memory_space<hbm>>
      tpu.wait_dma2 semaphore(%run_scoped3A : memref<!tpu.dma_semaphore, #tpu.memory_space<semaphore_mem>>) src(%dma_wait3A_25 : memref<10000xi32, #tpu.memory_space<hbm>>) dst(%arg6 : memref<10000xi32, #tpu.memory_space<vmem>>)
      tpu.yield
    }) : () -> ()
    "tpu.region"() ({
      %run_scoped3A = tpu.sem_alloc : memref<!tpu.dma_semaphore, #tpu.memory_space<semaphore_mem>>
      %dma_start3A = arith.constant 0 : i32
      %dma_start3A_16 = tpu.memref_slice %arg3[%add3A, %dma_start3A] : memref<32x10000xi32, #tpu.memory_space<hbm>> -> memref<1x10000xi32, #tpu.memory_space<hbm>>
      %dma_start3A_17 = tpu.memref_squeeze %dma_start3A_16 : memref<1x10000xi32, #tpu.memory_space<hbm>> -> memref<10000xi32, #tpu.memory_space<hbm>>
      %dma_start3A_18 = arith.constant 0 : i32
      %dma_start3A_19 = tpu.memref_slice %arg3[%add3A, %dma_start3A_18] : memref<32x10000xi32, #tpu.memory_space<hbm>> -> memref<1x10000xi32, #tpu.memory_space<hbm>>
      %dma_start3A_20 = tpu.memref_squeeze %dma_start3A_19 : memref<1x10000xi32, #tpu.memory_space<hbm>> -> memref<10000xi32, #tpu.memory_space<hbm>>
      tpu.enqueue_dma source(%dma_start3A_20 : memref<10000xi32, #tpu.memory_space<hbm>>) target(%arg7 : memref<10000xi32, #tpu.memory_space<vmem>>) target_semaphore(%run_scoped3A : memref<!tpu.dma_semaphore, #tpu.memory_space<semaphore_mem>>)
      %dma_wait3A = arith.constant 0 : i32
      %dma_wait3A_21 = tpu.memref_slice %arg3[%add3A, %dma_wait3A] : memref<32x10000xi32, #tpu.memory_space<hbm>> -> memref<1x10000xi32, #tpu.memory_space<hbm>>
      %dma_wait3A_22 = tpu.memref_squeeze %dma_wait3A_21 : memref<1x10000xi32, #tpu.memory_space<hbm>> -> memref<10000xi32, #tpu.memory_space<hbm>>
      %dma_wait3A_23 = arith.constant 0 : i32
      %dma_wait3A_24 = tpu.memref_slice %arg3[%add3A, %dma_wait3A_23] : memref<32x10000xi32, #tpu.memory_space<hbm>> -> memref<1x10000xi32, #tpu.memory_space<hbm>>
      %dma_wait3A_25 = tpu.memref_squeeze %dma_wait3A_24 : memref<1x10000xi32, #tpu.memory_space<hbm>> -> memref<10000xi32, #tpu.memory_space<hbm>>
      tpu.wait_dma2 semaphore(%run_scoped3A : memref<!tpu.dma_semaphore, #tpu.memory_space<semaphore_mem>>) src(%dma_wait3A_25 : memref<10000xi32, #tpu.memory_space<hbm>>) dst(%arg7 : memref<10000xi32, #tpu.memory_space<vmem>>)
      tpu.yield
    }) : () -> ()
    "tpu.region"() ({
      %run_scoped3A = tpu.sem_alloc : memref<!tpu.dma_semaphore, #tpu.memory_space<semaphore_mem>>
      tpu.enqueue_dma source(%arg4 : memref<16xi32, #tpu.memory_space<hbm>>) target(%arg8 : memref<16xi32, #tpu.memory_space<vmem>>) target_semaphore(%run_scoped3A : memref<!tpu.dma_semaphore, #tpu.memory_space<semaphore_mem>>)
      tpu.wait_dma2 semaphore(%run_scoped3A : memref<!tpu.dma_semaphore, #tpu.memory_space<semaphore_mem>>) src(%arg4 : memref<16xi32, #tpu.memory_space<hbm>>) dst(%arg8 : memref<16xi32, #tpu.memory_space<vmem>>)
      tpu.yield
    }) : () -> ()
    %get3A = arith.constant 0 : index
    %get3A_9 = tpu.vector_load %arg8[%get3A] {strides = array<i32>} : memref<16xi32, #tpu.memory_space<vmem>>, vector<16xi32>,
    %scan3A_10 = arith.constant 0 : i32
    %scan3A_11 = arith.constant 0 : i32
    %scan3A_12 = arith.constant 625 : i32
    %scan3A_13 = arith.addi %scan3A_11, %scan3A_12 : i32
    %scan3A_14 = arith.constant 1 : i32
    scf.for %scan3A_16 = %scan3A_11 to %scan3A_13 step %scan3A_14  : i32 {
      %mul3A_17 = arith.constant 16 : i32
      %mul3A_18 = arith.muli %scan3A_16, %mul3A_17 : i32
      %get3A_19 = arith.index_cast %mul3A_18 : i32 to index
      %get3A_20 = tpu.vector_load %arg6[%get3A_19] {strides = array<i32>} : memref<10000xi32, #tpu.memory_space<vmem>>, vector<16xi32>,
      %mul3A_21 = arith.constant 16 : i32
      %mul3A_22 = arith.muli %scan3A_16, %mul3A_21 : i32
      %get3A_23 = arith.index_cast %mul3A_22 : i32 to index
      %get3A_24 = tpu.vector_load %arg7[%get3A_23] {strides = array<i32>} : memref<10000xi32, #tpu.memory_space<vmem>>, vector<16xi32>,
      %eq3A = arith.cmpi eq, %get3A_20, %get3A_9 : vector<16xi32>
      %eq3A_25 = arith.cmpi eq, %get3A_24, %get3A_9 : vector<16xi32>
      %or3A = arith.ori %eq3A, %eq3A_25 : vector<16xi1>
      tpu.vector_store_idx %arg9[%get3A_20], %broadcast_in_dim3A_3 masked %or3A : memref<10240xf32, #tpu.memory_space<vmem>>[vector<16xi32>], vector<16xf32>, vector<16xi1>
      tpu.vector_store_idx %arg9[%get3A_24], %broadcast_in_dim3A_3 masked %or3A : memref<10240xf32, #tpu.memory_space<vmem>>[vector<16xi32>], vector<16xf32>, vector<16xi1>
    }
    %scan3A_15 = arith.constant 625 : i32
    "tpu.region"() ({
      %run_scoped3A = tpu.sem_alloc : memref<!tpu.dma_semaphore, #tpu.memory_space<semaphore_mem>>
      %dma_start3A = arith.constant 0 : i32
      %dma_start3A_16 = tpu.memref_slice %arg9[%dma_start3A] : memref<10240xf32, #tpu.memory_space<vmem>> -> memref<10000xf32, #tpu.memory_space<vmem>>
      %dma_start3A_17 = arith.constant 0 : i32
      %dma_start3A_18 = tpu.memref_slice %arg5[%add3A, %dma_start3A_17] : memref<32x10000xf32, #tpu.memory_space<hbm>> -> memref<1x10000xf32, #tpu.memory_space<hbm>>
      %dma_start3A_19 = tpu.memref_squeeze %dma_start3A_18 : memref<1x10000xf32, #tpu.memory_space<hbm>> -> memref<10000xf32, #tpu.memory_space<hbm>>
      %dma_start3A_20 = arith.constant 0 : i32
      %dma_start3A_21 = tpu.memref_slice %arg5[%add3A, %dma_start3A_20] : memref<32x10000xf32, #tpu.memory_space<hbm>> -> memref<1x10000xf32, #tpu.memory_space<hbm>>
      %dma_start3A_22 = tpu.memref_squeeze %dma_start3A_21 : memref<1x10000xf32, #tpu.memory_space<hbm>> -> memref<10000xf32, #tpu.memory_space<hbm>>
      %dma_start3A_23 = arith.constant 0 : i32
      %dma_start3A_24 = tpu.memref_slice %arg9[%dma_start3A_23] : memref<10240xf32, #tpu.memory_space<vmem>> -> memref<10000xf32, #tpu.memory_space<vmem>>
      tpu.enqueue_dma source(%dma_start3A_24 : memref<10000xf32, #tpu.memory_space<vmem>>) target(%dma_start3A_22 : memref<10000xf32, #tpu.memory_space<hbm>>) target_semaphore(%run_scoped3A : memref<!tpu.dma_semaphore, #tpu.memory_space<semaphore_mem>>)
      %dma_wait3A = arith.constant 0 : i32
      %dma_wait3A_25 = tpu.memref_slice %arg9[%dma_wait3A] : memref<10240xf32, #tpu.memory_space<vmem>> -> memref<10000xf32, #tpu.memory_space<vmem>>
      %dma_wait3A_26 = arith.constant 0 : i32
      %dma_wait3A_27 = tpu.memref_slice %arg5[%add3A, %dma_wait3A_26] : memref<32x10000xf32, #tpu.memory_space<hbm>> -> memref<1x10000xf32, #tpu.memory_space<hbm>>
      %dma_wait3A_28 = tpu.memref_squeeze %dma_wait3A_27 : memref<1x10000xf32, #tpu.memory_space<hbm>> -> memref<10000xf32, #tpu.memory_space<hbm>>
      %dma_wait3A_29 = arith.constant 0 : i32
      %dma_wait3A_30 = tpu.memref_slice %arg5[%add3A, %dma_wait3A_29] : memref<32x10000xf32, #tpu.memory_space<hbm>> -> memref<1x10000xf32, #tpu.memory_space<hbm>>
      %dma_wait3A_31 = tpu.memref_squeeze %dma_wait3A_30 : memref<1x10000xf32, #tpu.memory_space<hbm>> -> memref<10000xf32, #tpu.memory_space<hbm>>
      %dma_wait3A_32 = arith.constant 0 : i32
      %dma_wait3A_33 = tpu.memref_slice %arg9[%dma_wait3A_32] : memref<10240xf32, #tpu.memory_space<vmem>> -> memref<10000xf32, #tpu.memory_space<vmem>>
      tpu.wait_dma2 semaphore(%run_scoped3A : memref<!tpu.dma_semaphore, #tpu.memory_space<semaphore_mem>>) src(%dma_wait3A_33 : memref<10000xf32, #tpu.memory_space<vmem>>) dst(%dma_wait3A_31 : memref<10000xf32, #tpu.memory_space<hbm>>)
      tpu.yield
    }) : () -> ()
    return
  }
}

module attributes {stable_mosaic.version = 14 : i64} {
  func.func @_tca_body(%arg0: i32, %arg1: memref<1280x128xf32, #tpu.memory_space<vmem>>, %arg2: memref<128x128xf32, #tpu.memory_space<vmem>>, %arg3: memref<1280x128xf32, #tpu.memory_space<vmem>>, %arg4: memref<1280x128xf32, #tpu.memory_space<vmem>>, %arg5: memref<1280x128xf32, #tpu.memory_space<vmem>>) attributes {dimension_semantics = [#tpu.dimension_semantics<arbitrary>], iteration_bounds = array<i64: 8>, scalar_prefetch = 0 : i64, scratch_operands = 0 : i64, tpu.core_type = #tpu.core_type<tc>, window_params = [{transform_indices = @transform_0, window_bounds = array<i64: 1280, 128>}, {pipeline_mode = #tpu.pipeline_mode<synchronous>, transform_indices = @transform_1, window_bounds = array<i64: 128, 128>}, {transform_indices = @transform_2, window_bounds = array<i64: 1280, 128>}, {transform_indices = @transform_3, window_bounds = array<i64: 1280, 128>}, {transform_indices = @transform_4, window_bounds = array<i64: 1280, 128>}]} {
    %get3A = arith.constant 0 : index
    %get3A_0 = arith.constant 0 : index
    %get3A_1 = vector.load %arg3[%get3A, %get3A_0] : memref<1280x128xf32, #tpu.memory_space<vmem>>, vector<1280x128xf32>
    %rsqrt3A = math.rsqrt %get3A_1 : vector<1280x128xf32>
    %swap3A = arith.constant 0 : index
    %swap3A_2 = arith.constant 0 : index
    %swap3A_3 = vector.load %arg5[%swap3A, %swap3A_2] : memref<1280x128xf32, #tpu.memory_space<vmem>>, vector<1280x128xf32>
    tpu.vector_store %arg5[%swap3A, %swap3A_2], %rsqrt3A {strides = array<i32>} : memref<1280x128xf32, #tpu.memory_space<vmem>>, vector<1280x128xf32>,
    %get3A_4 = arith.constant 0 : index
    %get3A_5 = arith.constant 0 : index
    %get3A_6 = vector.load %arg1[%get3A_4, %get3A_5] : memref<1280x128xf32, #tpu.memory_space<vmem>>, vector<1280x128xf32>
    %get3A_7 = arith.constant 0 : index
    %get3A_8 = arith.constant 0 : index
    %get3A_9 = vector.load %arg2[%get3A_7, %get3A_8] : memref<128x128xf32, #tpu.memory_space<vmem>>, vector<128x128xf32>
    %dot_general3A = arith.constant dense<0.000000e+00> : vector<1280x128xf32>
    %dot_general3A_10 = tpu.matmul %get3A_6, %get3A_9, %dot_general3A {dimension_numbers = #tpu.dot_dimension_numbers<[1], [0], [0], [1], [0, 0, 1, 1], [], []>, transpose_lhs_hint = false} : vector<1280x128xf32>, vector<128x128xf32>, vector<1280x128xf32> -> vector<1280x128xf32>
    %mul3A = arith.mulf %rsqrt3A, %dot_general3A_10 : vector<1280x128xf32>
    %swap3A_11 = arith.constant 0 : index
    %swap3A_12 = arith.constant 0 : index
    %swap3A_13 = vector.load %arg4[%swap3A_11, %swap3A_12] : memref<1280x128xf32, #tpu.memory_space<vmem>>, vector<1280x128xf32>
    tpu.vector_store %arg4[%swap3A_11, %swap3A_12], %mul3A {strides = array<i32>} : memref<1280x128xf32, #tpu.memory_space<vmem>>, vector<1280x128xf32>,
    return
  }
  func.func @transform_0(%arg0: i32) -> (i32, i32) {
    %c0_i32 = arith.constant 0 : i32
    %c0_i32_0 = arith.constant 0 : i32
    return %arg0, %c0_i32 : i32, i32
  }
  func.func @transform_1(%arg0: i32) -> (i32, i32) {
    %c0_i32 = arith.constant 0 : i32
    %c0_i32_0 = arith.constant 0 : i32
    %c0_i32_1 = arith.constant 0 : i32
    return %c0_i32, %c0_i32_0 : i32, i32
  }
  func.func @transform_2(%arg0: i32) -> (i32, i32) {
    %c0_i32 = arith.constant 0 : i32
    %c0_i32_0 = arith.constant 0 : i32
    return %arg0, %c0_i32 : i32, i32
  }
  func.func @transform_3(%arg0: i32) -> (i32, i32) {
    %c0_i32 = arith.constant 0 : i32
    %c0_i32_0 = arith.constant 0 : i32
    return %arg0, %c0_i32 : i32, i32
  }
  func.func @transform_4(%arg0: i32) -> (i32, i32) {
    %c0_i32 = arith.constant 0 : i32
    %c0_i32_0 = arith.constant 0 : i32
    return %arg0, %c0_i32 : i32, i32
  }
}

module attributes {stable_mosaic.version = 14 : i64} {
  func.func @_comb_body(%arg0: i32, %arg1: memref<1280x128xf32, #tpu.memory_space<vmem>>, %arg2: memref<1280x128xf32, #tpu.memory_space<vmem>>, %arg3: memref<1280x128xf32, #tpu.memory_space<vmem>>, %arg4: memref<1x128xf32, #tpu.memory_space<vmem>>, %arg5: memref<128x128xf32, #tpu.memory_space<vmem>>, %arg6: memref<1280x128xf32, #tpu.memory_space<vmem>>) attributes {dimension_semantics = [#tpu.dimension_semantics<arbitrary>], iteration_bounds = array<i64: 8>, scalar_prefetch = 0 : i64, scratch_operands = 0 : i64, tpu.core_type = #tpu.core_type<tc>, window_params = [{transform_indices = @transform_0, window_bounds = array<i64: 1280, 128>}, {transform_indices = @transform_1, window_bounds = array<i64: 1280, 128>}, {transform_indices = @transform_2, window_bounds = array<i64: 1280, 128>}, {pipeline_mode = #tpu.pipeline_mode<synchronous>, transform_indices = @transform_3, window_bounds = array<i64: 1, 128>}, {pipeline_mode = #tpu.pipeline_mode<synchronous>, transform_indices = @transform_4, window_bounds = array<i64: 128, 128>}, {transform_indices = @transform_5, window_bounds = array<i64: 1280, 128>}]} {
    %get3A = arith.constant 0 : index
    %get3A_0 = arith.constant 0 : index
    %get3A_1 = vector.load %arg3[%get3A, %get3A_0] : memref<1280x128xf32, #tpu.memory_space<vmem>>, vector<1280x128xf32>
    %get3A_2 = arith.constant 0 : index
    %get3A_3 = arith.constant 0 : index
    %get3A_4 = vector.load %arg1[%get3A_2, %get3A_3] : memref<1280x128xf32, #tpu.memory_space<vmem>>, vector<1280x128xf32>
    %get3A_5 = arith.constant 0 : index
    %get3A_6 = arith.constant 0 : index
    %get3A_7 = vector.load %arg2[%get3A_5, %get3A_6] : memref<1280x128xf32, #tpu.memory_space<vmem>>, vector<1280x128xf32>
    %add3A = arith.addf %get3A_4, %get3A_7 : vector<1280x128xf32>
    %mul3A = arith.mulf %get3A_1, %add3A : vector<1280x128xf32>
    %get3A_8 = arith.constant 0 : index
    %get3A_9 = arith.constant 0 : index
    %get3A_10 = vector.load %arg4[%get3A_8, %get3A_9] : memref<1x128xf32, #tpu.memory_space<vmem>>, vector<1x128xf32>
    %add3A_11 = vector.broadcast %get3A_10 : vector<1x128xf32> to vector<1280x128xf32>
    %add3A_12 = arith.addf %mul3A, %add3A_11 : vector<1280x128xf32>
    %max3A = arith.constant 0.000000e+00 : f32
    %max3A_13 = vector.broadcast %max3A : f32 to vector<1280x128xf32>
    %max3A_14 = arith.maximumf %add3A_12, %max3A_13 : vector<1280x128xf32>
    %get3A_15 = arith.constant 0 : index
    %get3A_16 = arith.constant 0 : index
    %get3A_17 = vector.load %arg3[%get3A_15, %get3A_16] : memref<1280x128xf32, #tpu.memory_space<vmem>>, vector<1280x128xf32>
    %get3A_18 = arith.constant 0 : index
    %get3A_19 = arith.constant 0 : index
    %get3A_20 = vector.load %arg5[%get3A_18, %get3A_19] : memref<128x128xf32, #tpu.memory_space<vmem>>, vector<128x128xf32>
    %dot_general3A = arith.constant dense<0.000000e+00> : vector<1280x128xf32>
    %dot_general3A_21 = tpu.matmul %max3A_14, %get3A_20, %dot_general3A {dimension_numbers = #tpu.dot_dimension_numbers<[1], [0], [0], [1], [0, 0, 1, 1], [], []>, transpose_lhs_hint = false} : vector<1280x128xf32>, vector<128x128xf32>, vector<1280x128xf32> -> vector<1280x128xf32>
    %mul3A_22 = arith.mulf %get3A_17, %dot_general3A_21 : vector<1280x128xf32>
    %swap3A = arith.constant 0 : index
    %swap3A_23 = arith.constant 0 : index
    %swap3A_24 = vector.load %arg6[%swap3A, %swap3A_23] : memref<1280x128xf32, #tpu.memory_space<vmem>>, vector<1280x128xf32>
    tpu.vector_store %arg6[%swap3A, %swap3A_23], %mul3A_22 {strides = array<i32>} : memref<1280x128xf32, #tpu.memory_space<vmem>>, vector<1280x128xf32>,
    return
  }
  func.func @transform_0(%arg0: i32) -> (i32, i32) {
    %c0_i32 = arith.constant 0 : i32
    %c0_i32_0 = arith.constant 0 : i32
    return %arg0, %c0_i32 : i32, i32
  }
  func.func @transform_1(%arg0: i32) -> (i32, i32) {
    %c0_i32 = arith.constant 0 : i32
    %c0_i32_0 = arith.constant 0 : i32
    return %arg0, %c0_i32 : i32, i32
  }
  func.func @transform_2(%arg0: i32) -> (i32, i32) {
    %c0_i32 = arith.constant 0 : i32
    %c0_i32_0 = arith.constant 0 : i32
    return %arg0, %c0_i32 : i32, i32
  }
  func.func @transform_3(%arg0: i32) -> (i32, i32) {
    %c0_i32 = arith.constant 0 : i32
    %c0_i32_0 = arith.constant 0 : i32
    %c0_i32_1 = arith.constant 0 : i32
    return %c0_i32, %c0_i32_0 : i32, i32
  }
  func.func @transform_4(%arg0: i32) -> (i32, i32) {
    %c0_i32 = arith.constant 0 : i32
    %c0_i32_0 = arith.constant 0 : i32
    %c0_i32_1 = arith.constant 0 : i32
    return %c0_i32, %c0_i32_0 : i32, i32
  }
  func.func @transform_5(%arg0: i32) -> (i32, i32) {
    %c0_i32 = arith.constant 0 : i32
    %c0_i32_0 = arith.constant 0 : i32
    return %arg0, %c0_i32 : i32, i32
  }
}

module attributes {stable_mosaic.version = 14 : i64} {
  func.func @_d1_body(%arg0: i32, %arg1: memref<1280x128xf32, #tpu.memory_space<vmem>>, %arg2: memref<1280x128xf32, #tpu.memory_space<vmem>>, %arg3: memref<1280x128xf32, #tpu.memory_space<vmem>>, %arg4: memref<1x128xf32, #tpu.memory_space<vmem>>, %arg5: memref<1280x128xf32, #tpu.memory_space<vmem>>, %arg6: memref<2x8x128xf32, #tpu.memory_space<vmem>>) attributes {dimension_semantics = [#tpu.dimension_semantics<arbitrary>], iteration_bounds = array<i64: 8>, scalar_prefetch = 0 : i64, scratch_operands = 0 : i64, tpu.core_type = #tpu.core_type<tc>, window_params = [{transform_indices = @transform_0, window_bounds = array<i64: 1280, 128>}, {transform_indices = @transform_1, window_bounds = array<i64: 1280, 128>}, {transform_indices = @transform_2, window_bounds = array<i64: 1280, 128>}, {pipeline_mode = #tpu.pipeline_mode<synchronous>, transform_indices = @transform_3, window_bounds = array<i64: 1, 128>}, {transform_indices = @transform_4, window_bounds = array<i64: 1280, 128>}, {pipeline_mode = #tpu.pipeline_mode<synchronous>, transform_indices = @transform_5, window_bounds = array<i64: 2, 8, 128>}]} {
    %get3A = arith.constant 0 : index
    %get3A_0 = arith.constant 0 : index
    %get3A_1 = vector.load %arg3[%get3A, %get3A_0] : memref<1280x128xf32, #tpu.memory_space<vmem>>, vector<1280x128xf32>
    %get3A_2 = arith.constant 0 : index
    %get3A_3 = arith.constant 0 : index
    %get3A_4 = vector.load %arg1[%get3A_2, %get3A_3] : memref<1280x128xf32, #tpu.memory_space<vmem>>, vector<1280x128xf32>
    %get3A_5 = arith.constant 0 : index
    %get3A_6 = arith.constant 0 : index
    %get3A_7 = vector.load %arg2[%get3A_5, %get3A_6] : memref<1280x128xf32, #tpu.memory_space<vmem>>, vector<1280x128xf32>
    %add3A = arith.addf %get3A_4, %get3A_7 : vector<1280x128xf32>
    %mul3A = arith.mulf %get3A_1, %add3A : vector<1280x128xf32>
    %get3A_8 = arith.constant 0 : index
    %get3A_9 = arith.constant 0 : index
    %get3A_10 = vector.load %arg4[%get3A_8, %get3A_9] : memref<1x128xf32, #tpu.memory_space<vmem>>, vector<1x128xf32>
    %add3A_11 = vector.broadcast %get3A_10 : vector<1x128xf32> to vector<1280x128xf32>
    %add3A_12 = arith.addf %mul3A, %add3A_11 : vector<1280x128xf32>
    %max3A = arith.constant 0.000000e+00 : f32
    %max3A_13 = vector.broadcast %max3A : f32 to vector<1280x128xf32>
    %max3A_14 = arith.maximumf %add3A_12, %max3A_13 : vector<1280x128xf32>
    %iota3A = tpu.iota {dimensions = array<i32: 0>} : vector<1280x128xi32>
    %mul3A_15 = arith.constant 1280 : i32
    %mul3A_16 = arith.muli %arg0, %mul3A_15 : i32
    %add3A_17 = vector.broadcast %mul3A_16 : i32 to vector<1280x128xi32>
    %add3A_18 = arith.addi %iota3A, %add3A_17 : vector<1280x128xi32>
    %lt3A = arith.constant 10000 : i32
    %lt3A_19 = vector.broadcast %lt3A : i32 to vector<1280x128xi32>
    %lt3A_20 = arith.cmpi slt, %add3A_18, %lt3A_19 : vector<1280x128xi32>
    %jit3A = arith.constant 0.000000e+00 : f32
    %broadcast_in_dim3A = vector.broadcast %jit3A : f32 to vector<1280x128xf32>
    %select_n3A = arith.select %lt3A_20, %max3A_14, %broadcast_in_dim3A : vector<1280x128xi1>, vector<1280x128xf32>
    %swap3A = arith.constant 0 : index
    %swap3A_21 = arith.constant 0 : index
    %swap3A_22 = vector.load %arg5[%swap3A, %swap3A_21] : memref<1280x128xf32, #tpu.memory_space<vmem>>, vector<1280x128xf32>
    tpu.vector_store %arg5[%swap3A, %swap3A_21], %select_n3A {strides = array<i32>} : memref<1280x128xf32, #tpu.memory_space<vmem>>, vector<1280x128xf32>,
    %reshape3A = vector.shape_cast %select_n3A : vector<1280x128xf32> to vector<160x8x128xf32>
    %reduce_sum3A = arith.constant dense<0.000000e+00> : vector<8x128xf32>
    %reduce_sum3A_23 = vector.multi_reduction <add>, %reshape3A, %reduce_sum3A [0] : vector<160x8x128xf32> to vector<8x128xf32>
    %jit3A_24 = arith.constant -3.400000e+38 : f32
    %broadcast_in_dim3A_25 = vector.broadcast %jit3A_24 : f32 to vector<1280x128xf32>
    %select_n3A_26 = arith.select %lt3A_20, %select_n3A, %broadcast_in_dim3A_25 : vector<1280x128xi1>, vector<1280x128xf32>
    %reshape3A_27 = vector.shape_cast %select_n3A_26 : vector<1280x128xf32> to vector<160x8x128xf32>
    %reduce_max3A = arith.constant dense<0xFF800000> : vector<8x128xf32>
    %reduce_max3A_28 = vector.multi_reduction <maximumf>, %reshape3A_27, %reduce_max3A [0] : vector<160x8x128xf32> to vector<8x128xf32>
    %eq3A = arith.constant 0 : i32
    %eq3A_29 = arith.cmpi eq, %arg0, %eq3A : i32
    %convert_element_type3A = arith.extui %eq3A_29 : i1 to i32
    %cond3A = arith.constant 0 : i32
    %cond3A_30 = arith.cmpi ne, %convert_element_type3A, %cond3A : i32
    scf.if %cond3A_30 {
      %swap3A_35 = arith.constant 0 : index
      %swap3A_36 = arith.constant 0 : index
      %swap3A_37 = arith.constant 0 : index
      %swap3A_38 = vector.load %arg6[%swap3A_35, %swap3A_36, %swap3A_37] : memref<2x8x128xf32, #tpu.memory_space<vmem>>, vector<1x8x128xf32>
      %swap3A_39 = vector.shape_cast %swap3A_38 : vector<1x8x128xf32> to vector<8x128xf32>
      %swap3A_40 = vector.shape_cast %reduce_sum3A_23 : vector<8x128xf32> to vector<1x8x128xf32>
      tpu.vector_store %arg6[%swap3A_35, %swap3A_36, %swap3A_37], %swap3A_40 {strides = array<i32>} : memref<2x8x128xf32, #tpu.memory_space<vmem>>, vector<1x8x128xf32>,
      %swap3A_41 = arith.constant 1 : index
      %swap3A_42 = arith.constant 0 : index
      %swap3A_43 = arith.constant 0 : index
      %swap3A_44 = vector.load %arg6[%swap3A_41, %swap3A_42, %swap3A_43] : memref<2x8x128xf32, #tpu.memory_space<vmem>>, vector<1x8x128xf32>
      %swap3A_45 = vector.shape_cast %swap3A_44 : vector<1x8x128xf32> to vector<8x128xf32>
      %swap3A_46 = vector.shape_cast %reduce_max3A_28 : vector<8x128xf32> to vector<1x8x128xf32>
      tpu.vector_store %arg6[%swap3A_41, %swap3A_42, %swap3A_43], %swap3A_46 {strides = array<i32>} : memref<2x8x128xf32, #tpu.memory_space<vmem>>, vector<1x8x128xf32>,
    } else {
    }
    %gt3A = arith.constant 0 : i32
    %gt3A_31 = arith.cmpi sgt, %arg0, %gt3A : i32
    %convert_element_type3A_32 = arith.extui %gt3A_31 : i1 to i32
    %cond3A_33 = arith.constant 0 : i32
    %cond3A_34 = arith.cmpi ne, %convert_element_type3A_32, %cond3A_33 : i32
    scf.if %cond3A_34 {
      %get3A_35 = arith.constant 0 : index
      %get3A_36 = arith.constant 0 : index
      %get3A_37 = arith.constant 0 : index
      %get3A_38 = vector.load %arg6[%get3A_35, %get3A_36, %get3A_37] : memref<2x8x128xf32, #tpu.memory_space<vmem>>, vector<1x8x128xf32>
      %get3A_39 = vector.shape_cast %get3A_38 : vector<1x8x128xf32> to vector<8x128xf32>
      %add3A_40 = arith.addf %get3A_39, %reduce_sum3A_23 : vector<8x128xf32>
      %swap3A_41 = arith.constant 0 : index
      %swap3A_42 = arith.constant 0 : index
      %swap3A_43 = arith.constant 0 : index
      %swap3A_44 = vector.load %arg6[%swap3A_41, %swap3A_42, %swap3A_43] : memref<2x8x128xf32, #tpu.memory_space<vmem>>, vector<1x8x128xf32>
      %swap3A_45 = vector.shape_cast %swap3A_44 : vector<1x8x128xf32> to vector<8x128xf32>
      %swap3A_46 = vector.shape_cast %add3A_40 : vector<8x128xf32> to vector<1x8x128xf32>
      tpu.vector_store %arg6[%swap3A_41, %swap3A_42, %swap3A_43], %swap3A_46 {strides = array<i32>} : memref<2x8x128xf32, #tpu.memory_space<vmem>>, vector<1x8x128xf32>,
      %get3A_47 = arith.constant 1 : index
      %get3A_48 = arith.constant 0 : index
      %get3A_49 = arith.constant 0 : index
      %get3A_50 = vector.load %arg6[%get3A_47, %get3A_48, %get3A_49] : memref<2x8x128xf32, #tpu.memory_space<vmem>>, vector<1x8x128xf32>
      %get3A_51 = vector.shape_cast %get3A_50 : vector<1x8x128xf32> to vector<8x128xf32>
      %max3A_52 = arith.maximumf %get3A_51, %reduce_max3A_28 : vector<8x128xf32>
      %swap3A_53 = arith.constant 1 : index
      %swap3A_54 = arith.constant 0 : index
      %swap3A_55 = arith.constant 0 : index
      %swap3A_56 = vector.load %arg6[%swap3A_53, %swap3A_54, %swap3A_55] : memref<2x8x128xf32, #tpu.memory_space<vmem>>, vector<1x8x128xf32>
      %swap3A_57 = vector.shape_cast %swap3A_56 : vector<1x8x128xf32> to vector<8x128xf32>
      %swap3A_58 = vector.shape_cast %max3A_52 : vector<8x128xf32> to vector<1x8x128xf32>
      tpu.vector_store %arg6[%swap3A_53, %swap3A_54, %swap3A_55], %swap3A_58 {strides = array<i32>} : memref<2x8x128xf32, #tpu.memory_space<vmem>>, vector<1x8x128xf32>,
    } else {
    }
    return
  }
  func.func @transform_0(%arg0: i32) -> (i32, i32) {
    %c0_i32 = arith.constant 0 : i32
    %c0_i32_0 = arith.constant 0 : i32
    return %arg0, %c0_i32 : i32, i32
  }
  func.func @transform_1(%arg0: i32) -> (i32, i32) {
    %c0_i32 = arith.constant 0 : i32
    %c0_i32_0 = arith.constant 0 : i32
    return %arg0, %c0_i32 : i32, i32
  }
  func.func @transform_2(%arg0: i32) -> (i32, i32) {
    %c0_i32 = arith.constant 0 : i32
    %c0_i32_0 = arith.constant 0 : i32
    return %arg0, %c0_i32 : i32, i32
  }
  func.func @transform_3(%arg0: i32) -> (i32, i32) {
    %c0_i32 = arith.constant 0 : i32
    %c0_i32_0 = arith.constant 0 : i32
    %c0_i32_1 = arith.constant 0 : i32
    return %c0_i32, %c0_i32_0 : i32, i32
  }
  func.func @transform_4(%arg0: i32) -> (i32, i32) {
    %c0_i32 = arith.constant 0 : i32
    %c0_i32_0 = arith.constant 0 : i32
    return %arg0, %c0_i32 : i32, i32
  }
  func.func @transform_5(%arg0: i32) -> (i32, i32, i32) {
    %c0_i32 = arith.constant 0 : i32
    %c0_i32_0 = arith.constant 0 : i32
    %c0_i32_1 = arith.constant 0 : i32
    %c0_i32_2 = arith.constant 0 : i32
    return %c0_i32, %c0_i32_0, %c0_i32_1 : i32, i32, i32
  }
}

module attributes {stable_mosaic.version = 14 : i64} {
  func.func @_d2_body(%arg0: memref<2x8x128xf32, #tpu.memory_space<vmem>>, %arg1: memref<256x10000xf32, #tpu.memory_space<vmem>>, %arg2: memref<256x10000xf32, #tpu.memory_space<vmem>>, %arg3: memref<1x10000xf32, #tpu.memory_space<vmem>>, %arg4: memref<1x10000xf32, #tpu.memory_space<vmem>>) attributes {dimension_semantics = [], scalar_prefetch = 0 : i64, scratch_operands = 0 : i64, tpu.core_type = #tpu.core_type<tc>} {
    %get3A = arith.constant 0 : index
    %get3A_0 = arith.constant 0 : index
    %get3A_1 = arith.constant 0 : index
    %get3A_2 = vector.load %arg0[%get3A, %get3A_0, %get3A_1] : memref<2x8x128xf32, #tpu.memory_space<vmem>>, vector<1x8x128xf32>
    %get3A_3 = vector.shape_cast %get3A_2 : vector<1x8x128xf32> to vector<8x128xf32>
    %reduce_sum3A = arith.constant dense<0.000000e+00> : vector<128xf32>
    %reduce_sum3A_4 = vector.multi_reduction <add>, %get3A_3, %reduce_sum3A [0] : vector<8x128xf32> to vector<128xf32>
    %broadcast_in_dim3A = vector.shape_cast %reduce_sum3A_4 : vector<128xf32> to vector<1x128xf32>
    %mul3A = arith.constant 9.99999974E-5 : f32
    %mul3A_5 = vector.broadcast %mul3A : f32 to vector<1x128xf32>
    %mul3A_6 = arith.mulf %broadcast_in_dim3A, %mul3A_5 : vector<1x128xf32>
    %get3A_7 = arith.constant 1 : index
    %get3A_8 = arith.constant 0 : index
    %get3A_9 = arith.constant 0 : index
    %get3A_10 = vector.load %arg0[%get3A_7, %get3A_8, %get3A_9] : memref<2x8x128xf32, #tpu.memory_space<vmem>>, vector<1x8x128xf32>
    %get3A_11 = vector.shape_cast %get3A_10 : vector<1x8x128xf32> to vector<8x128xf32>
    %reduce_max3A = arith.constant dense<0xFF800000> : vector<128xf32>
    %reduce_max3A_12 = vector.multi_reduction <maximumf>, %get3A_11, %reduce_max3A [0] : vector<8x128xf32> to vector<128xf32>
    %broadcast_in_dim3A_13 = vector.shape_cast %reduce_max3A_12 : vector<128xf32> to vector<1x128xf32>
    %concatenate3A = tpu.concatenate %mul3A_6, %broadcast_in_dim3A_13 in 1 : vector<1x128xf32>, vector<1x128xf32> -> vector<1x256xf32>
    %get3A_14 = arith.constant 0 : index
    %get3A_15 = arith.constant 0 : index
    %get3A_16 = vector.load %arg1[%get3A_14, %get3A_15] : memref<256x10000xf32, #tpu.memory_space<vmem>>, vector<256x10000xf32>
    %dot_general3A = arith.constant dense<0.000000e+00> : vector<1x10000xf32>
    %dot_general3A_17 = tpu.matmul %concatenate3A, %get3A_16, %dot_general3A {dimension_numbers = #tpu.dot_dimension_numbers<[1], [0], [0], [1], [0, 0, 1, 1], [], []>, transpose_lhs_hint = false} : vector<1x256xf32>, vector<256x10000xf32>, vector<1x10000xf32> -> vector<1x10000xf32>
    %swap3A = arith.constant 0 : index
    %swap3A_18 = arith.constant 0 : index
    %swap3A_19 = vector.load %arg3[%swap3A, %swap3A_18] : memref<1x10000xf32, #tpu.memory_space<vmem>>, vector<1x10000xf32>
    tpu.vector_store %arg3[%swap3A, %swap3A_18], %dot_general3A_17 {strides = array<i32>} : memref<1x10000xf32, #tpu.memory_space<vmem>>, vector<1x10000xf32>,
    %get3A_20 = arith.constant 0 : index
    %get3A_21 = arith.constant 0 : index
    %get3A_22 = vector.load %arg2[%get3A_20, %get3A_21] : memref<256x10000xf32, #tpu.memory_space<vmem>>, vector<256x10000xf32>
    %dot_general3A_23 = arith.constant dense<0.000000e+00> : vector<1x10000xf32>
    %dot_general3A_24 = tpu.matmul %concatenate3A, %get3A_22, %dot_general3A_23 {dimension_numbers = #tpu.dot_dimension_numbers<[1], [0], [0], [1], [0, 0, 1, 1], [], []>, transpose_lhs_hint = false} : vector<1x256xf32>, vector<256x10000xf32>, vector<1x10000xf32> -> vector<1x10000xf32>
    %swap3A_25 = arith.constant 0 : index
    %swap3A_26 = arith.constant 0 : index
    %swap3A_27 = vector.load %arg4[%swap3A_25, %swap3A_26] : memref<1x10000xf32, #tpu.memory_space<vmem>>, vector<1x10000xf32>
    tpu.vector_store %arg4[%swap3A_25, %swap3A_26], %dot_general3A_24 {strides = array<i32>} : memref<1x10000xf32, #tpu.memory_space<vmem>>, vector<1x10000xf32>,
    return
  }
}

module attributes {stable_mosaic.version = 14 : i64} {
  func.func @_d3_body(%arg0: memref<1x10000xf32, #tpu.memory_space<vmem>>, %arg1: memref<1x10000xf32, #tpu.memory_space<vmem>>, %arg2: memref<1x10000xf32, #tpu.memory_space<vmem>>, %arg3: memref<1x10000xf32, #tpu.memory_space<vmem>>, %arg4: memref<8x128xi32, #tpu.memory_space<vmem>>) attributes {dimension_semantics = [], scalar_prefetch = 0 : i64, scratch_operands = 0 : i64, tpu.core_type = #tpu.core_type<tc>} {
    %iota3A = tpu.iota {dimensions = array<i32: 1>} : vector<1x10000xi32>
    %get3A = arith.constant 0 : index
    %get3A_0 = arith.constant 0 : index
    %get3A_1 = vector.load %arg0[%get3A, %get3A_0] : memref<1x10000xf32, #tpu.memory_space<vmem>>, vector<1x10000xf32>
    %get3A_2 = arith.constant 0 : index
    %get3A_3 = arith.constant 0 : index
    %get3A_4 = vector.load %arg1[%get3A_2, %get3A_3] : memref<1x10000xf32, #tpu.memory_space<vmem>>, vector<1x10000xf32>
    %add3A = arith.addf %get3A_1, %get3A_4 : vector<1x10000xf32>
    %get3A_5 = arith.constant 0 : index
    %get3A_6 = arith.constant 0 : index
    %get3A_7 = vector.load %arg2[%get3A_5, %get3A_6] : memref<1x10000xf32, #tpu.memory_space<vmem>>, vector<1x10000xf32>
    %add3A_8 = arith.addf %add3A, %get3A_7 : vector<1x10000xf32>
    %mul3A = arith.constant 2.000000e+00 : f32
    %mul3A_9 = vector.broadcast %mul3A : f32 to vector<1x10000xf32>
    %mul3A_10 = arith.mulf %add3A_8, %mul3A_9 : vector<1x10000xf32>
    %reduce_max3A = arith.constant dense<0xFF800000> : vector<1xf32>
    %reduce_max3A_11 = vector.multi_reduction <maximumf>, %mul3A_10, %reduce_max3A [1] : vector<1x10000xf32> to vector<1xf32>
    %broadcast_in_dim3A = vector.shape_cast %reduce_max3A_11 : vector<1xf32> to vector<1x1xf32>
    %sub3A = vector.broadcast %broadcast_in_dim3A : vector<1x1xf32> to vector<1x10000xf32>
    %sub3A_12 = arith.subf %mul3A_10, %sub3A : vector<1x10000xf32>
    %exp3A = math.exp %sub3A_12 : vector<1x10000xf32>
    %reduce_sum3A = arith.constant dense<0.000000e+00> : vector<1xf32>
    %reduce_sum3A_13 = vector.multi_reduction <add>, %exp3A, %reduce_sum3A [1] : vector<1x10000xf32> to vector<1xf32>
    %broadcast_in_dim3A_14 = vector.shape_cast %reduce_sum3A_13 : vector<1xf32> to vector<1x1xf32>
    %div3A = vector.broadcast %broadcast_in_dim3A_14 : vector<1x1xf32> to vector<1x10000xf32>
    %div3A_15 = arith.divf %exp3A, %div3A : vector<1x10000xf32>
    %swap3A = arith.constant 0 : index
    %swap3A_16 = arith.constant 0 : index
    %swap3A_17 = vector.load %arg3[%swap3A, %swap3A_16] : memref<1x10000xf32, #tpu.memory_space<vmem>>, vector<1x10000xf32>
    tpu.vector_store %arg3[%swap3A, %swap3A_16], %div3A_15 {strides = array<i32>} : memref<1x10000xf32, #tpu.memory_space<vmem>>, vector<1x10000xf32>,
    %ge3A = vector.broadcast %broadcast_in_dim3A : vector<1x1xf32> to vector<1x10000xf32>
    %ge3A_18 = arith.cmpf oge, %mul3A_10, %ge3A : vector<1x10000xf32>
    %jit3A = arith.constant 1073741824 : i32
    %broadcast_in_dim3A_19 = vector.broadcast %jit3A : i32 to vector<1x10000xi32>
    %select_n3A = arith.select %ge3A_18, %iota3A, %broadcast_in_dim3A_19 : vector<1x10000xi1>, vector<1x10000xi32>
    %reduce_min3A = vector.shape_cast %select_n3A : vector<1x10000xi32> to vector<1x1x10000xi32>
    %reduce_min3A_20 = arith.constant dense<2147483647> : vector<1xi32>
    %reduce_min3A_21 = vector.multi_reduction <minsi>, %reduce_min3A, %reduce_min3A_20 [1, 2] : vector<1x1x10000xi32> to vector<1xi32>
    %reduce_min3A_22 = vector.shape_cast %reduce_min3A_21 : vector<1xi32> to vector<1x1x1xi32>
    %reduce_min3A_23 = vector.extract %reduce_min3A_22[0, 0, 0] : i32 from vector<1x1x1xi32>
    %broadcast_in_dim3A_24 = arith.constant 0 : i32
    %broadcast_in_dim3A_25 = vector.broadcast %broadcast_in_dim3A_24 : i32 to vector<8x128xi32>
    %add3A_26 = vector.broadcast %reduce_min3A_23 : i32 to vector<8x128xi32>
    %add3A_27 = arith.addi %broadcast_in_dim3A_25, %add3A_26 : vector<8x128xi32>
    %swap3A_28 = arith.constant 0 : index
    %swap3A_29 = arith.constant 0 : index
    %swap3A_30 = vector.load %arg4[%swap3A_28, %swap3A_29] : memref<8x128xi32, #tpu.memory_space<vmem>>, vector<8x128xi32>
    tpu.vector_store %arg4[%swap3A_28, %swap3A_29], %add3A_27 {strides = array<i32>} : memref<8x128xi32, #tpu.memory_space<vmem>>, vector<8x128xi32>,
    return
  }
}

module attributes {stable_mosaic.version = 14 : i64} {
  func.func @_e_body(%arg0: memref<32x10000xf32, #tpu.memory_space<vmem>>, %arg1: memref<1x10000xf32, #tpu.memory_space<vmem>>, %arg2: memref<1x10000xf32, #tpu.memory_space<vmem>>, %arg3: memref<1x10000xf32, #tpu.memory_space<vmem>>, %arg4: memref<8x128xi32, #tpu.memory_space<vmem>>, %arg5: memref<10240x128xf32, #tpu.memory_space<vmem>>, %arg6: memref<256x128xf32, #tpu.memory_space<vmem>>, %arg7: memref<1x128xf32, #tpu.memory_space<vmem>>, %arg8: memref<1x128xf32, #tpu.memory_space<vmem>>, %arg9: memref<1x10000xf32, #tpu.memory_space<vmem>>, %arg10: memref<1x128xf32, #tpu.memory_space<vmem>>, %arg11: memref<8x128xf32, #tpu.memory_space<vmem>>) attributes {dimension_semantics = [], scalar_prefetch = 0 : i64, scratch_operands = 0 : i64, tpu.core_type = #tpu.core_type<tc>} {
    %get3A = arith.constant 0 : index
    %get3A_0 = arith.constant 0 : index
    %get3A_1 = vector.load %arg4[%get3A, %get3A_0] : memref<8x128xi32, #tpu.memory_space<vmem>>, vector<1x1xi32>
    %get3A_2 = vector.extract %get3A_1[0, 0] : i32 from vector<1x1xi32>
    %iota3A = tpu.iota {dimensions = array<i32: 1>} : vector<1x10000xi32>
    %get3A_3 = arith.constant 0 : index
    %get3A_4 = arith.constant 0 : index
    %get3A_5 = vector.load %arg0[%get3A_3, %get3A_4] : memref<32x10000xf32, #tpu.memory_space<vmem>>, vector<32x10000xf32>
    %reduce_sum3A = arith.constant dense<0.000000e+00> : vector<10000xf32>
    %reduce_sum3A_6 = vector.multi_reduction <add>, %get3A_5, %reduce_sum3A [0] : vector<32x10000xf32> to vector<10000xf32>
    %broadcast_in_dim3A = vector.shape_cast %reduce_sum3A_6 : vector<10000xf32> to vector<1x10000xf32>
    %gt3A = arith.constant 0.000000e+00 : f32
    %gt3A_7 = vector.broadcast %gt3A : f32 to vector<1x10000xf32>
    %gt3A_8 = arith.cmpf ogt, %broadcast_in_dim3A, %gt3A_7 : vector<1x10000xf32>
    %eq3A = vector.broadcast %get3A_2 : i32 to vector<1x10000xi32>
    %eq3A_9 = arith.cmpi eq, %iota3A, %eq3A : vector<1x10000xi32>
    %or3A = arith.ori %gt3A_8, %eq3A_9 : vector<1x10000xi1>
    %get3A_10 = arith.constant 0 : index
    %get3A_11 = arith.constant 0 : index
    %get3A_12 = vector.load %arg1[%get3A_10, %get3A_11] : memref<1x10000xf32, #tpu.memory_space<vmem>>, vector<1x10000xf32>
    %get3A_13 = arith.constant 0 : index
    %get3A_14 = arith.constant 0 : index
    %get3A_15 = vector.load %arg2[%get3A_13, %get3A_14] : memref<1x10000xf32, #tpu.memory_space<vmem>>, vector<1x10000xf32>
    %add3A = arith.addf %get3A_12, %get3A_15 : vector<1x10000xf32>
    %jit3A = arith.constant -1.000000e+09 : f32
    %broadcast_in_dim3A_16 = vector.broadcast %jit3A : f32 to vector<1x10000xf32>
    %select_n3A = arith.select %or3A, %broadcast_in_dim3A_16, %add3A : vector<1x10000xi1>, vector<1x10000xf32>
    %get3A_17 = arith.constant 0 : index
    %get3A_18 = arith.constant 0 : index
    %get3A_19 = vector.load %arg3[%get3A_17, %get3A_18] : memref<1x10000xf32, #tpu.memory_space<vmem>>, vector<1x10000xf32>
    %add3A_20 = arith.addf %select_n3A, %get3A_19 : vector<1x10000xf32>
    %mul3A = arith.constant 2.000000e+00 : f32
    %mul3A_21 = vector.broadcast %mul3A : f32 to vector<1x10000xf32>
    %mul3A_22 = arith.mulf %add3A_20, %mul3A_21 : vector<1x10000xf32>
    %reduce_max3A = arith.constant dense<0xFF800000> : vector<1xf32>
    %reduce_max3A_23 = vector.multi_reduction <maximumf>, %mul3A_22, %reduce_max3A [1] : vector<1x10000xf32> to vector<1xf32>
    %broadcast_in_dim3A_24 = vector.shape_cast %reduce_max3A_23 : vector<1xf32> to vector<1x1xf32>
    %sub3A = vector.broadcast %broadcast_in_dim3A_24 : vector<1x1xf32> to vector<1x10000xf32>
    %sub3A_25 = arith.subf %mul3A_22, %sub3A : vector<1x10000xf32>
    %exp3A = math.exp %sub3A_25 : vector<1x10000xf32>
    %reduce_sum3A_26 = arith.constant dense<0.000000e+00> : vector<1xf32>
    %reduce_sum3A_27 = vector.multi_reduction <add>, %exp3A, %reduce_sum3A_26 [1] : vector<1x10000xf32> to vector<1xf32>
    %broadcast_in_dim3A_28 = vector.shape_cast %reduce_sum3A_27 : vector<1xf32> to vector<1x1xf32>
    %div3A = vector.broadcast %broadcast_in_dim3A_28 : vector<1x1xf32> to vector<1x10000xf32>
    %div3A_29 = arith.divf %exp3A, %div3A : vector<1x10000xf32>
    %swap3A = arith.constant 0 : index
    %swap3A_30 = arith.constant 0 : index
    %swap3A_31 = vector.load %arg9[%swap3A, %swap3A_30] : memref<1x10000xf32, #tpu.memory_space<vmem>>, vector<1x10000xf32>
    tpu.vector_store %arg9[%swap3A, %swap3A_30], %div3A_29 {strides = array<i32>} : memref<1x10000xf32, #tpu.memory_space<vmem>>, vector<1x10000xf32>,
    %ge3A = vector.broadcast %broadcast_in_dim3A_24 : vector<1x1xf32> to vector<1x10000xf32>
    %ge3A_32 = arith.cmpf oge, %mul3A_22, %ge3A : vector<1x10000xf32>
    %jit3A_33 = arith.constant 1073741824 : i32
    %broadcast_in_dim3A_34 = vector.broadcast %jit3A_33 : i32 to vector<1x10000xi32>
    %select_n3A_35 = arith.select %ge3A_32, %iota3A, %broadcast_in_dim3A_34 : vector<1x10000xi1>, vector<1x10000xi32>
    %reduce_min3A = vector.shape_cast %select_n3A_35 : vector<1x10000xi32> to vector<1x1x10000xi32>
    %reduce_min3A_36 = arith.constant dense<2147483647> : vector<1xi32>
    %reduce_min3A_37 = vector.multi_reduction <minsi>, %reduce_min3A, %reduce_min3A_36 [1, 2] : vector<1x1x10000xi32> to vector<1xi32>
    %reduce_min3A_38 = vector.shape_cast %reduce_min3A_37 : vector<1xi32> to vector<1x1x1xi32>
    %reduce_min3A_39 = vector.extract %reduce_min3A_38[0, 0, 0] : i32 from vector<1x1x1xi32>
    %get3A_40 = arith.index_cast %get3A_2 : i32 to index
    %get3A_41 = arith.constant 0 : index
    %get3A_42 = vector.load %arg5[%get3A_40, %get3A_41] : memref<10240x128xf32, #tpu.memory_space<vmem>>, vector<1x128xf32>
    %get3A_43 = arith.index_cast %reduce_min3A_39 : i32 to index
    %get3A_44 = arith.constant 0 : index
    %get3A_45 = vector.load %arg5[%get3A_43, %get3A_44] : memref<10240x128xf32, #tpu.memory_space<vmem>>, vector<1x128xf32>
    %concatenate3A = tpu.concatenate %get3A_42, %get3A_45 in 1 : vector<1x128xf32>, vector<1x128xf32> -> vector<1x256xf32>
    %get3A_46 = arith.constant 0 : index
    %get3A_47 = arith.constant 0 : index
    %get3A_48 = vector.load %arg6[%get3A_46, %get3A_47] : memref<256x128xf32, #tpu.memory_space<vmem>>, vector<256x128xf32>
    %dot_general3A = arith.constant dense<0.000000e+00> : vector<1x128xf32>
    %dot_general3A_49 = tpu.matmul %concatenate3A, %get3A_48, %dot_general3A {dimension_numbers = #tpu.dot_dimension_numbers<[1], [0], [0], [1], [0, 0, 1, 1], [], []>, transpose_lhs_hint = false} : vector<1x256xf32>, vector<256x128xf32>, vector<1x128xf32> -> vector<1x128xf32>
    %get3A_50 = arith.constant 0 : index
    %get3A_51 = arith.constant 0 : index
    %get3A_52 = vector.load %arg7[%get3A_50, %get3A_51] : memref<1x128xf32, #tpu.memory_space<vmem>>, vector<1x128xf32>
    %add3A_53 = arith.addf %dot_general3A_49, %get3A_52 : vector<1x128xf32>
    %get3A_54 = arith.constant 0 : index
    %get3A_55 = arith.constant 0 : index
    %get3A_56 = vector.load %arg8[%get3A_54, %get3A_55] : memref<1x128xf32, #tpu.memory_space<vmem>>, vector<1x128xf32>
    %add3A_57 = arith.addf %add3A_53, %get3A_56 : vector<1x128xf32>
    %iota3A_58 = tpu.iota {dimensions = array<i32: 1>} : vector<1x128xi32>
    %lt3A = arith.constant 3 : i32
    %lt3A_59 = vector.broadcast %lt3A : i32 to vector<1x128xi32>
    %lt3A_60 = arith.cmpi slt, %iota3A_58, %lt3A_59 : vector<1x128xi32>
    %mul3A_61 = arith.constant 2.000000e+00 : f32
    %mul3A_62 = vector.broadcast %mul3A_61 : f32 to vector<1x128xf32>
    %mul3A_63 = arith.mulf %add3A_57, %mul3A_62 : vector<1x128xf32>
    %jit3A_64 = arith.constant -3.400000e+38 : f32
    %broadcast_in_dim3A_65 = vector.broadcast %jit3A_64 : f32 to vector<1x128xf32>
    %select_n3A_66 = arith.select %lt3A_60, %mul3A_63, %broadcast_in_dim3A_65 : vector<1x128xi1>, vector<1x128xf32>
    %reduce_max3A_67 = arith.constant dense<0xFF800000> : vector<1xf32>
    %reduce_max3A_68 = vector.multi_reduction <maximumf>, %select_n3A_66, %reduce_max3A_67 [1] : vector<1x128xf32> to vector<1xf32>
    %broadcast_in_dim3A_69 = vector.shape_cast %reduce_max3A_68 : vector<1xf32> to vector<1x1xf32>
    %sub3A_70 = vector.broadcast %broadcast_in_dim3A_69 : vector<1x1xf32> to vector<1x128xf32>
    %sub3A_71 = arith.subf %select_n3A_66, %sub3A_70 : vector<1x128xf32>
    %exp3A_72 = math.exp %sub3A_71 : vector<1x128xf32>
    %reduce_sum3A_73 = arith.constant dense<0.000000e+00> : vector<1xf32>
    %reduce_sum3A_74 = vector.multi_reduction <add>, %exp3A_72, %reduce_sum3A_73 [1] : vector<1x128xf32> to vector<1xf32>
    %broadcast_in_dim3A_75 = vector.shape_cast %reduce_sum3A_74 : vector<1xf32> to vector<1x1xf32>
    %div3A_76 = vector.broadcast %broadcast_in_dim3A_75 : vector<1x1xf32> to vector<1x128xf32>
    %div3A_77 = arith.divf %exp3A_72, %div3A_76 : vector<1x128xf32>
    %swap3A_78 = arith.constant 0 : index
    %swap3A_79 = arith.constant 0 : index
    %swap3A_80 = vector.load %arg10[%swap3A_78, %swap3A_79] : memref<1x128xf32, #tpu.memory_space<vmem>>, vector<1x128xf32>
    tpu.vector_store %arg10[%swap3A_78, %swap3A_79], %div3A_77 {strides = array<i32>} : memref<1x128xf32, #tpu.memory_space<vmem>>, vector<1x128xf32>,
    %broadcast_in_dim3A_81 = arith.constant 0.000000e+00 : f32
    %broadcast_in_dim3A_82 = vector.broadcast %broadcast_in_dim3A_81 : f32 to vector<8x128xf32>
    %add3A_83 = arith.constant 1.000000e+00 : f32
    %add3A_84 = vector.broadcast %add3A_83 : f32 to vector<8x128xf32>
    %add3A_85 = arith.addf %broadcast_in_dim3A_82, %add3A_84 : vector<8x128xf32>
    %swap3A_86 = arith.constant 0 : index
    %swap3A_87 = arith.constant 0 : index
    %swap3A_88 = vector.load %arg11[%swap3A_86, %swap3A_87] : memref<8x128xf32, #tpu.memory_space<vmem>>, vector<8x128xf32>
    tpu.vector_store %arg11[%swap3A_86, %swap3A_87], %add3A_85 {strides = array<i32>} : memref<8x128xf32, #tpu.memory_space<vmem>>, vector<8x128xf32>,
    return
  }
}

</mosaic_0001>

<sc_bundles>
// kernel: kernel.16.cloned.1.call-start
scs
__scs_entry_jumppad:
0x0: {  	(pc) =	sbr.rel $0x88, $3  }
0x1: {  	(tag) =	ssettag $0x0;
	lr =	simm.s32 $0x1  }
0x2: {  	[smem:$0x3F93] =	sst lr;
	_ =	strace $0xD0000000  }
0x3: {  	_ = 	snop  }
0x4: {  	_ = 	snop  }
0x5: {  	_ = 	snop  }
0x6: {  	_ = 	snop  }
0x7: {  	_ = 	snop  }
__scs_overlays_trampoline_lowered:
0x8: {  	[smem:$0x3FA2] =	sst s0  }
0x9: {  	[smem:$0x3FA3] =	sst s1  }
0xa: {  	[smem:$0x3FA4] =	sst s2  }
0xb: {  	[smem:$0x3FA5] =	sst s3  }
0xc: {  	[smem:$0x3FA6] =	sst s4  }
0xd: {  	[smem:$0x3FA7] =	sst s5  }
0xe: {  	[smem:$0x3FA8] =	sst s6  }
0xf: {  	[smem:$0x3FA9] =	sst s7  }
0x10: {  	[smem:$0x3FAA] =	sst s8  }
0x11: {  	[smem:$0x3FAB] =	sst s9;
	s0 =	simm.s32 @!p0 $0x0  }
0x12: {  	s1 =	sld [smem:$0x3F91];
	s0 =	simm.s32 @p0 $0x1  }
0x13: {  	[smem:$0x3FAC] =	sst s0;
	s0 =	simm.s32 @!p1 $0x0  }
0x14: {  	s2 =	sld [smem:$0x3F90];
	s0 =	simm.s32 @p1 $0x1  }
0x15: {  	[smem:$0x3FAD] =	sst s0;
	s0 =	simm.s32 @!p2 $0x0  }
0x16: {  	s3 =	sld [smem:$0x3FDB];
	s0 =	simm.s32 @p2 $0x1  }
0x17: {  	s4 =	simm.s32 $0x1BF5;
	[smem:$0x3FAF] =	sst s0  }
0x18: {  	s0 =	sld [smem:$0x3F92];
	_ =	swait.ge [sflag:s4], $0x0  }
0x19: {  	s7 =	sld [smem:$0x3F93]  }
0x1a: {  	s8 =	sadd.s32 $0xFFFFE003, lr  }
0x1b: {  	s9 =	sadd.s32 $0xFFFFFEF7, lr;
	s5 =	simm.s32 $0xFFFFFFFF;
	p2 =	slt.u32 s8, $0xFFFFF086  }
0x1c: {  	p1 =	slt.u32 s9, $0xF7A;
	s5 =	simm.s32 @!p2 $0x0  }
0x1d: {  	s5 =	simm.s32 @p1 $0x1;
	p0 =	seq.s32 s7, s2  }
0x1e: {  	s7 =	smul.u32 @!p0 $0xF7A, s2;
	p2 =	seq.s32 @!p0 s5, $0x0  }
0x1f: {  	s9 =	smul.u32 $0xF7A, s1;
	s8 =	simm.s32 @!p0 $0x1BF5;
	p2 =	por !p2, p0  }
0x20: {  	[sflag:s8] =	ssyncset.s32 @!p0 $0xFFFFF086;
	s6 =	sadd.s32 @!p0 s3, s7;
	s7 =	simm.s32 @!p0 $0x108  }
0x21: {  	s3 =	sadd.s32 s3, s9;
	s6 =	sadd.s32 @!p0 $0x88, s6;
	s7 =	simm.s32 @p2 $0x1082  }
0x22: {  	[simem:s7], [sflag:s8] =	dma.local @!p0 [hbm:s6], $0xF7A  }
0x23: {  	s9 =	sor.u32 $0xD0000000, s2;
	s6 =	simm.s32 $0x108;
	_ =	swait.ge @!p0 [sflag:s8], $0x0  }
0x24: {  	s3 =	sadd.s32 $0x88, s3;
	s6 =	simm.s32 @!p1 $0x1082;
	[sflag:s4] =	ssyncset.s32 $0xFFFFF086  }
0x25: {  	[simem:s6], [sflag:s4] =	dma.local [hbm:s3], $0xF7A  }
0x26: {  	[smem:$0x3F93] =	sst s1;
	(tag) =	ssettag s2;
	_ =	strace s9  }
0x27: {  	s1 =	sld [smem:$0x3FA3]  }
0x28: {  	s2 =	sld [smem:$0x3FA4]  }
0x29: {  	s4 =	sld [smem:$0x3FA6]  }
0x2a: {  	p0 =	seq.s32 s5, $0x0;
	s5 =	sld [smem:$0x3FA7]  }
0x2b: {  	s6 =	sld [smem:$0x3FA8]  }
0x2c: {  	s7 =	sld [smem:$0x3FA9]  }
0x2d: {  	s3 =	simm.s32 $0x108;
	s8 =	sld [smem:$0x3FAA]  }
0x2e: {  	s3 =	simm.s32 @!p0 $0x1082;
	s9 =	sld [smem:$0x3FAB]  }
0x2f: {  	lr =	sadd.s32 s0, s3;
	s0 =	sld [smem:$0x3FA2]  }
0x30: {  	s3 =	sld [smem:$0x3FA5]  }
0x31: {  	[smem:$0x3FAE] =	sst s10  }
0x32: {  	s10 =	sld [smem:$0x3FAC];
	_ =	sdelay $0x3  }
0x33: {  	p0 =	seq.s32 s10, $0x1;
	s10 =	sld [smem:$0x3FAE];
	_ =	sdelay $0x3  }
0x34: {  	[smem:$0x3FAE] =	sst s10  }
0x35: {  	s10 =	sld [smem:$0x3FAD];
	_ =	sdelay $0x3  }
0x36: {  	p1 =	seq.s32 s10, $0x1;
	s10 =	sld [smem:$0x3FAE];
	_ =	sdelay $0x3  }
0x37: {  	[smem:$0x3FAE] =	sst s10  }
0x38: {  	s10 =	sld [smem:$0x3FAF]  }
0x39: {  	_ = 	snop;
	(pc) =	sbr.ind lr, $3  }
0x3a: {  	_ = 	snop  }
0x3b: {  	_ = 	snop  }
0x3c: {  	p2 =	seq.s32 s10, $0x1;
	s10 =	sld [smem:$0x3FAE]  }
0x3d: {  	_ =	shalt  }
0x3e: {  	_ =	shalt  }
0x3f: {  	_ =	shalt  }
0x40: {  	_ =	shalt  }
0x41: {  	_ =	shalt  }
0x42: {  	_ =	shalt  }
0x43: {  	_ =	shalt  }
0x44: {  	_ =	shalt  }
0x45: {  	_ =	shalt  }
0x46: {  	_ =	shalt  }
0x47: {  	_ =	shalt  }
0x48: {  	_ =	shalt  }
0x49: {  	_ =	shalt  }
0x4a: {  	_ =	shalt  }
0x4b: {  	_ =	shalt  }
0x4c: {  	_ =	shalt  }
0x4d: {  	_ =	shalt  }
0x4e: {  	_ =	shalt  }
0x4f: {  	_ =	shalt  }
0x50: {  	_ =	shalt  }
0x51: {  	_ =	shalt  }
0x52: {  	_ =	shalt  }
0x53: {  	_ =	shalt  }
0x54: {  	_ =	shalt  }
0x55: {  	_ =	shalt  }
0x56: {  	_ =	shalt  }
0x57: {  	_ =	shalt  }
0x58: {  	_ =	shalt  }
0x59: {  	_ =	shalt  }
0x5a: {  	_ =	shalt  }
0x5b: {  	_ =	shalt  }
0x5c: {  	_ =	shalt  }
0x5d: {  	_ =	shalt  }
0x5e: {  	_ =	shalt  }
0x5f: {  	_ =	shalt  }
0x60: {  	_ =	shalt  }
0x61: {  	_ =	shalt  }
0x62: {  	_ =	shalt  }
0x63: {  	_ =	shalt  }
0x64: {  	_ =	shalt  }
0x65: {  	_ =	shalt  }
0x66: {  	_ =	shalt  }
0x67: {  	_ =	shalt  }
0x68: {  	_ =	shalt  }
0x69: {  	_ =	shalt  }
0x6a: {  	_ =	shalt  }
0x6b: {  	_ =	shalt  }
0x6c: {  	_ =	shalt  }
0x6d: {  	_ =	shalt  }
0x6e: {  	_ =	shalt  }
0x6f: {  	_ =	shalt  }
0x70: {  	_ =	shalt  }
0x71: {  	_ =	shalt  }
0x72: {  	_ =	shalt  }
0x73: {  	_ =	shalt  }
0x74: {  	_ =	shalt  }
0x75: {  	_ =	shalt  }
0x76: {  	_ =	shalt  }
0x77: {  	_ =	shalt  }
0x78: {  	_ =	shalt  }
0x79: {  	_ =	shalt  }
0x7a: {  	_ =	shalt  }
0x7b: {  	_ =	shalt  }
0x7c: {  	_ =	shalt  }
0x7d: {  	_ =	shalt  }
0x7e: {  	_ =	shalt  }
0x7f: {  	_ =	shalt  }
0x80: {  	_ =	shalt  }
0x81: {  	_ =	shalt  }
0x82: {  	_ =	shalt  }
0x83: {  	_ =	shalt  }
0x84: {  	_ =	shalt  }
0x85: {  	_ =	shalt  }
0x86: {  	_ =	shalt  }
0x87: {  	_ =	shalt  }
.Lfunc_end0:
.L_simem_size_0:
called_computation_lowered:
.L_overlay_start_0:
0x88: {  	s2 =	sld [smem:$0x3FD9]  }
0x89: {  	s3 =	sld [smem:$0x3FFE];
	_ =	sdelay $0x1  }
0x8a: {  	s1 =	srdreg.scid  }
0x8b: {  	s0 =	sand.u32 $0x1, s1  }
0x8c: {  	s16 =	sshll.u32 s0, $0xA;
	s2 =	sadd.s32 s3, s2  }
0x8d: {  	s2 =	sadd.s32 s2, s16  }
0x8e: {  	[smem:$0x3FBA] =	sst s2  }
0x8f: {  	_ = 	snop  }
0x90: {  	(tm) =	ssettm $0x1  }
0x91: {  	s17 =	sld [smem:$0x3FFB];
	_ =	sdelay $0x3  }
0x92: {  	_ =	strace s17  }
0x93: {  	s2 =	sld [smem:$0x3FFC];
	_ =	sdelay $0x3  }
0x94: {  	_ =	strace s2  }
0x95: {  	s2 =	sld [smem:$0x3FFD];
	_ =	sdelay $0x3  }
0x96: {  	_ =	strace s2  }
0x97: {  	_ =	strace $0x8FFFFFFF  }
0x98: {  	s18 =	sld [smem:$0x3FDB];
	_ =	sdelay $0x1  }
0x99: {  	s19 =	simm.s32 $_scs_section_size  }
0x9a: {  	s4 =	simm.s32 $_size__tile_overlayer_lowered;
	s5 =	simm.s32 $_tile_overlayer_lowered  }
0x9b: {  	s22 =	simm.s32 $0x1BFF;
	s21 =	sshll.u32 s5, $0x1;
	s2 =	sadd.s32 s19, s18  }
0x9c: {  	s6 =	simm.s32 $0x0;
	s20 =	sshll.u32 s4, $0x1;
	s4 =	sadd.s32 s21, s2  }
0x9d: {  	[timem:s6], [sflag:s22] =	dma.local [hbm:s4], s20  }
0x9e: {  	_ =	swait.ge [sflag:s22], s20  }
0x9f: {  	s3 =	ssub.s32 $0x0, s20;
	[sflag:s22] =	ssyncset.done $0x0  }
0xa0: {  	[sflag:s22] =	ssyncadd.s32 s3;
	_ =	sdelay $0x1  }
0xa1: {  	s23 =	simm.s32 $0x1B8B  }
0xa2: {  	_ =	swait.ge [sflag:s23], $0x1  }
0xa3: {  	[sflag:s23] =	ssyncset.done $0x0  }
0xa4: {  	s25 =	simm.s32 $0x1B8E;
	s24 =	sld [smem:$0x3FFE];
	[sflag:s23] =	ssyncadd.s32 $0xFFFFFFFF  }
0xa5: {  	s26 =	simm.s32 $execute0_lowered;
	[smem:$0x3FD2] =	sst s25  }
0xa6: {  	s4 =	sshll.u32 s26, $0x1;
	_ =	strace $0x80000046;
	[dreg:$0x1] =	wrdreg $0xFFFFFFFF  }
0xa7: {  	s28 =	simm.s32 $_size_execute0_lowered;
	s2 =	sadd.s32 s2, s4;
	[dreg:$0x0] =	wrdreg $0x0  }
0xa8: {  	s4 =	sshll.u32 s28, $0x1;
	[dreg:$0x2] =	wrdreg s2  }
0xa9: {  	[dreg:$0x3] =	wrdreg s4  }
0xaa: {  	[dreg:$0x4] =	wrdreg $0xC0  }
0xab: {  	_ =	task [dreg:s6], $0x5FFFF  }
0xac: {  	[dreg:$0x1] =	wrdreg $0xFFFFFFFF  }
0xad: {  	[dreg:$0x0] =	wrdreg $0x60  }
0xae: {  	[dreg:$0x2] =	wrdreg s24  }
0xaf: {  	[dreg:$0x3] =	wrdreg $0x2B000  }
0xb0: {  	[dreg:$0x4] =	wrdreg $0x9  }
0xb1: {  	_ =	task.clear_ibuf [dreg:s6], $0x5FFFF;
	_ =	strace $0x90000046  }
0xb2: {  	s29 =	simm.s32 $0x9;
	_ =	strace $0x80000048  }
0xb3: {  	_ =	swait.ge [sflag:s29], $0x1  }
0xb4: {  	[sflag:s29] =	ssyncadd.s32 $0xFFFFFFFF  }
0xb5: {  	_ =	strace $0x90000048  }
0xb6: {  	_ =	sfence  }
0xb7: {  	s30 =	sld [smem:$0x0];
	_ =	sdelay $0x2  }
0xb8: {  	s31 =	sshll.u32 s1, $0xD;
	s1 =	sshrl.u32 s1, $0x2  }
0xb9: {  	s3 =	sand.u32 $0x4000, s31;
	s1 =	sadd.s32 s1, s30  }
0xba: {  	s0 =	sor.u32 s3, s0;
	s1 =	sshll.u32 s1, $0x11  }
0xbb: {  	s0 =	sor.u32 s1, s0  }
0xbc: {  	s0 =	sadd.s32 $0x8F2B, s0  }
0xbd: {  	[sflag:s0] =	ssyncadd.remote.s32 $0x1  }
0xbe: {  	_ =	sfence.sel $0xFFFF  }
0xbf: {  	[dreg:$0x0] =	wrdreg $0xFFFFFFFF;
	(pc) =	sbr.abs _section_cstart, $3  }
0xc0: {  	[dreg:$0x1] =	wrdreg $0xFFFFFFFF  }
0xc1: {  	_ =	task.clear_ibuf [dreg:s6], $0x2FFFF;
	_ =	strace $0x9FFFFFFF  }
0xc2: {  	(tm) =	ssettm $0x7FFFFFFF  }
0xc3: {  	_ =	shalt  }
tec
execute0_lowered:
.L_overlay_start_1:
0x0: {  	(tag) =	ssettag $0x1  }
0x1: {  	s1 =	srdreg.scid  }
0x2: {  	s0 =	stileid.u32;
	s4 =	rddreg [dreg:$0x0]  }
0x3: {  	s2 =	rddreg [dreg:$0x1];
	s3 =	simm.s32 $0x0;
	s10 =	simm.s32 $0x2A80  }
0x4: {  	s5 =	sand.u32 $0x1, s1;
	s30 =	sshll.u32 s0, $0x1;
	s8 =	smul.u32 $0x280, s0  }
0x5: {  	s1 =	rddreg [dreg:$0x2];
	s6 =	sor.u32 s5, s30;
	s7 =	smul.u32 $0x500, s5  }
0x6: {  	[smem:$0x7FF] =	sst s3;
	s5 =	ssub.s32 $0x2, s5;
	s6 =	smul.u32 $0x500, s6  }
0x7: {  	_ =	strace $0x80000047;
	s31 =	sshrl.u32 s5, $0x1;
	s12 =	sshrl.u32 s8, $0x3  }
0x8: {  	s7 =	sadd.s32 s7, s4;
	s9 =	ssub.s32 s5, s31;
	s6 =	sadd.s32 s6, s4  }
0x9: {  	s4 =	sadd.s32 s8, s2;
	s11 =	sadd.s32 $0x25E00, s7;
	s7 =	simm.s32 $0x2800  }
0xa: {  	s8 =	simm.s32 $0x1;
	s5 =	sadd.s32 $0x1BE00, s6;
	s6 =	smax.u32 s9, $0x1  }
0xb: {  	v0 =	vimm.f32 $0.0e+00;
	v1 =	vimm.f32 $1.000000000e+00;
	s9 =	simm.s32 $0x7D;
	s11 =	sadd.s32 s12, s11;
	s12 =	simm.s32 $0x0  }
.LBB2_1:
0xc: {  	[tilespmem:$0x2800] =	vst v0  }
0xd: {  	[tilespmem:$0x2810] =	vst v0  }
0xe: {  	[tilespmem:$0x2820] =	vst v0  }
0xf: {  	[tilespmem:$0x2830] =	vst v0  }
0x10: {  	[tilespmem:$0x2840] =	vst v0  }
0x11: {  	[tilespmem:$0x2850] =	vst v0  }
0x12: {  	[tilespmem:$0x2860] =	vst v0  }
0x13: {  	[tilespmem:$0x2870] =	vst v0  }
0x14: {  	[tilespmem:$0x2880] =	vst v0  }
0x15: {  	[tilespmem:$0x2890] =	vst v0  }
0x16: {  	[tilespmem:$0x28A0] =	vst v0  }
0x17: {  	[tilespmem:$0x28B0] =	vst v0  }
0x18: {  	[tilespmem:$0x28C0] =	vst v0  }
0x19: {  	[tilespmem:$0x28D0] =	vst v0  }
0x1a: {  	[tilespmem:$0x28E0] =	vst v0  }
0x1b: {  	[tilespmem:$0x28F0] =	vst v0  }
0x1c: {  	[tilespmem:$0x2900] =	vst v0  }
0x1d: {  	[tilespmem:$0x2910] =	vst v0  }
0x1e: {  	[tilespmem:$0x2920] =	vst v0  }
0x1f: {  	[tilespmem:$0x2930] =	vst v0  }
0x20: {  	[tilespmem:$0x2940] =	vst v0  }
0x21: {  	[tilespmem:$0x2950] =	vst v0  }
0x22: {  	[tilespmem:$0x2960] =	vst v0  }
0x23: {  	[tilespmem:$0x2970] =	vst v0  }
0x24: {  	[tilespmem:$0x2980] =	vst v0  }
0x25: {  	[tilespmem:$0x2990] =	vst v0  }
0x26: {  	[tilespmem:$0x29A0] =	vst v0  }
0x27: {  	[tilespmem:$0x29B0] =	vst v0  }
0x28: {  	[tilespmem:$0x29C0] =	vst v0  }
0x29: {  	[tilespmem:$0x29D0] =	vst v0  }
0x2a: {  	[tilespmem:$0x29E0] =	vst v0  }
0x2b: {  	[tilespmem:$0x29F0] =	vst v0  }
0x2c: {  	[tilespmem:$0x2A00] =	vst v0  }
0x2d: {  	[tilespmem:$0x2A10] =	vst v0  }
0x2e: {  	[tilespmem:$0x2A20] =	vst v0  }
0x2f: {  	[tilespmem:$0x2A30] =	vst v0  }
0x30: {  	[tilespmem:$0x2A40] =	vst v0  }
0x31: {  	[tilespmem:$0x2A50] =	vst v0  }
0x32: {  	[tilespmem:$0x2A60] =	vst v0  }
0x33: {  	[tilespmem:$0x2A70] =	vst v0  }
0x34: {  	[tilespmem:$0x2A80] =	vst v1  }
0x35: {  	[tilespmem:$0x2A90] =	vst v1  }
0x36: {  	[tilespmem:$0x2AA0] =	vst v1  }
0x37: {  	[tilespmem:$0x2AB0] =	vst v1  }
0x38: {  	[tilespmem:$0x2AC0] =	vst v1  }
0x39: {  	[tilespmem:$0x2AD0] =	vst v1  }
0x3a: {  	[tilespmem:$0x2AE0] =	vst v1  }
0x3b: {  	[tilespmem:$0x2AF0] =	vst v1  }
0x3c: {  	[spmem:s4] =	stream.linear.scatter [tilespmem:s7], [sflag:$0x1], $0x280, $0x38;
	[tilespmem:$0x2D80] =	vst v63  }
0x3d: {  	_ =	swait.ge [sflag:s8], $0x280  }
0x3e: {  	[sflag:s8] =	ssyncset.done $0x0  }
0x3f: {  	[sflag:s8] =	ssyncadd.s32 $0xFFFFFD80  }
0x40: {  	[tilespmem:s3], [sflag:$0x1] =	stream.linear.gather [hbm4b:s5+s3], $0x2800, $0x38;
	[tilespmem:$0x2D80] =	vst v63  }
0x41: {  	_ =	swait.ge [sflag:s8], $0x2800  }
0x42: {  	[sflag:s8] =	ssyncset.done $0x0  }
0x43: {  	[sflag:s8] =	ssyncadd.s32 $0xFFFFD800  }
0x44: {  	s13 =	simm.s32 $0x0;
	[bflag:$0x0] =	sbarrier.arrive $0xFFFF  }
0x45: {  	[spmem:s2] =	stream.indirect.scatter.add.f32 [tilespmem:s10], [sflag:$0x1], $0x1, s13, s9, $0xb8;
	[tilespmem:$0x2D80] =	vst v63  }
0x46: {  	_ =	swait.ge [sflag:s8], $0x7D  }
0x47: {  	s13 =	simm.s32 $0x200;
	[sflag:s8] =	ssyncset.done $0x0  }
.LBB2_2:
0x48: {  	s14 =	sshra.s32 s13, $0x2;
	[sflag:s8] =	ssyncadd.s32 $0xFFFFFF83;
	p0 =	sne.s32 s13, $0x9E00  }
0x49: {  	[spmem:s2] =	stream.indirect.scatter.add.f32 [tilespmem:s10], [sflag:$0x1], $0x1, s14, s9, $0xb8;
	[tilespmem:$0x2D80] =	vst v63  }
.Ltmp0:
0x4a: {  	_ = 	snop;
	(pc) =	sbr.rel @p0 .LBB2_2-.Ltmp0, $4  }
0x4b: {  	_ = 	snop  }
0x4c: {  	s13 =	sadd.s32 $0x200, s13  }
0x4d: {  	_ =	swait.ge [sflag:s8], $0x7D  }
0x4e: {  	[sflag:s8] =	ssyncset.done $0x0  }
0x4f: {  	[sflag:s8] =	ssyncadd.s32 $0xFFFFFF83  }
0x50: {  	[bflag:$0x0] =	sbarrier.arrive $0xFFFF  }
0x51: {  	[tilespmem:s7], [sflag:$0x1] =	stream.linear.gather [spmem:s4], $0x280, $0x38;
	[tilespmem:$0x2D80] =	vst v63  }
0x52: {  	s12 =	sadd.s32 $0x1, s12;
	_ =	swait.ge [sflag:s8], $0x280  }
0x53: {  	p0 =	sne.s32 s12, s6;
	[sflag:s8] =	ssyncset.done $0x0  }
.Ltmp1:
0x54: {  	[sflag:s8] =	ssyncadd.s32 $0xFFFFFD80;
	(pc) =	sbr.rel @p0 .LBB2_1-.Ltmp1, $4  }
0x55: {  	[hbm4b:s11+s3] =	stream.linear.scatter [tilespmem:s7], [sflag:$0x1], $0x280, $0x38;
	[tilespmem:$0x2D80] =	vst v63  }
0x56: {  	_ =	swait.ge [sflag:s8], $0x280  }
0x57: {  	[sflag:s8] =	ssyncset.done $0x0  }
0x58: {  	[sflag:s8] =	ssyncadd.s32 $0xFFFFFD80  }
0x59: {  	_ =	sfence.sel $0x180000  }
0x5a: {  	[bflag:$0x0] =	sbarrier.arrive $0xFFFF  }
0x5b: {  	p0 =	sne.s32 s0, $0x0;
	_ =	strace $0x90000047  }
0x5c: {  	s0 =	sadd.s32 @!p0 $0x100000, s1;
	[bflag:$0x2] =	sbarrier.arrive $0xFFFF  }
0x5d: {  	[sflag:s0] =	ssyncadd.tile.s32 @!p0 $0x1;
	_ =	shalt  }
.Lfunc_end2:
_tile_overlayer_lowered:
.L_overlay_start_2:
0x5e: {  	(tag) =	ssettag $0x2  }
0x5f: {  	s0 =	rddreg [dreg:$0x0];
	s2 =	stileid.u32  }
0x60: {  	s1 =	rddreg [dreg:$0x1];
	p0 =	sne.s32 s2, $0x0  }
0x61: {  	s3 =	rddreg [dreg:$0x2];
	[bflag:$0x3] =	sbarrier.arrive $0xFFFF;
	s2 =	simm.s32 @!p0 $0x1C01  }
0x62: {  	[timem:s3], [sflag:s2] =	dma.local @!p0 [hbm:s0], s1  }
0x63: {  	s0 =	simm.s32 @!p0 $0x1  }
0x64: {  	_ =	swait.ge @!p0 [sflag:s0], s1  }
0x65: {  	s1 =	ssub.s32 @!p0 $0x0, s1;
	[sflag:s0] =	ssyncset.done @!p0 $0x0  }
0x66: {  	[sflag:s0] =	ssyncadd.s32 @!p0 s1  }
0x67: {  	[bflag:$0x3] =	sbarrier.arrive $0xFFFF  }
0x68: {  	_ =	shalt  }

// kernel: kernel.19.cloned.1.call-start
scs
__scs_entry_jumppad:
0x0: {  	(pc) =	sbr.rel $0x88, $3  }
0x1: {  	(tag) =	ssettag $0x0;
	lr =	simm.s32 $0x1  }
0x2: {  	[smem:$0x3F93] =	sst lr;
	_ =	strace $0xD0000000  }
0x3: {  	_ = 	snop  }
0x4: {  	_ = 	snop  }
0x5: {  	_ = 	snop  }
0x6: {  	_ = 	snop  }
0x7: {  	_ = 	snop  }
__scs_overlays_trampoline_lowered:
0x8: {  	[smem:$0x3FA2] =	sst s0  }
0x9: {  	[smem:$0x3FA3] =	sst s1  }
0xa: {  	[smem:$0x3FA4] =	sst s2  }
0xb: {  	[smem:$0x3FA5] =	sst s3  }
0xc: {  	[smem:$0x3FA6] =	sst s4  }
0xd: {  	[smem:$0x3FA7] =	sst s5  }
0xe: {  	[smem:$0x3FA8] =	sst s6  }
0xf: {  	[smem:$0x3FA9] =	sst s7  }
0x10: {  	[smem:$0x3FAA] =	sst s8  }
0x11: {  	[smem:$0x3FAB] =	sst s9;
	s0 =	simm.s32 @!p0 $0x0  }
0x12: {  	s1 =	sld [smem:$0x3F91];
	s0 =	simm.s32 @p0 $0x1  }
0x13: {  	[smem:$0x3FAC] =	sst s0;
	s0 =	simm.s32 @!p1 $0x0  }
0x14: {  	s2 =	sld [smem:$0x3F90];
	s0 =	simm.s32 @p1 $0x1  }
0x15: {  	[smem:$0x3FAD] =	sst s0;
	s0 =	simm.s32 @!p2 $0x0  }
0x16: {  	s3 =	sld [smem:$0x3FDB];
	s0 =	simm.s32 @p2 $0x1  }
0x17: {  	s4 =	simm.s32 $0x1BF5;
	[smem:$0x3FAF] =	sst s0  }
0x18: {  	s0 =	sld [smem:$0x3F92];
	_ =	swait.ge [sflag:s4], $0x0  }
0x19: {  	s7 =	sld [smem:$0x3F93]  }
0x1a: {  	s8 =	sadd.s32 $0xFFFFE003, lr  }
0x1b: {  	s9 =	sadd.s32 $0xFFFFFEF7, lr;
	s5 =	simm.s32 $0xFFFFFFFF;
	p2 =	slt.u32 s8, $0xFFFFF086  }
0x1c: {  	p1 =	slt.u32 s9, $0xF7A;
	s5 =	simm.s32 @!p2 $0x0  }
0x1d: {  	s5 =	simm.s32 @p1 $0x1;
	p0 =	seq.s32 s7, s2  }
0x1e: {  	s7 =	smul.u32 @!p0 $0xF7A, s2;
	p2 =	seq.s32 @!p0 s5, $0x0  }
0x1f: {  	s9 =	smul.u32 $0xF7A, s1;
	s8 =	simm.s32 @!p0 $0x1BF5;
	p2 =	por !p2, p0  }
0x20: {  	[sflag:s8] =	ssyncset.s32 @!p0 $0xFFFFF086;
	s6 =	sadd.s32 @!p0 s3, s7;
	s7 =	simm.s32 @!p0 $0x108  }
0x21: {  	s3 =	sadd.s32 s3, s9;
	s6 =	sadd.s32 @!p0 $0x88, s6;
	s7 =	simm.s32 @p2 $0x1082  }
0x22: {  	[simem:s7], [sflag:s8] =	dma.local @!p0 [hbm:s6], $0xF7A  }
0x23: {  	s9 =	sor.u32 $0xD0000000, s2;
	s6 =	simm.s32 $0x108;
	_ =	swait.ge @!p0 [sflag:s8], $0x0  }
0x24: {  	s3 =	sadd.s32 $0x88, s3;
	s6 =	simm.s32 @!p1 $0x1082;
	[sflag:s4] =	ssyncset.s32 $0xFFFFF086  }
0x25: {  	[simem:s6], [sflag:s4] =	dma.local [hbm:s3], $0xF7A  }
0x26: {  	[smem:$0x3F93] =	sst s1;
	(tag) =	ssettag s2;
	_ =	strace s9  }
0x27: {  	s1 =	sld [smem:$0x3FA3]  }
0x28: {  	s2 =	sld [smem:$0x3FA4]  }
0x29: {  	s4 =	sld [smem:$0x3FA6]  }
0x2a: {  	p0 =	seq.s32 s5, $0x0;
	s5 =	sld [smem:$0x3FA7]  }
0x2b: {  	s6 =	sld [smem:$0x3FA8]  }
0x2c: {  	s7 =	sld [smem:$0x3FA9]  }
0x2d: {  	s3 =	simm.s32 $0x108;
	s8 =	sld [smem:$0x3FAA]  }
0x2e: {  	s3 =	simm.s32 @!p0 $0x1082;
	s9 =	sld [smem:$0x3FAB]  }
0x2f: {  	lr =	sadd.s32 s0, s3;
	s0 =	sld [smem:$0x3FA2]  }
0x30: {  	s3 =	sld [smem:$0x3FA5]  }
0x31: {  	[smem:$0x3FAE] =	sst s10  }
0x32: {  	s10 =	sld [smem:$0x3FAC];
	_ =	sdelay $0x3  }
0x33: {  	p0 =	seq.s32 s10, $0x1;
	s10 =	sld [smem:$0x3FAE];
	_ =	sdelay $0x3  }
0x34: {  	[smem:$0x3FAE] =	sst s10  }
0x35: {  	s10 =	sld [smem:$0x3FAD];
	_ =	sdelay $0x3  }
0x36: {  	p1 =	seq.s32 s10, $0x1;
	s10 =	sld [smem:$0x3FAE];
	_ =	sdelay $0x3  }
0x37: {  	[smem:$0x3FAE] =	sst s10  }
0x38: {  	s10 =	sld [smem:$0x3FAF]  }
0x39: {  	_ = 	snop;
	(pc) =	sbr.ind lr, $3  }
0x3a: {  	_ = 	snop  }
0x3b: {  	_ = 	snop  }
0x3c: {  	p2 =	seq.s32 s10, $0x1;
	s10 =	sld [smem:$0x3FAE]  }
0x3d: {  	_ =	shalt  }
0x3e: {  	_ =	shalt  }
0x3f: {  	_ =	shalt  }
0x40: {  	_ =	shalt  }
0x41: {  	_ =	shalt  }
0x42: {  	_ =	shalt  }
0x43: {  	_ =	shalt  }
0x44: {  	_ =	shalt  }
0x45: {  	_ =	shalt  }
0x46: {  	_ =	shalt  }
0x47: {  	_ =	shalt  }
0x48: {  	_ =	shalt  }
0x49: {  	_ =	shalt  }
0x4a: {  	_ =	shalt  }
0x4b: {  	_ =	shalt  }
0x4c: {  	_ =	shalt  }
0x4d: {  	_ =	shalt  }
0x4e: {  	_ =	shalt  }
0x4f: {  	_ =	shalt  }
0x50: {  	_ =	shalt  }
0x51: {  	_ =	shalt  }
0x52: {  	_ =	shalt  }
0x53: {  	_ =	shalt  }
0x54: {  	_ =	shalt  }
0x55: {  	_ =	shalt  }
0x56: {  	_ =	shalt  }
0x57: {  	_ =	shalt  }
0x58: {  	_ =	shalt  }
0x59: {  	_ =	shalt  }
0x5a: {  	_ =	shalt  }
0x5b: {  	_ =	shalt  }
0x5c: {  	_ =	shalt  }
0x5d: {  	_ =	shalt  }
0x5e: {  	_ =	shalt  }
0x5f: {  	_ =	shalt  }
0x60: {  	_ =	shalt  }
0x61: {  	_ =	shalt  }
0x62: {  	_ =	shalt  }
0x63: {  	_ =	shalt  }
0x64: {  	_ =	shalt  }
0x65: {  	_ =	shalt  }
0x66: {  	_ =	shalt  }
0x67: {  	_ =	shalt  }
0x68: {  	_ =	shalt  }
0x69: {  	_ =	shalt  }
0x6a: {  	_ =	shalt  }
0x6b: {  	_ =	shalt  }
0x6c: {  	_ =	shalt  }
0x6d: {  	_ =	shalt  }
0x6e: {  	_ =	shalt  }
0x6f: {  	_ =	shalt  }
0x70: {  	_ =	shalt  }
0x71: {  	_ =	shalt  }
0x72: {  	_ =	shalt  }
0x73: {  	_ =	shalt  }
0x74: {  	_ =	shalt  }
0x75: {  	_ =	shalt  }
0x76: {  	_ =	shalt  }
0x77: {  	_ =	shalt  }
0x78: {  	_ =	shalt  }
0x79: {  	_ =	shalt  }
0x7a: {  	_ =	shalt  }
0x7b: {  	_ =	shalt  }
0x7c: {  	_ =	shalt  }
0x7d: {  	_ =	shalt  }
0x7e: {  	_ =	shalt  }
0x7f: {  	_ =	shalt  }
0x80: {  	_ =	shalt  }
0x81: {  	_ =	shalt  }
0x82: {  	_ =	shalt  }
0x83: {  	_ =	shalt  }
0x84: {  	_ =	shalt  }
0x85: {  	_ =	shalt  }
0x86: {  	_ =	shalt  }
0x87: {  	_ =	shalt  }
.Lfunc_end0:
.L_simem_size_0:
called_computation.1_lowered:
.L_overlay_start_0:
0x88: {  	s2 =	sld [smem:$0x3FD9]  }
0x89: {  	s3 =	sld [smem:$0x3FFE];
	_ =	sdelay $0x1  }
0x8a: {  	s1 =	srdreg.scid  }
0x8b: {  	s0 =	sand.u32 $0x1, s1  }
0x8c: {  	s16 =	sshll.u32 s0, $0xA;
	s2 =	sadd.s32 s3, s2  }
0x8d: {  	s2 =	sadd.s32 s2, s16  }
0x8e: {  	[smem:$0x3FBA] =	sst s2  }
0x8f: {  	_ = 	snop  }
0x90: {  	(tm) =	ssettm $0x1  }
0x91: {  	s17 =	sld [smem:$0x3FFB];
	_ =	sdelay $0x3  }
0x92: {  	_ =	strace s17  }
0x93: {  	s2 =	sld [smem:$0x3FFC];
	_ =	sdelay $0x3  }
0x94: {  	_ =	strace s2  }
0x95: {  	s2 =	sld [smem:$0x3FFD];
	_ =	sdelay $0x3  }
0x96: {  	_ =	strace s2  }
0x97: {  	_ =	strace $0x8FFFFFFF  }
0x98: {  	s18 =	sld [smem:$0x3FDB];
	_ =	sdelay $0x1  }
0x99: {  	s19 =	simm.s32 $_scs_section_size  }
0x9a: {  	s4 =	simm.s32 $_size__tile_overlayer_lowered;
	s5 =	simm.s32 $_tile_overlayer_lowered  }
0x9b: {  	s22 =	simm.s32 $0x1BFF;
	s21 =	sshll.u32 s5, $0x1;
	s2 =	sadd.s32 s19, s18  }
0x9c: {  	s6 =	simm.s32 $0x0;
	s20 =	sshll.u32 s4, $0x1;
	s4 =	sadd.s32 s21, s2  }
0x9d: {  	[timem:s6], [sflag:s22] =	dma.local [hbm:s4], s20  }
0x9e: {  	_ =	swait.ge [sflag:s22], s20  }
0x9f: {  	s3 =	ssub.s32 $0x0, s20;
	[sflag:s22] =	ssyncset.done $0x0  }
0xa0: {  	[sflag:s22] =	ssyncadd.s32 s3;
	_ =	sdelay $0x1  }
0xa1: {  	s23 =	simm.s32 $0x1B8B  }
0xa2: {  	_ =	swait.ge [sflag:s23], $0x1  }
0xa3: {  	[sflag:s23] =	ssyncset.done $0x0  }
0xa4: {  	s25 =	simm.s32 $0x1B8E;
	s24 =	sld [smem:$0x3FFE];
	[sflag:s23] =	ssyncadd.s32 $0xFFFFFFFF  }
0xa5: {  	s26 =	simm.s32 $execute0_lowered;
	[smem:$0x3FD2] =	sst s25  }
0xa6: {  	s4 =	sshll.u32 s26, $0x1;
	_ =	strace $0x80000049;
	[dreg:$0x1] =	wrdreg $0xFFFFFFFF  }
0xa7: {  	s28 =	simm.s32 $_size_execute0_lowered;
	s2 =	sadd.s32 s2, s4;
	[dreg:$0x0] =	wrdreg $0x0  }
0xa8: {  	s4 =	sshll.u32 s28, $0x1;
	[dreg:$0x2] =	wrdreg s2  }
0xa9: {  	[dreg:$0x3] =	wrdreg s4  }
0xaa: {  	[dreg:$0x4] =	wrdreg $0xC0  }
0xab: {  	_ =	task [dreg:s6], $0x5FFFF  }
0xac: {  	[dreg:$0x1] =	wrdreg $0xFFFFFFFF  }
0xad: {  	[dreg:$0x0] =	wrdreg $0x60  }
0xae: {  	[dreg:$0x2] =	wrdreg s24  }
0xaf: {  	[dreg:$0x3] =	wrdreg $0x142800  }
0xb0: {  	[dreg:$0x4] =	wrdreg $0x9  }
0xb1: {  	_ =	task.clear_ibuf [dreg:s6], $0x5FFFF;
	_ =	strace $0x90000049  }
0xb2: {  	s29 =	simm.s32 $0x9;
	_ =	strace $0x8000004B  }
0xb3: {  	_ =	swait.ge [sflag:s29], $0x1  }
0xb4: {  	[sflag:s29] =	ssyncadd.s32 $0xFFFFFFFF  }
0xb5: {  	_ =	strace $0x9000004B  }
0xb6: {  	_ =	sfence  }
0xb7: {  	s30 =	sld [smem:$0x0];
	_ =	sdelay $0x2  }
0xb8: {  	s31 =	sshll.u32 s1, $0xD;
	s1 =	sshrl.u32 s1, $0x2  }
0xb9: {  	s3 =	sand.u32 $0x4000, s31;
	s1 =	sadd.s32 s1, s30  }
0xba: {  	s0 =	sor.u32 s3, s0;
	s1 =	sshll.u32 s1, $0x11  }
0xbb: {  	s0 =	sor.u32 s1, s0  }
0xbc: {  	s0 =	sadd.s32 $0x8F2B, s0  }
0xbd: {  	[sflag:s0] =	ssyncadd.remote.s32 $0x1  }
0xbe: {  	_ =	sfence.sel $0xFFFF  }
0xbf: {  	[dreg:$0x0] =	wrdreg $0xFFFFFFFF;
	(pc) =	sbr.abs _section_cstart, $3  }
0xc0: {  	[dreg:$0x1] =	wrdreg $0xFFFFFFFF  }
0xc1: {  	_ =	task.clear_ibuf [dreg:s6], $0x2FFFF;
	_ =	strace $0x9FFFFFFF  }
0xc2: {  	(tm) =	ssettm $0x7FFFFFFF  }
0xc3: {  	_ =	shalt  }
tec
execute0_lowered:
.L_overlay_start_1:
0x0: {  	(tag) =	ssettag $0x1  }
0x1: {  	s0 =	rddreg [dreg:$0x0]  }
0x2: {  	s2 =	rddreg [dreg:$0x1];
	s11 =	stileid.u32  }
0x3: {  	s1 =	srdreg.scid;
	s3 =	simm.s32 $0x0;
	s5 =	smul.u32 $0xA00, s11  }
0x4: {  	s28 =	simm.s32 $0x12280;
	s29 =	simm.s32 $0x1;
	s10 =	smul.u32 $0x28800, s11  }
0x5: {  	s31 =	simm.s32 $0xE280;
	s30 =	simm.s32 $0x3;
	s16 =	smul.u32 $0x28000, s11  }
0x6: {  	s1 =	sand.u32 $0x1, s1;
	[smem:$0x7FF] =	sst s3;
	s17 =	smul.u32 $0x50, s11  }
0x7: {  	s4 =	sadd.s32 $0x45200, s0;
	s11 =	simm.s32 $0x8;
	s6 =	smul.u32 $0x500, s1  }
0x8: {  	_ =	strace $0x8000004A;
	s7 =	smul.u32 $0xA000, s1;
	s1 =	ssub.s32 $0x2, s1  }
0x9: {  	s8 =	sadd.s32 s5, s0;
	s9 =	sshrl.u32 s1, $0x1;
	s5 =	sadd.s32 $0x6D200, s0  }
0xa: {  	s15 =	sshrl.u32 s10, $0x2;
	s20 =	sshrl.u32 s16, $0x2;
	s10 =	simm.s32 $0x7  }
0xb: {  	s6 =	sadd.s32 s6, s0;
	s7 =	sadd.s32 s7, s8;
	s14 =	sadd.s32 $0x27200, s8  }
0xc: {  	s8 =	sadd.s32 s15, s2;
	s13 =	sadd.s32 $0x31200, s7;
	[dreg:$0x4] =	wrdreg s14  }
0xd: {  	s12 =	ssub.s32 s1, s9;
	s1 =	sadd.s32 $0x2000, s8;
	[dreg:$0x3] =	wrdreg s13  }
0xe: {  	s0 =	simm.s32 $0x2;
	s19 =	sadd.s32 $0x4000, s8;
	[dreg:$0x5] =	wrdreg s1  }
0xf: {  	s9 =	simm.s32 $0x6;
	s21 =	sadd.s32 $0x6000, s8;
	[dreg:$0x6] =	wrdreg s19  }
0x10: {  	s6 =	sadd.s32 $0x26800, s6;
	s22 =	sadd.s32 $0x8000, s8;
	[dreg:$0x7] =	wrdreg s21  }
0x11: {  	s23 =	sadd.s32 $0xA000, s8;
	s7 =	simm.s32 $0x4;
	[dreg:$0x8] =	wrdreg s22  }
0x12: {  	s13 =	sadd.s32 s20, s2;
	[dreg:$0x9] =	wrdreg s23;
	s19 =	smax.u32 s12, $0x1  }
0x13: {  	s20 =	simm.s32 $0x9;
	s21 =	simm.s32 $0x5000;
	s22 =	sadd.s32 s17, s6  }
.Ltmp0:
0x14: {  	s23 =	simm.s32 $0xA000;
	s24 =	sadd.s32 $0x2000, s13;
	(pc) =	sbr.rel .LBB2_1-.Ltmp0, $4  }
0x15: {  	s1 =	simm.s32 $0x10280;
	s25 =	sadd.s32 $0x4000, s13;
	[dreg:$0xa] =	wrdreg s24  }
0x16: {  	s6 =	simm.s32 $0x5;
	s26 =	sadd.s32 $0x6000, s13;
	[dreg:$0xb] =	wrdreg s25  }
0x17: {  	s12 =	simm.s32 $0x0;
	s18 =	sadd.s32 $0x8000, s13;
	[dreg:$0xc] =	wrdreg s26  }
0x18: {  	v0 =	vimm.f32 $0.0e+00;
	s24 =	simm.s32 $0x80;
	s25 =	simm.s32 $0xA280;
	s26 =	simm.s32 $0xC280  }
.LBB2_6:
0x19: {  	_ =	swait.ge [sflag:s7], $0x2000  }
0x1a: {  	[sflag:s7] =	ssyncset.done $0x0  }
0x1b: {  	[sflag:s7] =	ssyncadd.s32 $0xFFFFE000  }
0x1c: {  	[spmem:s2] =	stream.indirect.scatter.add.f32 [tilespmem:s1], [sflag:$0x8], $0x40, s16, s24, $0xb8;
	[tilespmem:$0x1E480] =	vst v63  }
0x1d: {  	_ =	swait.ge [sflag:s9], $0x2000  }
0x1e: {  	[sflag:s9] =	ssyncset.done $0x0  }
0x1f: {  	[sflag:s9] =	ssyncadd.s32 $0xFFFFE000  }
0x20: {  	_ =	swait.ge [sflag:s10], $0x2000  }
0x21: {  	[sflag:s10] =	ssyncset.done $0x0  }
0x22: {  	[sflag:s10] =	ssyncadd.s32 $0xFFFFE000  }
0x23: {  	_ =	swait.ge [sflag:s11], $0x2000  }
0x24: {  	[sflag:s11] =	ssyncset.done $0x0  }
0x25: {  	[sflag:s11] =	ssyncadd.s32 $0xFFFFE000  }
0x26: {  	[bflag:$0x0] =	sbarrier.arrive $0xFFFF  }
0x27: {  	[tilespmem:s28], [sflag:$0x9] =	stream.linear.gather [spmem:s13], $0x2000, $0x38;
	[tilespmem:$0x1E480] =	vst v63  }
0x28: {  	_ =	swait.ge [sflag:s20], $0x2000  }
0x29: {  	[sflag:s20] =	ssyncset.done $0x0  }
0x2a: {  	[sflag:s20] =	ssyncadd.s32 $0xFFFFE000  }
0x2b: {  	[hbm4b:s5+s24] =	stream.indirect.scatter [tilespmem:s28], [sflag:$0x9], $0x40, s23, s24, $0xb8;
	[tilespmem:$0x1E480] =	vst v63  }
0x2c: {  	_ =	swait.ge [sflag:s20], $0x2000  }
0x2d: {  	[sflag:s20] =	ssyncset.done $0x0  }
0x2e: {  	s14 =	rddreg [dreg:$0xa];
	[sflag:s20] =	ssyncadd.s32 $0xFFFFE000  }
0x2f: {  	[tilespmem:s28], [sflag:$0x9] =	stream.linear.gather [spmem:s14], $0x2000, $0x38;
	[tilespmem:$0x1E480] =	vst v63  }
0x30: {  	_ =	swait.ge [sflag:s20], $0x2000  }
0x31: {  	[sflag:s20] =	ssyncset.done $0x0  }
0x32: {  	s15 =	simm.s32 $0xA080;
	[sflag:s20] =	ssyncadd.s32 $0xFFFFE000  }
0x33: {  	[hbm4b:s5+s24] =	stream.indirect.scatter [tilespmem:s28], [sflag:$0x9], $0x40, s15, s24, $0xb8;
	[tilespmem:$0x1E480] =	vst v63  }
0x34: {  	_ =	swait.ge [sflag:s20], $0x2000  }
0x35: {  	[sflag:s20] =	ssyncset.done $0x0  }
0x36: {  	s16 =	rddreg [dreg:$0xb];
	[sflag:s20] =	ssyncadd.s32 $0xFFFFE000  }
0x37: {  	[tilespmem:s28], [sflag:$0x9] =	stream.linear.gather [spmem:s16], $0x2000, $0x38;
	[tilespmem:$0x1E480] =	vst v63  }
0x38: {  	_ =	swait.ge [sflag:s20], $0x2000  }
0x39: {  	[sflag:s20] =	ssyncset.done $0x0  }
0x3a: {  	s17 =	simm.s32 $0xA100;
	[sflag:s20] =	ssyncadd.s32 $0xFFFFE000  }
0x3b: {  	[hbm4b:s5+s24] =	stream.indirect.scatter [tilespmem:s28], [sflag:$0x9], $0x40, s17, s24, $0xb8;
	[tilespmem:$0x1E480] =	vst v63  }
0x3c: {  	_ =	swait.ge [sflag:s20], $0x2000  }
0x3d: {  	[sflag:s20] =	ssyncset.done $0x0  }
0x3e: {  	s15 =	rddreg [dreg:$0xc];
	[sflag:s20] =	ssyncadd.s32 $0xFFFFE000  }
0x3f: {  	[tilespmem:s28], [sflag:$0x9] =	stream.linear.gather [spmem:s15], $0x2000, $0x38;
	[tilespmem:$0x1E480] =	vst v63  }
0x40: {  	_ =	swait.ge [sflag:s20], $0x2000  }
0x41: {  	[sflag:s20] =	ssyncset.done $0x0  }
0x42: {  	s16 =	simm.s32 $0xA180;
	[sflag:s20] =	ssyncadd.s32 $0xFFFFE000  }
0x43: {  	[hbm4b:s5+s24] =	stream.indirect.scatter [tilespmem:s28], [sflag:$0x9], $0x40, s16, s24, $0xb8;
	[tilespmem:$0x1E480] =	vst v63  }
0x44: {  	_ =	swait.ge [sflag:s20], $0x2000  }
0x45: {  	[sflag:s20] =	ssyncset.done $0x0  }
0x46: {  	[sflag:s20] =	ssyncadd.s32 $0xFFFFE000  }
0x47: {  	[tilespmem:s28], [sflag:$0x9] =	stream.linear.gather [spmem:s18], $0x2000, $0x38;
	[tilespmem:$0x1E480] =	vst v63  }
0x48: {  	s12 =	sadd.s32 $0x1, s12;
	_ =	swait.ge [sflag:s20], $0x2000  }
0x49: {  	p0 =	sne.s32 s12, s19;
	[sflag:s20] =	ssyncset.done $0x0  }
.Ltmp1:
0x4a: {  	s17 =	simm.s32 $0xA200;
	[sflag:s20] =	ssyncadd.s32 $0xFFFFE000;
	(pc) =	sbr.rel @!p0 .LBB2_7-.Ltmp1, $4  }
0x4b: {  	[hbm4b:s5+s24] =	stream.indirect.scatter [tilespmem:s28], [sflag:$0x9], $0x40, s17, s24, $0xb8;
	[tilespmem:$0x1E480] =	vst v63  }
0x4c: {  	_ =	swait.ge [sflag:s20], $0x2000  }
0x4d: {  	[sflag:s20] =	ssyncset.done $0x0  }
0x4e: {  	[sflag:s20] =	ssyncadd.s32 $0xFFFFE000  }
.LBB2_1:
0x4f: {  	s14 =	rddreg [dreg:$0x3]  }
0x50: {  	[tilespmem:s3], [sflag:$0x9] =	stream.linear.gather [hbm4b:s14+s3], $0x5000, $0x38;
	[tilespmem:$0x1E480] =	vst v63  }
0x51: {  	_ =	swait.ge [sflag:s20], $0x5000  }
0x52: {  	[sflag:s20] =	ssyncset.done $0x0  }
0x53: {  	s17 =	rddreg [dreg:$0x4];
	[sflag:s20] =	ssyncadd.s32 $0xFFFFB000  }
0x54: {  	[tilespmem:s21], [sflag:$0x9] =	stream.linear.gather [hbm4b:s17+s3], $0x5000, $0x38;
	[tilespmem:$0x1E480] =	vst v63  }
0x55: {  	_ =	swait.ge [sflag:s20], $0x5000  }
0x56: {  	[sflag:s20] =	ssyncset.done $0x0  }
0x57: {  	[sflag:s20] =	ssyncadd.s32 $0xFFFFB000  }
0x58: {  	[tilespmem:s23], [sflag:$0x9] =	stream.linear.gather [hbm4b:s22+s3], $0x280, $0x38;
	[tilespmem:$0x1E480] =	vst v63  }
0x59: {  	_ =	swait.ge [sflag:s20], $0x280  }
0x5a: {  	[sflag:s20] =	ssyncset.done $0x0  }
0x5b: {  	[sflag:s20] =	ssyncadd.s32 $0xFFFFFD80  }
0x5c: {  	[tilespmem:s25], [sflag:$0x1] =	stream.indirect.gather [hbm4b:s4+s24], $0x40, s3, s24, $0xb8;
	[tilespmem:$0x1E480] =	vst v63  }
0x5d: {  	s15 =	simm.s32 $0x100;
	s14 =	simm.s32 $0x0  }
0x5e: {  	[tilespmem:s26], [sflag:$0x2] =	stream.indirect.gather [hbm4b:s4+s24], $0x40, s24, s24, $0xb8;
	[tilespmem:$0x1E480] =	vst v63  }
.LBB2_2:
0x5f: {  	p0 =	sne.s32 s15, $0x7F00;
	[tilespmem:s14+$0x122B0] =	vst v0;
	s16 =	smov.u32 s15;
	s15 =	sadd.s32 $0x100, s15  }
.Ltmp2:
0x60: {  	[tilespmem:s14+$0x122A0] =	vst v0;
	(pc) =	sbr.rel @p0 .LBB2_2-.Ltmp2, $3  }
0x61: {  	[tilespmem:s14+$0x12280] =	vst v0  }
0x62: {  	[tilespmem:s14+$0x12290] =	vst v0;
	_ =	sdelay $0x1  }
0x63: {  	s14 =	sshra.s32 s16, $0x2  }
0x64: {  	[tilespmem:s14+$0x122B0] =	vst v0  }
0x65: {  	[tilespmem:s14+$0x122A0] =	vst v0  }
0x66: {  	[tilespmem:s14+$0x12280] =	vst v0  }
0x67: {  	[tilespmem:s14+$0x12290] =	vst v0  }
0x68: {  	[spmem:s8] =	stream.linear.scatter [tilespmem:s28], [sflag:$0x9], $0x2000, $0x38;
	[tilespmem:$0x1E480] =	vst v63  }
0x69: {  	_ =	swait.ge [sflag:s20], $0x2000  }
0x6a: {  	[sflag:s20] =	ssyncset.done $0x0  }
0x6b: {  	s15 =	rddreg [dreg:$0x5];
	[sflag:s20] =	ssyncadd.s32 $0xFFFFE000  }
0x6c: {  	[spmem:s15] =	stream.linear.scatter [tilespmem:s28], [sflag:$0x9], $0x2000, $0x38;
	[tilespmem:$0x1E480] =	vst v63  }
0x6d: {  	_ =	swait.ge [sflag:s20], $0x2000  }
0x6e: {  	[sflag:s20] =	ssyncset.done $0x0  }
0x6f: {  	s16 =	rddreg [dreg:$0x6];
	[sflag:s20] =	ssyncadd.s32 $0xFFFFE000  }
0x70: {  	[spmem:s16] =	stream.linear.scatter [tilespmem:s28], [sflag:$0x9], $0x2000, $0x38;
	[tilespmem:$0x1E480] =	vst v63  }
0x71: {  	_ =	swait.ge [sflag:s20], $0x2000  }
0x72: {  	[sflag:s20] =	ssyncset.done $0x0  }
0x73: {  	s17 =	rddreg [dreg:$0x7];
	[sflag:s20] =	ssyncadd.s32 $0xFFFFE000  }
0x74: {  	[spmem:s17] =	stream.linear.scatter [tilespmem:s28], [sflag:$0x9], $0x2000, $0x38;
	[tilespmem:$0x1E480] =	vst v63  }
0x75: {  	_ =	swait.ge [sflag:s20], $0x2000  }
0x76: {  	[sflag:s20] =	ssyncset.done $0x0  }
0x77: {  	s15 =	rddreg [dreg:$0x8];
	[sflag:s20] =	ssyncadd.s32 $0xFFFFE000  }
0x78: {  	[spmem:s15] =	stream.linear.scatter [tilespmem:s28], [sflag:$0x9], $0x2000, $0x38;
	[tilespmem:$0x1E480] =	vst v63  }
0x79: {  	_ =	swait.ge [sflag:s20], $0x2000  }
0x7a: {  	[sflag:s20] =	ssyncset.done $0x0  }
0x7b: {  	s16 =	rddreg [dreg:$0x9];
	[sflag:s20] =	ssyncadd.s32 $0xFFFFE000  }
0x7c: {  	[spmem:s16] =	stream.linear.scatter [tilespmem:s28], [sflag:$0x9], $0x200, $0x38;
	[tilespmem:$0x1E480] =	vst v63  }
0x7d: {  	_ =	swait.ge [sflag:s20], $0x200  }
0x7e: {  	[sflag:s20] =	ssyncset.done $0x0  }
0x7f: {  	[sflag:s20] =	ssyncadd.s32 $0xFFFFFE00  }
0x80: {  	[bflag:$0x0] =	sbarrier.arrive $0xFFFF  }
0x81: {  	_ =	swait.ge [sflag:s29], $0x2000  }
0x82: {  	[sflag:s29] =	ssyncset.done $0x0  }
0x83: {  	[sflag:s29] =	ssyncadd.s32 $0xFFFFE000  }
0x84: {  	[spmem:s2] =	stream.indirect.scatter.add.f32 [tilespmem:s25], [sflag:$0x5], $0x40, s21, s24, $0xb8;
	[tilespmem:$0x1E480] =	vst v63  }
0x85: {  	s17 =	simm.s32 $0x100  }
0x86: {  	[tilespmem:s31], [sflag:$0x3] =	stream.indirect.gather [hbm4b:s4+s24], $0x40, s17, s24, $0xb8;
	[tilespmem:$0x1E480] =	vst v63  }
0x87: {  	_ =	swait.ge [sflag:s0], $0x2000  }
0x88: {  	[sflag:s0] =	ssyncset.done $0x0  }
0x89: {  	s15 =	simm.s32 $0x5080;
	[sflag:s0] =	ssyncadd.s32 $0xFFFFE000  }
0x8a: {  	[spmem:s2] =	stream.indirect.scatter.add.f32 [tilespmem:s26], [sflag:$0x6], $0x40, s15, s24, $0xb8;
	[tilespmem:$0x1E480] =	vst v63  }
0x8b: {  	s16 =	simm.s32 $0x180  }
0x8c: {  	[tilespmem:s1], [sflag:$0x4] =	stream.indirect.gather [hbm4b:s4+s24], $0x40, s16, s24, $0xb8;
	[tilespmem:$0x1E480] =	vst v63  }
0x8d: {  	_ =	swait.ge [sflag:s30], $0x2000  }
0x8e: {  	[sflag:s30] =	ssyncset.done $0x0  }
0x8f: {  	s17 =	simm.s32 $0x5100;
	[sflag:s30] =	ssyncadd.s32 $0xFFFFE000  }
0x90: {  	[spmem:s2] =	stream.indirect.scatter.add.f32 [tilespmem:s31], [sflag:$0x7], $0x40, s17, s24, $0xb8;
	[tilespmem:$0x1E480] =	vst v63  }
0x91: {  	_ =	swait.ge [sflag:s6], $0x2000  }
0x92: {  	[sflag:s6] =	ssyncset.done $0x0  }
0x93: {  	s15 =	simm.s32 $0x200;
	[sflag:s6] =	ssyncadd.s32 $0xFFFFE000  }
0x94: {  	[tilespmem:s25], [sflag:$0x1] =	stream.indirect.gather [hbm4b:s4+s24], $0x40, s15, s24, $0xb8;
	[tilespmem:$0x1E480] =	vst v63  }
0x95: {  	_ =	swait.ge [sflag:s7], $0x2000  }
0x96: {  	[sflag:s7] =	ssyncset.done $0x0  }
0x97: {  	s16 =	simm.s32 $0x5180;
	[sflag:s7] =	ssyncadd.s32 $0xFFFFE000  }
0x98: {  	[spmem:s2] =	stream.indirect.scatter.add.f32 [tilespmem:s1], [sflag:$0x8], $0x40, s16, s24, $0xb8;
	[tilespmem:$0x1E480] =	vst v63  }
0x99: {  	_ =	swait.ge [sflag:s9], $0x2000  }
0x9a: {  	[sflag:s9] =	ssyncset.done $0x0  }
0x9b: {  	s14 =	simm.s32 $0x0;
	s17 =	simm.s32 $0x280;
	[sflag:s9] =	ssyncadd.s32 $0xFFFFE000  }
0x9c: {  	[tilespmem:s26], [sflag:$0x2] =	stream.indirect.gather [hbm4b:s4+s24], $0x40, s17, s24, $0xb8;
	[tilespmem:$0x1E480] =	vst v63  }
.LBB2_4:
0x9d: {  	_ =	swait.ge [sflag:s29], $0x2000  }
0x9e: {  	s15 =	sshra.s32 s14, $0x2;
	[sflag:s29] =	ssyncset.done $0x0  }
0x9f: {  	s16 =	sadd.s32 $0x5200, s15;
	[sflag:s29] =	ssyncadd.s32 $0xFFFFE000  }
0xa0: {  	[spmem:s2] =	stream.indirect.scatter.add.f32 [tilespmem:s25], [sflag:$0x5], $0x40, s16, s24, $0xb8;
	[tilespmem:$0x1E480] =	vst v63  }
0xa1: {  	_ =	swait.ge [sflag:s10], $0x2000  }
0xa2: {  	[sflag:s10] =	ssyncset.done $0x0  }
0xa3: {  	s17 =	sadd.s32 $0x300, s15;
	[sflag:s10] =	ssyncadd.s32 $0xFFFFE000  }
0xa4: {  	[tilespmem:s31], [sflag:$0x3] =	stream.indirect.gather [hbm4b:s4+s24], $0x40, s17, s24, $0xb8;
	[tilespmem:$0x1E480] =	vst v63  }
0xa5: {  	_ =	swait.ge [sflag:s0], $0x2000  }
0xa6: {  	[sflag:s0] =	ssyncset.done $0x0  }
0xa7: {  	s17 =	sadd.s32 $0x5280, s15;
	[sflag:s0] =	ssyncadd.s32 $0xFFFFE000  }
0xa8: {  	[spmem:s2] =	stream.indirect.scatter.add.f32 [tilespmem:s26], [sflag:$0x6], $0x40, s17, s24, $0xb8;
	[tilespmem:$0x1E480] =	vst v63  }
0xa9: {  	_ =	swait.ge [sflag:s11], $0x2000  }
0xaa: {  	[sflag:s11] =	ssyncset.done $0x0  }
0xab: {  	s17 =	sadd.s32 $0x380, s15;
	[sflag:s11] =	ssyncadd.s32 $0xFFFFE000  }
0xac: {  	[tilespmem:s1], [sflag:$0x4] =	stream.indirect.gather [hbm4b:s4+s24], $0x40, s17, s24, $0xb8;
	[tilespmem:$0x1E480] =	vst v63  }
0xad: {  	_ =	swait.ge [sflag:s30], $0x2000  }
0xae: {  	p0 =	seq.s32 s14, $0x13000;
	[sflag:s30] =	ssyncset.done $0x0  }
.Ltmp3:
0xaf: {  	s17 =	sadd.s32 $0x5300, s15;
	[sflag:s30] =	ssyncadd.s32 $0xFFFFE000;
	(pc) =	sbr.rel @p0 .LBB2_6-.Ltmp3, $4  }
0xb0: {  	[spmem:s2] =	stream.indirect.scatter.add.f32 [tilespmem:s31], [sflag:$0x7], $0x40, s17, s24, $0xb8;
	[tilespmem:$0x1E480] =	vst v63  }
0xb1: {  	_ =	swait.ge [sflag:s6], $0x2000  }
0xb2: {  	[sflag:s6] =	ssyncset.done $0x0  }
0xb3: {  	s16 =	sadd.s32 $0x5380, s15;
	[sflag:s6] =	ssyncadd.s32 $0xFFFFE000  }
0xb4: {  	s17 =	sadd.s32 $0x400, s15  }
0xb5: {  	[tilespmem:s25], [sflag:$0x1] =	stream.indirect.gather [hbm4b:s4+s24], $0x40, s17, s24, $0xb8;
	[tilespmem:$0x1E480] =	vst v63  }
0xb6: {  	_ =	swait.ge [sflag:s7], $0x2000  }
0xb7: {  	[sflag:s7] =	ssyncset.done $0x0  }
0xb8: {  	[sflag:s7] =	ssyncadd.s32 $0xFFFFE000  }
0xb9: {  	[spmem:s2] =	stream.indirect.scatter.add.f32 [tilespmem:s1], [sflag:$0x8], $0x40, s16, s24, $0xb8;
	[tilespmem:$0x1E480] =	vst v63  }
.Ltmp4:
0xba: {  	_ = 	snop;
	(pc) =	sbr.rel .LBB2_4-.Ltmp4, $4  }
0xbb: {  	_ =	swait.ge [sflag:s9], $0x2000  }
0xbc: {  	[sflag:s9] =	ssyncset.done $0x0  }
0xbd: {  	s14 =	sadd.s32 $0x800, s14;
	s17 =	sadd.s32 $0x480, s15;
	[sflag:s9] =	ssyncadd.s32 $0xFFFFE000  }
0xbe: {  	[tilespmem:s26], [sflag:$0x2] =	stream.indirect.gather [hbm4b:s4+s24], $0x40, s17, s24, $0xb8;
	[tilespmem:$0x1E480] =	vst v63  }
.LBB2_7:
0xbf: {  	_ =	sfence.sel $0x180000  }
0xc0: {  	[bflag:$0x0] =	sbarrier.arrive $0xFFFF  }
0xc1: {  	_ =	strace $0x9000004A  }
0xc2: {  	s0 =	stileid.u32;
	[bflag:$0x2] =	sbarrier.arrive $0xFFFF  }
0xc3: {  	p0 =	sne.s32 s0, $0x0;
	s0 =	rddreg [dreg:$0x2]  }
0xc4: {  	s0 =	sadd.s32 @!p0 $0x100000, s0  }
0xc5: {  	[sflag:s0] =	ssyncadd.tile.s32 @!p0 $0x1;
	_ =	shalt  }
.Lfunc_end2:
_tile_overlayer_lowered:
.L_overlay_start_2:
0xc6: {  	(tag) =	ssettag $0x2  }
0xc7: {  	s0 =	rddreg [dreg:$0x0];
	s2 =	stileid.u32  }
0xc8: {  	s1 =	rddreg [dreg:$0x1];
	p0 =	sne.s32 s2, $0x0  }
0xc9: {  	s3 =	rddreg [dreg:$0x2];
	[bflag:$0x3] =	sbarrier.arrive $0xFFFF;
	s2 =	simm.s32 @!p0 $0x1C09  }
0xca: {  	[timem:s3], [sflag:s2] =	dma.local @!p0 [hbm:s0], s1  }
0xcb: {  	s0 =	simm.s32 @!p0 $0x9  }
0xcc: {  	_ =	swait.ge @!p0 [sflag:s0], s1  }
0xcd: {  	s1 =	ssub.s32 @!p0 $0x0, s1;
	[sflag:s0] =	ssyncset.done @!p0 $0x0  }
0xce: {  	[sflag:s0] =	ssyncadd.s32 @!p0 s1  }
0xcf: {  	[bflag:$0x3] =	sbarrier.arrive $0xFFFF  }
0xd0: {  	_ =	shalt  }

// kernel: kernel.22.cloned.1.call-start
scs
__scs_entry_jumppad:
0x0: {  	(pc) =	sbr.rel $0x88, $3  }
0x1: {  	(tag) =	ssettag $0x0;
	lr =	simm.s32 $0x1  }
0x2: {  	[smem:$0x3F93] =	sst lr;
	_ =	strace $0xD0000000  }
0x3: {  	_ = 	snop  }
0x4: {  	_ = 	snop  }
0x5: {  	_ = 	snop  }
0x6: {  	_ = 	snop  }
0x7: {  	_ = 	snop  }
__scs_overlays_trampoline_lowered:
0x8: {  	[smem:$0x3FA2] =	sst s0  }
0x9: {  	[smem:$0x3FA3] =	sst s1  }
0xa: {  	[smem:$0x3FA4] =	sst s2  }
0xb: {  	[smem:$0x3FA5] =	sst s3  }
0xc: {  	[smem:$0x3FA6] =	sst s4  }
0xd: {  	[smem:$0x3FA7] =	sst s5  }
0xe: {  	[smem:$0x3FA8] =	sst s6  }
0xf: {  	[smem:$0x3FA9] =	sst s7  }
0x10: {  	[smem:$0x3FAA] =	sst s8  }
0x11: {  	[smem:$0x3FAB] =	sst s9;
	s0 =	simm.s32 @!p0 $0x0  }
0x12: {  	s1 =	sld [smem:$0x3F91];
	s0 =	simm.s32 @p0 $0x1  }
0x13: {  	[smem:$0x3FAC] =	sst s0;
	s0 =	simm.s32 @!p1 $0x0  }
0x14: {  	s2 =	sld [smem:$0x3F90];
	s0 =	simm.s32 @p1 $0x1  }
0x15: {  	[smem:$0x3FAD] =	sst s0;
	s0 =	simm.s32 @!p2 $0x0  }
0x16: {  	s3 =	sld [smem:$0x3FDB];
	s0 =	simm.s32 @p2 $0x1  }
0x17: {  	s4 =	simm.s32 $0x1BF5;
	[smem:$0x3FAF] =	sst s0  }
0x18: {  	s0 =	sld [smem:$0x3F92];
	_ =	swait.ge [sflag:s4], $0x0  }
0x19: {  	s7 =	sld [smem:$0x3F93]  }
0x1a: {  	s8 =	sadd.s32 $0xFFFFE003, lr  }
0x1b: {  	s9 =	sadd.s32 $0xFFFFFEF7, lr;
	s5 =	simm.s32 $0xFFFFFFFF;
	p2 =	slt.u32 s8, $0xFFFFF086  }
0x1c: {  	p1 =	slt.u32 s9, $0xF7A;
	s5 =	simm.s32 @!p2 $0x0  }
0x1d: {  	s5 =	simm.s32 @p1 $0x1;
	p0 =	seq.s32 s7, s2  }
0x1e: {  	s7 =	smul.u32 @!p0 $0xF7A, s2;
	p2 =	seq.s32 @!p0 s5, $0x0  }
0x1f: {  	s9 =	smul.u32 $0xF7A, s1;
	s8 =	simm.s32 @!p0 $0x1BF5;
	p2 =	por !p2, p0  }
0x20: {  	[sflag:s8] =	ssyncset.s32 @!p0 $0xFFFFF086;
	s6 =	sadd.s32 @!p0 s3, s7;
	s7 =	simm.s32 @!p0 $0x108  }
0x21: {  	s3 =	sadd.s32 s3, s9;
	s6 =	sadd.s32 @!p0 $0x88, s6;
	s7 =	simm.s32 @p2 $0x1082  }
0x22: {  	[simem:s7], [sflag:s8] =	dma.local @!p0 [hbm:s6], $0xF7A  }
0x23: {  	s9 =	sor.u32 $0xD0000000, s2;
	s6 =	simm.s32 $0x108;
	_ =	swait.ge @!p0 [sflag:s8], $0x0  }
0x24: {  	s3 =	sadd.s32 $0x88, s3;
	s6 =	simm.s32 @!p1 $0x1082;
	[sflag:s4] =	ssyncset.s32 $0xFFFFF086  }
0x25: {  	[simem:s6], [sflag:s4] =	dma.local [hbm:s3], $0xF7A  }
0x26: {  	[smem:$0x3F93] =	sst s1;
	(tag) =	ssettag s2;
	_ =	strace s9  }
0x27: {  	s1 =	sld [smem:$0x3FA3]  }
0x28: {  	s2 =	sld [smem:$0x3FA4]  }
0x29: {  	s4 =	sld [smem:$0x3FA6]  }
0x2a: {  	p0 =	seq.s32 s5, $0x0;
	s5 =	sld [smem:$0x3FA7]  }
0x2b: {  	s6 =	sld [smem:$0x3FA8]  }
0x2c: {  	s7 =	sld [smem:$0x3FA9]  }
0x2d: {  	s3 =	simm.s32 $0x108;
	s8 =	sld [smem:$0x3FAA]  }
0x2e: {  	s3 =	simm.s32 @!p0 $0x1082;
	s9 =	sld [smem:$0x3FAB]  }
0x2f: {  	lr =	sadd.s32 s0, s3;
	s0 =	sld [smem:$0x3FA2]  }
0x30: {  	s3 =	sld [smem:$0x3FA5]  }
0x31: {  	[smem:$0x3FAE] =	sst s10  }
0x32: {  	s10 =	sld [smem:$0x3FAC];
	_ =	sdelay $0x3  }
0x33: {  	p0 =	seq.s32 s10, $0x1;
	s10 =	sld [smem:$0x3FAE];
	_ =	sdelay $0x3  }
0x34: {  	[smem:$0x3FAE] =	sst s10  }
0x35: {  	s10 =	sld [smem:$0x3FAD];
	_ =	sdelay $0x3  }
0x36: {  	p1 =	seq.s32 s10, $0x1;
	s10 =	sld [smem:$0x3FAE];
	_ =	sdelay $0x3  }
0x37: {  	[smem:$0x3FAE] =	sst s10  }
0x38: {  	s10 =	sld [smem:$0x3FAF]  }
0x39: {  	_ = 	snop;
	(pc) =	sbr.ind lr, $3  }
0x3a: {  	_ = 	snop  }
0x3b: {  	_ = 	snop  }
0x3c: {  	p2 =	seq.s32 s10, $0x1;
	s10 =	sld [smem:$0x3FAE]  }
0x3d: {  	_ =	shalt  }
0x3e: {  	_ =	shalt  }
0x3f: {  	_ =	shalt  }
0x40: {  	_ =	shalt  }
0x41: {  	_ =	shalt  }
0x42: {  	_ =	shalt  }
0x43: {  	_ =	shalt  }
0x44: {  	_ =	shalt  }
0x45: {  	_ =	shalt  }
0x46: {  	_ =	shalt  }
0x47: {  	_ =	shalt  }
0x48: {  	_ =	shalt  }
0x49: {  	_ =	shalt  }
0x4a: {  	_ =	shalt  }
0x4b: {  	_ =	shalt  }
0x4c: {  	_ =	shalt  }
0x4d: {  	_ =	shalt  }
0x4e: {  	_ =	shalt  }
0x4f: {  	_ =	shalt  }
0x50: {  	_ =	shalt  }
0x51: {  	_ =	shalt  }
0x52: {  	_ =	shalt  }
0x53: {  	_ =	shalt  }
0x54: {  	_ =	shalt  }
0x55: {  	_ =	shalt  }
0x56: {  	_ =	shalt  }
0x57: {  	_ =	shalt  }
0x58: {  	_ =	shalt  }
0x59: {  	_ =	shalt  }
0x5a: {  	_ =	shalt  }
0x5b: {  	_ =	shalt  }
0x5c: {  	_ =	shalt  }
0x5d: {  	_ =	shalt  }
0x5e: {  	_ =	shalt  }
0x5f: {  	_ =	shalt  }
0x60: {  	_ =	shalt  }
0x61: {  	_ =	shalt  }
0x62: {  	_ =	shalt  }
0x63: {  	_ =	shalt  }
0x64: {  	_ =	shalt  }
0x65: {  	_ =	shalt  }
0x66: {  	_ =	shalt  }
0x67: {  	_ =	shalt  }
0x68: {  	_ =	shalt  }
0x69: {  	_ =	shalt  }
0x6a: {  	_ =	shalt  }
0x6b: {  	_ =	shalt  }
0x6c: {  	_ =	shalt  }
0x6d: {  	_ =	shalt  }
0x6e: {  	_ =	shalt  }
0x6f: {  	_ =	shalt  }
0x70: {  	_ =	shalt  }
0x71: {  	_ =	shalt  }
0x72: {  	_ =	shalt  }
0x73: {  	_ =	shalt  }
0x74: {  	_ =	shalt  }
0x75: {  	_ =	shalt  }
0x76: {  	_ =	shalt  }
0x77: {  	_ =	shalt  }
0x78: {  	_ =	shalt  }
0x79: {  	_ =	shalt  }
0x7a: {  	_ =	shalt  }
0x7b: {  	_ =	shalt  }
0x7c: {  	_ =	shalt  }
0x7d: {  	_ =	shalt  }
0x7e: {  	_ =	shalt  }
0x7f: {  	_ =	shalt  }
0x80: {  	_ =	shalt  }
0x81: {  	_ =	shalt  }
0x82: {  	_ =	shalt  }
0x83: {  	_ =	shalt  }
0x84: {  	_ =	shalt  }
0x85: {  	_ =	shalt  }
0x86: {  	_ =	shalt  }
0x87: {  	_ =	shalt  }
.Lfunc_end0:
.L_simem_size_0:
called_computation.2_lowered:
.L_overlay_start_0:
0x88: {  	s2 =	sld [smem:$0x3FD9]  }
0x89: {  	s3 =	sld [smem:$0x3FFE];
	_ =	sdelay $0x1  }
0x8a: {  	s1 =	srdreg.scid  }
0x8b: {  	s0 =	sand.u32 $0x1, s1  }
0x8c: {  	s16 =	sshll.u32 s0, $0xA;
	s2 =	sadd.s32 s3, s2  }
0x8d: {  	s2 =	sadd.s32 s2, s16  }
0x8e: {  	[smem:$0x3FBA] =	sst s2  }
0x8f: {  	_ = 	snop  }
0x90: {  	(tm) =	ssettm $0x1  }
0x91: {  	s17 =	sld [smem:$0x3FFB];
	_ =	sdelay $0x3  }
0x92: {  	_ =	strace s17  }
0x93: {  	s2 =	sld [smem:$0x3FFC];
	_ =	sdelay $0x3  }
0x94: {  	_ =	strace s2  }
0x95: {  	s2 =	sld [smem:$0x3FFD];
	_ =	sdelay $0x3  }
0x96: {  	_ =	strace s2  }
0x97: {  	_ =	strace $0x8FFFFFFF  }
0x98: {  	s18 =	sld [smem:$0x3FDB];
	_ =	sdelay $0x1  }
0x99: {  	s19 =	simm.s32 $_scs_section_size  }
0x9a: {  	s4 =	simm.s32 $_size__tile_overlayer_lowered;
	s5 =	simm.s32 $_tile_overlayer_lowered  }
0x9b: {  	s22 =	simm.s32 $0x1BFF;
	s21 =	sshll.u32 s5, $0x1;
	s2 =	sadd.s32 s19, s18  }
0x9c: {  	s6 =	simm.s32 $0x0;
	s20 =	sshll.u32 s4, $0x1;
	s4 =	sadd.s32 s21, s2  }
0x9d: {  	[timem:s6], [sflag:s22] =	dma.local [hbm:s4], s20  }
0x9e: {  	_ =	swait.ge [sflag:s22], s20  }
0x9f: {  	s3 =	ssub.s32 $0x0, s20;
	[sflag:s22] =	ssyncset.done $0x0  }
0xa0: {  	[sflag:s22] =	ssyncadd.s32 s3;
	_ =	sdelay $0x1  }
0xa1: {  	s23 =	simm.s32 $0x1B8B  }
0xa2: {  	_ =	swait.ge [sflag:s23], $0x1  }
0xa3: {  	[sflag:s23] =	ssyncset.done $0x0  }
0xa4: {  	s25 =	simm.s32 $0x1B8E;
	s24 =	sld [smem:$0x3FFE];
	[sflag:s23] =	ssyncadd.s32 $0xFFFFFFFF  }
0xa5: {  	s26 =	simm.s32 $execute0_lowered;
	[smem:$0x3FD2] =	sst s25  }
0xa6: {  	s4 =	sshll.u32 s26, $0x1;
	_ =	strace $0x8000004C;
	[dreg:$0x1] =	wrdreg $0xFFFFFFFF  }
0xa7: {  	s28 =	simm.s32 $_size_execute0_lowered;
	s2 =	sadd.s32 s2, s4;
	[dreg:$0x0] =	wrdreg $0x0  }
0xa8: {  	s4 =	sshll.u32 s28, $0x1;
	[dreg:$0x2] =	wrdreg s2  }
0xa9: {  	[dreg:$0x3] =	wrdreg s4  }
0xaa: {  	[dreg:$0x4] =	wrdreg $0xC0  }
0xab: {  	_ =	task [dreg:s6], $0x5FFFF  }
0xac: {  	[dreg:$0x1] =	wrdreg $0xFFFFFFFF  }
0xad: {  	[dreg:$0x0] =	wrdreg $0x60  }
0xae: {  	[dreg:$0x2] =	wrdreg s24  }
0xaf: {  	[dreg:$0x3] =	wrdreg $0x142800  }
0xb0: {  	[dreg:$0x4] =	wrdreg $0x9  }
0xb1: {  	_ =	task.clear_ibuf [dreg:s6], $0x5FFFF;
	_ =	strace $0x9000004C  }
0xb2: {  	s29 =	simm.s32 $0x9;
	_ =	strace $0x8000004E  }
0xb3: {  	_ =	swait.ge [sflag:s29], $0x1  }
0xb4: {  	[sflag:s29] =	ssyncadd.s32 $0xFFFFFFFF  }
0xb5: {  	_ =	strace $0x9000004E  }
0xb6: {  	_ =	sfence  }
0xb7: {  	s30 =	sld [smem:$0x0];
	_ =	sdelay $0x2  }
0xb8: {  	s31 =	sshll.u32 s1, $0xD;
	s1 =	sshrl.u32 s1, $0x2  }
0xb9: {  	s3 =	sand.u32 $0x4000, s31;
	s1 =	sadd.s32 s1, s30  }
0xba: {  	s0 =	sor.u32 s3, s0;
	s1 =	sshll.u32 s1, $0x11  }
0xbb: {  	s0 =	sor.u32 s1, s0  }
0xbc: {  	s0 =	sadd.s32 $0x8F2B, s0  }
0xbd: {  	[sflag:s0] =	ssyncadd.remote.s32 $0x1  }
0xbe: {  	_ =	sfence.sel $0xFFFF  }
0xbf: {  	[dreg:$0x0] =	wrdreg $0xFFFFFFFF;
	(pc) =	sbr.abs _section_cstart, $3  }
0xc0: {  	[dreg:$0x1] =	wrdreg $0xFFFFFFFF  }
0xc1: {  	_ =	task.clear_ibuf [dreg:s6], $0x2FFFF;
	_ =	strace $0x9FFFFFFF  }
0xc2: {  	(tm) =	ssettm $0x7FFFFFFF  }
0xc3: {  	_ =	shalt  }
tec
execute0_lowered:
.L_overlay_start_1:
0x0: {  	(tag) =	ssettag $0x1  }
0x1: {  	s0 =	rddreg [dreg:$0x0]  }
0x2: {  	s2 =	rddreg [dreg:$0x1];
	s11 =	stileid.u32  }
0x3: {  	s1 =	srdreg.scid;
	s3 =	simm.s32 $0x0;
	s5 =	smul.u32 $0xA00, s11  }
0x4: {  	s28 =	simm.s32 $0x12280;
	s29 =	simm.s32 $0x1;
	s10 =	smul.u32 $0x28800, s11  }
0x5: {  	s31 =	simm.s32 $0xE280;
	s30 =	simm.s32 $0x3;
	s16 =	smul.u32 $0x28000, s11  }
0x6: {  	s1 =	sand.u32 $0x1, s1;
	[smem:$0x7FF] =	sst s3;
	s17 =	smul.u32 $0x50, s11  }
0x7: {  	s4 =	sadd.s32 $0x45200, s0;
	s11 =	simm.s32 $0x8;
	s6 =	smul.u32 $0x500, s1  }
0x8: {  	_ =	strace $0x8000004D;
	s7 =	smul.u32 $0xA000, s1;
	s1 =	ssub.s32 $0x2, s1  }
0x9: {  	s8 =	sadd.s32 s5, s0;
	s9 =	sshrl.u32 s1, $0x1;
	s5 =	sadd.s32 $0x6D200, s0  }
0xa: {  	s15 =	sshrl.u32 s10, $0x2;
	s20 =	sshrl.u32 s16, $0x2;
	s10 =	simm.s32 $0x7  }
0xb: {  	s6 =	sadd.s32 s6, s0;
	s7 =	sadd.s32 s7, s8;
	s14 =	sadd.s32 $0x27200, s8  }
0xc: {  	s8 =	sadd.s32 s15, s2;
	s13 =	sadd.s32 $0x31200, s7;
	[dreg:$0x4] =	wrdreg s14  }
0xd: {  	s12 =	ssub.s32 s1, s9;
	s1 =	sadd.s32 $0x2000, s8;
	[dreg:$0x3] =	wrdreg s13  }
0xe: {  	s0 =	simm.s32 $0x2;
	s19 =	sadd.s32 $0x4000, s8;
	[dreg:$0x5] =	wrdreg s1  }
0xf: {  	s9 =	simm.s32 $0x6;
	s21 =	sadd.s32 $0x6000, s8;
	[dreg:$0x6] =	wrdreg s19  }
0x10: {  	s6 =	sadd.s32 $0x26800, s6;
	s22 =	sadd.s32 $0x8000, s8;
	[dreg:$0x7] =	wrdreg s21  }
0x11: {  	s23 =	sadd.s32 $0xA000, s8;
	s7 =	simm.s32 $0x4;
	[dreg:$0x8] =	wrdreg s22  }
0x12: {  	s13 =	sadd.s32 s20, s2;
	[dreg:$0x9] =	wrdreg s23;
	s19 =	smax.u32 s12, $0x1  }
0x13: {  	s20 =	simm.s32 $0x9;
	s21 =	simm.s32 $0x5000;
	s22 =	sadd.s32 s17, s6  }
.Ltmp0:
0x14: {  	s23 =	simm.s32 $0xA000;
	s24 =	sadd.s32 $0x2000, s13;
	(pc) =	sbr.rel .LBB2_1-.Ltmp0, $4  }
0x15: {  	s1 =	simm.s32 $0x10280;
	s25 =	sadd.s32 $0x4000, s13;
	[dreg:$0xa] =	wrdreg s24  }
0x16: {  	s6 =	simm.s32 $0x5;
	s26 =	sadd.s32 $0x6000, s13;
	[dreg:$0xb] =	wrdreg s25  }
0x17: {  	s12 =	simm.s32 $0x0;
	s18 =	sadd.s32 $0x8000, s13;
	[dreg:$0xc] =	wrdreg s26  }
0x18: {  	v0 =	vimm.f32 $0.0e+00;
	s24 =	simm.s32 $0x80;
	s25 =	simm.s32 $0xA280;
	s26 =	simm.s32 $0xC280  }
.LBB2_6:
0x19: {  	_ =	swait.ge [sflag:s7], $0x2000  }
0x1a: {  	[sflag:s7] =	ssyncset.done $0x0  }
0x1b: {  	[sflag:s7] =	ssyncadd.s32 $0xFFFFE000  }
0x1c: {  	[spmem:s2] =	stream.indirect.scatter.add.f32 [tilespmem:s1], [sflag:$0x8], $0x40, s16, s24, $0xb8;
	[tilespmem:$0x1E480] =	vst v63  }
0x1d: {  	_ =	swait.ge [sflag:s9], $0x2000  }
0x1e: {  	[sflag:s9] =	ssyncset.done $0x0  }
0x1f: {  	[sflag:s9] =	ssyncadd.s32 $0xFFFFE000  }
0x20: {  	_ =	swait.ge [sflag:s10], $0x2000  }
0x21: {  	[sflag:s10] =	ssyncset.done $0x0  }
0x22: {  	[sflag:s10] =	ssyncadd.s32 $0xFFFFE000  }
0x23: {  	_ =	swait.ge [sflag:s11], $0x2000  }
0x24: {  	[sflag:s11] =	ssyncset.done $0x0  }
0x25: {  	[sflag:s11] =	ssyncadd.s32 $0xFFFFE000  }
0x26: {  	[bflag:$0x0] =	sbarrier.arrive $0xFFFF  }
0x27: {  	[tilespmem:s28], [sflag:$0x9] =	stream.linear.gather [spmem:s13], $0x2000, $0x38;
	[tilespmem:$0x1E480] =	vst v63  }
0x28: {  	_ =	swait.ge [sflag:s20], $0x2000  }
0x29: {  	[sflag:s20] =	ssyncset.done $0x0  }
0x2a: {  	[sflag:s20] =	ssyncadd.s32 $0xFFFFE000  }
0x2b: {  	[hbm4b:s5+s24] =	stream.indirect.scatter [tilespmem:s28], [sflag:$0x9], $0x40, s23, s24, $0xb8;
	[tilespmem:$0x1E480] =	vst v63  }
0x2c: {  	_ =	swait.ge [sflag:s20], $0x2000  }
0x2d: {  	[sflag:s20] =	ssyncset.done $0x0  }
0x2e: {  	s14 =	rddreg [dreg:$0xa];
	[sflag:s20] =	ssyncadd.s32 $0xFFFFE000  }
0x2f: {  	[tilespmem:s28], [sflag:$0x9] =	stream.linear.gather [spmem:s14], $0x2000, $0x38;
	[tilespmem:$0x1E480] =	vst v63  }
0x30: {  	_ =	swait.ge [sflag:s20], $0x2000  }
0x31: {  	[sflag:s20] =	ssyncset.done $0x0  }
0x32: {  	s15 =	simm.s32 $0xA080;
	[sflag:s20] =	ssyncadd.s32 $0xFFFFE000  }
0x33: {  	[hbm4b:s5+s24] =	stream.indirect.scatter [tilespmem:s28], [sflag:$0x9], $0x40, s15, s24, $0xb8;
	[tilespmem:$0x1E480] =	vst v63  }
0x34: {  	_ =	swait.ge [sflag:s20], $0x2000  }
0x35: {  	[sflag:s20] =	ssyncset.done $0x0  }
0x36: {  	s16 =	rddreg [dreg:$0xb];
	[sflag:s20] =	ssyncadd.s32 $0xFFFFE000  }
0x37: {  	[tilespmem:s28], [sflag:$0x9] =	stream.linear.gather [spmem:s16], $0x2000, $0x38;
	[tilespmem:$0x1E480] =	vst v63  }
0x38: {  	_ =	swait.ge [sflag:s20], $0x2000  }
0x39: {  	[sflag:s20] =	ssyncset.done $0x0  }
0x3a: {  	s17 =	simm.s32 $0xA100;
	[sflag:s20] =	ssyncadd.s32 $0xFFFFE000  }
0x3b: {  	[hbm4b:s5+s24] =	stream.indirect.scatter [tilespmem:s28], [sflag:$0x9], $0x40, s17, s24, $0xb8;
	[tilespmem:$0x1E480] =	vst v63  }
0x3c: {  	_ =	swait.ge [sflag:s20], $0x2000  }
0x3d: {  	[sflag:s20] =	ssyncset.done $0x0  }
0x3e: {  	s15 =	rddreg [dreg:$0xc];
	[sflag:s20] =	ssyncadd.s32 $0xFFFFE000  }
0x3f: {  	[tilespmem:s28], [sflag:$0x9] =	stream.linear.gather [spmem:s15], $0x2000, $0x38;
	[tilespmem:$0x1E480] =	vst v63  }
0x40: {  	_ =	swait.ge [sflag:s20], $0x2000  }
0x41: {  	[sflag:s20] =	ssyncset.done $0x0  }
0x42: {  	s16 =	simm.s32 $0xA180;
	[sflag:s20] =	ssyncadd.s32 $0xFFFFE000  }
0x43: {  	[hbm4b:s5+s24] =	stream.indirect.scatter [tilespmem:s28], [sflag:$0x9], $0x40, s16, s24, $0xb8;
	[tilespmem:$0x1E480] =	vst v63  }
0x44: {  	_ =	swait.ge [sflag:s20], $0x2000  }
0x45: {  	[sflag:s20] =	ssyncset.done $0x0  }
0x46: {  	[sflag:s20] =	ssyncadd.s32 $0xFFFFE000  }
0x47: {  	[tilespmem:s28], [sflag:$0x9] =	stream.linear.gather [spmem:s18], $0x2000, $0x38;
	[tilespmem:$0x1E480] =	vst v63  }
0x48: {  	s12 =	sadd.s32 $0x1, s12;
	_ =	swait.ge [sflag:s20], $0x2000  }
0x49: {  	p0 =	sne.s32 s12, s19;
	[sflag:s20] =	ssyncset.done $0x0  }
.Ltmp1:
0x4a: {  	s17 =	simm.s32 $0xA200;
	[sflag:s20] =	ssyncadd.s32 $0xFFFFE000;
	(pc) =	sbr.rel @!p0 .LBB2_7-.Ltmp1, $4  }
0x4b: {  	[hbm4b:s5+s24] =	stream.indirect.scatter [tilespmem:s28], [sflag:$0x9], $0x40, s17, s24, $0xb8;
	[tilespmem:$0x1E480] =	vst v63  }
0x4c: {  	_ =	swait.ge [sflag:s20], $0x2000  }
0x4d: {  	[sflag:s20] =	ssyncset.done $0x0  }
0x4e: {  	[sflag:s20] =	ssyncadd.s32 $0xFFFFE000  }
.LBB2_1:
0x4f: {  	s14 =	rddreg [dreg:$0x3]  }
0x50: {  	[tilespmem:s3], [sflag:$0x9] =	stream.linear.gather [hbm4b:s14+s3], $0x5000, $0x38;
	[tilespmem:$0x1E480] =	vst v63  }
0x51: {  	_ =	swait.ge [sflag:s20], $0x5000  }
0x52: {  	[sflag:s20] =	ssyncset.done $0x0  }
0x53: {  	s17 =	rddreg [dreg:$0x4];
	[sflag:s20] =	ssyncadd.s32 $0xFFFFB000  }
0x54: {  	[tilespmem:s21], [sflag:$0x9] =	stream.linear.gather [hbm4b:s17+s3], $0x5000, $0x38;
	[tilespmem:$0x1E480] =	vst v63  }
0x55: {  	_ =	swait.ge [sflag:s20], $0x5000  }
0x56: {  	[sflag:s20] =	ssyncset.done $0x0  }
0x57: {  	[sflag:s20] =	ssyncadd.s32 $0xFFFFB000  }
0x58: {  	[tilespmem:s23], [sflag:$0x9] =	stream.linear.gather [hbm4b:s22+s3], $0x280, $0x38;
	[tilespmem:$0x1E480] =	vst v63  }
0x59: {  	_ =	swait.ge [sflag:s20], $0x280  }
0x5a: {  	[sflag:s20] =	ssyncset.done $0x0  }
0x5b: {  	[sflag:s20] =	ssyncadd.s32 $0xFFFFFD80  }
0x5c: {  	[tilespmem:s25], [sflag:$0x1] =	stream.indirect.gather [hbm4b:s4+s24], $0x40, s3, s24, $0xb8;
	[tilespmem:$0x1E480] =	vst v63  }
0x5d: {  	s15 =	simm.s32 $0x100;
	s14 =	simm.s32 $0x0  }
0x5e: {  	[tilespmem:s26], [sflag:$0x2] =	stream.indirect.gather [hbm4b:s4+s24], $0x40, s24, s24, $0xb8;
	[tilespmem:$0x1E480] =	vst v63  }
.LBB2_2:
0x5f: {  	p0 =	sne.s32 s15, $0x7F00;
	[tilespmem:s14+$0x122B0] =	vst v0;
	s16 =	smov.u32 s15;
	s15 =	sadd.s32 $0x100, s15  }
.Ltmp2:
0x60: {  	[tilespmem:s14+$0x122A0] =	vst v0;
	(pc) =	sbr.rel @p0 .LBB2_2-.Ltmp2, $3  }
0x61: {  	[tilespmem:s14+$0x12280] =	vst v0  }
0x62: {  	[tilespmem:s14+$0x12290] =	vst v0;
	_ =	sdelay $0x1  }
0x63: {  	s14 =	sshra.s32 s16, $0x2  }
0x64: {  	[tilespmem:s14+$0x122B0] =	vst v0  }
0x65: {  	[tilespmem:s14+$0x122A0] =	vst v0  }
0x66: {  	[tilespmem:s14+$0x12280] =	vst v0  }
0x67: {  	[tilespmem:s14+$0x12290] =	vst v0  }
0x68: {  	[spmem:s8] =	stream.linear.scatter [tilespmem:s28], [sflag:$0x9], $0x2000, $0x38;
	[tilespmem:$0x1E480] =	vst v63  }
0x69: {  	_ =	swait.ge [sflag:s20], $0x2000  }
0x6a: {  	[sflag:s20] =	ssyncset.done $0x0  }
0x6b: {  	s15 =	rddreg [dreg:$0x5];
	[sflag:s20] =	ssyncadd.s32 $0xFFFFE000  }
0x6c: {  	[spmem:s15] =	stream.linear.scatter [tilespmem:s28], [sflag:$0x9], $0x2000, $0x38;
	[tilespmem:$0x1E480] =	vst v63  }
0x6d: {  	_ =	swait.ge [sflag:s20], $0x2000  }
0x6e: {  	[sflag:s20] =	ssyncset.done $0x0  }
0x6f: {  	s16 =	rddreg [dreg:$0x6];
	[sflag:s20] =	ssyncadd.s32 $0xFFFFE000  }
0x70: {  	[spmem:s16] =	stream.linear.scatter [tilespmem:s28], [sflag:$0x9], $0x2000, $0x38;
	[tilespmem:$0x1E480] =	vst v63  }
0x71: {  	_ =	swait.ge [sflag:s20], $0x2000  }
0x72: {  	[sflag:s20] =	ssyncset.done $0x0  }
0x73: {  	s17 =	rddreg [dreg:$0x7];
	[sflag:s20] =	ssyncadd.s32 $0xFFFFE000  }
0x74: {  	[spmem:s17] =	stream.linear.scatter [tilespmem:s28], [sflag:$0x9], $0x2000, $0x38;
	[tilespmem:$0x1E480] =	vst v63  }
0x75: {  	_ =	swait.ge [sflag:s20], $0x2000  }
0x76: {  	[sflag:s20] =	ssyncset.done $0x0  }
0x77: {  	s15 =	rddreg [dreg:$0x8];
	[sflag:s20] =	ssyncadd.s32 $0xFFFFE000  }
0x78: {  	[spmem:s15] =	stream.linear.scatter [tilespmem:s28], [sflag:$0x9], $0x2000, $0x38;
	[tilespmem:$0x1E480] =	vst v63  }
0x79: {  	_ =	swait.ge [sflag:s20], $0x2000  }
0x7a: {  	[sflag:s20] =	ssyncset.done $0x0  }
0x7b: {  	s16 =	rddreg [dreg:$0x9];
	[sflag:s20] =	ssyncadd.s32 $0xFFFFE000  }
0x7c: {  	[spmem:s16] =	stream.linear.scatter [tilespmem:s28], [sflag:$0x9], $0x200, $0x38;
	[tilespmem:$0x1E480] =	vst v63  }
0x7d: {  	_ =	swait.ge [sflag:s20], $0x200  }
0x7e: {  	[sflag:s20] =	ssyncset.done $0x0  }
0x7f: {  	[sflag:s20] =	ssyncadd.s32 $0xFFFFFE00  }
0x80: {  	[bflag:$0x0] =	sbarrier.arrive $0xFFFF  }
0x81: {  	_ =	swait.ge [sflag:s29], $0x2000  }
0x82: {  	[sflag:s29] =	ssyncset.done $0x0  }
0x83: {  	[sflag:s29] =	ssyncadd.s32 $0xFFFFE000  }
0x84: {  	[spmem:s2] =	stream.indirect.scatter.add.f32 [tilespmem:s25], [sflag:$0x5], $0x40, s21, s24, $0xb8;
	[tilespmem:$0x1E480] =	vst v63  }
0x85: {  	s17 =	simm.s32 $0x100  }
0x86: {  	[tilespmem:s31], [sflag:$0x3] =	stream.indirect.gather [hbm4b:s4+s24], $0x40, s17, s24, $0xb8;
	[tilespmem:$0x1E480] =	vst v63  }
0x87: {  	_ =	swait.ge [sflag:s0], $0x2000  }
0x88: {  	[sflag:s0] =	ssyncset.done $0x0  }
0x89: {  	s15 =	simm.s32 $0x5080;
	[sflag:s0] =	ssyncadd.s32 $0xFFFFE000  }
0x8a: {  	[spmem:s2] =	stream.indirect.scatter.add.f32 [tilespmem:s26], [sflag:$0x6], $0x40, s15, s24, $0xb8;
	[tilespmem:$0x1E480] =	vst v63  }
0x8b: {  	s16 =	simm.s32 $0x180  }
0x8c: {  	[tilespmem:s1], [sflag:$0x4] =	stream.indirect.gather [hbm4b:s4+s24], $0x40, s16, s24, $0xb8;
	[tilespmem:$0x1E480] =	vst v63  }
0x8d: {  	_ =	swait.ge [sflag:s30], $0x2000  }
0x8e: {  	[sflag:s30] =	ssyncset.done $0x0  }
0x8f: {  	s17 =	simm.s32 $0x5100;
	[sflag:s30] =	ssyncadd.s32 $0xFFFFE000  }
0x90: {  	[spmem:s2] =	stream.indirect.scatter.add.f32 [tilespmem:s31], [sflag:$0x7], $0x40, s17, s24, $0xb8;
	[tilespmem:$0x1E480] =	vst v63  }
0x91: {  	_ =	swait.ge [sflag:s6], $0x2000  }
0x92: {  	[sflag:s6] =	ssyncset.done $0x0  }
0x93: {  	s15 =	simm.s32 $0x200;
	[sflag:s6] =	ssyncadd.s32 $0xFFFFE000  }
0x94: {  	[tilespmem:s25], [sflag:$0x1] =	stream.indirect.gather [hbm4b:s4+s24], $0x40, s15, s24, $0xb8;
	[tilespmem:$0x1E480] =	vst v63  }
0x95: {  	_ =	swait.ge [sflag:s7], $0x2000  }
0x96: {  	[sflag:s7] =	ssyncset.done $0x0  }
0x97: {  	s16 =	simm.s32 $0x5180;
	[sflag:s7] =	ssyncadd.s32 $0xFFFFE000  }
0x98: {  	[spmem:s2] =	stream.indirect.scatter.add.f32 [tilespmem:s1], [sflag:$0x8], $0x40, s16, s24, $0xb8;
	[tilespmem:$0x1E480] =	vst v63  }
0x99: {  	_ =	swait.ge [sflag:s9], $0x2000  }
0x9a: {  	[sflag:s9] =	ssyncset.done $0x0  }
0x9b: {  	s14 =	simm.s32 $0x0;
	s17 =	simm.s32 $0x280;
	[sflag:s9] =	ssyncadd.s32 $0xFFFFE000  }
0x9c: {  	[tilespmem:s26], [sflag:$0x2] =	stream.indirect.gather [hbm4b:s4+s24], $0x40, s17, s24, $0xb8;
	[tilespmem:$0x1E480] =	vst v63  }
.LBB2_4:
0x9d: {  	_ =	swait.ge [sflag:s29], $0x2000  }
0x9e: {  	s15 =	sshra.s32 s14, $0x2;
	[sflag:s29] =	ssyncset.done $0x0  }
0x9f: {  	s16 =	sadd.s32 $0x5200, s15;
	[sflag:s29] =	ssyncadd.s32 $0xFFFFE000  }
0xa0: {  	[spmem:s2] =	stream.indirect.scatter.add.f32 [tilespmem:s25], [sflag:$0x5], $0x40, s16, s24, $0xb8;
	[tilespmem:$0x1E480] =	vst v63  }
0xa1: {  	_ =	swait.ge [sflag:s10], $0x2000  }
0xa2: {  	[sflag:s10] =	ssyncset.done $0x0  }
0xa3: {  	s17 =	sadd.s32 $0x300, s15;
	[sflag:s10] =	ssyncadd.s32 $0xFFFFE000  }
0xa4: {  	[tilespmem:s31], [sflag:$0x3] =	stream.indirect.gather [hbm4b:s4+s24], $0x40, s17, s24, $0xb8;
	[tilespmem:$0x1E480] =	vst v63  }
0xa5: {  	_ =	swait.ge [sflag:s0], $0x2000  }
0xa6: {  	[sflag:s0] =	ssyncset.done $0x0  }
0xa7: {  	s17 =	sadd.s32 $0x5280, s15;
	[sflag:s0] =	ssyncadd.s32 $0xFFFFE000  }
0xa8: {  	[spmem:s2] =	stream.indirect.scatter.add.f32 [tilespmem:s26], [sflag:$0x6], $0x40, s17, s24, $0xb8;
	[tilespmem:$0x1E480] =	vst v63  }
0xa9: {  	_ =	swait.ge [sflag:s11], $0x2000  }
0xaa: {  	[sflag:s11] =	ssyncset.done $0x0  }
0xab: {  	s17 =	sadd.s32 $0x380, s15;
	[sflag:s11] =	ssyncadd.s32 $0xFFFFE000  }
0xac: {  	[tilespmem:s1], [sflag:$0x4] =	stream.indirect.gather [hbm4b:s4+s24], $0x40, s17, s24, $0xb8;
	[tilespmem:$0x1E480] =	vst v63  }
0xad: {  	_ =	swait.ge [sflag:s30], $0x2000  }
0xae: {  	p0 =	seq.s32 s14, $0x13000;
	[sflag:s30] =	ssyncset.done $0x0  }
.Ltmp3:
0xaf: {  	s17 =	sadd.s32 $0x5300, s15;
	[sflag:s30] =	ssyncadd.s32 $0xFFFFE000;
	(pc) =	sbr.rel @p0 .LBB2_6-.Ltmp3, $4  }
0xb0: {  	[spmem:s2] =	stream.indirect.scatter.add.f32 [tilespmem:s31], [sflag:$0x7], $0x40, s17, s24, $0xb8;
	[tilespmem:$0x1E480] =	vst v63  }
0xb1: {  	_ =	swait.ge [sflag:s6], $0x2000  }
0xb2: {  	[sflag:s6] =	ssyncset.done $0x0  }
0xb3: {  	s16 =	sadd.s32 $0x5380, s15;
	[sflag:s6] =	ssyncadd.s32 $0xFFFFE000  }
0xb4: {  	s17 =	sadd.s32 $0x400, s15  }
0xb5: {  	[tilespmem:s25], [sflag:$0x1] =	stream.indirect.gather [hbm4b:s4+s24], $0x40, s17, s24, $0xb8;
	[tilespmem:$0x1E480] =	vst v63  }
0xb6: {  	_ =	swait.ge [sflag:s7], $0x2000  }
0xb7: {  	[sflag:s7] =	ssyncset.done $0x0  }
0xb8: {  	[sflag:s7] =	ssyncadd.s32 $0xFFFFE000  }
0xb9: {  	[spmem:s2] =	stream.indirect.scatter.add.f32 [tilespmem:s1], [sflag:$0x8], $0x40, s16, s24, $0xb8;
	[tilespmem:$0x1E480] =	vst v63  }
.Ltmp4:
0xba: {  	_ = 	snop;
	(pc) =	sbr.rel .LBB2_4-.Ltmp4, $4  }
0xbb: {  	_ =	swait.ge [sflag:s9], $0x2000  }
0xbc: {  	[sflag:s9] =	ssyncset.done $0x0  }
0xbd: {  	s14 =	sadd.s32 $0x800, s14;
	s17 =	sadd.s32 $0x480, s15;
	[sflag:s9] =	ssyncadd.s32 $0xFFFFE000  }
0xbe: {  	[tilespmem:s26], [sflag:$0x2] =	stream.indirect.gather [hbm4b:s4+s24], $0x40, s17, s24, $0xb8;
	[tilespmem:$0x1E480] =	vst v63  }
.LBB2_7:
0xbf: {  	_ =	sfence.sel $0x180000  }
0xc0: {  	[bflag:$0x0] =	sbarrier.arrive $0xFFFF  }
0xc1: {  	_ =	strace $0x9000004D  }
0xc2: {  	s0 =	stileid.u32;
	[bflag:$0x2] =	sbarrier.arrive $0xFFFF  }
0xc3: {  	p0 =	sne.s32 s0, $0x0;
	s0 =	rddreg [dreg:$0x2]  }
0xc4: {  	s0 =	sadd.s32 @!p0 $0x100000, s0  }
0xc5: {  	[sflag:s0] =	ssyncadd.tile.s32 @!p0 $0x1;
	_ =	shalt  }
.Lfunc_end2:
_tile_overlayer_lowered:
.L_overlay_start_2:
0xc6: {  	(tag) =	ssettag $0x2  }
0xc7: {  	s0 =	rddreg [dreg:$0x0];
	s2 =	stileid.u32  }
0xc8: {  	s1 =	rddreg [dreg:$0x1];
	p0 =	sne.s32 s2, $0x0  }
0xc9: {  	s3 =	rddreg [dreg:$0x2];
	[bflag:$0x3] =	sbarrier.arrive $0xFFFF;
	s2 =	simm.s32 @!p0 $0x1C09  }
0xca: {  	[timem:s3], [sflag:s2] =	dma.local @!p0 [hbm:s0], s1  }
0xcb: {  	s0 =	simm.s32 @!p0 $0x9  }
0xcc: {  	_ =	swait.ge @!p0 [sflag:s0], s1  }
0xcd: {  	s1 =	ssub.s32 @!p0 $0x0, s1;
	[sflag:s0] =	ssyncset.done @!p0 $0x0  }
0xce: {  	[sflag:s0] =	ssyncadd.s32 @!p0 s1  }
0xcf: {  	[bflag:$0x3] =	sbarrier.arrive $0xFFFF  }
0xd0: {  	_ =	shalt  }

// kernel: kernel.25.cloned.1.call-start
scs
__scs_entry_jumppad:
0x0: {  	(pc) =	sbr.rel $0x88, $3  }
0x1: {  	(tag) =	ssettag $0x0;
	lr =	simm.s32 $0x1  }
0x2: {  	[smem:$0x3F93] =	sst lr;
	_ =	strace $0xD0000000  }
0x3: {  	_ = 	snop  }
0x4: {  	_ = 	snop  }
0x5: {  	_ = 	snop  }
0x6: {  	_ = 	snop  }
0x7: {  	_ = 	snop  }
__scs_overlays_trampoline_lowered:
0x8: {  	[smem:$0x3FA2] =	sst s0  }
0x9: {  	[smem:$0x3FA3] =	sst s1  }
0xa: {  	[smem:$0x3FA4] =	sst s2  }
0xb: {  	[smem:$0x3FA5] =	sst s3  }
0xc: {  	[smem:$0x3FA6] =	sst s4  }
0xd: {  	[smem:$0x3FA7] =	sst s5  }
0xe: {  	[smem:$0x3FA8] =	sst s6  }
0xf: {  	[smem:$0x3FA9] =	sst s7  }
0x10: {  	[smem:$0x3FAA] =	sst s8  }
0x11: {  	[smem:$0x3FAB] =	sst s9;
	s0 =	simm.s32 @!p0 $0x0  }
0x12: {  	s1 =	sld [smem:$0x3F91];
	s0 =	simm.s32 @p0 $0x1  }
0x13: {  	[smem:$0x3FAC] =	sst s0;
	s0 =	simm.s32 @!p1 $0x0  }
0x14: {  	s2 =	sld [smem:$0x3F90];
	s0 =	simm.s32 @p1 $0x1  }
0x15: {  	[smem:$0x3FAD] =	sst s0;
	s0 =	simm.s32 @!p2 $0x0  }
0x16: {  	s3 =	sld [smem:$0x3FDB];
	s0 =	simm.s32 @p2 $0x1  }
0x17: {  	s4 =	simm.s32 $0x1BF5;
	[smem:$0x3FAF] =	sst s0  }
0x18: {  	s0 =	sld [smem:$0x3F92];
	_ =	swait.ge [sflag:s4], $0x0  }
0x19: {  	s7 =	sld [smem:$0x3F93]  }
0x1a: {  	s8 =	sadd.s32 $0xFFFFE003, lr  }
0x1b: {  	s9 =	sadd.s32 $0xFFFFFEF7, lr;
	s5 =	simm.s32 $0xFFFFFFFF;
	p2 =	slt.u32 s8, $0xFFFFF086  }
0x1c: {  	p1 =	slt.u32 s9, $0xF7A;
	s5 =	simm.s32 @!p2 $0x0  }
0x1d: {  	s5 =	simm.s32 @p1 $0x1;
	p0 =	seq.s32 s7, s2  }
0x1e: {  	s7 =	smul.u32 @!p0 $0xF7A, s2;
	p2 =	seq.s32 @!p0 s5, $0x0  }
0x1f: {  	s9 =	smul.u32 $0xF7A, s1;
	s8 =	simm.s32 @!p0 $0x1BF5;
	p2 =	por !p2, p0  }
0x20: {  	[sflag:s8] =	ssyncset.s32 @!p0 $0xFFFFF086;
	s6 =	sadd.s32 @!p0 s3, s7;
	s7 =	simm.s32 @!p0 $0x108  }
0x21: {  	s3 =	sadd.s32 s3, s9;
	s6 =	sadd.s32 @!p0 $0x88, s6;
	s7 =	simm.s32 @p2 $0x1082  }
0x22: {  	[simem:s7], [sflag:s8] =	dma.local @!p0 [hbm:s6], $0xF7A  }
0x23: {  	s9 =	sor.u32 $0xD0000000, s2;
	s6 =	simm.s32 $0x108;
	_ =	swait.ge @!p0 [sflag:s8], $0x0  }
0x24: {  	s3 =	sadd.s32 $0x88, s3;
	s6 =	simm.s32 @!p1 $0x1082;
	[sflag:s4] =	ssyncset.s32 $0xFFFFF086  }
0x25: {  	[simem:s6], [sflag:s4] =	dma.local [hbm:s3], $0xF7A  }
0x26: {  	[smem:$0x3F93] =	sst s1;
	(tag) =	ssettag s2;
	_ =	strace s9  }
0x27: {  	s1 =	sld [smem:$0x3FA3]  }
0x28: {  	s2 =	sld [smem:$0x3FA4]  }
0x29: {  	s4 =	sld [smem:$0x3FA6]  }
0x2a: {  	p0 =	seq.s32 s5, $0x0;
	s5 =	sld [smem:$0x3FA7]  }
0x2b: {  	s6 =	sld [smem:$0x3FA8]  }
0x2c: {  	s7 =	sld [smem:$0x3FA9]  }
0x2d: {  	s3 =	simm.s32 $0x108;
	s8 =	sld [smem:$0x3FAA]  }
0x2e: {  	s3 =	simm.s32 @!p0 $0x1082;
	s9 =	sld [smem:$0x3FAB]  }
0x2f: {  	lr =	sadd.s32 s0, s3;
	s0 =	sld [smem:$0x3FA2]  }
0x30: {  	s3 =	sld [smem:$0x3FA5]  }
0x31: {  	[smem:$0x3FAE] =	sst s10  }
0x32: {  	s10 =	sld [smem:$0x3FAC];
	_ =	sdelay $0x3  }
0x33: {  	p0 =	seq.s32 s10, $0x1;
	s10 =	sld [smem:$0x3FAE];
	_ =	sdelay $0x3  }
0x34: {  	[smem:$0x3FAE] =	sst s10  }
0x35: {  	s10 =	sld [smem:$0x3FAD];
	_ =	sdelay $0x3  }
0x36: {  	p1 =	seq.s32 s10, $0x1;
	s10 =	sld [smem:$0x3FAE];
	_ =	sdelay $0x3  }
0x37: {  	[smem:$0x3FAE] =	sst s10  }
0x38: {  	s10 =	sld [smem:$0x3FAF]  }
0x39: {  	_ = 	snop;
	(pc) =	sbr.ind lr, $3  }
0x3a: {  	_ = 	snop  }
0x3b: {  	_ = 	snop  }
0x3c: {  	p2 =	seq.s32 s10, $0x1;
	s10 =	sld [smem:$0x3FAE]  }
0x3d: {  	_ =	shalt  }
0x3e: {  	_ =	shalt  }
0x3f: {  	_ =	shalt  }
0x40: {  	_ =	shalt  }
0x41: {  	_ =	shalt  }
0x42: {  	_ =	shalt  }
0x43: {  	_ =	shalt  }
0x44: {  	_ =	shalt  }
0x45: {  	_ =	shalt  }
0x46: {  	_ =	shalt  }
0x47: {  	_ =	shalt  }
0x48: {  	_ =	shalt  }
0x49: {  	_ =	shalt  }
0x4a: {  	_ =	shalt  }
0x4b: {  	_ =	shalt  }
0x4c: {  	_ =	shalt  }
0x4d: {  	_ =	shalt  }
0x4e: {  	_ =	shalt  }
0x4f: {  	_ =	shalt  }
0x50: {  	_ =	shalt  }
0x51: {  	_ =	shalt  }
0x52: {  	_ =	shalt  }
0x53: {  	_ =	shalt  }
0x54: {  	_ =	shalt  }
0x55: {  	_ =	shalt  }
0x56: {  	_ =	shalt  }
0x57: {  	_ =	shalt  }
0x58: {  	_ =	shalt  }
0x59: {  	_ =	shalt  }
0x5a: {  	_ =	shalt  }
0x5b: {  	_ =	shalt  }
0x5c: {  	_ =	shalt  }
0x5d: {  	_ =	shalt  }
0x5e: {  	_ =	shalt  }
0x5f: {  	_ =	shalt  }
0x60: {  	_ =	shalt  }
0x61: {  	_ =	shalt  }
0x62: {  	_ =	shalt  }
0x63: {  	_ =	shalt  }
0x64: {  	_ =	shalt  }
0x65: {  	_ =	shalt  }
0x66: {  	_ =	shalt  }
0x67: {  	_ =	shalt  }
0x68: {  	_ =	shalt  }
0x69: {  	_ =	shalt  }
0x6a: {  	_ =	shalt  }
0x6b: {  	_ =	shalt  }
0x6c: {  	_ =	shalt  }
0x6d: {  	_ =	shalt  }
0x6e: {  	_ =	shalt  }
0x6f: {  	_ =	shalt  }
0x70: {  	_ =	shalt  }
0x71: {  	_ =	shalt  }
0x72: {  	_ =	shalt  }
0x73: {  	_ =	shalt  }
0x74: {  	_ =	shalt  }
0x75: {  	_ =	shalt  }
0x76: {  	_ =	shalt  }
0x77: {  	_ =	shalt  }
0x78: {  	_ =	shalt  }
0x79: {  	_ =	shalt  }
0x7a: {  	_ =	shalt  }
0x7b: {  	_ =	shalt  }
0x7c: {  	_ =	shalt  }
0x7d: {  	_ =	shalt  }
0x7e: {  	_ =	shalt  }
0x7f: {  	_ =	shalt  }
0x80: {  	_ =	shalt  }
0x81: {  	_ =	shalt  }
0x82: {  	_ =	shalt  }
0x83: {  	_ =	shalt  }
0x84: {  	_ =	shalt  }
0x85: {  	_ =	shalt  }
0x86: {  	_ =	shalt  }
0x87: {  	_ =	shalt  }
.Lfunc_end0:
.L_simem_size_0:
called_computation.3_lowered:
.L_overlay_start_0:
0x88: {  	s2 =	sld [smem:$0x3FD9]  }
0x89: {  	s3 =	sld [smem:$0x3FFE];
	_ =	sdelay $0x1  }
0x8a: {  	s1 =	srdreg.scid  }
0x8b: {  	s0 =	sand.u32 $0x1, s1  }
0x8c: {  	s16 =	sshll.u32 s0, $0xA;
	s2 =	sadd.s32 s3, s2  }
0x8d: {  	s2 =	sadd.s32 s2, s16  }
0x8e: {  	[smem:$0x3FBA] =	sst s2  }
0x8f: {  	_ = 	snop  }
0x90: {  	(tm) =	ssettm $0x1  }
0x91: {  	s17 =	sld [smem:$0x3FFB];
	_ =	sdelay $0x3  }
0x92: {  	_ =	strace s17  }
0x93: {  	s2 =	sld [smem:$0x3FFC];
	_ =	sdelay $0x3  }
0x94: {  	_ =	strace s2  }
0x95: {  	s2 =	sld [smem:$0x3FFD];
	_ =	sdelay $0x3  }
0x96: {  	_ =	strace s2  }
0x97: {  	_ =	strace $0x8FFFFFFF  }
0x98: {  	s18 =	sld [smem:$0x3FDB];
	_ =	sdelay $0x1  }
0x99: {  	s19 =	simm.s32 $_scs_section_size  }
0x9a: {  	s4 =	simm.s32 $_size__tile_overlayer_lowered;
	s5 =	simm.s32 $_tile_overlayer_lowered  }
0x9b: {  	s22 =	simm.s32 $0x1BFF;
	s21 =	sshll.u32 s5, $0x1;
	s2 =	sadd.s32 s19, s18  }
0x9c: {  	s6 =	simm.s32 $0x0;
	s20 =	sshll.u32 s4, $0x1;
	s4 =	sadd.s32 s21, s2  }
0x9d: {  	[timem:s6], [sflag:s22] =	dma.local [hbm:s4], s20  }
0x9e: {  	_ =	swait.ge [sflag:s22], s20  }
0x9f: {  	s3 =	ssub.s32 $0x0, s20;
	[sflag:s22] =	ssyncset.done $0x0  }
0xa0: {  	[sflag:s22] =	ssyncadd.s32 s3;
	_ =	sdelay $0x1  }
0xa1: {  	s23 =	simm.s32 $0x1B8B  }
0xa2: {  	_ =	swait.ge [sflag:s23], $0x1  }
0xa3: {  	[sflag:s23] =	ssyncset.done $0x0  }
0xa4: {  	s25 =	simm.s32 $0x1B8E;
	s24 =	sld [smem:$0x3FFE];
	[sflag:s23] =	ssyncadd.s32 $0xFFFFFFFF  }
0xa5: {  	s26 =	simm.s32 $execute0_lowered;
	[smem:$0x3FD2] =	sst s25  }
0xa6: {  	s4 =	sshll.u32 s26, $0x1;
	_ =	strace $0x8000004F;
	[dreg:$0x1] =	wrdreg $0xFFFFFFFF  }
0xa7: {  	s28 =	simm.s32 $_size_execute0_lowered;
	s2 =	sadd.s32 s2, s4;
	[dreg:$0x0] =	wrdreg $0x0  }
0xa8: {  	s4 =	sshll.u32 s28, $0x1;
	[dreg:$0x2] =	wrdreg s2  }
0xa9: {  	[dreg:$0x3] =	wrdreg s4  }
0xaa: {  	[dreg:$0x4] =	wrdreg $0xC0  }
0xab: {  	_ =	task [dreg:s6], $0x5FFFF  }
0xac: {  	[dreg:$0x1] =	wrdreg $0xFFFFFFFF  }
0xad: {  	[dreg:$0x0] =	wrdreg $0x60  }
0xae: {  	[dreg:$0x2] =	wrdreg s24  }
0xaf: {  	[dreg:$0x3] =	wrdreg $0x142800  }
0xb0: {  	[dreg:$0x4] =	wrdreg $0x9  }
0xb1: {  	_ =	task.clear_ibuf [dreg:s6], $0x5FFFF;
	_ =	strace $0x9000004F  }
0xb2: {  	s29 =	simm.s32 $0x9;
	_ =	strace $0x80000051  }
0xb3: {  	_ =	swait.ge [sflag:s29], $0x1  }
0xb4: {  	[sflag:s29] =	ssyncadd.s32 $0xFFFFFFFF  }
0xb5: {  	_ =	strace $0x90000051  }
0xb6: {  	_ =	sfence  }
0xb7: {  	s30 =	sld [smem:$0x0];
	_ =	sdelay $0x2  }
0xb8: {  	s31 =	sshll.u32 s1, $0xD;
	s1 =	sshrl.u32 s1, $0x2  }
0xb9: {  	s3 =	sand.u32 $0x4000, s31;
	s1 =	sadd.s32 s1, s30  }
0xba: {  	s0 =	sor.u32 s3, s0;
	s1 =	sshll.u32 s1, $0x11  }
0xbb: {  	s0 =	sor.u32 s1, s0  }
0xbc: {  	s0 =	sadd.s32 $0x8F2B, s0  }
0xbd: {  	[sflag:s0] =	ssyncadd.remote.s32 $0x1  }
0xbe: {  	_ =	sfence.sel $0xFFFF  }
0xbf: {  	[dreg:$0x0] =	wrdreg $0xFFFFFFFF;
	(pc) =	sbr.abs _section_cstart, $3  }
0xc0: {  	[dreg:$0x1] =	wrdreg $0xFFFFFFFF  }
0xc1: {  	_ =	task.clear_ibuf [dreg:s6], $0x2FFFF;
	_ =	strace $0x9FFFFFFF  }
0xc2: {  	(tm) =	ssettm $0x7FFFFFFF  }
0xc3: {  	_ =	shalt  }
tec
execute0_lowered:
.L_overlay_start_1:
0x0: {  	(tag) =	ssettag $0x1  }
0x1: {  	s0 =	rddreg [dreg:$0x0]  }
0x2: {  	s2 =	rddreg [dreg:$0x1];
	s11 =	stileid.u32  }
0x3: {  	s1 =	srdreg.scid;
	s3 =	simm.s32 $0x0;
	s5 =	smul.u32 $0xA00, s11  }
0x4: {  	s28 =	simm.s32 $0x12280;
	s29 =	simm.s32 $0x1;
	s10 =	smul.u32 $0x28800, s11  }
0x5: {  	s31 =	simm.s32 $0xE280;
	s30 =	simm.s32 $0x3;
	s16 =	smul.u32 $0x28000, s11  }
0x6: {  	s1 =	sand.u32 $0x1, s1;
	[smem:$0x7FF] =	sst s3;
	s17 =	smul.u32 $0x50, s11  }
0x7: {  	s4 =	sadd.s32 $0x45200, s0;
	s11 =	simm.s32 $0x8;
	s6 =	smul.u32 $0x500, s1  }
0x8: {  	_ =	strace $0x80000050;
	s7 =	smul.u32 $0xA000, s1;
	s1 =	ssub.s32 $0x2, s1  }
0x9: {  	s8 =	sadd.s32 s5, s0;
	s9 =	sshrl.u32 s1, $0x1;
	s5 =	sadd.s32 $0x6D200, s0  }
0xa: {  	s15 =	sshrl.u32 s10, $0x2;
	s20 =	sshrl.u32 s16, $0x2;
	s10 =	simm.s32 $0x7  }
0xb: {  	s6 =	sadd.s32 s6, s0;
	s7 =	sadd.s32 s7, s8;
	s14 =	sadd.s32 $0x27200, s8  }
0xc: {  	s8 =	sadd.s32 s15, s2;
	s13 =	sadd.s32 $0x31200, s7;
	[dreg:$0x4] =	wrdreg s14  }
0xd: {  	s12 =	ssub.s32 s1, s9;
	s1 =	sadd.s32 $0x2000, s8;
	[dreg:$0x3] =	wrdreg s13  }
0xe: {  	s0 =	simm.s32 $0x2;
	s19 =	sadd.s32 $0x4000, s8;
	[dreg:$0x5] =	wrdreg s1  }
0xf: {  	s9 =	simm.s32 $0x6;
	s21 =	sadd.s32 $0x6000, s8;
	[dreg:$0x6] =	wrdreg s19  }
0x10: {  	s6 =	sadd.s32 $0x26800, s6;
	s22 =	sadd.s32 $0x8000, s8;
	[dreg:$0x7] =	wrdreg s21  }
0x11: {  	s23 =	sadd.s32 $0xA000, s8;
	s7 =	simm.s32 $0x4;
	[dreg:$0x8] =	wrdreg s22  }
0x12: {  	s13 =	sadd.s32 s20, s2;
	[dreg:$0x9] =	wrdreg s23;
	s19 =	smax.u32 s12, $0x1  }
0x13: {  	s20 =	simm.s32 $0x9;
	s21 =	simm.s32 $0x5000;
	s22 =	sadd.s32 s17, s6  }
.Ltmp0:
0x14: {  	s23 =	simm.s32 $0xA000;
	s24 =	sadd.s32 $0x2000, s13;
	(pc) =	sbr.rel .LBB2_1-.Ltmp0, $4  }
0x15: {  	s1 =	simm.s32 $0x10280;
	s25 =	sadd.s32 $0x4000, s13;
	[dreg:$0xa] =	wrdreg s24  }
0x16: {  	s6 =	simm.s32 $0x5;
	s26 =	sadd.s32 $0x6000, s13;
	[dreg:$0xb] =	wrdreg s25  }
0x17: {  	s12 =	simm.s32 $0x0;
	s18 =	sadd.s32 $0x8000, s13;
	[dreg:$0xc] =	wrdreg s26  }
0x18: {  	v0 =	vimm.f32 $0.0e+00;
	s24 =	simm.s32 $0x80;
	s25 =	simm.s32 $0xA280;
	s26 =	simm.s32 $0xC280  }
.LBB2_6:
0x19: {  	_ =	swait.ge [sflag:s7], $0x2000  }
0x1a: {  	[sflag:s7] =	ssyncset.done $0x0  }
0x1b: {  	[sflag:s7] =	ssyncadd.s32 $0xFFFFE000  }
0x1c: {  	[spmem:s2] =	stream.indirect.scatter.add.f32 [tilespmem:s1], [sflag:$0x8], $0x40, s16, s24, $0xb8;
	[tilespmem:$0x1E480] =	vst v63  }
0x1d: {  	_ =	swait.ge [sflag:s9], $0x2000  }
0x1e: {  	[sflag:s9] =	ssyncset.done $0x0  }
0x1f: {  	[sflag:s9] =	ssyncadd.s32 $0xFFFFE000  }
0x20: {  	_ =	swait.ge [sflag:s10], $0x2000  }
0x21: {  	[sflag:s10] =	ssyncset.done $0x0  }
0x22: {  	[sflag:s10] =	ssyncadd.s32 $0xFFFFE000  }
0x23: {  	_ =	swait.ge [sflag:s11], $0x2000  }
0x24: {  	[sflag:s11] =	ssyncset.done $0x0  }
0x25: {  	[sflag:s11] =	ssyncadd.s32 $0xFFFFE000  }
0x26: {  	[bflag:$0x0] =	sbarrier.arrive $0xFFFF  }
0x27: {  	[tilespmem:s28], [sflag:$0x9] =	stream.linear.gather [spmem:s13], $0x2000, $0x38;
	[tilespmem:$0x1E480] =	vst v63  }
0x28: {  	_ =	swait.ge [sflag:s20], $0x2000  }
0x29: {  	[sflag:s20] =	ssyncset.done $0x0  }
0x2a: {  	[sflag:s20] =	ssyncadd.s32 $0xFFFFE000  }
0x2b: {  	[hbm4b:s5+s24] =	stream.indirect.scatter [tilespmem:s28], [sflag:$0x9], $0x40, s23, s24, $0xb8;
	[tilespmem:$0x1E480] =	vst v63  }
0x2c: {  	_ =	swait.ge [sflag:s20], $0x2000  }
0x2d: {  	[sflag:s20] =	ssyncset.done $0x0  }
0x2e: {  	s14 =	rddreg [dreg:$0xa];
	[sflag:s20] =	ssyncadd.s32 $0xFFFFE000  }
0x2f: {  	[tilespmem:s28], [sflag:$0x9] =	stream.linear.gather [spmem:s14], $0x2000, $0x38;
	[tilespmem:$0x1E480] =	vst v63  }
0x30: {  	_ =	swait.ge [sflag:s20], $0x2000  }
0x31: {  	[sflag:s20] =	ssyncset.done $0x0  }
0x32: {  	s15 =	simm.s32 $0xA080;
	[sflag:s20] =	ssyncadd.s32 $0xFFFFE000  }
0x33: {  	[hbm4b:s5+s24] =	stream.indirect.scatter [tilespmem:s28], [sflag:$0x9], $0x40, s15, s24, $0xb8;
	[tilespmem:$0x1E480] =	vst v63  }
0x34: {  	_ =	swait.ge [sflag:s20], $0x2000  }
0x35: {  	[sflag:s20] =	ssyncset.done $0x0  }
0x36: {  	s16 =	rddreg [dreg:$0xb];
	[sflag:s20] =	ssyncadd.s32 $0xFFFFE000  }
0x37: {  	[tilespmem:s28], [sflag:$0x9] =	stream.linear.gather [spmem:s16], $0x2000, $0x38;
	[tilespmem:$0x1E480] =	vst v63  }
0x38: {  	_ =	swait.ge [sflag:s20], $0x2000  }
0x39: {  	[sflag:s20] =	ssyncset.done $0x0  }
0x3a: {  	s17 =	simm.s32 $0xA100;
	[sflag:s20] =	ssyncadd.s32 $0xFFFFE000  }
0x3b: {  	[hbm4b:s5+s24] =	stream.indirect.scatter [tilespmem:s28], [sflag:$0x9], $0x40, s17, s24, $0xb8;
	[tilespmem:$0x1E480] =	vst v63  }
0x3c: {  	_ =	swait.ge [sflag:s20], $0x2000  }
0x3d: {  	[sflag:s20] =	ssyncset.done $0x0  }
0x3e: {  	s15 =	rddreg [dreg:$0xc];
	[sflag:s20] =	ssyncadd.s32 $0xFFFFE000  }
0x3f: {  	[tilespmem:s28], [sflag:$0x9] =	stream.linear.gather [spmem:s15], $0x2000, $0x38;
	[tilespmem:$0x1E480] =	vst v63  }
0x40: {  	_ =	swait.ge [sflag:s20], $0x2000  }
0x41: {  	[sflag:s20] =	ssyncset.done $0x0  }
0x42: {  	s16 =	simm.s32 $0xA180;
	[sflag:s20] =	ssyncadd.s32 $0xFFFFE000  }
0x43: {  	[hbm4b:s5+s24] =	stream.indirect.scatter [tilespmem:s28], [sflag:$0x9], $0x40, s16, s24, $0xb8;
	[tilespmem:$0x1E480] =	vst v63  }
0x44: {  	_ =	swait.ge [sflag:s20], $0x2000  }
0x45: {  	[sflag:s20] =	ssyncset.done $0x0  }
0x46: {  	[sflag:s20] =	ssyncadd.s32 $0xFFFFE000  }
0x47: {  	[tilespmem:s28], [sflag:$0x9] =	stream.linear.gather [spmem:s18], $0x2000, $0x38;
	[tilespmem:$0x1E480] =	vst v63  }
0x48: {  	s12 =	sadd.s32 $0x1, s12;
	_ =	swait.ge [sflag:s20], $0x2000  }
0x49: {  	p0 =	sne.s32 s12, s19;
	[sflag:s20] =	ssyncset.done $0x0  }
.Ltmp1:
0x4a: {  	s17 =	simm.s32 $0xA200;
	[sflag:s20] =	ssyncadd.s32 $0xFFFFE000;
	(pc) =	sbr.rel @!p0 .LBB2_7-.Ltmp1, $4  }
0x4b: {  	[hbm4b:s5+s24] =	stream.indirect.scatter [tilespmem:s28], [sflag:$0x9], $0x40, s17, s24, $0xb8;
	[tilespmem:$0x1E480] =	vst v63  }
0x4c: {  	_ =	swait.ge [sflag:s20], $0x2000  }
0x4d: {  	[sflag:s20] =	ssyncset.done $0x0  }
0x4e: {  	[sflag:s20] =	ssyncadd.s32 $0xFFFFE000  }
.LBB2_1:
0x4f: {  	s14 =	rddreg [dreg:$0x3]  }
0x50: {  	[tilespmem:s3], [sflag:$0x9] =	stream.linear.gather [hbm4b:s14+s3], $0x5000, $0x38;
	[tilespmem:$0x1E480] =	vst v63  }
0x51: {  	_ =	swait.ge [sflag:s20], $0x5000  }
0x52: {  	[sflag:s20] =	ssyncset.done $0x0  }
0x53: {  	s17 =	rddreg [dreg:$0x4];
	[sflag:s20] =	ssyncadd.s32 $0xFFFFB000  }
0x54: {  	[tilespmem:s21], [sflag:$0x9] =	stream.linear.gather [hbm4b:s17+s3], $0x5000, $0x38;
	[tilespmem:$0x1E480] =	vst v63  }
0x55: {  	_ =	swait.ge [sflag:s20], $0x5000  }
0x56: {  	[sflag:s20] =	ssyncset.done $0x0  }
0x57: {  	[sflag:s20] =	ssyncadd.s32 $0xFFFFB000  }
0x58: {  	[tilespmem:s23], [sflag:$0x9] =	stream.linear.gather [hbm4b:s22+s3], $0x280, $0x38;
	[tilespmem:$0x1E480] =	vst v63  }
0x59: {  	_ =	swait.ge [sflag:s20], $0x280  }
0x5a: {  	[sflag:s20] =	ssyncset.done $0x0  }
0x5b: {  	[sflag:s20] =	ssyncadd.s32 $0xFFFFFD80  }
0x5c: {  	[tilespmem:s25], [sflag:$0x1] =	stream.indirect.gather [hbm4b:s4+s24], $0x40, s3, s24, $0xb8;
	[tilespmem:$0x1E480] =	vst v63  }
0x5d: {  	s15 =	simm.s32 $0x100;
	s14 =	simm.s32 $0x0  }
0x5e: {  	[tilespmem:s26], [sflag:$0x2] =	stream.indirect.gather [hbm4b:s4+s24], $0x40, s24, s24, $0xb8;
	[tilespmem:$0x1E480] =	vst v63  }
.LBB2_2:
0x5f: {  	p0 =	sne.s32 s15, $0x7F00;
	[tilespmem:s14+$0x122B0] =	vst v0;
	s16 =	smov.u32 s15;
	s15 =	sadd.s32 $0x100, s15  }
.Ltmp2:
0x60: {  	[tilespmem:s14+$0x122A0] =	vst v0;
	(pc) =	sbr.rel @p0 .LBB2_2-.Ltmp2, $3  }
0x61: {  	[tilespmem:s14+$0x12280] =	vst v0  }
0x62: {  	[tilespmem:s14+$0x12290] =	vst v0;
	_ =	sdelay $0x1  }
0x63: {  	s14 =	sshra.s32 s16, $0x2  }
0x64: {  	[tilespmem:s14+$0x122B0] =	vst v0  }
0x65: {  	[tilespmem:s14+$0x122A0] =	vst v0  }
0x66: {  	[tilespmem:s14+$0x12280] =	vst v0  }
0x67: {  	[tilespmem:s14+$0x12290] =	vst v0  }
0x68: {  	[spmem:s8] =	stream.linear.scatter [tilespmem:s28], [sflag:$0x9], $0x2000, $0x38;
	[tilespmem:$0x1E480] =	vst v63  }
0x69: {  	_ =	swait.ge [sflag:s20], $0x2000  }
0x6a: {  	[sflag:s20] =	ssyncset.done $0x0  }
0x6b: {  	s15 =	rddreg [dreg:$0x5];
	[sflag:s20] =	ssyncadd.s32 $0xFFFFE000  }
0x6c: {  	[spmem:s15] =	stream.linear.scatter [tilespmem:s28], [sflag:$0x9], $0x2000, $0x38;
	[tilespmem:$0x1E480] =	vst v63  }
0x6d: {  	_ =	swait.ge [sflag:s20], $0x2000  }
0x6e: {  	[sflag:s20] =	ssyncset.done $0x0  }
0x6f: {  	s16 =	rddreg [dreg:$0x6];
	[sflag:s20] =	ssyncadd.s32 $0xFFFFE000  }
0x70: {  	[spmem:s16] =	stream.linear.scatter [tilespmem:s28], [sflag:$0x9], $0x2000, $0x38;
	[tilespmem:$0x1E480] =	vst v63  }
0x71: {  	_ =	swait.ge [sflag:s20], $0x2000  }
0x72: {  	[sflag:s20] =	ssyncset.done $0x0  }
0x73: {  	s17 =	rddreg [dreg:$0x7];
	[sflag:s20] =	ssyncadd.s32 $0xFFFFE000  }
0x74: {  	[spmem:s17] =	stream.linear.scatter [tilespmem:s28], [sflag:$0x9], $0x2000, $0x38;
	[tilespmem:$0x1E480] =	vst v63  }
0x75: {  	_ =	swait.ge [sflag:s20], $0x2000  }
0x76: {  	[sflag:s20] =	ssyncset.done $0x0  }
0x77: {  	s15 =	rddreg [dreg:$0x8];
	[sflag:s20] =	ssyncadd.s32 $0xFFFFE000  }
0x78: {  	[spmem:s15] =	stream.linear.scatter [tilespmem:s28], [sflag:$0x9], $0x2000, $0x38;
	[tilespmem:$0x1E480] =	vst v63  }
0x79: {  	_ =	swait.ge [sflag:s20], $0x2000  }
0x7a: {  	[sflag:s20] =	ssyncset.done $0x0  }
0x7b: {  	s16 =	rddreg [dreg:$0x9];
	[sflag:s20] =	ssyncadd.s32 $0xFFFFE000  }
0x7c: {  	[spmem:s16] =	stream.linear.scatter [tilespmem:s28], [sflag:$0x9], $0x200, $0x38;
	[tilespmem:$0x1E480] =	vst v63  }
0x7d: {  	_ =	swait.ge [sflag:s20], $0x200  }
0x7e: {  	[sflag:s20] =	ssyncset.done $0x0  }
0x7f: {  	[sflag:s20] =	ssyncadd.s32 $0xFFFFFE00  }
0x80: {  	[bflag:$0x0] =	sbarrier.arrive $0xFFFF  }
0x81: {  	_ =	swait.ge [sflag:s29], $0x2000  }
0x82: {  	[sflag:s29] =	ssyncset.done $0x0  }
0x83: {  	[sflag:s29] =	ssyncadd.s32 $0xFFFFE000  }
0x84: {  	[spmem:s2] =	stream.indirect.scatter.add.f32 [tilespmem:s25], [sflag:$0x5], $0x40, s21, s24, $0xb8;
	[tilespmem:$0x1E480] =	vst v63  }
0x85: {  	s17 =	simm.s32 $0x100  }
0x86: {  	[tilespmem:s31], [sflag:$0x3] =	stream.indirect.gather [hbm4b:s4+s24], $0x40, s17, s24, $0xb8;
	[tilespmem:$0x1E480] =	vst v63  }
0x87: {  	_ =	swait.ge [sflag:s0], $0x2000  }
0x88: {  	[sflag:s0] =	ssyncset.done $0x0  }
0x89: {  	s15 =	simm.s32 $0x5080;
	[sflag:s0] =	ssyncadd.s32 $0xFFFFE000  }
0x8a: {  	[spmem:s2] =	stream.indirect.scatter.add.f32 [tilespmem:s26], [sflag:$0x6], $0x40, s15, s24, $0xb8;
	[tilespmem:$0x1E480] =	vst v63  }
0x8b: {  	s16 =	simm.s32 $0x180  }
0x8c: {  	[tilespmem:s1], [sflag:$0x4] =	stream.indirect.gather [hbm4b:s4+s24], $0x40, s16, s24, $0xb8;
	[tilespmem:$0x1E480] =	vst v63  }
0x8d: {  	_ =	swait.ge [sflag:s30], $0x2000  }
0x8e: {  	[sflag:s30] =	ssyncset.done $0x0  }
0x8f: {  	s17 =	simm.s32 $0x5100;
	[sflag:s30] =	ssyncadd.s32 $0xFFFFE000  }
0x90: {  	[spmem:s2] =	stream.indirect.scatter.add.f32 [tilespmem:s31], [sflag:$0x7], $0x40, s17, s24, $0xb8;
	[tilespmem:$0x1E480] =	vst v63  }
0x91: {  	_ =	swait.ge [sflag:s6], $0x2000  }
0x92: {  	[sflag:s6] =	ssyncset.done $0x0  }
0x93: {  	s15 =	simm.s32 $0x200;
	[sflag:s6] =	ssyncadd.s32 $0xFFFFE000  }
0x94: {  	[tilespmem:s25], [sflag:$0x1] =	stream.indirect.gather [hbm4b:s4+s24], $0x40, s15, s24, $0xb8;
	[tilespmem:$0x1E480] =	vst v63  }
0x95: {  	_ =	swait.ge [sflag:s7], $0x2000  }
0x96: {  	[sflag:s7] =	ssyncset.done $0x0  }
0x97: {  	s16 =	simm.s32 $0x5180;
	[sflag:s7] =	ssyncadd.s32 $0xFFFFE000  }
0x98: {  	[spmem:s2] =	stream.indirect.scatter.add.f32 [tilespmem:s1], [sflag:$0x8], $0x40, s16, s24, $0xb8;
	[tilespmem:$0x1E480] =	vst v63  }
0x99: {  	_ =	swait.ge [sflag:s9], $0x2000  }
0x9a: {  	[sflag:s9] =	ssyncset.done $0x0  }
0x9b: {  	s14 =	simm.s32 $0x0;
	s17 =	simm.s32 $0x280;
	[sflag:s9] =	ssyncadd.s32 $0xFFFFE000  }
0x9c: {  	[tilespmem:s26], [sflag:$0x2] =	stream.indirect.gather [hbm4b:s4+s24], $0x40, s17, s24, $0xb8;
	[tilespmem:$0x1E480] =	vst v63  }
.LBB2_4:
0x9d: {  	_ =	swait.ge [sflag:s29], $0x2000  }
0x9e: {  	s15 =	sshra.s32 s14, $0x2;
	[sflag:s29] =	ssyncset.done $0x0  }
0x9f: {  	s16 =	sadd.s32 $0x5200, s15;
	[sflag:s29] =	ssyncadd.s32 $0xFFFFE000  }
0xa0: {  	[spmem:s2] =	stream.indirect.scatter.add.f32 [tilespmem:s25], [sflag:$0x5], $0x40, s16, s24, $0xb8;
	[tilespmem:$0x1E480] =	vst v63  }
0xa1: {  	_ =	swait.ge [sflag:s10], $0x2000  }
0xa2: {  	[sflag:s10] =	ssyncset.done $0x0  }
0xa3: {  	s17 =	sadd.s32 $0x300, s15;
	[sflag:s10] =	ssyncadd.s32 $0xFFFFE000  }
0xa4: {  	[tilespmem:s31], [sflag:$0x3] =	stream.indirect.gather [hbm4b:s4+s24], $0x40, s17, s24, $0xb8;
	[tilespmem:$0x1E480] =	vst v63  }
0xa5: {  	_ =	swait.ge [sflag:s0], $0x2000  }
0xa6: {  	[sflag:s0] =	ssyncset.done $0x0  }
0xa7: {  	s17 =	sadd.s32 $0x5280, s15;
	[sflag:s0] =	ssyncadd.s32 $0xFFFFE000  }
0xa8: {  	[spmem:s2] =	stream.indirect.scatter.add.f32 [tilespmem:s26], [sflag:$0x6], $0x40, s17, s24, $0xb8;
	[tilespmem:$0x1E480] =	vst v63  }
0xa9: {  	_ =	swait.ge [sflag:s11], $0x2000  }
0xaa: {  	[sflag:s11] =	ssyncset.done $0x0  }
0xab: {  	s17 =	sadd.s32 $0x380, s15;
	[sflag:s11] =	ssyncadd.s32 $0xFFFFE000  }
0xac: {  	[tilespmem:s1], [sflag:$0x4] =	stream.indirect.gather [hbm4b:s4+s24], $0x40, s17, s24, $0xb8;
	[tilespmem:$0x1E480] =	vst v63  }
0xad: {  	_ =	swait.ge [sflag:s30], $0x2000  }
0xae: {  	p0 =	seq.s32 s14, $0x13000;
	[sflag:s30] =	ssyncset.done $0x0  }
.Ltmp3:
0xaf: {  	s17 =	sadd.s32 $0x5300, s15;
	[sflag:s30] =	ssyncadd.s32 $0xFFFFE000;
	(pc) =	sbr.rel @p0 .LBB2_6-.Ltmp3, $4  }
0xb0: {  	[spmem:s2] =	stream.indirect.scatter.add.f32 [tilespmem:s31], [sflag:$0x7], $0x40, s17, s24, $0xb8;
	[tilespmem:$0x1E480] =	vst v63  }
0xb1: {  	_ =	swait.ge [sflag:s6], $0x2000  }
0xb2: {  	[sflag:s6] =	ssyncset.done $0x0  }
0xb3: {  	s16 =	sadd.s32 $0x5380, s15;
	[sflag:s6] =	ssyncadd.s32 $0xFFFFE000  }
0xb4: {  	s17 =	sadd.s32 $0x400, s15  }
0xb5: {  	[tilespmem:s25], [sflag:$0x1] =	stream.indirect.gather [hbm4b:s4+s24], $0x40, s17, s24, $0xb8;
	[tilespmem:$0x1E480] =	vst v63  }
0xb6: {  	_ =	swait.ge [sflag:s7], $0x2000  }
0xb7: {  	[sflag:s7] =	ssyncset.done $0x0  }
0xb8: {  	[sflag:s7] =	ssyncadd.s32 $0xFFFFE000  }
0xb9: {  	[spmem:s2] =	stream.indirect.scatter.add.f32 [tilespmem:s1], [sflag:$0x8], $0x40, s16, s24, $0xb8;
	[tilespmem:$0x1E480] =	vst v63  }
.Ltmp4:
0xba: {  	_ = 	snop;
	(pc) =	sbr.rel .LBB2_4-.Ltmp4, $4  }
0xbb: {  	_ =	swait.ge [sflag:s9], $0x2000  }
0xbc: {  	[sflag:s9] =	ssyncset.done $0x0  }
0xbd: {  	s14 =	sadd.s32 $0x800, s14;
	s17 =	sadd.s32 $0x480, s15;
	[sflag:s9] =	ssyncadd.s32 $0xFFFFE000  }
0xbe: {  	[tilespmem:s26], [sflag:$0x2] =	stream.indirect.gather [hbm4b:s4+s24], $0x40, s17, s24, $0xb8;
	[tilespmem:$0x1E480] =	vst v63  }
.LBB2_7:
0xbf: {  	_ =	sfence.sel $0x180000  }
0xc0: {  	[bflag:$0x0] =	sbarrier.arrive $0xFFFF  }
0xc1: {  	_ =	strace $0x90000050  }
0xc2: {  	s0 =	stileid.u32;
	[bflag:$0x2] =	sbarrier.arrive $0xFFFF  }
0xc3: {  	p0 =	sne.s32 s0, $0x0;
	s0 =	rddreg [dreg:$0x2]  }
0xc4: {  	s0 =	sadd.s32 @!p0 $0x100000, s0  }
0xc5: {  	[sflag:s0] =	ssyncadd.tile.s32 @!p0 $0x1;
	_ =	shalt  }
.Lfunc_end2:
_tile_overlayer_lowered:
.L_overlay_start_2:
0xc6: {  	(tag) =	ssettag $0x2  }
0xc7: {  	s0 =	rddreg [dreg:$0x0];
	s2 =	stileid.u32  }
0xc8: {  	s1 =	rddreg [dreg:$0x1];
	p0 =	sne.s32 s2, $0x0  }
0xc9: {  	s3 =	rddreg [dreg:$0x2];
	[bflag:$0x3] =	sbarrier.arrive $0xFFFF;
	s2 =	simm.s32 @!p0 $0x1C09  }
0xca: {  	[timem:s3], [sflag:s2] =	dma.local @!p0 [hbm:s0], s1  }
0xcb: {  	s0 =	simm.s32 @!p0 $0x9  }
0xcc: {  	_ =	swait.ge @!p0 [sflag:s0], s1  }
0xcd: {  	s1 =	ssub.s32 @!p0 $0x0, s1;
	[sflag:s0] =	ssyncset.done @!p0 $0x0  }
0xce: {  	[sflag:s0] =	ssyncadd.s32 @!p0 s1  }
0xcf: {  	[bflag:$0x3] =	sbarrier.arrive $0xFFFF  }
0xd0: {  	_ =	shalt  }

// kernel: kernel.28.cloned.1.call-start
scs
__scs_entry_jumppad:
0x0: {  	(pc) =	sbr.rel $0x88, $3  }
0x1: {  	(tag) =	ssettag $0x0;
	lr =	simm.s32 $0x1  }
0x2: {  	[smem:$0x3F93] =	sst lr;
	_ =	strace $0xD0000000  }
0x3: {  	_ = 	snop  }
0x4: {  	_ = 	snop  }
0x5: {  	_ = 	snop  }
0x6: {  	_ = 	snop  }
0x7: {  	_ = 	snop  }
__scs_overlays_trampoline_lowered:
0x8: {  	[smem:$0x3FA2] =	sst s0  }
0x9: {  	[smem:$0x3FA3] =	sst s1  }
0xa: {  	[smem:$0x3FA4] =	sst s2  }
0xb: {  	[smem:$0x3FA5] =	sst s3  }
0xc: {  	[smem:$0x3FA6] =	sst s4  }
0xd: {  	[smem:$0x3FA7] =	sst s5  }
0xe: {  	[smem:$0x3FA8] =	sst s6  }
0xf: {  	[smem:$0x3FA9] =	sst s7  }
0x10: {  	[smem:$0x3FAA] =	sst s8  }
0x11: {  	[smem:$0x3FAB] =	sst s9;
	s0 =	simm.s32 @!p0 $0x0  }
0x12: {  	s1 =	sld [smem:$0x3F91];
	s0 =	simm.s32 @p0 $0x1  }
0x13: {  	[smem:$0x3FAC] =	sst s0;
	s0 =	simm.s32 @!p1 $0x0  }
0x14: {  	s2 =	sld [smem:$0x3F90];
	s0 =	simm.s32 @p1 $0x1  }
0x15: {  	[smem:$0x3FAD] =	sst s0;
	s0 =	simm.s32 @!p2 $0x0  }
0x16: {  	s3 =	sld [smem:$0x3FDB];
	s0 =	simm.s32 @p2 $0x1  }
0x17: {  	s4 =	simm.s32 $0x1BF5;
	[smem:$0x3FAF] =	sst s0  }
0x18: {  	s0 =	sld [smem:$0x3F92];
	_ =	swait.ge [sflag:s4], $0x0  }
0x19: {  	s7 =	sld [smem:$0x3F93]  }
0x1a: {  	s8 =	sadd.s32 $0xFFFFE003, lr  }
0x1b: {  	s9 =	sadd.s32 $0xFFFFFEF7, lr;
	s5 =	simm.s32 $0xFFFFFFFF;
	p2 =	slt.u32 s8, $0xFFFFF086  }
0x1c: {  	p1 =	slt.u32 s9, $0xF7A;
	s5 =	simm.s32 @!p2 $0x0  }
0x1d: {  	s5 =	simm.s32 @p1 $0x1;
	p0 =	seq.s32 s7, s2  }
0x1e: {  	s7 =	smul.u32 @!p0 $0xF7A, s2;
	p2 =	seq.s32 @!p0 s5, $0x0  }
0x1f: {  	s9 =	smul.u32 $0xF7A, s1;
	s8 =	simm.s32 @!p0 $0x1BF5;
	p2 =	por !p2, p0  }
0x20: {  	[sflag:s8] =	ssyncset.s32 @!p0 $0xFFFFF086;
	s6 =	sadd.s32 @!p0 s3, s7;
	s7 =	simm.s32 @!p0 $0x108  }
0x21: {  	s3 =	sadd.s32 s3, s9;
	s6 =	sadd.s32 @!p0 $0x88, s6;
	s7 =	simm.s32 @p2 $0x1082  }
0x22: {  	[simem:s7], [sflag:s8] =	dma.local @!p0 [hbm:s6], $0xF7A  }
0x23: {  	s9 =	sor.u32 $0xD0000000, s2;
	s6 =	simm.s32 $0x108;
	_ =	swait.ge @!p0 [sflag:s8], $0x0  }
0x24: {  	s3 =	sadd.s32 $0x88, s3;
	s6 =	simm.s32 @!p1 $0x1082;
	[sflag:s4] =	ssyncset.s32 $0xFFFFF086  }
0x25: {  	[simem:s6], [sflag:s4] =	dma.local [hbm:s3], $0xF7A  }
0x26: {  	[smem:$0x3F93] =	sst s1;
	(tag) =	ssettag s2;
	_ =	strace s9  }
0x27: {  	s1 =	sld [smem:$0x3FA3]  }
0x28: {  	s2 =	sld [smem:$0x3FA4]  }
0x29: {  	s4 =	sld [smem:$0x3FA6]  }
0x2a: {  	p0 =	seq.s32 s5, $0x0;
	s5 =	sld [smem:$0x3FA7]  }
0x2b: {  	s6 =	sld [smem:$0x3FA8]  }
0x2c: {  	s7 =	sld [smem:$0x3FA9]  }
0x2d: {  	s3 =	simm.s32 $0x108;
	s8 =	sld [smem:$0x3FAA]  }
0x2e: {  	s3 =	simm.s32 @!p0 $0x1082;
	s9 =	sld [smem:$0x3FAB]  }
0x2f: {  	lr =	sadd.s32 s0, s3;
	s0 =	sld [smem:$0x3FA2]  }
0x30: {  	s3 =	sld [smem:$0x3FA5]  }
0x31: {  	[smem:$0x3FAE] =	sst s10  }
0x32: {  	s10 =	sld [smem:$0x3FAC];
	_ =	sdelay $0x3  }
0x33: {  	p0 =	seq.s32 s10, $0x1;
	s10 =	sld [smem:$0x3FAE];
	_ =	sdelay $0x3  }
0x34: {  	[smem:$0x3FAE] =	sst s10  }
0x35: {  	s10 =	sld [smem:$0x3FAD];
	_ =	sdelay $0x3  }
0x36: {  	p1 =	seq.s32 s10, $0x1;
	s10 =	sld [smem:$0x3FAE];
	_ =	sdelay $0x3  }
0x37: {  	[smem:$0x3FAE] =	sst s10  }
0x38: {  	s10 =	sld [smem:$0x3FAF]  }
0x39: {  	_ = 	snop;
	(pc) =	sbr.ind lr, $3  }
0x3a: {  	_ = 	snop  }
0x3b: {  	_ = 	snop  }
0x3c: {  	p2 =	seq.s32 s10, $0x1;
	s10 =	sld [smem:$0x3FAE]  }
0x3d: {  	_ =	shalt  }
0x3e: {  	_ =	shalt  }
0x3f: {  	_ =	shalt  }
0x40: {  	_ =	shalt  }
0x41: {  	_ =	shalt  }
0x42: {  	_ =	shalt  }
0x43: {  	_ =	shalt  }
0x44: {  	_ =	shalt  }
0x45: {  	_ =	shalt  }
0x46: {  	_ =	shalt  }
0x47: {  	_ =	shalt  }
0x48: {  	_ =	shalt  }
0x49: {  	_ =	shalt  }
0x4a: {  	_ =	shalt  }
0x4b: {  	_ =	shalt  }
0x4c: {  	_ =	shalt  }
0x4d: {  	_ =	shalt  }
0x4e: {  	_ =	shalt  }
0x4f: {  	_ =	shalt  }
0x50: {  	_ =	shalt  }
0x51: {  	_ =	shalt  }
0x52: {  	_ =	shalt  }
0x53: {  	_ =	shalt  }
0x54: {  	_ =	shalt  }
0x55: {  	_ =	shalt  }
0x56: {  	_ =	shalt  }
0x57: {  	_ =	shalt  }
0x58: {  	_ =	shalt  }
0x59: {  	_ =	shalt  }
0x5a: {  	_ =	shalt  }
0x5b: {  	_ =	shalt  }
0x5c: {  	_ =	shalt  }
0x5d: {  	_ =	shalt  }
0x5e: {  	_ =	shalt  }
0x5f: {  	_ =	shalt  }
0x60: {  	_ =	shalt  }
0x61: {  	_ =	shalt  }
0x62: {  	_ =	shalt  }
0x63: {  	_ =	shalt  }
0x64: {  	_ =	shalt  }
0x65: {  	_ =	shalt  }
0x66: {  	_ =	shalt  }
0x67: {  	_ =	shalt  }
0x68: {  	_ =	shalt  }
0x69: {  	_ =	shalt  }
0x6a: {  	_ =	shalt  }
0x6b: {  	_ =	shalt  }
0x6c: {  	_ =	shalt  }
0x6d: {  	_ =	shalt  }
0x6e: {  	_ =	shalt  }
0x6f: {  	_ =	shalt  }
0x70: {  	_ =	shalt  }
0x71: {  	_ =	shalt  }
0x72: {  	_ =	shalt  }
0x73: {  	_ =	shalt  }
0x74: {  	_ =	shalt  }
0x75: {  	_ =	shalt  }
0x76: {  	_ =	shalt  }
0x77: {  	_ =	shalt  }
0x78: {  	_ =	shalt  }
0x79: {  	_ =	shalt  }
0x7a: {  	_ =	shalt  }
0x7b: {  	_ =	shalt  }
0x7c: {  	_ =	shalt  }
0x7d: {  	_ =	shalt  }
0x7e: {  	_ =	shalt  }
0x7f: {  	_ =	shalt  }
0x80: {  	_ =	shalt  }
0x81: {  	_ =	shalt  }
0x82: {  	_ =	shalt  }
0x83: {  	_ =	shalt  }
0x84: {  	_ =	shalt  }
0x85: {  	_ =	shalt  }
0x86: {  	_ =	shalt  }
0x87: {  	_ =	shalt  }
.Lfunc_end0:
.L_simem_size_0:
called_computation.4_lowered:
.L_overlay_start_0:
0x88: {  	s2 =	sld [smem:$0x3FD9]  }
0x89: {  	s3 =	sld [smem:$0x3FFE];
	_ =	sdelay $0x1  }
0x8a: {  	s1 =	srdreg.scid  }
0x8b: {  	s0 =	sand.u32 $0x1, s1  }
0x8c: {  	s14 =	sshll.u32 s0, $0xA;
	s2 =	sadd.s32 s3, s2  }
0x8d: {  	s2 =	sadd.s32 s2, s14  }
0x8e: {  	[smem:$0x3FBA] =	sst s2  }
0x8f: {  	_ = 	snop  }
0x90: {  	s2 =	sld [smem:$0x3FD0];
	_ =	sdelay $0x2  }
0x91: {  	s15 =	simm.s32 $0xA;
	s4 =	simm.s32 $0x10  }
0x92: {  	[smem:s4], [sflag:s15] =	dma.local [hbm:s2], $0x1  }
0x93: {  	_ =	swait.eq [sflag:s15], $0x1  }
0x94: {  	[sflag:s15] =	ssyncset.done $0x0  }
0x95: {  	[sflag:s15] =	ssyncadd.s32 $0xFFFFFFFF  }
0x96: {  	s16 =	sld [smem:$0x13];
	(tm) =	ssettm $0x1  }
0x97: {  	s17 =	sld [smem:$0x3FFB];
	_ =	sdelay $0x3  }
0x98: {  	_ =	strace s17  }
0x99: {  	s3 =	sld [smem:$0x3FFC];
	_ =	sdelay $0x3  }
0x9a: {  	_ =	strace s3  }
0x9b: {  	s3 =	sld [smem:$0x3FFD];
	_ =	sdelay $0x3  }
0x9c: {  	_ =	strace s3  }
0x9d: {  	_ =	strace $0x8FFFFFFF  }
0x9e: {  	s18 =	sld [smem:$0x3FDB];
	_ =	sdelay $0x1  }
0x9f: {  	s19 =	simm.s32 $_scs_section_size  }
0xa0: {  	s5 =	simm.s32 $_size__tile_overlayer_lowered;
	s6 =	simm.s32 $_tile_overlayer_lowered  }
0xa1: {  	s22 =	simm.s32 $0x1BFF;
	s21 =	sshll.u32 s6, $0x1;
	s3 =	sadd.s32 s19, s18  }
0xa2: {  	s7 =	simm.s32 $0x0;
	s20 =	sshll.u32 s5, $0x1;
	s5 =	sadd.s32 s21, s3  }
0xa3: {  	[timem:s7], [sflag:s22] =	dma.local [hbm:s5], s20  }
0xa4: {  	_ =	swait.ge [sflag:s22], s20  }
0xa5: {  	s4 =	ssub.s32 $0x0, s20;
	[sflag:s22] =	ssyncset.done $0x0  }
0xa6: {  	[sflag:s22] =	ssyncadd.s32 s4;
	_ =	sdelay $0x1  }
0xa7: {  	s23 =	simm.s32 $0x1B8B  }
0xa8: {  	_ =	swait.ge [sflag:s23], $0x1  }
0xa9: {  	[sflag:s23] =	ssyncset.done $0x0  }
0xaa: {  	s25 =	simm.s32 $0x1B8E;
	s24 =	sld [smem:$0x3FFE];
	[sflag:s23] =	ssyncadd.s32 $0xFFFFFFFF  }
0xab: {  	s26 =	simm.s32 $execute0_lowered;
	[smem:$0x3FD2] =	sst s25  }
0xac: {  	s5 =	sshll.u32 s26, $0x1;
	_ =	strace $0x80000052;
	[dreg:$0x1] =	wrdreg $0xFFFFFFFF  }
0xad: {  	s28 =	simm.s32 $_size_execute0_lowered;
	s3 =	sadd.s32 s3, s5;
	[dreg:$0x0] =	wrdreg $0x0  }
0xae: {  	s5 =	sshll.u32 s28, $0x1;
	[dreg:$0x2] =	wrdreg s3  }
0xaf: {  	[dreg:$0x3] =	wrdreg s5  }
0xb0: {  	[dreg:$0x4] =	wrdreg $0xC0  }
0xb1: {  	_ =	task [dreg:s7], $0x5FFFF  }
0xb2: {  	[dreg:$0x1] =	wrdreg $0xFFFFFFFF  }
0xb3: {  	[dreg:$0x0] =	wrdreg $0x60  }
0xb4: {  	[dreg:$0x2] =	wrdreg s24  }
0xb5: {  	[dreg:$0x3] =	wrdreg s16  }
0xb6: {  	[dreg:$0x4] =	wrdreg $0x9  }
0xb7: {  	_ =	task.clear_ibuf [dreg:s7], $0x5FFFF;
	_ =	strace $0x90000052  }
0xb8: {  	s29 =	simm.s32 $0x9;
	_ =	strace $0x80000054  }
0xb9: {  	_ =	swait.ge [sflag:s29], $0x1  }
0xba: {  	[sflag:s29] =	ssyncadd.s32 $0xFFFFFFFF  }
0xbb: {  	_ =	strace $0x90000054  }
0xbc: {  	_ =	sfence  }
0xbd: {  	s30 =	sld [smem:$0x0];
	_ =	sdelay $0x2  }
0xbe: {  	s31 =	sshll.u32 s1, $0xD;
	s1 =	sshrl.u32 s1, $0x2  }
0xbf: {  	s3 =	sand.u32 $0x4000, s31;
	s1 =	sadd.s32 s1, s30  }
0xc0: {  	s0 =	sor.u32 s3, s0;
	s1 =	sshll.u32 s1, $0x11  }
0xc1: {  	s0 =	sor.u32 s1, s0  }
0xc2: {  	s0 =	sadd.s32 $0x8F2B, s0  }
0xc3: {  	[sflag:s0] =	ssyncadd.remote.s32 $0x1  }
0xc4: {  	_ =	sfence.sel $0xFFFF  }
0xc5: {  	[dreg:$0x0] =	wrdreg $0xFFFFFFFF;
	(pc) =	sbr.abs _section_cstart, $3  }
0xc6: {  	[dreg:$0x1] =	wrdreg $0xFFFFFFFF  }
0xc7: {  	_ =	task.clear_ibuf [dreg:s7], $0x2FFFF;
	_ =	strace $0x9FFFFFFF  }
0xc8: {  	(tm) =	ssettm $0x7FFFFFFF  }
0xc9: {  	_ =	shalt  }
tec
execute0_lowered:
.L_overlay_start_1:
0x0: {  	(tag) =	ssettag $0x1  }
0x1: {  	s4 =	rddreg [dreg:$0x0];
	s1 =	srdreg.scid  }
0x2: {  	s0 =	stileid.u32;
	s2 =	rddreg [dreg:$0x1]  }
0x3: {  	s8 =	simm.s32 $0x1;
	s9 =	simm.s32 $0x2710;
	s10 =	simm.s32 $0x4E20  }
0x4: {  	s11 =	simm.s32 $0x4E30;
	s5 =	sand.u32 $0x1, s1;
	s3 =	sshll.u32 s0, $0x1  }
0x5: {  	s1 =	rddreg [dreg:$0x2];
	s6 =	sor.u32 s5, s3;
	s5 =	ssub.s32 $0x2, s5  }
0x6: {  	s3 =	simm.s32 $0x0;
	s6 =	smul.u32 $0x4E2, s6;
	s7 =	sshrl.u32 s5, $0x1  }
0x7: {  	s12 =	simm.s32 $0x0;
	[smem:$0x7FF] =	sst s3;
	s7 =	ssub.s32 s5, s7  }
0x8: {  	_ =	strace $0x80000053;
	s6 =	sadd.s32 s6, s4;
	s7 =	smax.u32 s7, $0x1  }
0x9: {  	v0 =	vimm.f32 $0.0e+00;
	v1 =	vimm.f32 $1.000000000e+00;
	s4 =	sadd.s32 $0x12000, s6;
	s5 =	sadd.s32 $0x8200, s6;
	s6 =	sadd.s32 $0x1BE00, s6  }
.LBB2_1:
0xa: {  	s13 =	simm.s32 $0x40;
	s14 =	simm.s32 $0x0  }
.LBB2_2:
0xb: {  	p0 =	sne.s32 s13, $0x9FC0;
	[tilespmem:s14+$0x4E30] =	vst v0;
	s14 =	smov.u32 s13;
	s13 =	sadd.s32 $0x40, s13  }
.Ltmp0:
0xc: {  	(pc) =	sbr.rel @p0 .LBB2_2-.Ltmp0, $2  }
0xd: {  	_ =	sdelay $0x2  }
0xe: {  	s14 =	sshra.s32 s14, $0x2  }
0xf: {  	[tilespmem:s14+$0x4E30] =	vst v0;
	s13 =	simm.s32 $0x0  }
0x10: {  	[tilespmem:s13], [sflag:$0x1] =	stream.linear.gather [hbm4b:s4+s13], $0x2710, $0x38;
	[tilespmem:$0x7630] =	vst v63  }
0x11: {  	_ =	swait.ge [sflag:s8], $0x2710  }
0x12: {  	[sflag:s8] =	ssyncset.done $0x0  }
0x13: {  	[sflag:s8] =	ssyncadd.s32 $0xFFFFD8F0  }
0x14: {  	[tilespmem:s9], [sflag:$0x1] =	stream.linear.gather [hbm4b:s5+s13], $0x2710, $0x38;
	[tilespmem:$0x7630] =	vst v63  }
0x15: {  	_ =	swait.ge [sflag:s8], $0x2710  }
0x16: {  	[sflag:s8] =	ssyncset.done $0x0  }
0x17: {  	[sflag:s8] =	ssyncadd.s32 $0xFFFFD8F0  }
0x18: {  	[tilespmem:s10], [sflag:$0x1] =	stream.linear.gather [hbm4b:s2+s13], $0x10, $0x38;
	[tilespmem:$0x7630] =	vst v63  }
0x19: {  	_ =	swait.ge [sflag:s8], $0x10  }
0x1a: {  	[sflag:s8] =	ssyncset.done $0x0  }
0x1b: {  	[sflag:s8] =	ssyncadd.s32 $0xFFFFFFF0  }
0x1c: {  	s31 =	simm.s32 $0x0;
	v2 =	vld [tilespmem:$0x4E20]  }
0x1d: {  	v4 =	vld [tilespmem:s31+$0x0]  }
0x1e: {  	s13 =	simm.s32 $0x40;
	v3 =	vld [tilespmem:s31+$0x2710]  }
.LBB2_4:
0x1f: {  	p0 =	sne.s32 s13, $0x9C00;
	_ =	sdelay $0x3  }
0x20: {  	vm0 =	veq.s32 v4, v2;
	vm1 =	veq.s32 v3, v2  }
0x21: {  	vm0 =	vmor vm0, vm1;
	_ =	sdelay $0x4  }
.Ltmp1:
0x22: {  	(pc) =	sbr.rel @p0 .LBB2_4-.Ltmp1, $4  }
0x23: {  	[tilespmem:v4+s11+$0x0] =	vst.idx.msk vm0, v1  }
0x24: {  	s14 =	sshra.s32 s13, $0x2;
	[tilespmem:v3+s11+$0x0] =	vst.idx.msk vm0, v1  }
0x25: {  	v4 =	vld [tilespmem:s14+$0x0]  }
0x26: {  	s13 =	sadd.s32 $0x40, s13;
	v3 =	vld [tilespmem:s14+$0x2710]  }
0x27: {  	_ =	sdelay $0x3  }
0x28: {  	vm0 =	veq.s32 v4, v2;
	vm1 =	veq.s32 v3, v2  }
0x29: {  	vm0 =	vmor vm0, vm1;
	_ =	sdelay $0x4  }
0x2a: {  	s12 =	sadd.s32 $0x1, s12  }
0x2b: {  	p0 =	sne.s32 s12, s7;
	[tilespmem:v4+s11+$0x0] =	vst.idx.msk vm0, v1  }
.Ltmp2:
0x2c: {  	[tilespmem:v3+s11+$0x0] =	vst.idx.msk vm0, v1;
	(pc) =	sbr.rel @p0 .LBB2_1-.Ltmp2, $4  }
0x2d: {  	[hbm4b:s6+s3] =	stream.linear.scatter [tilespmem:s11], [sflag:$0x1], $0x2710, $0x38;
	[tilespmem:$0x7630] =	vst v63  }
0x2e: {  	_ =	swait.ge [sflag:s8], $0x2710  }
0x2f: {  	[sflag:s8] =	ssyncset.done $0x0  }
0x30: {  	[sflag:s8] =	ssyncadd.s32 $0xFFFFD8F0  }
0x31: {  	_ =	sfence.sel $0x180000  }
0x32: {  	[bflag:$0x0] =	sbarrier.arrive $0xFFFF  }
0x33: {  	p0 =	sne.s32 s0, $0x0;
	_ =	strace $0x90000053  }
0x34: {  	s0 =	sadd.s32 @!p0 $0x100000, s1;
	[bflag:$0x2] =	sbarrier.arrive $0xFFFF  }
0x35: {  	[sflag:s0] =	ssyncadd.tile.s32 @!p0 $0x1;
	_ =	shalt  }
.Lfunc_end2:
_tile_overlayer_lowered:
.L_overlay_start_2:
0x36: {  	(tag) =	ssettag $0x2  }
0x37: {  	s0 =	rddreg [dreg:$0x0];
	s2 =	stileid.u32  }
0x38: {  	s1 =	rddreg [dreg:$0x1];
	p0 =	sne.s32 s2, $0x0  }
0x39: {  	s3 =	rddreg [dreg:$0x2];
	[bflag:$0x3] =	sbarrier.arrive $0xFFFF;
	s2 =	simm.s32 @!p0 $0x1C01  }
0x3a: {  	[timem:s3], [sflag:s2] =	dma.local @!p0 [hbm:s0], s1  }
0x3b: {  	s0 =	simm.s32 @!p0 $0x1  }
0x3c: {  	_ =	swait.ge @!p0 [sflag:s0], s1  }
0x3d: {  	s1 =	ssub.s32 @!p0 $0x0, s1;
	[sflag:s0] =	ssyncset.done @!p0 $0x0  }
0x3e: {  	[sflag:s0] =	ssyncadd.s32 @!p0 s1  }
0x3f: {  	[bflag:$0x3] =	sbarrier.arrive $0xFFFF  }
0x40: {  	_ =	shalt  }

</sc_bundles>
